<compile_context>
chip_gen: v7x
topology: tpu7x:2x2x1
jax: 0.10.2.dev20260603
libtpu: 0.0.44.dev20260713+nightly
codegen_flags: <defaults>
</compile_context>

<pallas_src>
import functools

import jax
import jax.numpy as jnp
from jax import lax
from jax.experimental import pallas as pl
from jax.experimental.pallas import tpu as pltpu
from jax.experimental.pallas import tpu_sc as plsc

VOCAB = 1000000
K = 32
EMBED_DIM = 64
B_TOK = 16384
HALF_B = B_TOK // 2
L = 50
N = B_TOK * L


_CB = 8192
_P = 499712
_NPACK = _P + _CB


def _cbuild_body(at_lo_ref, at_hi_ref, w2_ref, c_ref):
    at2 = lax.concatenate([at_lo_ref[...], at_hi_ref[...]], 0)
    c_ref[...] = lax.dot_general(
        at2, w2_ref[...],
        dimension_numbers=(((0,), (0,)), ((), ())),
        preferred_element_type=jnp.float32,
    )


def _tc_build_c(A_weight, B_weight):
    at = jnp.transpose(A_weight, (1, 0))
    bt = B_weight.T
    w2 = jnp.zeros((2 * K, 128), jnp.float32)
    w2 = w2.at[0:K, 0:EMBED_DIM].set(bt).at[K:2 * K, EMBED_DIM:128].set(bt)
    return pl.pallas_call(
        _cbuild_body,
        grid=(_NPACK // _CB,),
        in_specs=[
            pl.BlockSpec((K, _CB), lambda i: (0, i)),
            pl.BlockSpec((K, _CB), lambda i: (0, i + _P // _CB)),
            pl.BlockSpec((2 * K, 128), lambda i: (0, 0)),
        ],
        out_specs=pl.BlockSpec((_CB, 128), lambda i: (i, 0)),
        out_shape=jax.ShapeDtypeStruct((_NPACK, 128), jnp.float32),
    )(at, at, w2)



NUM_CORES = 2
NUM_SUBCORES = 16
NW = NUM_CORES * NUM_SUBCORES
PER_W = N // NW
CHUNK = 800
NCHUNK = PER_W // CHUNK

_MESH = plsc.VectorSubcoreMesh(core_axis_name="c", subcore_axis_name="s")


@functools.partial(
    pl.kernel,
    mesh=_MESH,
    out_type=jax.ShapeDtypeStruct((N, EMBED_DIM), jnp.float32),
    name="sc_embed_gather",
    scratch_types=[
        pltpu.VMEM((2, CHUNK), jnp.int32),
        pltpu.VMEM((2, CHUNK), jnp.int32),
        pltpu.VMEM((2, CHUNK, EMBED_DIM), jnp.float32),
        pltpu.SemaphoreType.DMA,
        pltpu.SemaphoreType.DMA,
        pltpu.SemaphoreType.DMA,
    ],
    compiler_params=pltpu.CompilerParams(use_tc_tiling_on_sc=False),
)
def _sc_gather(ids_hbm, dest_hbm, table_hbm, out_hbm, idx_v, dst_v, rows_v,
               sem_g, sem_s0, sem_s1):
    wid = lax.axis_index("s") * NUM_CORES + lax.axis_index("c")
    sem_s = (sem_s0, sem_s1)
    scatters = [None, None]
    for g in range(NCHUNK):
        b = g & 1
        if scatters[b] is not None:
            scatters[b].wait()
        base = wid * PER_W + g * CHUNK
        pltpu.sync_copy(ids_hbm.at[pl.ds(base, CHUNK)], idx_v.at[b])
        pltpu.sync_copy(dest_hbm.at[pl.ds(base, CHUNK)], dst_v.at[b])
        pltpu.async_copy(table_hbm.at[idx_v.at[b]], rows_v.at[b], sem_g).wait()
        sc = pltpu.make_async_copy(rows_v.at[b], out_hbm.at[dst_v.at[b]], sem_s[b])
        sc.start()
        scatters[b] = sc
    scatters[0].wait()
    scatters[1].wait()




def _xpose_body(x_ref, z_ref):
    vt = lax.transpose(x_ref[0], (1, 0))
    z_ref[0, :, 0:HALF_B] = vt[0:EMBED_DIM, :]
    z_ref[0, :, HALF_B:B_TOK] = vt[EMBED_DIM:128, :]


def _tc_transpose(flat_perm):
    x3 = flat_perm.reshape(L, B_TOK // 2, 128)
    return pl.pallas_call(
        _xpose_body,
        grid=(L,),
        in_specs=[pl.BlockSpec((1, B_TOK // 2, 128), lambda i: (i, 0, 0))],
        out_specs=pl.BlockSpec((1, EMBED_DIM, B_TOK), lambda i: (i, 0, 0)),
        out_shape=jax.ShapeDtypeStruct((L, EMBED_DIM, B_TOK), jnp.float32),
    )(x3)


def kernel(token_ids, A_weight, B_weight):
    ids_l = jnp.transpose(token_ids, (1, 0)).reshape(-1).astype(jnp.int32)
    sub_ids = jnp.where(ids_l < _P, 2 * ids_l, 2 * (ids_l - _P) + 1)
    j = jnp.arange(N, dtype=jnp.int32)
    b = j & (B_TOK - 1)
    dest_ids = (j - b) + ((2 * b) & (B_TOK - 1)) + (b >> 13)
    c128 = _tc_build_c(A_weight, B_weight)
    c_table = c128.reshape(2 * _NPACK, EMBED_DIM)
    flat_perm = _sc_gather(sub_ids, dest_ids, c_table)
    z = _tc_transpose(flat_perm)
    return jnp.transpose(z, (2, 0, 1))

# --- scband reference (transcript-rebuilt; emitter-appended) ---
"""Pipeline reference for scband-growing-factorized-embedding-61177514164243 (READ-ONLY COPY).

The authoritative reference and input builder live on the scoring server;
editing this copy changes nothing except your own understanding.
"""

import jax, jax.numpy as jnp
import numpy as np

VOCAB = 1000000
EMBED_DIM = 64
K = 32
B_TOK = 16384
L = 50

def setup_inputs(seed: int = 0) -> dict:
    key = jax.random.key(seed)
    k1, k2, k3 = jax.random.split(key, 3)
    token_ids = jax.random.randint(k1, (B_TOK, L), 0, VOCAB, dtype=jnp.int64 if jax.config.jax_enable_x64 else jnp.int32)
    # A: nn.Embedding(vocab, K), init normal(0, 0.02)
    A_weight = 0.02 * jax.random.normal(k2, (VOCAB, K), dtype=jnp.float32)
    # B: nn.Linear(K, embed_dim, bias=False) -> weight shape [embed_dim, K], xavier uniform
    limit = float(np.sqrt(6.0 / (K + EMBED_DIM)))
    B_weight = jax.random.uniform(k3, (EMBED_DIM, K), dtype=jnp.float32, minval=-limit, maxval=limit)
    return {"token_ids": token_ids, "A_weight": A_weight, "B_weight": B_weight}

def reference(token_ids, A_weight, B_weight):
    # low_dim = A(token_ids): gather rows -> [B, L, K]
    low_dim = jnp.take(A_weight, token_ids, axis=0)
    # full_dim = Linear(low_dim): low_dim @ B_weight.T -> [B, L, embed_dim]
    full_dim = low_dim @ B_weight.T
    return full_dim

if __name__ == "__main__":
    import jax
    _d = setup_inputs()
    print(jax.jit(kernel)(*tuple(_d.values())))

</pallas_src>

<mosaic_0001>
#map = affine_map<(d0, d1) -> (0)>
#map1 = affine_map<(d0, d1) -> (0, 0)>
module attributes {stable_mosaic.version = 14 : i64} {
  func.func @sc_embed_gather(%arg0: i32, %arg1: i32, %arg2: memref<819200xi32, #tpu.memory_space<hbm>>, %arg3: memref<819200xi32, #tpu.memory_space<hbm>>, %arg4: memref<1015808x64xf32, #tpu.memory_space<hbm>>, %arg5: memref<819200x64xf32, #tpu.memory_space<hbm>>, %arg6: memref<2x800xi32, #tpu.memory_space<vmem>>, %arg7: memref<2x800xi32, #tpu.memory_space<vmem>>, %arg8: memref<2x800x64xf32, #tpu.memory_space<vmem>>, %arg9: memref<!tpu.dma_semaphore, #tpu.memory_space<semaphore_mem>>, %arg10: memref<!tpu.dma_semaphore, #tpu.memory_space<semaphore_mem>>, %arg11: memref<!tpu.dma_semaphore, #tpu.memory_space<semaphore_mem>>) attributes {dimension_semantics = [#tpu.dimension_semantics<core_parallel>, #tpu.dimension_semantics<subcore_parallel>], iteration_bounds = array<i64: 2, 16>, scalar_prefetch = 0 : i64, scratch_operands = 6 : i64, tpu.core_type = #tpu.core_type<sc_vector_subcore>, window_params = [{transform_indices = #map}, {transform_indices = #map}, {transform_indices = #map1}, {transform_indices = #map1}]} {
    %mul3A = arith.constant 2 : i32
    %mul3A_0 = arith.muli %arg1, %mul3A : i32
    %add3A = arith.addi %mul3A_0, %arg0 : i32
    %mul3A_1 = arith.constant 25600 : i32
    %mul3A_2 = arith.muli %add3A, %mul3A_1 : i32
    %add3A_3 = arith.constant 0 : i32
    %add3A_4 = arith.addi %mul3A_2, %add3A_3 : i32
    %run_scoped3A = arith.constant 0 : i32
    "tpu.region"() ({
      %run_scoped3A_1726 = tpu.sem_alloc : memref<!tpu.dma_semaphore, #tpu.memory_space<semaphore_mem>>
      %dma_start3A_1727 = arith.constant 0 : i32
      %dma_start3A_1728 = tpu.memref_slice %arg6[%run_scoped3A, %dma_start3A_1727] : memref<2x800xi32, #tpu.memory_space<vmem>> -> memref<1x800xi32, #tpu.memory_space<vmem>>
      %dma_start3A_1729 = tpu.memref_squeeze %dma_start3A_1728 : memref<1x800xi32, #tpu.memory_space<vmem>> -> memref<800xi32, #tpu.memory_space<vmem>>
      %dma_start3A_1730 = tpu.memref_slice %arg2[%add3A_4] : memref<819200xi32, #tpu.memory_space<hbm>> -> memref<800xi32, #tpu.memory_space<hbm>>
      %dma_start3A_1731 = arith.constant 0 : i32
      %dma_start3A_1732 = tpu.memref_slice %arg6[%run_scoped3A, %dma_start3A_1731] : memref<2x800xi32, #tpu.memory_space<vmem>> -> memref<1x800xi32, #tpu.memory_space<vmem>>
      %dma_start3A_1733 = tpu.memref_squeeze %dma_start3A_1732 : memref<1x800xi32, #tpu.memory_space<vmem>> -> memref<800xi32, #tpu.memory_space<vmem>>
      %dma_start3A_1734 = tpu.memref_slice %arg2[%add3A_4] : memref<819200xi32, #tpu.memory_space<hbm>> -> memref<800xi32, #tpu.memory_space<hbm>>
      tpu.enqueue_dma source(%dma_start3A_1734 : memref<800xi32, #tpu.memory_space<hbm>>) target(%dma_start3A_1733 : memref<800xi32, #tpu.memory_space<vmem>>) target_semaphore(%run_scoped3A_1726 : memref<!tpu.dma_semaphore, #tpu.memory_space<semaphore_mem>>)
      %dma_wait3A_1735 = arith.constant 0 : i32
      %dma_wait3A_1736 = tpu.memref_slice %arg6[%run_scoped3A, %dma_wait3A_1735] : memref<2x800xi32, #tpu.memory_space<vmem>> -> memref<1x800xi32, #tpu.memory_space<vmem>>
      %dma_wait3A_1737 = tpu.memref_squeeze %dma_wait3A_1736 : memref<1x800xi32, #tpu.memory_space<vmem>> -> memref<800xi32, #tpu.memory_space<vmem>>
      %dma_wait3A_1738 = tpu.memref_slice %arg2[%add3A_4] : memref<819200xi32, #tpu.memory_space<hbm>> -> memref<800xi32, #tpu.memory_space<hbm>>
      %dma_wait3A_1739 = arith.constant 0 : i32
      %dma_wait3A_1740 = tpu.memref_slice %arg6[%run_scoped3A, %dma_wait3A_1739] : memref<2x800xi32, #tpu.memory_space<vmem>> -> memref<1x800xi32, #tpu.memory_space<vmem>>
      %dma_wait3A_1741 = tpu.memref_squeeze %dma_wait3A_1740 : memref<1x800xi32, #tpu.memory_space<vmem>> -> memref<800xi32, #tpu.memory_space<vmem>>
      %dma_wait3A_1742 = tpu.memref_slice %arg2[%add3A_4] : memref<819200xi32, #tpu.memory_space<hbm>> -> memref<800xi32, #tpu.memory_space<hbm>>
      tpu.wait_dma2 semaphore(%run_scoped3A_1726 : memref<!tpu.dma_semaphore, #tpu.memory_space<semaphore_mem>>) src(%dma_wait3A_1742 : memref<800xi32, #tpu.memory_space<hbm>>) dst(%dma_wait3A_1741 : memref<800xi32, #tpu.memory_space<vmem>>)
      tpu.yield
    }) : () -> ()
    %run_scoped3A_5 = arith.constant 0 : i32
    "tpu.region"() ({
      %run_scoped3A_1726 = tpu.sem_alloc : memref<!tpu.dma_semaphore, #tpu.memory_space<semaphore_mem>>
      %dma_start3A_1727 = arith.constant 0 : i32
      %dma_start3A_1728 = tpu.memref_slice %arg7[%run_scoped3A_5, %dma_start3A_1727] : memref<2x800xi32, #tpu.memory_space<vmem>> -> memref<1x800xi32, #tpu.memory_space<vmem>>
      %dma_start3A_1729 = tpu.memref_squeeze %dma_start3A_1728 : memref<1x800xi32, #tpu.memory_space<vmem>> -> memref<800xi32, #tpu.memory_space<vmem>>
      %dma_start3A_1730 = tpu.memref_slice %arg3[%add3A_4] : memref<819200xi32, #tpu.memory_space<hbm>> -> memref<800xi32, #tpu.memory_space<hbm>>
      %dma_start3A_1731 = arith.constant 0 : i32
      %dma_start3A_1732 = tpu.memref_slice %arg7[%run_scoped3A_5, %dma_start3A_1731] : memref<2x800xi32, #tpu.memory_space<vmem>> -> memref<1x800xi32, #tpu.memory_space<vmem>>
      %dma_start3A_1733 = tpu.memref_squeeze %dma_start3A_1732 : memref<1x800xi32, #tpu.memory_space<vmem>> -> memref<800xi32, #tpu.memory_space<vmem>>
      %dma_start3A_1734 = tpu.memref_slice %arg3[%add3A_4] : memref<819200xi32, #tpu.memory_space<hbm>> -> memref<800xi32, #tpu.memory_space<hbm>>
      tpu.enqueue_dma source(%dma_start3A_1734 : memref<800xi32, #tpu.memory_space<hbm>>) target(%dma_start3A_1733 : memref<800xi32, #tpu.memory_space<vmem>>) target_semaphore(%run_scoped3A_1726 : memref<!tpu.dma_semaphore, #tpu.memory_space<semaphore_mem>>)
      %dma_wait3A_1735 = arith.constant 0 : i32
      %dma_wait3A_1736 = tpu.memref_slice %arg7[%run_scoped3A_5, %dma_wait3A_1735] : memref<2x800xi32, #tpu.memory_space<vmem>> -> memref<1x800xi32, #tpu.memory_space<vmem>>
      %dma_wait3A_1737 = tpu.memref_squeeze %dma_wait3A_1736 : memref<1x800xi32, #tpu.memory_space<vmem>> -> memref<800xi32, #tpu.memory_space<vmem>>
      %dma_wait3A_1738 = tpu.memref_slice %arg3[%add3A_4] : memref<819200xi32, #tpu.memory_space<hbm>> -> memref<800xi32, #tpu.memory_space<hbm>>
      %dma_wait3A_1739 = arith.constant 0 : i32
      %dma_wait3A_1740 = tpu.memref_slice %arg7[%run_scoped3A_5, %dma_wait3A_1739] : memref<2x800xi32, #tpu.memory_space<vmem>> -> memref<1x800xi32, #tpu.memory_space<vmem>>
      %dma_wait3A_1741 = tpu.memref_squeeze %dma_wait3A_1740 : memref<1x800xi32, #tpu.memory_space<vmem>> -> memref<800xi32, #tpu.memory_space<vmem>>
      %dma_wait3A_1742 = tpu.memref_slice %arg3[%add3A_4] : memref<819200xi32, #tpu.memory_space<hbm>> -> memref<800xi32, #tpu.memory_space<hbm>>
      tpu.wait_dma2 semaphore(%run_scoped3A_1726 : memref<!tpu.dma_semaphore, #tpu.memory_space<semaphore_mem>>) src(%dma_wait3A_1742 : memref<800xi32, #tpu.memory_space<hbm>>) dst(%dma_wait3A_1741 : memref<800xi32, #tpu.memory_space<vmem>>)
      tpu.yield
    }) : () -> ()
    %dma_start3A = arith.constant 0 : i32
    %dma_start3A_6 = arith.constant 0 : i32
    %dma_start3A_7 = arith.constant 0 : i32
    %dma_start3A_8 = arith.constant 0 : i32
    %dma_start3A_9 = tpu.memref_slice %arg8[%dma_start3A_6, %dma_start3A_7, %dma_start3A_8] : memref<2x800x64xf32, #tpu.memory_space<vmem>> -> memref<1x800x64xf32, #tpu.memory_space<vmem>>
    %dma_start3A_10 = tpu.memref_squeeze %dma_start3A_9 : memref<1x800x64xf32, #tpu.memory_space<vmem>> -> memref<800x64xf32, #tpu.memory_space<vmem>>
    %dma_start3A_11 = arith.constant 0 : i32
    %dma_start3A_12 = tpu.memref_slice %arg6[%dma_start3A, %dma_start3A_11] : memref<2x800xi32, #tpu.memory_space<vmem>> -> memref<1x800xi32, #tpu.memory_space<vmem>>
    %dma_start3A_13 = tpu.memref_squeeze %dma_start3A_12 : memref<1x800xi32, #tpu.memory_space<vmem>> -> memref<800xi32, #tpu.memory_space<vmem>>
    %dma_start3A_14 = arith.constant 0 : i32
    %dma_start3A_15 = arith.constant 0 : i32
    %dma_start3A_16 = tpu.memref_slice %arg4[%dma_start3A_14, %dma_start3A_15] : memref<1015808x64xf32, #tpu.memory_space<hbm>> -> memref<1015808x64xf32, #tpu.memory_space<hbm>>
    tpu.enqueue_indirect_dma source(%dma_start3A_16 : memref<1015808x64xf32, #tpu.memory_space<hbm>>) target(%dma_start3A_10 : memref<800x64xf32, #tpu.memory_space<vmem>>) offsets(%dma_start3A_13 : memref<800xi32, #tpu.memory_space<vmem>>) semaphore(%arg9 : memref<!tpu.dma_semaphore, #tpu.memory_space<semaphore_mem>>)
    %dma_wait3A = arith.constant 0 : i32
    %dma_wait3A_17 = arith.constant 0 : i32
    %dma_wait3A_18 = arith.constant 0 : i32
    %dma_wait3A_19 = arith.constant 0 : i32
    %dma_wait3A_20 = tpu.memref_slice %arg8[%dma_wait3A_17, %dma_wait3A_18, %dma_wait3A_19] : memref<2x800x64xf32, #tpu.memory_space<vmem>> -> memref<1x800x64xf32, #tpu.memory_space<vmem>>
    %dma_wait3A_21 = tpu.memref_squeeze %dma_wait3A_20 : memref<1x800x64xf32, #tpu.memory_space<vmem>> -> memref<800x64xf32, #tpu.memory_space<vmem>>
    %dma_wait3A_22 = arith.constant 0 : i32
    %dma_wait3A_23 = tpu.memref_slice %arg6[%dma_wait3A, %dma_wait3A_22] : memref<2x800xi32, #tpu.memory_space<vmem>> -> memref<1x800xi32, #tpu.memory_space<vmem>>
    %dma_wait3A_24 = tpu.memref_squeeze %dma_wait3A_23 : memref<1x800xi32, #tpu.memory_space<vmem>> -> memref<800xi32, #tpu.memory_space<vmem>>
    %dma_wait3A_25 = arith.constant 0 : i32
    %dma_wait3A_26 = arith.constant 0 : i32
    %dma_wait3A_27 = tpu.memref_slice %arg4[%dma_wait3A_25, %dma_wait3A_26] : memref<1015808x64xf32, #tpu.memory_space<hbm>> -> memref<1015808x64xf32, #tpu.memory_space<hbm>>
    tpu.wait_indirect_dma semaphore(%arg9 : memref<!tpu.dma_semaphore, #tpu.memory_space<semaphore_mem>>) src(%dma_wait3A_27 : memref<1015808x64xf32, #tpu.memory_space<hbm>>) dst(%dma_wait3A_21 : memref<800x64xf32, #tpu.memory_space<vmem>>)
    %dma_start3A_28 = arith.constant 0 : i32
    %dma_start3A_29 = arith.constant 0 : i32
    %dma_start3A_30 = arith.constant 0 : i32
    %dma_start3A_31 = arith.constant 0 : i32
    %dma_start3A_32 = tpu.memref_slice %arg8[%dma_start3A_28, %dma_start3A_30, %dma_start3A_31] : memref<2x800x64xf32, #tpu.memory_space<vmem>> -> memref<1x800x64xf32, #tpu.memory_space<vmem>>
    %dma_start3A_33 = tpu.memref_squeeze %dma_start3A_32 : memref<1x800x64xf32, #tpu.memory_space<vmem>> -> memref<800x64xf32, #tpu.memory_space<vmem>>
    %dma_start3A_34 = arith.constant 0 : i32
    %dma_start3A_35 = tpu.memref_slice %arg7[%dma_start3A_29, %dma_start3A_34] : memref<2x800xi32, #tpu.memory_space<vmem>> -> memref<1x800xi32, #tpu.memory_space<vmem>>
    %dma_start3A_36 = tpu.memref_squeeze %dma_start3A_35 : memref<1x800xi32, #tpu.memory_space<vmem>> -> memref<800xi32, #tpu.memory_space<vmem>>
    %dma_start3A_37 = arith.constant 0 : i32
    %dma_start3A_38 = arith.constant 0 : i32
    %dma_start3A_39 = tpu.memref_slice %arg5[%dma_start3A_37, %dma_start3A_38] : memref<819200x64xf32, #tpu.memory_space<hbm>> -> memref<819200x64xf32, #tpu.memory_space<hbm>>
    tpu.enqueue_indirect_dma source(%dma_start3A_33 : memref<800x64xf32, #tpu.memory_space<vmem>>) target(%dma_start3A_39 : memref<819200x64xf32, #tpu.memory_space<hbm>>) offsets(%dma_start3A_36 : memref<800xi32, #tpu.memory_space<vmem>>) semaphore(%arg10 : memref<!tpu.dma_semaphore, #tpu.memory_space<semaphore_mem>>)
    %mul3A_40 = arith.constant 25600 : i32
    %mul3A_41 = arith.muli %add3A, %mul3A_40 : i32
    %add3A_42 = arith.constant 800 : i32
    %add3A_43 = arith.addi %mul3A_41, %add3A_42 : i32
    %run_scoped3A_44 = arith.constant 1 : i32
    "tpu.region"() ({
      %run_scoped3A_1726 = tpu.sem_alloc : memref<!tpu.dma_semaphore, #tpu.memory_space<semaphore_mem>>
      %dma_start3A_1727 = arith.constant 0 : i32
      %dma_start3A_1728 = tpu.memref_slice %arg6[%run_scoped3A_44, %dma_start3A_1727] : memref<2x800xi32, #tpu.memory_space<vmem>> -> memref<1x800xi32, #tpu.memory_space<vmem>>
      %dma_start3A_1729 = tpu.memref_squeeze %dma_start3A_1728 : memref<1x800xi32, #tpu.memory_space<vmem>> -> memref<800xi32, #tpu.memory_space<vmem>>
      %dma_start3A_1730 = tpu.memref_slice %arg2[%add3A_43] : memref<819200xi32, #tpu.memory_space<hbm>> -> memref<800xi32, #tpu.memory_space<hbm>>
      %dma_start3A_1731 = arith.constant 0 : i32
      %dma_start3A_1732 = tpu.memref_slice %arg6[%run_scoped3A_44, %dma_start3A_1731] : memref<2x800xi32, #tpu.memory_space<vmem>> -> memref<1x800xi32, #tpu.memory_space<vmem>>
      %dma_start3A_1733 = tpu.memref_squeeze %dma_start3A_1732 : memref<1x800xi32, #tpu.memory_space<vmem>> -> memref<800xi32, #tpu.memory_space<vmem>>
      %dma_start3A_1734 = tpu.memref_slice %arg2[%add3A_43] : memref<819200xi32, #tpu.memory_space<hbm>> -> memref<800xi32, #tpu.memory_space<hbm>>
      tpu.enqueue_dma source(%dma_start3A_1734 : memref<800xi32, #tpu.memory_space<hbm>>) target(%dma_start3A_1733 : memref<800xi32, #tpu.memory_space<vmem>>) target_semaphore(%run_scoped3A_1726 : memref<!tpu.dma_semaphore, #tpu.memory_space<semaphore_mem>>)
      %dma_wait3A_1735 = arith.constant 0 : i32
      %dma_wait3A_1736 = tpu.memref_slice %arg6[%run_scoped3A_44, %dma_wait3A_1735] : memref<2x800xi32, #tpu.memory_space<vmem>> -> memref<1x800xi32, #tpu.memory_space<vmem>>
      %dma_wait3A_1737 = tpu.memref_squeeze %dma_wait3A_1736 : memref<1x800xi32, #tpu.memory_space<vmem>> -> memref<800xi32, #tpu.memory_space<vmem>>
      %dma_wait3A_1738 = tpu.memref_slice %arg2[%add3A_43] : memref<819200xi32, #tpu.memory_space<hbm>> -> memref<800xi32, #tpu.memory_space<hbm>>
      %dma_wait3A_1739 = arith.constant 0 : i32
      %dma_wait3A_1740 = tpu.memref_slice %arg6[%run_scoped3A_44, %dma_wait3A_1739] : memref<2x800xi32, #tpu.memory_space<vmem>> -> memref<1x800xi32, #tpu.memory_space<vmem>>
      %dma_wait3A_1741 = tpu.memref_squeeze %dma_wait3A_1740 : memref<1x800xi32, #tpu.memory_space<vmem>> -> memref<800xi32, #tpu.memory_space<vmem>>
      %dma_wait3A_1742 = tpu.memref_slice %arg2[%add3A_43] : memref<819200xi32, #tpu.memory_space<hbm>> -> memref<800xi32, #tpu.memory_space<hbm>>
      tpu.wait_dma2 semaphore(%run_scoped3A_1726 : memref<!tpu.dma_semaphore, #tpu.memory_space<semaphore_mem>>) src(%dma_wait3A_1742 : memref<800xi32, #tpu.memory_space<hbm>>) dst(%dma_wait3A_1741 : memref<800xi32, #tpu.memory_space<vmem>>)
      tpu.yield
    }) : () -> ()
    %run_scoped3A_45 = arith.constant 1 : i32
    "tpu.region"() ({
      %run_scoped3A_1726 = tpu.sem_alloc : memref<!tpu.dma_semaphore, #tpu.memory_space<semaphore_mem>>
      %dma_start3A_1727 = arith.constant 0 : i32
      %dma_start3A_1728 = tpu.memref_slice %arg7[%run_scoped3A_45, %dma_start3A_1727] : memref<2x800xi32, #tpu.memory_space<vmem>> -> memref<1x800xi32, #tpu.memory_space<vmem>>
      %dma_start3A_1729 = tpu.memref_squeeze %dma_start3A_1728 : memref<1x800xi32, #tpu.memory_space<vmem>> -> memref<800xi32, #tpu.memory_space<vmem>>
      %dma_start3A_1730 = tpu.memref_slice %arg3[%add3A_43] : memref<819200xi32, #tpu.memory_space<hbm>> -> memref<800xi32, #tpu.memory_space<hbm>>
      %dma_start3A_1731 = arith.constant 0 : i32
      %dma_start3A_1732 = tpu.memref_slice %arg7[%run_scoped3A_45, %dma_start3A_1731] : memref<2x800xi32, #tpu.memory_space<vmem>> -> memref<1x800xi32, #tpu.memory_space<vmem>>
      %dma_start3A_1733 = tpu.memref_squeeze %dma_start3A_1732 : memref<1x800xi32, #tpu.memory_space<vmem>> -> memref<800xi32, #tpu.memory_space<vmem>>
      %dma_start3A_1734 = tpu.memref_slice %arg3[%add3A_43] : memref<819200xi32, #tpu.memory_space<hbm>> -> memref<800xi32, #tpu.memory_space<hbm>>
      tpu.enqueue_dma source(%dma_start3A_1734 : memref<800xi32, #tpu.memory_space<hbm>>) target(%dma_start3A_1733 : memref<800xi32, #tpu.memory_space<vmem>>) target_semaphore(%run_scoped3A_1726 : memref<!tpu.dma_semaphore, #tpu.memory_space<semaphore_mem>>)
      %dma_wait3A_1735 = arith.constant 0 : i32
      %dma_wait3A_1736 = tpu.memref_slice %arg7[%run_scoped3A_45, %dma_wait3A_1735] : memref<2x800xi32, #tpu.memory_space<vmem>> -> memref<1x800xi32, #tpu.memory_space<vmem>>
      %dma_wait3A_1737 = tpu.memref_squeeze %dma_wait3A_1736 : memref<1x800xi32, #tpu.memory_space<vmem>> -> memref<800xi32, #tpu.memory_space<vmem>>
      %dma_wait3A_1738 = tpu.memref_slice %arg3[%add3A_43] : memref<819200xi32, #tpu.memory_space<hbm>> -> memref<800xi32, #tpu.memory_space<hbm>>
      %dma_wait3A_1739 = arith.constant 0 : i32
      %dma_wait3A_1740 = tpu.memref_slice %arg7[%run_scoped3A_45, %dma_wait3A_1739] : memref<2x800xi32, #tpu.memory_space<vmem>> -> memref<1x800xi32, #tpu.memory_space<vmem>>
      %dma_wait3A_1741 = tpu.memref_squeeze %dma_wait3A_1740 : memref<1x800xi32, #tpu.memory_space<vmem>> -> memref<800xi32, #tpu.memory_space<vmem>>
      %dma_wait3A_1742 = tpu.memref_slice %arg3[%add3A_43] : memref<819200xi32, #tpu.memory_space<hbm>> -> memref<800xi32, #tpu.memory_space<hbm>>
      tpu.wait_dma2 semaphore(%run_scoped3A_1726 : memref<!tpu.dma_semaphore, #tpu.memory_space<semaphore_mem>>) src(%dma_wait3A_1742 : memref<800xi32, #tpu.memory_space<hbm>>) dst(%dma_wait3A_1741 : memref<800xi32, #tpu.memory_space<vmem>>)
      tpu.yield
    }) : () -> ()
    %dma_start3A_46 = arith.constant 1 : i32
    %dma_start3A_47 = arith.constant 1 : i32
    %dma_start3A_48 = arith.constant 0 : i32
    %dma_start3A_49 = arith.constant 0 : i32
    %dma_start3A_50 = tpu.memref_slice %arg8[%dma_start3A_47, %dma_start3A_48, %dma_start3A_49] : memref<2x800x64xf32, #tpu.memory_space<vmem>> -> memref<1x800x64xf32, #tpu.memory_space<vmem>>
    %dma_start3A_51 = tpu.memref_squeeze %dma_start3A_50 : memref<1x800x64xf32, #tpu.memory_space<vmem>> -> memref<800x64xf32, #tpu.memory_space<vmem>>
    %dma_start3A_52 = arith.constant 0 : i32
    %dma_start3A_53 = tpu.memref_slice %arg6[%dma_start3A_46, %dma_start3A_52] : memref<2x800xi32, #tpu.memory_space<vmem>> -> memref<1x800xi32, #tpu.memory_space<vmem>>
    %dma_start3A_54 = tpu.memref_squeeze %dma_start3A_53 : memref<1x800xi32, #tpu.memory_space<vmem>> -> memref<800xi32, #tpu.memory_space<vmem>>
    %dma_start3A_55 = arith.constant 0 : i32
    %dma_start3A_56 = arith.constant 0 : i32
    %dma_start3A_57 = tpu.memref_slice %arg4[%dma_start3A_55, %dma_start3A_56] : memref<1015808x64xf32, #tpu.memory_space<hbm>> -> memref<1015808x64xf32, #tpu.memory_space<hbm>>
    tpu.enqueue_indirect_dma source(%dma_start3A_57 : memref<1015808x64xf32, #tpu.memory_space<hbm>>) target(%dma_start3A_51 : memref<800x64xf32, #tpu.memory_space<vmem>>) offsets(%dma_start3A_54 : memref<800xi32, #tpu.memory_space<vmem>>) semaphore(%arg9 : memref<!tpu.dma_semaphore, #tpu.memory_space<semaphore_mem>>)
    %dma_wait3A_58 = arith.constant 1 : i32
    %dma_wait3A_59 = arith.constant 1 : i32
    %dma_wait3A_60 = arith.constant 0 : i32
    %dma_wait3A_61 = arith.constant 0 : i32
    %dma_wait3A_62 = tpu.memref_slice %arg8[%dma_wait3A_59, %dma_wait3A_60, %dma_wait3A_61] : memref<2x800x64xf32, #tpu.memory_space<vmem>> -> memref<1x800x64xf32, #tpu.memory_space<vmem>>
    %dma_wait3A_63 = tpu.memref_squeeze %dma_wait3A_62 : memref<1x800x64xf32, #tpu.memory_space<vmem>> -> memref<800x64xf32, #tpu.memory_space<vmem>>
    %dma_wait3A_64 = arith.constant 0 : i32
    %dma_wait3A_65 = tpu.memref_slice %arg6[%dma_wait3A_58, %dma_wait3A_64] : memref<2x800xi32, #tpu.memory_space<vmem>> -> memref<1x800xi32, #tpu.memory_space<vmem>>
    %dma_wait3A_66 = tpu.memref_squeeze %dma_wait3A_65 : memref<1x800xi32, #tpu.memory_space<vmem>> -> memref<800xi32, #tpu.memory_space<vmem>>
    %dma_wait3A_67 = arith.constant 0 : i32
    %dma_wait3A_68 = arith.constant 0 : i32
    %dma_wait3A_69 = tpu.memref_slice %arg4[%dma_wait3A_67, %dma_wait3A_68] : memref<1015808x64xf32, #tpu.memory_space<hbm>> -> memref<1015808x64xf32, #tpu.memory_space<hbm>>
    tpu.wait_indirect_dma semaphore(%arg9 : memref<!tpu.dma_semaphore, #tpu.memory_space<semaphore_mem>>) src(%dma_wait3A_69 : memref<1015808x64xf32, #tpu.memory_space<hbm>>) dst(%dma_wait3A_63 : memref<800x64xf32, #tpu.memory_space<vmem>>)
    %dma_start3A_70 = arith.constant 1 : i32
    %dma_start3A_71 = arith.constant 1 : i32
    %dma_start3A_72 = arith.constant 0 : i32
    %dma_start3A_73 = arith.constant 0 : i32
    %dma_start3A_74 = tpu.memref_slice %arg8[%dma_start3A_70, %dma_start3A_72, %dma_start3A_73] : memref<2x800x64xf32, #tpu.memory_space<vmem>> -> memref<1x800x64xf32, #tpu.memory_space<vmem>>
    %dma_start3A_75 = tpu.memref_squeeze %dma_start3A_74 : memref<1x800x64xf32, #tpu.memory_space<vmem>> -> memref<800x64xf32, #tpu.memory_space<vmem>>
    %dma_start3A_76 = arith.constant 0 : i32
    %dma_start3A_77 = tpu.memref_slice %arg7[%dma_start3A_71, %dma_start3A_76] : memref<2x800xi32, #tpu.memory_space<vmem>> -> memref<1x800xi32, #tpu.memory_space<vmem>>
    %dma_start3A_78 = tpu.memref_squeeze %dma_start3A_77 : memref<1x800xi32, #tpu.memory_space<vmem>> -> memref<800xi32, #tpu.memory_space<vmem>>
    %dma_start3A_79 = arith.constant 0 : i32
    %dma_start3A_80 = arith.constant 0 : i32
    %dma_start3A_81 = tpu.memref_slice %arg5[%dma_start3A_79, %dma_start3A_80] : memref<819200x64xf32, #tpu.memory_space<hbm>> -> memref<819200x64xf32, #tpu.memory_space<hbm>>
    tpu.enqueue_indirect_dma source(%dma_start3A_75 : memref<800x64xf32, #tpu.memory_space<vmem>>) target(%dma_start3A_81 : memref<819200x64xf32, #tpu.memory_space<hbm>>) offsets(%dma_start3A_78 : memref<800xi32, #tpu.memory_space<vmem>>) semaphore(%arg11 : memref<!tpu.dma_semaphore, #tpu.memory_space<semaphore_mem>>)
    %dma_wait3A_82 = arith.constant 0 : i32
    %dma_wait3A_83 = arith.constant 0 : i32
    %dma_wait3A_84 = arith.constant 0 : i32
    %dma_wait3A_85 = arith.constant 0 : i32
    %dma_wait3A_86 = tpu.memref_slice %arg8[%dma_wait3A_82, %dma_wait3A_84, %dma_wait3A_85] : memref<2x800x64xf32, #tpu.memory_space<vmem>> -> memref<1x800x64xf32, #tpu.memory_space<vmem>>
    %dma_wait3A_87 = tpu.memref_squeeze %dma_wait3A_86 : memref<1x800x64xf32, #tpu.memory_space<vmem>> -> memref<800x64xf32, #tpu.memory_space<vmem>>
    %dma_wait3A_88 = arith.constant 0 : i32
    %dma_wait3A_89 = tpu.memref_slice %arg7[%dma_wait3A_83, %dma_wait3A_88] : memref<2x800xi32, #tpu.memory_space<vmem>> -> memref<1x800xi32, #tpu.memory_space<vmem>>
    %dma_wait3A_90 = tpu.memref_squeeze %dma_wait3A_89 : memref<1x800xi32, #tpu.memory_space<vmem>> -> memref<800xi32, #tpu.memory_space<vmem>>
    %dma_wait3A_91 = arith.constant 0 : i32
    %dma_wait3A_92 = arith.constant 0 : i32
    %dma_wait3A_93 = tpu.memref_slice %arg5[%dma_wait3A_91, %dma_wait3A_92] : memref<819200x64xf32, #tpu.memory_space<hbm>> -> memref<819200x64xf32, #tpu.memory_space<hbm>>
    tpu.wait_indirect_dma semaphore(%arg10 : memref<!tpu.dma_semaphore, #tpu.memory_space<semaphore_mem>>) src(%dma_wait3A_87 : memref<800x64xf32, #tpu.memory_space<vmem>>) dst(%dma_wait3A_93 : memref<819200x64xf32, #tpu.memory_space<hbm>>)
    %mul3A_94 = arith.constant 25600 : i32
    %mul3A_95 = arith.muli %add3A, %mul3A_94 : i32
    %add3A_96 = arith.constant 1600 : i32
    %add3A_97 = arith.addi %mul3A_95, %add3A_96 : i32
    %run_scoped3A_98 = arith.constant 0 : i32
    "tpu.region"() ({
      %run_scoped3A_1726 = tpu.sem_alloc : memref<!tpu.dma_semaphore, #tpu.memory_space<semaphore_mem>>
      %dma_start3A_1727 = arith.constant 0 : i32
      %dma_start3A_1728 = tpu.memref_slice %arg6[%run_scoped3A_98, %dma_start3A_1727] : memref<2x800xi32, #tpu.memory_space<vmem>> -> memref<1x800xi32, #tpu.memory_space<vmem>>
      %dma_start3A_1729 = tpu.memref_squeeze %dma_start3A_1728 : memref<1x800xi32, #tpu.memory_space<vmem>> -> memref<800xi32, #tpu.memory_space<vmem>>
      %dma_start3A_1730 = tpu.memref_slice %arg2[%add3A_97] : memref<819200xi32, #tpu.memory_space<hbm>> -> memref<800xi32, #tpu.memory_space<hbm>>
      %dma_start3A_1731 = arith.constant 0 : i32
      %dma_start3A_1732 = tpu.memref_slice %arg6[%run_scoped3A_98, %dma_start3A_1731] : memref<2x800xi32, #tpu.memory_space<vmem>> -> memref<1x800xi32, #tpu.memory_space<vmem>>
      %dma_start3A_1733 = tpu.memref_squeeze %dma_start3A_1732 : memref<1x800xi32, #tpu.memory_space<vmem>> -> memref<800xi32, #tpu.memory_space<vmem>>
      %dma_start3A_1734 = tpu.memref_slice %arg2[%add3A_97] : memref<819200xi32, #tpu.memory_space<hbm>> -> memref<800xi32, #tpu.memory_space<hbm>>
      tpu.enqueue_dma source(%dma_start3A_1734 : memref<800xi32, #tpu.memory_space<hbm>>) target(%dma_start3A_1733 : memref<800xi32, #tpu.memory_space<vmem>>) target_semaphore(%run_scoped3A_1726 : memref<!tpu.dma_semaphore, #tpu.memory_space<semaphore_mem>>)
      %dma_wait3A_1735 = arith.constant 0 : i32
      %dma_wait3A_1736 = tpu.memref_slice %arg6[%run_scoped3A_98, %dma_wait3A_1735] : memref<2x800xi32, #tpu.memory_space<vmem>> -> memref<1x800xi32, #tpu.memory_space<vmem>>
      %dma_wait3A_1737 = tpu.memref_squeeze %dma_wait3A_1736 : memref<1x800xi32, #tpu.memory_space<vmem>> -> memref<800xi32, #tpu.memory_space<vmem>>
      %dma_wait3A_1738 = tpu.memref_slice %arg2[%add3A_97] : memref<819200xi32, #tpu.memory_space<hbm>> -> memref<800xi32, #tpu.memory_space<hbm>>
      %dma_wait3A_1739 = arith.constant 0 : i32
      %dma_wait3A_1740 = tpu.memref_slice %arg6[%run_scoped3A_98, %dma_wait3A_1739] : memref<2x800xi32, #tpu.memory_space<vmem>> -> memref<1x800xi32, #tpu.memory_space<vmem>>
      %dma_wait3A_1741 = tpu.memref_squeeze %dma_wait3A_1740 : memref<1x800xi32, #tpu.memory_space<vmem>> -> memref<800xi32, #tpu.memory_space<vmem>>
      %dma_wait3A_1742 = tpu.memref_slice %arg2[%add3A_97] : memref<819200xi32, #tpu.memory_space<hbm>> -> memref<800xi32, #tpu.memory_space<hbm>>
      tpu.wait_dma2 semaphore(%run_scoped3A_1726 : memref<!tpu.dma_semaphore, #tpu.memory_space<semaphore_mem>>) src(%dma_wait3A_1742 : memref<800xi32, #tpu.memory_space<hbm>>) dst(%dma_wait3A_1741 : memref<800xi32, #tpu.memory_space<vmem>>)
      tpu.yield
    }) : () -> ()
    %run_scoped3A_99 = arith.constant 0 : i32
    "tpu.region"() ({
      %run_scoped3A_1726 = tpu.sem_alloc : memref<!tpu.dma_semaphore, #tpu.memory_space<semaphore_mem>>
      %dma_start3A_1727 = arith.constant 0 : i32
      %dma_start3A_1728 = tpu.memref_slice %arg7[%run_scoped3A_99, %dma_start3A_1727] : memref<2x800xi32, #tpu.memory_space<vmem>> -> memref<1x800xi32, #tpu.memory_space<vmem>>
      %dma_start3A_1729 = tpu.memref_squeeze %dma_start3A_1728 : memref<1x800xi32, #tpu.memory_space<vmem>> -> memref<800xi32, #tpu.memory_space<vmem>>
      %dma_start3A_1730 = tpu.memref_slice %arg3[%add3A_97] : memref<819200xi32, #tpu.memory_space<hbm>> -> memref<800xi32, #tpu.memory_space<hbm>>
      %dma_start3A_1731 = arith.constant 0 : i32
      %dma_start3A_1732 = tpu.memref_slice %arg7[%run_scoped3A_99, %dma_start3A_1731] : memref<2x800xi32, #tpu.memory_space<vmem>> -> memref<1x800xi32, #tpu.memory_space<vmem>>
      %dma_start3A_1733 = tpu.memref_squeeze %dma_start3A_1732 : memref<1x800xi32, #tpu.memory_space<vmem>> -> memref<800xi32, #tpu.memory_space<vmem>>
      %dma_start3A_1734 = tpu.memref_slice %arg3[%add3A_97] : memref<819200xi32, #tpu.memory_space<hbm>> -> memref<800xi32, #tpu.memory_space<hbm>>
      tpu.enqueue_dma source(%dma_start3A_1734 : memref<800xi32, #tpu.memory_space<hbm>>) target(%dma_start3A_1733 : memref<800xi32, #tpu.memory_space<vmem>>) target_semaphore(%run_scoped3A_1726 : memref<!tpu.dma_semaphore, #tpu.memory_space<semaphore_mem>>)
      %dma_wait3A_1735 = arith.constant 0 : i32
      %dma_wait3A_1736 = tpu.memref_slice %arg7[%run_scoped3A_99, %dma_wait3A_1735] : memref<2x800xi32, #tpu.memory_space<vmem>> -> memref<1x800xi32, #tpu.memory_space<vmem>>
      %dma_wait3A_1737 = tpu.memref_squeeze %dma_wait3A_1736 : memref<1x800xi32, #tpu.memory_space<vmem>> -> memref<800xi32, #tpu.memory_space<vmem>>
      %dma_wait3A_1738 = tpu.memref_slice %arg3[%add3A_97] : memref<819200xi32, #tpu.memory_space<hbm>> -> memref<800xi32, #tpu.memory_space<hbm>>
      %dma_wait3A_1739 = arith.constant 0 : i32
      %dma_wait3A_1740 = tpu.memref_slice %arg7[%run_scoped3A_99, %dma_wait3A_1739] : memref<2x800xi32, #tpu.memory_space<vmem>> -> memref<1x800xi32, #tpu.memory_space<vmem>>
      %dma_wait3A_1741 = tpu.memref_squeeze %dma_wait3A_1740 : memref<1x800xi32, #tpu.memory_space<vmem>> -> memref<800xi32, #tpu.memory_space<vmem>>
      %dma_wait3A_1742 = tpu.memref_slice %arg3[%add3A_97] : memref<819200xi32, #tpu.memory_space<hbm>> -> memref<800xi32, #tpu.memory_space<hbm>>
      tpu.wait_dma2 semaphore(%run_scoped3A_1726 : memref<!tpu.dma_semaphore, #tpu.memory_space<semaphore_mem>>) src(%dma_wait3A_1742 : memref<800xi32, #tpu.memory_space<hbm>>) dst(%dma_wait3A_1741 : memref<800xi32, #tpu.memory_space<vmem>>)
      tpu.yield
    }) : () -> ()
    %dma_start3A_100 = arith.constant 0 : i32
    %dma_start3A_101 = arith.constant 0 : i32
    %dma_start3A_102 = arith.constant 0 : i32
    %dma_start3A_103 = arith.constant 0 : i32
    %dma_start3A_104 = tpu.memref_slice %arg8[%dma_start3A_101, %dma_start3A_102, %dma_start3A_103] : memref<2x800x64xf32, #tpu.memory_space<vmem>> -> memref<1x800x64xf32, #tpu.memory_space<vmem>>
    %dma_start3A_105 = tpu.memref_squeeze %dma_start3A_104 : memref<1x800x64xf32, #tpu.memory_space<vmem>> -> memref<800x64xf32, #tpu.memory_space<vmem>>
    %dma_start3A_106 = arith.constant 0 : i32
    %dma_start3A_107 = tpu.memref_slice %arg6[%dma_start3A_100, %dma_start3A_106] : memref<2x800xi32, #tpu.memory_space<vmem>> -> memref<1x800xi32, #tpu.memory_space<vmem>>
    %dma_start3A_108 = tpu.memref_squeeze %dma_start3A_107 : memref<1x800xi32, #tpu.memory_space<vmem>> -> memref<800xi32, #tpu.memory_space<vmem>>
    %dma_start3A_109 = arith.constant 0 : i32
    %dma_start3A_110 = arith.constant 0 : i32
    %dma_start3A_111 = tpu.memref_slice %arg4[%dma_start3A_109, %dma_start3A_110] : memref<1015808x64xf32, #tpu.memory_space<hbm>> -> memref<1015808x64xf32, #tpu.memory_space<hbm>>
    tpu.enqueue_indirect_dma source(%dma_start3A_111 : memref<1015808x64xf32, #tpu.memory_space<hbm>>) target(%dma_start3A_105 : memref<800x64xf32, #tpu.memory_space<vmem>>) offsets(%dma_start3A_108 : memref<800xi32, #tpu.memory_space<vmem>>) semaphore(%arg9 : memref<!tpu.dma_semaphore, #tpu.memory_space<semaphore_mem>>)
    %dma_wait3A_112 = arith.constant 0 : i32
    %dma_wait3A_113 = arith.constant 0 : i32
    %dma_wait3A_114 = arith.constant 0 : i32
    %dma_wait3A_115 = arith.constant 0 : i32
    %dma_wait3A_116 = tpu.memref_slice %arg8[%dma_wait3A_113, %dma_wait3A_114, %dma_wait3A_115] : memref<2x800x64xf32, #tpu.memory_space<vmem>> -> memref<1x800x64xf32, #tpu.memory_space<vmem>>
    %dma_wait3A_117 = tpu.memref_squeeze %dma_wait3A_116 : memref<1x800x64xf32, #tpu.memory_space<vmem>> -> memref<800x64xf32, #tpu.memory_space<vmem>>
    %dma_wait3A_118 = arith.constant 0 : i32
    %dma_wait3A_119 = tpu.memref_slice %arg6[%dma_wait3A_112, %dma_wait3A_118] : memref<2x800xi32, #tpu.memory_space<vmem>> -> memref<1x800xi32, #tpu.memory_space<vmem>>
    %dma_wait3A_120 = tpu.memref_squeeze %dma_wait3A_119 : memref<1x800xi32, #tpu.memory_space<vmem>> -> memref<800xi32, #tpu.memory_space<vmem>>
    %dma_wait3A_121 = arith.constant 0 : i32
    %dma_wait3A_122 = arith.constant 0 : i32
    %dma_wait3A_123 = tpu.memref_slice %arg4[%dma_wait3A_121, %dma_wait3A_122] : memref<1015808x64xf32, #tpu.memory_space<hbm>> -> memref<1015808x64xf32, #tpu.memory_space<hbm>>
    tpu.wait_indirect_dma semaphore(%arg9 : memref<!tpu.dma_semaphore, #tpu.memory_space<semaphore_mem>>) src(%dma_wait3A_123 : memref<1015808x64xf32, #tpu.memory_space<hbm>>) dst(%dma_wait3A_117 : memref<800x64xf32, #tpu.memory_space<vmem>>)
    %dma_start3A_124 = arith.constant 0 : i32
    %dma_start3A_125 = arith.constant 0 : i32
    %dma_start3A_126 = arith.constant 0 : i32
    %dma_start3A_127 = arith.constant 0 : i32
    %dma_start3A_128 = tpu.memref_slice %arg8[%dma_start3A_124, %dma_start3A_126, %dma_start3A_127] : memref<2x800x64xf32, #tpu.memory_space<vmem>> -> memref<1x800x64xf32, #tpu.memory_space<vmem>>
    %dma_start3A_129 = tpu.memref_squeeze %dma_start3A_128 : memref<1x800x64xf32, #tpu.memory_space<vmem>> -> memref<800x64xf32, #tpu.memory_space<vmem>>
    %dma_start3A_130 = arith.constant 0 : i32
    %dma_start3A_131 = tpu.memref_slice %arg7[%dma_start3A_125, %dma_start3A_130] : memref<2x800xi32, #tpu.memory_space<vmem>> -> memref<1x800xi32, #tpu.memory_space<vmem>>
    %dma_start3A_132 = tpu.memref_squeeze %dma_start3A_131 : memref<1x800xi32, #tpu.memory_space<vmem>> -> memref<800xi32, #tpu.memory_space<vmem>>
    %dma_start3A_133 = arith.constant 0 : i32
    %dma_start3A_134 = arith.constant 0 : i32
    %dma_start3A_135 = tpu.memref_slice %arg5[%dma_start3A_133, %dma_start3A_134] : memref<819200x64xf32, #tpu.memory_space<hbm>> -> memref<819200x64xf32, #tpu.memory_space<hbm>>
    tpu.enqueue_indirect_dma source(%dma_start3A_129 : memref<800x64xf32, #tpu.memory_space<vmem>>) target(%dma_start3A_135 : memref<819200x64xf32, #tpu.memory_space<hbm>>) offsets(%dma_start3A_132 : memref<800xi32, #tpu.memory_space<vmem>>) semaphore(%arg10 : memref<!tpu.dma_semaphore, #tpu.memory_space<semaphore_mem>>)
    %dma_wait3A_136 = arith.constant 1 : i32
    %dma_wait3A_137 = arith.constant 1 : i32
    %dma_wait3A_138 = arith.constant 0 : i32
    %dma_wait3A_139 = arith.constant 0 : i32
    %dma_wait3A_140 = tpu.memref_slice %arg8[%dma_wait3A_136, %dma_wait3A_138, %dma_wait3A_139] : memref<2x800x64xf32, #tpu.memory_space<vmem>> -> memref<1x800x64xf32, #tpu.memory_space<vmem>>
    %dma_wait3A_141 = tpu.memref_squeeze %dma_wait3A_140 : memref<1x800x64xf32, #tpu.memory_space<vmem>> -> memref<800x64xf32, #tpu.memory_space<vmem>>
    %dma_wait3A_142 = arith.constant 0 : i32
    %dma_wait3A_143 = tpu.memref_slice %arg7[%dma_wait3A_137, %dma_wait3A_142] : memref<2x800xi32, #tpu.memory_space<vmem>> -> memref<1x800xi32, #tpu.memory_space<vmem>>
    %dma_wait3A_144 = tpu.memref_squeeze %dma_wait3A_143 : memref<1x800xi32, #tpu.memory_space<vmem>> -> memref<800xi32, #tpu.memory_space<vmem>>
    %dma_wait3A_145 = arith.constant 0 : i32
    %dma_wait3A_146 = arith.constant 0 : i32
    %dma_wait3A_147 = tpu.memref_slice %arg5[%dma_wait3A_145, %dma_wait3A_146] : memref<819200x64xf32, #tpu.memory_space<hbm>> -> memref<819200x64xf32, #tpu.memory_space<hbm>>
    tpu.wait_indirect_dma semaphore(%arg11 : memref<!tpu.dma_semaphore, #tpu.memory_space<semaphore_mem>>) src(%dma_wait3A_141 : memref<800x64xf32, #tpu.memory_space<vmem>>) dst(%dma_wait3A_147 : memref<819200x64xf32, #tpu.memory_space<hbm>>)
    %mul3A_148 = arith.constant 25600 : i32
    %mul3A_149 = arith.muli %add3A, %mul3A_148 : i32
    %add3A_150 = arith.constant 2400 : i32
    %add3A_151 = arith.addi %mul3A_149, %add3A_150 : i32
    %run_scoped3A_152 = arith.constant 1 : i32
    "tpu.region"() ({
      %run_scoped3A_1726 = tpu.sem_alloc : memref<!tpu.dma_semaphore, #tpu.memory_space<semaphore_mem>>
      %dma_start3A_1727 = arith.constant 0 : i32
      %dma_start3A_1728 = tpu.memref_slice %arg6[%run_scoped3A_152, %dma_start3A_1727] : memref<2x800xi32, #tpu.memory_space<vmem>> -> memref<1x800xi32, #tpu.memory_space<vmem>>
      %dma_start3A_1729 = tpu.memref_squeeze %dma_start3A_1728 : memref<1x800xi32, #tpu.memory_space<vmem>> -> memref<800xi32, #tpu.memory_space<vmem>>
      %dma_start3A_1730 = tpu.memref_slice %arg2[%add3A_151] : memref<819200xi32, #tpu.memory_space<hbm>> -> memref<800xi32, #tpu.memory_space<hbm>>
      %dma_start3A_1731 = arith.constant 0 : i32
      %dma_start3A_1732 = tpu.memref_slice %arg6[%run_scoped3A_152, %dma_start3A_1731] : memref<2x800xi32, #tpu.memory_space<vmem>> -> memref<1x800xi32, #tpu.memory_space<vmem>>
      %dma_start3A_1733 = tpu.memref_squeeze %dma_start3A_1732 : memref<1x800xi32, #tpu.memory_space<vmem>> -> memref<800xi32, #tpu.memory_space<vmem>>
      %dma_start3A_1734 = tpu.memref_slice %arg2[%add3A_151] : memref<819200xi32, #tpu.memory_space<hbm>> -> memref<800xi32, #tpu.memory_space<hbm>>
      tpu.enqueue_dma source(%dma_start3A_1734 : memref<800xi32, #tpu.memory_space<hbm>>) target(%dma_start3A_1733 : memref<800xi32, #tpu.memory_space<vmem>>) target_semaphore(%run_scoped3A_1726 : memref<!tpu.dma_semaphore, #tpu.memory_space<semaphore_mem>>)
      %dma_wait3A_1735 = arith.constant 0 : i32
      %dma_wait3A_1736 = tpu.memref_slice %arg6[%run_scoped3A_152, %dma_wait3A_1735] : memref<2x800xi32, #tpu.memory_space<vmem>> -> memref<1x800xi32, #tpu.memory_space<vmem>>
      %dma_wait3A_1737 = tpu.memref_squeeze %dma_wait3A_1736 : memref<1x800xi32, #tpu.memory_space<vmem>> -> memref<800xi32, #tpu.memory_space<vmem>>
      %dma_wait3A_1738 = tpu.memref_slice %arg2[%add3A_151] : memref<819200xi32, #tpu.memory_space<hbm>> -> memref<800xi32, #tpu.memory_space<hbm>>
      %dma_wait3A_1739 = arith.constant 0 : i32
      %dma_wait3A_1740 = tpu.memref_slice %arg6[%run_scoped3A_152, %dma_wait3A_1739] : memref<2x800xi32, #tpu.memory_space<vmem>> -> memref<1x800xi32, #tpu.memory_space<vmem>>
      %dma_wait3A_1741 = tpu.memref_squeeze %dma_wait3A_1740 : memref<1x800xi32, #tpu.memory_space<vmem>> -> memref<800xi32, #tpu.memory_space<vmem>>
      %dma_wait3A_1742 = tpu.memref_slice %arg2[%add3A_151] : memref<819200xi32, #tpu.memory_space<hbm>> -> memref<800xi32, #tpu.memory_space<hbm>>
      tpu.wait_dma2 semaphore(%run_scoped3A_1726 : memref<!tpu.dma_semaphore, #tpu.memory_space<semaphore_mem>>) src(%dma_wait3A_1742 : memref<800xi32, #tpu.memory_space<hbm>>) dst(%dma_wait3A_1741 : memref<800xi32, #tpu.memory_space<vmem>>)
      tpu.yield
    }) : () -> ()
    %run_scoped3A_153 = arith.constant 1 : i32
    "tpu.region"() ({
      %run_scoped3A_1726 = tpu.sem_alloc : memref<!tpu.dma_semaphore, #tpu.memory_space<semaphore_mem>>
      %dma_start3A_1727 = arith.constant 0 : i32
      %dma_start3A_1728 = tpu.memref_slice %arg7[%run_scoped3A_153, %dma_start3A_1727] : memref<2x800xi32, #tpu.memory_space<vmem>> -> memref<1x800xi32, #tpu.memory_space<vmem>>
      %dma_start3A_1729 = tpu.memref_squeeze %dma_start3A_1728 : memref<1x800xi32, #tpu.memory_space<vmem>> -> memref<800xi32, #tpu.memory_space<vmem>>
      %dma_start3A_1730 = tpu.memref_slice %arg3[%add3A_151] : memref<819200xi32, #tpu.memory_space<hbm>> -> memref<800xi32, #tpu.memory_space<hbm>>
      %dma_start3A_1731 = arith.constant 0 : i32
      %dma_start3A_1732 = tpu.memref_slice %arg7[%run_scoped3A_153, %dma_start3A_1731] : memref<2x800xi32, #tpu.memory_space<vmem>> -> memref<1x800xi32, #tpu.memory_space<vmem>>
      %dma_start3A_1733 = tpu.memref_squeeze %dma_start3A_1732 : memref<1x800xi32, #tpu.memory_space<vmem>> -> memref<800xi32, #tpu.memory_space<vmem>>
      %dma_start3A_1734 = tpu.memref_slice %arg3[%add3A_151] : memref<819200xi32, #tpu.memory_space<hbm>> -> memref<800xi32, #tpu.memory_space<hbm>>
      tpu.enqueue_dma source(%dma_start3A_1734 : memref<800xi32, #tpu.memory_space<hbm>>) target(%dma_start3A_1733 : memref<800xi32, #tpu.memory_space<vmem>>) target_semaphore(%run_scoped3A_1726 : memref<!tpu.dma_semaphore, #tpu.memory_space<semaphore_mem>>)
      %dma_wait3A_1735 = arith.constant 0 : i32
      %dma_wait3A_1736 = tpu.memref_slice %arg7[%run_scoped3A_153, %dma_wait3A_1735] : memref<2x800xi32, #tpu.memory_space<vmem>> -> memref<1x800xi32, #tpu.memory_space<vmem>>
      %dma_wait3A_1737 = tpu.memref_squeeze %dma_wait3A_1736 : memref<1x800xi32, #tpu.memory_space<vmem>> -> memref<800xi32, #tpu.memory_space<vmem>>
      %dma_wait3A_1738 = tpu.memref_slice %arg3[%add3A_151] : memref<819200xi32, #tpu.memory_space<hbm>> -> memref<800xi32, #tpu.memory_space<hbm>>
      %dma_wait3A_1739 = arith.constant 0 : i32
      %dma_wait3A_1740 = tpu.memref_slice %arg7[%run_scoped3A_153, %dma_wait3A_1739] : memref<2x800xi32, #tpu.memory_space<vmem>> -> memref<1x800xi32, #tpu.memory_space<vmem>>
      %dma_wait3A_1741 = tpu.memref_squeeze %dma_wait3A_1740 : memref<1x800xi32, #tpu.memory_space<vmem>> -> memref<800xi32, #tpu.memory_space<vmem>>
      %dma_wait3A_1742 = tpu.memref_slice %arg3[%add3A_151] : memref<819200xi32, #tpu.memory_space<hbm>> -> memref<800xi32, #tpu.memory_space<hbm>>
      tpu.wait_dma2 semaphore(%run_scoped3A_1726 : memref<!tpu.dma_semaphore, #tpu.memory_space<semaphore_mem>>) src(%dma_wait3A_1742 : memref<800xi32, #tpu.memory_space<hbm>>) dst(%dma_wait3A_1741 : memref<800xi32, #tpu.memory_space<vmem>>)
      tpu.yield
    }) : () -> ()
    %dma_start3A_154 = arith.constant 1 : i32
    %dma_start3A_155 = arith.constant 1 : i32
    %dma_start3A_156 = arith.constant 0 : i32
    %dma_start3A_157 = arith.constant 0 : i32
    %dma_start3A_158 = tpu.memref_slice %arg8[%dma_start3A_155, %dma_start3A_156, %dma_start3A_157] : memref<2x800x64xf32, #tpu.memory_space<vmem>> -> memref<1x800x64xf32, #tpu.memory_space<vmem>>
    %dma_start3A_159 = tpu.memref_squeeze %dma_start3A_158 : memref<1x800x64xf32, #tpu.memory_space<vmem>> -> memref<800x64xf32, #tpu.memory_space<vmem>>
    %dma_start3A_160 = arith.constant 0 : i32
    %dma_start3A_161 = tpu.memref_slice %arg6[%dma_start3A_154, %dma_start3A_160] : memref<2x800xi32, #tpu.memory_space<vmem>> -> memref<1x800xi32, #tpu.memory_space<vmem>>
    %dma_start3A_162 = tpu.memref_squeeze %dma_start3A_161 : memref<1x800xi32, #tpu.memory_space<vmem>> -> memref<800xi32, #tpu.memory_space<vmem>>
    %dma_start3A_163 = arith.constant 0 : i32
    %dma_start3A_164 = arith.constant 0 : i32
    %dma_start3A_165 = tpu.memref_slice %arg4[%dma_start3A_163, %dma_start3A_164] : memref<1015808x64xf32, #tpu.memory_space<hbm>> -> memref<1015808x64xf32, #tpu.memory_space<hbm>>
    tpu.enqueue_indirect_dma source(%dma_start3A_165 : memref<1015808x64xf32, #tpu.memory_space<hbm>>) target(%dma_start3A_159 : memref<800x64xf32, #tpu.memory_space<vmem>>) offsets(%dma_start3A_162 : memref<800xi32, #tpu.memory_space<vmem>>) semaphore(%arg9 : memref<!tpu.dma_semaphore, #tpu.memory_space<semaphore_mem>>)
    %dma_wait3A_166 = arith.constant 1 : i32
    %dma_wait3A_167 = arith.constant 1 : i32
    %dma_wait3A_168 = arith.constant 0 : i32
    %dma_wait3A_169 = arith.constant 0 : i32
    %dma_wait3A_170 = tpu.memref_slice %arg8[%dma_wait3A_167, %dma_wait3A_168, %dma_wait3A_169] : memref<2x800x64xf32, #tpu.memory_space<vmem>> -> memref<1x800x64xf32, #tpu.memory_space<vmem>>
    %dma_wait3A_171 = tpu.memref_squeeze %dma_wait3A_170 : memref<1x800x64xf32, #tpu.memory_space<vmem>> -> memref<800x64xf32, #tpu.memory_space<vmem>>
    %dma_wait3A_172 = arith.constant 0 : i32
    %dma_wait3A_173 = tpu.memref_slice %arg6[%dma_wait3A_166, %dma_wait3A_172] : memref<2x800xi32, #tpu.memory_space<vmem>> -> memref<1x800xi32, #tpu.memory_space<vmem>>
    %dma_wait3A_174 = tpu.memref_squeeze %dma_wait3A_173 : memref<1x800xi32, #tpu.memory_space<vmem>> -> memref<800xi32, #tpu.memory_space<vmem>>
    %dma_wait3A_175 = arith.constant 0 : i32
    %dma_wait3A_176 = arith.constant 0 : i32
    %dma_wait3A_177 = tpu.memref_slice %arg4[%dma_wait3A_175, %dma_wait3A_176] : memref<1015808x64xf32, #tpu.memory_space<hbm>> -> memref<1015808x64xf32, #tpu.memory_space<hbm>>
    tpu.wait_indirect_dma semaphore(%arg9 : memref<!tpu.dma_semaphore, #tpu.memory_space<semaphore_mem>>) src(%dma_wait3A_177 : memref<1015808x64xf32, #tpu.memory_space<hbm>>) dst(%dma_wait3A_171 : memref<800x64xf32, #tpu.memory_space<vmem>>)
    %dma_start3A_178 = arith.constant 1 : i32
    %dma_start3A_179 = arith.constant 1 : i32
    %dma_start3A_180 = arith.constant 0 : i32
    %dma_start3A_181 = arith.constant 0 : i32
    %dma_start3A_182 = tpu.memref_slice %arg8[%dma_start3A_178, %dma_start3A_180, %dma_start3A_181] : memref<2x800x64xf32, #tpu.memory_space<vmem>> -> memref<1x800x64xf32, #tpu.memory_space<vmem>>
    %dma_start3A_183 = tpu.memref_squeeze %dma_start3A_182 : memref<1x800x64xf32, #tpu.memory_space<vmem>> -> memref<800x64xf32, #tpu.memory_space<vmem>>
    %dma_start3A_184 = arith.constant 0 : i32
    %dma_start3A_185 = tpu.memref_slice %arg7[%dma_start3A_179, %dma_start3A_184] : memref<2x800xi32, #tpu.memory_space<vmem>> -> memref<1x800xi32, #tpu.memory_space<vmem>>
    %dma_start3A_186 = tpu.memref_squeeze %dma_start3A_185 : memref<1x800xi32, #tpu.memory_space<vmem>> -> memref<800xi32, #tpu.memory_space<vmem>>
    %dma_start3A_187 = arith.constant 0 : i32
    %dma_start3A_188 = arith.constant 0 : i32
    %dma_start3A_189 = tpu.memref_slice %arg5[%dma_start3A_187, %dma_start3A_188] : memref<819200x64xf32, #tpu.memory_space<hbm>> -> memref<819200x64xf32, #tpu.memory_space<hbm>>
    tpu.enqueue_indirect_dma source(%dma_start3A_183 : memref<800x64xf32, #tpu.memory_space<vmem>>) target(%dma_start3A_189 : memref<819200x64xf32, #tpu.memory_space<hbm>>) offsets(%dma_start3A_186 : memref<800xi32, #tpu.memory_space<vmem>>) semaphore(%arg11 : memref<!tpu.dma_semaphore, #tpu.memory_space<semaphore_mem>>)
    %dma_wait3A_190 = arith.constant 0 : i32
    %dma_wait3A_191 = arith.constant 0 : i32
    %dma_wait3A_192 = arith.constant 0 : i32
    %dma_wait3A_193 = arith.constant 0 : i32
    %dma_wait3A_194 = tpu.memref_slice %arg8[%dma_wait3A_190, %dma_wait3A_192, %dma_wait3A_193] : memref<2x800x64xf32, #tpu.memory_space<vmem>> -> memref<1x800x64xf32, #tpu.memory_space<vmem>>
    %dma_wait3A_195 = tpu.memref_squeeze %dma_wait3A_194 : memref<1x800x64xf32, #tpu.memory_space<vmem>> -> memref<800x64xf32, #tpu.memory_space<vmem>>
    %dma_wait3A_196 = arith.constant 0 : i32
    %dma_wait3A_197 = tpu.memref_slice %arg7[%dma_wait3A_191, %dma_wait3A_196] : memref<2x800xi32, #tpu.memory_space<vmem>> -> memref<1x800xi32, #tpu.memory_space<vmem>>
    %dma_wait3A_198 = tpu.memref_squeeze %dma_wait3A_197 : memref<1x800xi32, #tpu.memory_space<vmem>> -> memref<800xi32, #tpu.memory_space<vmem>>
    %dma_wait3A_199 = arith.constant 0 : i32
    %dma_wait3A_200 = arith.constant 0 : i32
    %dma_wait3A_201 = tpu.memref_slice %arg5[%dma_wait3A_199, %dma_wait3A_200] : memref<819200x64xf32, #tpu.memory_space<hbm>> -> memref<819200x64xf32, #tpu.memory_space<hbm>>
    tpu.wait_indirect_dma semaphore(%arg10 : memref<!tpu.dma_semaphore, #tpu.memory_space<semaphore_mem>>) src(%dma_wait3A_195 : memref<800x64xf32, #tpu.memory_space<vmem>>) dst(%dma_wait3A_201 : memref<819200x64xf32, #tpu.memory_space<hbm>>)
    %mul3A_202 = arith.constant 25600 : i32
    %mul3A_203 = arith.muli %add3A, %mul3A_202 : i32
    %add3A_204 = arith.constant 3200 : i32
    %add3A_205 = arith.addi %mul3A_203, %add3A_204 : i32
    %run_scoped3A_206 = arith.constant 0 : i32
    "tpu.region"() ({
      %run_scoped3A_1726 = tpu.sem_alloc : memref<!tpu.dma_semaphore, #tpu.memory_space<semaphore_mem>>
      %dma_start3A_1727 = arith.constant 0 : i32
      %dma_start3A_1728 = tpu.memref_slice %arg6[%run_scoped3A_206, %dma_start3A_1727] : memref<2x800xi32, #tpu.memory_space<vmem>> -> memref<1x800xi32, #tpu.memory_space<vmem>>
      %dma_start3A_1729 = tpu.memref_squeeze %dma_start3A_1728 : memref<1x800xi32, #tpu.memory_space<vmem>> -> memref<800xi32, #tpu.memory_space<vmem>>
      %dma_start3A_1730 = tpu.memref_slice %arg2[%add3A_205] : memref<819200xi32, #tpu.memory_space<hbm>> -> memref<800xi32, #tpu.memory_space<hbm>>
      %dma_start3A_1731 = arith.constant 0 : i32
      %dma_start3A_1732 = tpu.memref_slice %arg6[%run_scoped3A_206, %dma_start3A_1731] : memref<2x800xi32, #tpu.memory_space<vmem>> -> memref<1x800xi32, #tpu.memory_space<vmem>>
      %dma_start3A_1733 = tpu.memref_squeeze %dma_start3A_1732 : memref<1x800xi32, #tpu.memory_space<vmem>> -> memref<800xi32, #tpu.memory_space<vmem>>
      %dma_start3A_1734 = tpu.memref_slice %arg2[%add3A_205] : memref<819200xi32, #tpu.memory_space<hbm>> -> memref<800xi32, #tpu.memory_space<hbm>>
      tpu.enqueue_dma source(%dma_start3A_1734 : memref<800xi32, #tpu.memory_space<hbm>>) target(%dma_start3A_1733 : memref<800xi32, #tpu.memory_space<vmem>>) target_semaphore(%run_scoped3A_1726 : memref<!tpu.dma_semaphore, #tpu.memory_space<semaphore_mem>>)
      %dma_wait3A_1735 = arith.constant 0 : i32
      %dma_wait3A_1736 = tpu.memref_slice %arg6[%run_scoped3A_206, %dma_wait3A_1735] : memref<2x800xi32, #tpu.memory_space<vmem>> -> memref<1x800xi32, #tpu.memory_space<vmem>>
      %dma_wait3A_1737 = tpu.memref_squeeze %dma_wait3A_1736 : memref<1x800xi32, #tpu.memory_space<vmem>> -> memref<800xi32, #tpu.memory_space<vmem>>
      %dma_wait3A_1738 = tpu.memref_slice %arg2[%add3A_205] : memref<819200xi32, #tpu.memory_space<hbm>> -> memref<800xi32, #tpu.memory_space<hbm>>
      %dma_wait3A_1739 = arith.constant 0 : i32
      %dma_wait3A_1740 = tpu.memref_slice %arg6[%run_scoped3A_206, %dma_wait3A_1739] : memref<2x800xi32, #tpu.memory_space<vmem>> -> memref<1x800xi32, #tpu.memory_space<vmem>>
      %dma_wait3A_1741 = tpu.memref_squeeze %dma_wait3A_1740 : memref<1x800xi32, #tpu.memory_space<vmem>> -> memref<800xi32, #tpu.memory_space<vmem>>
      %dma_wait3A_1742 = tpu.memref_slice %arg2[%add3A_205] : memref<819200xi32, #tpu.memory_space<hbm>> -> memref<800xi32, #tpu.memory_space<hbm>>
      tpu.wait_dma2 semaphore(%run_scoped3A_1726 : memref<!tpu.dma_semaphore, #tpu.memory_space<semaphore_mem>>) src(%dma_wait3A_1742 : memref<800xi32, #tpu.memory_space<hbm>>) dst(%dma_wait3A_1741 : memref<800xi32, #tpu.memory_space<vmem>>)
      tpu.yield
    }) : () -> ()
    %run_scoped3A_207 = arith.constant 0 : i32
    "tpu.region"() ({
      %run_scoped3A_1726 = tpu.sem_alloc : memref<!tpu.dma_semaphore, #tpu.memory_space<semaphore_mem>>
      %dma_start3A_1727 = arith.constant 0 : i32
      %dma_start3A_1728 = tpu.memref_slice %arg7[%run_scoped3A_207, %dma_start3A_1727] : memref<2x800xi32, #tpu.memory_space<vmem>> -> memref<1x800xi32, #tpu.memory_space<vmem>>
      %dma_start3A_1729 = tpu.memref_squeeze %dma_start3A_1728 : memref<1x800xi32, #tpu.memory_space<vmem>> -> memref<800xi32, #tpu.memory_space<vmem>>
      %dma_start3A_1730 = tpu.memref_slice %arg3[%add3A_205] : memref<819200xi32, #tpu.memory_space<hbm>> -> memref<800xi32, #tpu.memory_space<hbm>>
      %dma_start3A_1731 = arith.constant 0 : i32
      %dma_start3A_1732 = tpu.memref_slice %arg7[%run_scoped3A_207, %dma_start3A_1731] : memref<2x800xi32, #tpu.memory_space<vmem>> -> memref<1x800xi32, #tpu.memory_space<vmem>>
      %dma_start3A_1733 = tpu.memref_squeeze %dma_start3A_1732 : memref<1x800xi32, #tpu.memory_space<vmem>> -> memref<800xi32, #tpu.memory_space<vmem>>
      %dma_start3A_1734 = tpu.memref_slice %arg3[%add3A_205] : memref<819200xi32, #tpu.memory_space<hbm>> -> memref<800xi32, #tpu.memory_space<hbm>>
      tpu.enqueue_dma source(%dma_start3A_1734 : memref<800xi32, #tpu.memory_space<hbm>>) target(%dma_start3A_1733 : memref<800xi32, #tpu.memory_space<vmem>>) target_semaphore(%run_scoped3A_1726 : memref<!tpu.dma_semaphore, #tpu.memory_space<semaphore_mem>>)
      %dma_wait3A_1735 = arith.constant 0 : i32
      %dma_wait3A_1736 = tpu.memref_slice %arg7[%run_scoped3A_207, %dma_wait3A_1735] : memref<2x800xi32, #tpu.memory_space<vmem>> -> memref<1x800xi32, #tpu.memory_space<vmem>>
      %dma_wait3A_1737 = tpu.memref_squeeze %dma_wait3A_1736 : memref<1x800xi32, #tpu.memory_space<vmem>> -> memref<800xi32, #tpu.memory_space<vmem>>
      %dma_wait3A_1738 = tpu.memref_slice %arg3[%add3A_205] : memref<819200xi32, #tpu.memory_space<hbm>> -> memref<800xi32, #tpu.memory_space<hbm>>
      %dma_wait3A_1739 = arith.constant 0 : i32
      %dma_wait3A_1740 = tpu.memref_slice %arg7[%run_scoped3A_207, %dma_wait3A_1739] : memref<2x800xi32, #tpu.memory_space<vmem>> -> memref<1x800xi32, #tpu.memory_space<vmem>>
      %dma_wait3A_1741 = tpu.memref_squeeze %dma_wait3A_1740 : memref<1x800xi32, #tpu.memory_space<vmem>> -> memref<800xi32, #tpu.memory_space<vmem>>
      %dma_wait3A_1742 = tpu.memref_slice %arg3[%add3A_205] : memref<819200xi32, #tpu.memory_space<hbm>> -> memref<800xi32, #tpu.memory_space<hbm>>
      tpu.wait_dma2 semaphore(%run_scoped3A_1726 : memref<!tpu.dma_semaphore, #tpu.memory_space<semaphore_mem>>) src(%dma_wait3A_1742 : memref<800xi32, #tpu.memory_space<hbm>>) dst(%dma_wait3A_1741 : memref<800xi32, #tpu.memory_space<vmem>>)
      tpu.yield
    }) : () -> ()
    %dma_start3A_208 = arith.constant 0 : i32
    %dma_start3A_209 = arith.constant 0 : i32
    %dma_start3A_210 = arith.constant 0 : i32
    %dma_start3A_211 = arith.constant 0 : i32
    %dma_start3A_212 = tpu.memref_slice %arg8[%dma_start3A_209, %dma_start3A_210, %dma_start3A_211] : memref<2x800x64xf32, #tpu.memory_space<vmem>> -> memref<1x800x64xf32, #tpu.memory_space<vmem>>
    %dma_start3A_213 = tpu.memref_squeeze %dma_start3A_212 : memref<1x800x64xf32, #tpu.memory_space<vmem>> -> memref<800x64xf32, #tpu.memory_space<vmem>>
    %dma_start3A_214 = arith.constant 0 : i32
    %dma_start3A_215 = tpu.memref_slice %arg6[%dma_start3A_208, %dma_start3A_214] : memref<2x800xi32, #tpu.memory_space<vmem>> -> memref<1x800xi32, #tpu.memory_space<vmem>>
    %dma_start3A_216 = tpu.memref_squeeze %dma_start3A_215 : memref<1x800xi32, #tpu.memory_space<vmem>> -> memref<800xi32, #tpu.memory_space<vmem>>
    %dma_start3A_217 = arith.constant 0 : i32
    %dma_start3A_218 = arith.constant 0 : i32
    %dma_start3A_219 = tpu.memref_slice %arg4[%dma_start3A_217, %dma_start3A_218] : memref<1015808x64xf32, #tpu.memory_space<hbm>> -> memref<1015808x64xf32, #tpu.memory_space<hbm>>
    tpu.enqueue_indirect_dma source(%dma_start3A_219 : memref<1015808x64xf32, #tpu.memory_space<hbm>>) target(%dma_start3A_213 : memref<800x64xf32, #tpu.memory_space<vmem>>) offsets(%dma_start3A_216 : memref<800xi32, #tpu.memory_space<vmem>>) semaphore(%arg9 : memref<!tpu.dma_semaphore, #tpu.memory_space<semaphore_mem>>)
    %dma_wait3A_220 = arith.constant 0 : i32
    %dma_wait3A_221 = arith.constant 0 : i32
    %dma_wait3A_222 = arith.constant 0 : i32
    %dma_wait3A_223 = arith.constant 0 : i32
    %dma_wait3A_224 = tpu.memref_slice %arg8[%dma_wait3A_221, %dma_wait3A_222, %dma_wait3A_223] : memref<2x800x64xf32, #tpu.memory_space<vmem>> -> memref<1x800x64xf32, #tpu.memory_space<vmem>>
    %dma_wait3A_225 = tpu.memref_squeeze %dma_wait3A_224 : memref<1x800x64xf32, #tpu.memory_space<vmem>> -> memref<800x64xf32, #tpu.memory_space<vmem>>
    %dma_wait3A_226 = arith.constant 0 : i32
    %dma_wait3A_227 = tpu.memref_slice %arg6[%dma_wait3A_220, %dma_wait3A_226] : memref<2x800xi32, #tpu.memory_space<vmem>> -> memref<1x800xi32, #tpu.memory_space<vmem>>
    %dma_wait3A_228 = tpu.memref_squeeze %dma_wait3A_227 : memref<1x800xi32, #tpu.memory_space<vmem>> -> memref<800xi32, #tpu.memory_space<vmem>>
    %dma_wait3A_229 = arith.constant 0 : i32
    %dma_wait3A_230 = arith.constant 0 : i32
    %dma_wait3A_231 = tpu.memref_slice %arg4[%dma_wait3A_229, %dma_wait3A_230] : memref<1015808x64xf32, #tpu.memory_space<hbm>> -> memref<1015808x64xf32, #tpu.memory_space<hbm>>
    tpu.wait_indirect_dma semaphore(%arg9 : memref<!tpu.dma_semaphore, #tpu.memory_space<semaphore_mem>>) src(%dma_wait3A_231 : memref<1015808x64xf32, #tpu.memory_space<hbm>>) dst(%dma_wait3A_225 : memref<800x64xf32, #tpu.memory_space<vmem>>)
    %dma_start3A_232 = arith.constant 0 : i32
    %dma_start3A_233 = arith.constant 0 : i32
    %dma_start3A_234 = arith.constant 0 : i32
    %dma_start3A_235 = arith.constant 0 : i32
    %dma_start3A_236 = tpu.memref_slice %arg8[%dma_start3A_232, %dma_start3A_234, %dma_start3A_235] : memref<2x800x64xf32, #tpu.memory_space<vmem>> -> memref<1x800x64xf32, #tpu.memory_space<vmem>>
    %dma_start3A_237 = tpu.memref_squeeze %dma_start3A_236 : memref<1x800x64xf32, #tpu.memory_space<vmem>> -> memref<800x64xf32, #tpu.memory_space<vmem>>
    %dma_start3A_238 = arith.constant 0 : i32
    %dma_start3A_239 = tpu.memref_slice %arg7[%dma_start3A_233, %dma_start3A_238] : memref<2x800xi32, #tpu.memory_space<vmem>> -> memref<1x800xi32, #tpu.memory_space<vmem>>
    %dma_start3A_240 = tpu.memref_squeeze %dma_start3A_239 : memref<1x800xi32, #tpu.memory_space<vmem>> -> memref<800xi32, #tpu.memory_space<vmem>>
    %dma_start3A_241 = arith.constant 0 : i32
    %dma_start3A_242 = arith.constant 0 : i32
    %dma_start3A_243 = tpu.memref_slice %arg5[%dma_start3A_241, %dma_start3A_242] : memref<819200x64xf32, #tpu.memory_space<hbm>> -> memref<819200x64xf32, #tpu.memory_space<hbm>>
    tpu.enqueue_indirect_dma source(%dma_start3A_237 : memref<800x64xf32, #tpu.memory_space<vmem>>) target(%dma_start3A_243 : memref<819200x64xf32, #tpu.memory_space<hbm>>) offsets(%dma_start3A_240 : memref<800xi32, #tpu.memory_space<vmem>>) semaphore(%arg10 : memref<!tpu.dma_semaphore, #tpu.memory_space<semaphore_mem>>)
    %dma_wait3A_244 = arith.constant 1 : i32
    %dma_wait3A_245 = arith.constant 1 : i32
    %dma_wait3A_246 = arith.constant 0 : i32
    %dma_wait3A_247 = arith.constant 0 : i32
    %dma_wait3A_248 = tpu.memref_slice %arg8[%dma_wait3A_244, %dma_wait3A_246, %dma_wait3A_247] : memref<2x800x64xf32, #tpu.memory_space<vmem>> -> memref<1x800x64xf32, #tpu.memory_space<vmem>>
    %dma_wait3A_249 = tpu.memref_squeeze %dma_wait3A_248 : memref<1x800x64xf32, #tpu.memory_space<vmem>> -> memref<800x64xf32, #tpu.memory_space<vmem>>
    %dma_wait3A_250 = arith.constant 0 : i32
    %dma_wait3A_251 = tpu.memref_slice %arg7[%dma_wait3A_245, %dma_wait3A_250] : memref<2x800xi32, #tpu.memory_space<vmem>> -> memref<1x800xi32, #tpu.memory_space<vmem>>
    %dma_wait3A_252 = tpu.memref_squeeze %dma_wait3A_251 : memref<1x800xi32, #tpu.memory_space<vmem>> -> memref<800xi32, #tpu.memory_space<vmem>>
    %dma_wait3A_253 = arith.constant 0 : i32
    %dma_wait3A_254 = arith.constant 0 : i32
    %dma_wait3A_255 = tpu.memref_slice %arg5[%dma_wait3A_253, %dma_wait3A_254] : memref<819200x64xf32, #tpu.memory_space<hbm>> -> memref<819200x64xf32, #tpu.memory_space<hbm>>
    tpu.wait_indirect_dma semaphore(%arg11 : memref<!tpu.dma_semaphore, #tpu.memory_space<semaphore_mem>>) src(%dma_wait3A_249 : memref<800x64xf32, #tpu.memory_space<vmem>>) dst(%dma_wait3A_255 : memref<819200x64xf32, #tpu.memory_space<hbm>>)
    %mul3A_256 = arith.constant 25600 : i32
    %mul3A_257 = arith.muli %add3A, %mul3A_256 : i32
    %add3A_258 = arith.constant 4000 : i32
    %add3A_259 = arith.addi %mul3A_257, %add3A_258 : i32
    %run_scoped3A_260 = arith.constant 1 : i32
    "tpu.region"() ({
      %run_scoped3A_1726 = tpu.sem_alloc : memref<!tpu.dma_semaphore, #tpu.memory_space<semaphore_mem>>
      %dma_start3A_1727 = arith.constant 0 : i32
      %dma_start3A_1728 = tpu.memref_slice %arg6[%run_scoped3A_260, %dma_start3A_1727] : memref<2x800xi32, #tpu.memory_space<vmem>> -> memref<1x800xi32, #tpu.memory_space<vmem>>
      %dma_start3A_1729 = tpu.memref_squeeze %dma_start3A_1728 : memref<1x800xi32, #tpu.memory_space<vmem>> -> memref<800xi32, #tpu.memory_space<vmem>>
      %dma_start3A_1730 = tpu.memref_slice %arg2[%add3A_259] : memref<819200xi32, #tpu.memory_space<hbm>> -> memref<800xi32, #tpu.memory_space<hbm>>
      %dma_start3A_1731 = arith.constant 0 : i32
      %dma_start3A_1732 = tpu.memref_slice %arg6[%run_scoped3A_260, %dma_start3A_1731] : memref<2x800xi32, #tpu.memory_space<vmem>> -> memref<1x800xi32, #tpu.memory_space<vmem>>
      %dma_start3A_1733 = tpu.memref_squeeze %dma_start3A_1732 : memref<1x800xi32, #tpu.memory_space<vmem>> -> memref<800xi32, #tpu.memory_space<vmem>>
      %dma_start3A_1734 = tpu.memref_slice %arg2[%add3A_259] : memref<819200xi32, #tpu.memory_space<hbm>> -> memref<800xi32, #tpu.memory_space<hbm>>
      tpu.enqueue_dma source(%dma_start3A_1734 : memref<800xi32, #tpu.memory_space<hbm>>) target(%dma_start3A_1733 : memref<800xi32, #tpu.memory_space<vmem>>) target_semaphore(%run_scoped3A_1726 : memref<!tpu.dma_semaphore, #tpu.memory_space<semaphore_mem>>)
      %dma_wait3A_1735 = arith.constant 0 : i32
      %dma_wait3A_1736 = tpu.memref_slice %arg6[%run_scoped3A_260, %dma_wait3A_1735] : memref<2x800xi32, #tpu.memory_space<vmem>> -> memref<1x800xi32, #tpu.memory_space<vmem>>
      %dma_wait3A_1737 = tpu.memref_squeeze %dma_wait3A_1736 : memref<1x800xi32, #tpu.memory_space<vmem>> -> memref<800xi32, #tpu.memory_space<vmem>>
      %dma_wait3A_1738 = tpu.memref_slice %arg2[%add3A_259] : memref<819200xi32, #tpu.memory_space<hbm>> -> memref<800xi32, #tpu.memory_space<hbm>>
      %dma_wait3A_1739 = arith.constant 0 : i32
      %dma_wait3A_1740 = tpu.memref_slice %arg6[%run_scoped3A_260, %dma_wait3A_1739] : memref<2x800xi32, #tpu.memory_space<vmem>> -> memref<1x800xi32, #tpu.memory_space<vmem>>
      %dma_wait3A_1741 = tpu.memref_squeeze %dma_wait3A_1740 : memref<1x800xi32, #tpu.memory_space<vmem>> -> memref<800xi32, #tpu.memory_space<vmem>>
      %dma_wait3A_1742 = tpu.memref_slice %arg2[%add3A_259] : memref<819200xi32, #tpu.memory_space<hbm>> -> memref<800xi32, #tpu.memory_space<hbm>>
      tpu.wait_dma2 semaphore(%run_scoped3A_1726 : memref<!tpu.dma_semaphore, #tpu.memory_space<semaphore_mem>>) src(%dma_wait3A_1742 : memref<800xi32, #tpu.memory_space<hbm>>) dst(%dma_wait3A_1741 : memref<800xi32, #tpu.memory_space<vmem>>)
      tpu.yield
    }) : () -> ()
    %run_scoped3A_261 = arith.constant 1 : i32
    "tpu.region"() ({
      %run_scoped3A_1726 = tpu.sem_alloc : memref<!tpu.dma_semaphore, #tpu.memory_space<semaphore_mem>>
      %dma_start3A_1727 = arith.constant 0 : i32
      %dma_start3A_1728 = tpu.memref_slice %arg7[%run_scoped3A_261, %dma_start3A_1727] : memref<2x800xi32, #tpu.memory_space<vmem>> -> memref<1x800xi32, #tpu.memory_space<vmem>>
      %dma_start3A_1729 = tpu.memref_squeeze %dma_start3A_1728 : memref<1x800xi32, #tpu.memory_space<vmem>> -> memref<800xi32, #tpu.memory_space<vmem>>
      %dma_start3A_1730 = tpu.memref_slice %arg3[%add3A_259] : memref<819200xi32, #tpu.memory_space<hbm>> -> memref<800xi32, #tpu.memory_space<hbm>>
      %dma_start3A_1731 = arith.constant 0 : i32
      %dma_start3A_1732 = tpu.memref_slice %arg7[%run_scoped3A_261, %dma_start3A_1731] : memref<2x800xi32, #tpu.memory_space<vmem>> -> memref<1x800xi32, #tpu.memory_space<vmem>>
      %dma_start3A_1733 = tpu.memref_squeeze %dma_start3A_1732 : memref<1x800xi32, #tpu.memory_space<vmem>> -> memref<800xi32, #tpu.memory_space<vmem>>
      %dma_start3A_1734 = tpu.memref_slice %arg3[%add3A_259] : memref<819200xi32, #tpu.memory_space<hbm>> -> memref<800xi32, #tpu.memory_space<hbm>>
      tpu.enqueue_dma source(%dma_start3A_1734 : memref<800xi32, #tpu.memory_space<hbm>>) target(%dma_start3A_1733 : memref<800xi32, #tpu.memory_space<vmem>>) target_semaphore(%run_scoped3A_1726 : memref<!tpu.dma_semaphore, #tpu.memory_space<semaphore_mem>>)
      %dma_wait3A_1735 = arith.constant 0 : i32
      %dma_wait3A_1736 = tpu.memref_slice %arg7[%run_scoped3A_261, %dma_wait3A_1735] : memref<2x800xi32, #tpu.memory_space<vmem>> -> memref<1x800xi32, #tpu.memory_space<vmem>>
      %dma_wait3A_1737 = tpu.memref_squeeze %dma_wait3A_1736 : memref<1x800xi32, #tpu.memory_space<vmem>> -> memref<800xi32, #tpu.memory_space<vmem>>
      %dma_wait3A_1738 = tpu.memref_slice %arg3[%add3A_259] : memref<819200xi32, #tpu.memory_space<hbm>> -> memref<800xi32, #tpu.memory_space<hbm>>
      %dma_wait3A_1739 = arith.constant 0 : i32
      %dma_wait3A_1740 = tpu.memref_slice %arg7[%run_scoped3A_261, %dma_wait3A_1739] : memref<2x800xi32, #tpu.memory_space<vmem>> -> memref<1x800xi32, #tpu.memory_space<vmem>>
      %dma_wait3A_1741 = tpu.memref_squeeze %dma_wait3A_1740 : memref<1x800xi32, #tpu.memory_space<vmem>> -> memref<800xi32, #tpu.memory_space<vmem>>
      %dma_wait3A_1742 = tpu.memref_slice %arg3[%add3A_259] : memref<819200xi32, #tpu.memory_space<hbm>> -> memref<800xi32, #tpu.memory_space<hbm>>
      tpu.wait_dma2 semaphore(%run_scoped3A_1726 : memref<!tpu.dma_semaphore, #tpu.memory_space<semaphore_mem>>) src(%dma_wait3A_1742 : memref<800xi32, #tpu.memory_space<hbm>>) dst(%dma_wait3A_1741 : memref<800xi32, #tpu.memory_space<vmem>>)
      tpu.yield
    }) : () -> ()
    %dma_start3A_262 = arith.constant 1 : i32
    %dma_start3A_263 = arith.constant 1 : i32
    %dma_start3A_264 = arith.constant 0 : i32
    %dma_start3A_265 = arith.constant 0 : i32
    %dma_start3A_266 = tpu.memref_slice %arg8[%dma_start3A_263, %dma_start3A_264, %dma_start3A_265] : memref<2x800x64xf32, #tpu.memory_space<vmem>> -> memref<1x800x64xf32, #tpu.memory_space<vmem>>
    %dma_start3A_267 = tpu.memref_squeeze %dma_start3A_266 : memref<1x800x64xf32, #tpu.memory_space<vmem>> -> memref<800x64xf32, #tpu.memory_space<vmem>>
    %dma_start3A_268 = arith.constant 0 : i32
    %dma_start3A_269 = tpu.memref_slice %arg6[%dma_start3A_262, %dma_start3A_268] : memref<2x800xi32, #tpu.memory_space<vmem>> -> memref<1x800xi32, #tpu.memory_space<vmem>>
    %dma_start3A_270 = tpu.memref_squeeze %dma_start3A_269 : memref<1x800xi32, #tpu.memory_space<vmem>> -> memref<800xi32, #tpu.memory_space<vmem>>
    %dma_start3A_271 = arith.constant 0 : i32
    %dma_start3A_272 = arith.constant 0 : i32
    %dma_start3A_273 = tpu.memref_slice %arg4[%dma_start3A_271, %dma_start3A_272] : memref<1015808x64xf32, #tpu.memory_space<hbm>> -> memref<1015808x64xf32, #tpu.memory_space<hbm>>
    tpu.enqueue_indirect_dma source(%dma_start3A_273 : memref<1015808x64xf32, #tpu.memory_space<hbm>>) target(%dma_start3A_267 : memref<800x64xf32, #tpu.memory_space<vmem>>) offsets(%dma_start3A_270 : memref<800xi32, #tpu.memory_space<vmem>>) semaphore(%arg9 : memref<!tpu.dma_semaphore, #tpu.memory_space<semaphore_mem>>)
    %dma_wait3A_274 = arith.constant 1 : i32
    %dma_wait3A_275 = arith.constant 1 : i32
    %dma_wait3A_276 = arith.constant 0 : i32
    %dma_wait3A_277 = arith.constant 0 : i32
    %dma_wait3A_278 = tpu.memref_slice %arg8[%dma_wait3A_275, %dma_wait3A_276, %dma_wait3A_277] : memref<2x800x64xf32, #tpu.memory_space<vmem>> -> memref<1x800x64xf32, #tpu.memory_space<vmem>>
    %dma_wait3A_279 = tpu.memref_squeeze %dma_wait3A_278 : memref<1x800x64xf32, #tpu.memory_space<vmem>> -> memref<800x64xf32, #tpu.memory_space<vmem>>
    %dma_wait3A_280 = arith.constant 0 : i32
    %dma_wait3A_281 = tpu.memref_slice %arg6[%dma_wait3A_274, %dma_wait3A_280] : memref<2x800xi32, #tpu.memory_space<vmem>> -> memref<1x800xi32, #tpu.memory_space<vmem>>
    %dma_wait3A_282 = tpu.memref_squeeze %dma_wait3A_281 : memref<1x800xi32, #tpu.memory_space<vmem>> -> memref<800xi32, #tpu.memory_space<vmem>>
    %dma_wait3A_283 = arith.constant 0 : i32
    %dma_wait3A_284 = arith.constant 0 : i32
    %dma_wait3A_285 = tpu.memref_slice %arg4[%dma_wait3A_283, %dma_wait3A_284] : memref<1015808x64xf32, #tpu.memory_space<hbm>> -> memref<1015808x64xf32, #tpu.memory_space<hbm>>
    tpu.wait_indirect_dma semaphore(%arg9 : memref<!tpu.dma_semaphore, #tpu.memory_space<semaphore_mem>>) src(%dma_wait3A_285 : memref<1015808x64xf32, #tpu.memory_space<hbm>>) dst(%dma_wait3A_279 : memref<800x64xf32, #tpu.memory_space<vmem>>)
    %dma_start3A_286 = arith.constant 1 : i32
    %dma_start3A_287 = arith.constant 1 : i32
    %dma_start3A_288 = arith.constant 0 : i32
    %dma_start3A_289 = arith.constant 0 : i32
    %dma_start3A_290 = tpu.memref_slice %arg8[%dma_start3A_286, %dma_start3A_288, %dma_start3A_289] : memref<2x800x64xf32, #tpu.memory_space<vmem>> -> memref<1x800x64xf32, #tpu.memory_space<vmem>>
    %dma_start3A_291 = tpu.memref_squeeze %dma_start3A_290 : memref<1x800x64xf32, #tpu.memory_space<vmem>> -> memref<800x64xf32, #tpu.memory_space<vmem>>
    %dma_start3A_292 = arith.constant 0 : i32
    %dma_start3A_293 = tpu.memref_slice %arg7[%dma_start3A_287, %dma_start3A_292] : memref<2x800xi32, #tpu.memory_space<vmem>> -> memref<1x800xi32, #tpu.memory_space<vmem>>
    %dma_start3A_294 = tpu.memref_squeeze %dma_start3A_293 : memref<1x800xi32, #tpu.memory_space<vmem>> -> memref<800xi32, #tpu.memory_space<vmem>>
    %dma_start3A_295 = arith.constant 0 : i32
    %dma_start3A_296 = arith.constant 0 : i32
    %dma_start3A_297 = tpu.memref_slice %arg5[%dma_start3A_295, %dma_start3A_296] : memref<819200x64xf32, #tpu.memory_space<hbm>> -> memref<819200x64xf32, #tpu.memory_space<hbm>>
    tpu.enqueue_indirect_dma source(%dma_start3A_291 : memref<800x64xf32, #tpu.memory_space<vmem>>) target(%dma_start3A_297 : memref<819200x64xf32, #tpu.memory_space<hbm>>) offsets(%dma_start3A_294 : memref<800xi32, #tpu.memory_space<vmem>>) semaphore(%arg11 : memref<!tpu.dma_semaphore, #tpu.memory_space<semaphore_mem>>)
    %dma_wait3A_298 = arith.constant 0 : i32
    %dma_wait3A_299 = arith.constant 0 : i32
    %dma_wait3A_300 = arith.constant 0 : i32
    %dma_wait3A_301 = arith.constant 0 : i32
    %dma_wait3A_302 = tpu.memref_slice %arg8[%dma_wait3A_298, %dma_wait3A_300, %dma_wait3A_301] : memref<2x800x64xf32, #tpu.memory_space<vmem>> -> memref<1x800x64xf32, #tpu.memory_space<vmem>>
    %dma_wait3A_303 = tpu.memref_squeeze %dma_wait3A_302 : memref<1x800x64xf32, #tpu.memory_space<vmem>> -> memref<800x64xf32, #tpu.memory_space<vmem>>
    %dma_wait3A_304 = arith.constant 0 : i32
    %dma_wait3A_305 = tpu.memref_slice %arg7[%dma_wait3A_299, %dma_wait3A_304] : memref<2x800xi32, #tpu.memory_space<vmem>> -> memref<1x800xi32, #tpu.memory_space<vmem>>
    %dma_wait3A_306 = tpu.memref_squeeze %dma_wait3A_305 : memref<1x800xi32, #tpu.memory_space<vmem>> -> memref<800xi32, #tpu.memory_space<vmem>>
    %dma_wait3A_307 = arith.constant 0 : i32
    %dma_wait3A_308 = arith.constant 0 : i32
    %dma_wait3A_309 = tpu.memref_slice %arg5[%dma_wait3A_307, %dma_wait3A_308] : memref<819200x64xf32, #tpu.memory_space<hbm>> -> memref<819200x64xf32, #tpu.memory_space<hbm>>
    tpu.wait_indirect_dma semaphore(%arg10 : memref<!tpu.dma_semaphore, #tpu.memory_space<semaphore_mem>>) src(%dma_wait3A_303 : memref<800x64xf32, #tpu.memory_space<vmem>>) dst(%dma_wait3A_309 : memref<819200x64xf32, #tpu.memory_space<hbm>>)
    %mul3A_310 = arith.constant 25600 : i32
    %mul3A_311 = arith.muli %add3A, %mul3A_310 : i32
    %add3A_312 = arith.constant 4800 : i32
    %add3A_313 = arith.addi %mul3A_311, %add3A_312 : i32
    %run_scoped3A_314 = arith.constant 0 : i32
    "tpu.region"() ({
      %run_scoped3A_1726 = tpu.sem_alloc : memref<!tpu.dma_semaphore, #tpu.memory_space<semaphore_mem>>
      %dma_start3A_1727 = arith.constant 0 : i32
      %dma_start3A_1728 = tpu.memref_slice %arg6[%run_scoped3A_314, %dma_start3A_1727] : memref<2x800xi32, #tpu.memory_space<vmem>> -> memref<1x800xi32, #tpu.memory_space<vmem>>
      %dma_start3A_1729 = tpu.memref_squeeze %dma_start3A_1728 : memref<1x800xi32, #tpu.memory_space<vmem>> -> memref<800xi32, #tpu.memory_space<vmem>>
      %dma_start3A_1730 = tpu.memref_slice %arg2[%add3A_313] : memref<819200xi32, #tpu.memory_space<hbm>> -> memref<800xi32, #tpu.memory_space<hbm>>
      %dma_start3A_1731 = arith.constant 0 : i32
      %dma_start3A_1732 = tpu.memref_slice %arg6[%run_scoped3A_314, %dma_start3A_1731] : memref<2x800xi32, #tpu.memory_space<vmem>> -> memref<1x800xi32, #tpu.memory_space<vmem>>
      %dma_start3A_1733 = tpu.memref_squeeze %dma_start3A_1732 : memref<1x800xi32, #tpu.memory_space<vmem>> -> memref<800xi32, #tpu.memory_space<vmem>>
      %dma_start3A_1734 = tpu.memref_slice %arg2[%add3A_313] : memref<819200xi32, #tpu.memory_space<hbm>> -> memref<800xi32, #tpu.memory_space<hbm>>
      tpu.enqueue_dma source(%dma_start3A_1734 : memref<800xi32, #tpu.memory_space<hbm>>) target(%dma_start3A_1733 : memref<800xi32, #tpu.memory_space<vmem>>) target_semaphore(%run_scoped3A_1726 : memref<!tpu.dma_semaphore, #tpu.memory_space<semaphore_mem>>)
      %dma_wait3A_1735 = arith.constant 0 : i32
      %dma_wait3A_1736 = tpu.memref_slice %arg6[%run_scoped3A_314, %dma_wait3A_1735] : memref<2x800xi32, #tpu.memory_space<vmem>> -> memref<1x800xi32, #tpu.memory_space<vmem>>
      %dma_wait3A_1737 = tpu.memref_squeeze %dma_wait3A_1736 : memref<1x800xi32, #tpu.memory_space<vmem>> -> memref<800xi32, #tpu.memory_space<vmem>>
      %dma_wait3A_1738 = tpu.memref_slice %arg2[%add3A_313] : memref<819200xi32, #tpu.memory_space<hbm>> -> memref<800xi32, #tpu.memory_space<hbm>>
      %dma_wait3A_1739 = arith.constant 0 : i32
      %dma_wait3A_1740 = tpu.memref_slice %arg6[%run_scoped3A_314, %dma_wait3A_1739] : memref<2x800xi32, #tpu.memory_space<vmem>> -> memref<1x800xi32, #tpu.memory_space<vmem>>
      %dma_wait3A_1741 = tpu.memref_squeeze %dma_wait3A_1740 : memref<1x800xi32, #tpu.memory_space<vmem>> -> memref<800xi32, #tpu.memory_space<vmem>>
      %dma_wait3A_1742 = tpu.memref_slice %arg2[%add3A_313] : memref<819200xi32, #tpu.memory_space<hbm>> -> memref<800xi32, #tpu.memory_space<hbm>>
      tpu.wait_dma2 semaphore(%run_scoped3A_1726 : memref<!tpu.dma_semaphore, #tpu.memory_space<semaphore_mem>>) src(%dma_wait3A_1742 : memref<800xi32, #tpu.memory_space<hbm>>) dst(%dma_wait3A_1741 : memref<800xi32, #tpu.memory_space<vmem>>)
      tpu.yield
    }) : () -> ()
    %run_scoped3A_315 = arith.constant 0 : i32
    "tpu.region"() ({
      %run_scoped3A_1726 = tpu.sem_alloc : memref<!tpu.dma_semaphore, #tpu.memory_space<semaphore_mem>>
      %dma_start3A_1727 = arith.constant 0 : i32
      %dma_start3A_1728 = tpu.memref_slice %arg7[%run_scoped3A_315, %dma_start3A_1727] : memref<2x800xi32, #tpu.memory_space<vmem>> -> memref<1x800xi32, #tpu.memory_space<vmem>>
      %dma_start3A_1729 = tpu.memref_squeeze %dma_start3A_1728 : memref<1x800xi32, #tpu.memory_space<vmem>> -> memref<800xi32, #tpu.memory_space<vmem>>
      %dma_start3A_1730 = tpu.memref_slice %arg3[%add3A_313] : memref<819200xi32, #tpu.memory_space<hbm>> -> memref<800xi32, #tpu.memory_space<hbm>>
      %dma_start3A_1731 = arith.constant 0 : i32
      %dma_start3A_1732 = tpu.memref_slice %arg7[%run_scoped3A_315, %dma_start3A_1731] : memref<2x800xi32, #tpu.memory_space<vmem>> -> memref<1x800xi32, #tpu.memory_space<vmem>>
      %dma_start3A_1733 = tpu.memref_squeeze %dma_start3A_1732 : memref<1x800xi32, #tpu.memory_space<vmem>> -> memref<800xi32, #tpu.memory_space<vmem>>
      %dma_start3A_1734 = tpu.memref_slice %arg3[%add3A_313] : memref<819200xi32, #tpu.memory_space<hbm>> -> memref<800xi32, #tpu.memory_space<hbm>>
      tpu.enqueue_dma source(%dma_start3A_1734 : memref<800xi32, #tpu.memory_space<hbm>>) target(%dma_start3A_1733 : memref<800xi32, #tpu.memory_space<vmem>>) target_semaphore(%run_scoped3A_1726 : memref<!tpu.dma_semaphore, #tpu.memory_space<semaphore_mem>>)
      %dma_wait3A_1735 = arith.constant 0 : i32
      %dma_wait3A_1736 = tpu.memref_slice %arg7[%run_scoped3A_315, %dma_wait3A_1735] : memref<2x800xi32, #tpu.memory_space<vmem>> -> memref<1x800xi32, #tpu.memory_space<vmem>>
      %dma_wait3A_1737 = tpu.memref_squeeze %dma_wait3A_1736 : memref<1x800xi32, #tpu.memory_space<vmem>> -> memref<800xi32, #tpu.memory_space<vmem>>
      %dma_wait3A_1738 = tpu.memref_slice %arg3[%add3A_313] : memref<819200xi32, #tpu.memory_space<hbm>> -> memref<800xi32, #tpu.memory_space<hbm>>
      %dma_wait3A_1739 = arith.constant 0 : i32
      %dma_wait3A_1740 = tpu.memref_slice %arg7[%run_scoped3A_315, %dma_wait3A_1739] : memref<2x800xi32, #tpu.memory_space<vmem>> -> memref<1x800xi32, #tpu.memory_space<vmem>>
      %dma_wait3A_1741 = tpu.memref_squeeze %dma_wait3A_1740 : memref<1x800xi32, #tpu.memory_space<vmem>> -> memref<800xi32, #tpu.memory_space<vmem>>
      %dma_wait3A_1742 = tpu.memref_slice %arg3[%add3A_313] : memref<819200xi32, #tpu.memory_space<hbm>> -> memref<800xi32, #tpu.memory_space<hbm>>
      tpu.wait_dma2 semaphore(%run_scoped3A_1726 : memref<!tpu.dma_semaphore, #tpu.memory_space<semaphore_mem>>) src(%dma_wait3A_1742 : memref<800xi32, #tpu.memory_space<hbm>>) dst(%dma_wait3A_1741 : memref<800xi32, #tpu.memory_space<vmem>>)
      tpu.yield
    }) : () -> ()
    %dma_start3A_316 = arith.constant 0 : i32
    %dma_start3A_317 = arith.constant 0 : i32
    %dma_start3A_318 = arith.constant 0 : i32
    %dma_start3A_319 = arith.constant 0 : i32
    %dma_start3A_320 = tpu.memref_slice %arg8[%dma_start3A_317, %dma_start3A_318, %dma_start3A_319] : memref<2x800x64xf32, #tpu.memory_space<vmem>> -> memref<1x800x64xf32, #tpu.memory_space<vmem>>
    %dma_start3A_321 = tpu.memref_squeeze %dma_start3A_320 : memref<1x800x64xf32, #tpu.memory_space<vmem>> -> memref<800x64xf32, #tpu.memory_space<vmem>>
    %dma_start3A_322 = arith.constant 0 : i32
    %dma_start3A_323 = tpu.memref_slice %arg6[%dma_start3A_316, %dma_start3A_322] : memref<2x800xi32, #tpu.memory_space<vmem>> -> memref<1x800xi32, #tpu.memory_space<vmem>>
    %dma_start3A_324 = tpu.memref_squeeze %dma_start3A_323 : memref<1x800xi32, #tpu.memory_space<vmem>> -> memref<800xi32, #tpu.memory_space<vmem>>
    %dma_start3A_325 = arith.constant 0 : i32
    %dma_start3A_326 = arith.constant 0 : i32
    %dma_start3A_327 = tpu.memref_slice %arg4[%dma_start3A_325, %dma_start3A_326] : memref<1015808x64xf32, #tpu.memory_space<hbm>> -> memref<1015808x64xf32, #tpu.memory_space<hbm>>
    tpu.enqueue_indirect_dma source(%dma_start3A_327 : memref<1015808x64xf32, #tpu.memory_space<hbm>>) target(%dma_start3A_321 : memref<800x64xf32, #tpu.memory_space<vmem>>) offsets(%dma_start3A_324 : memref<800xi32, #tpu.memory_space<vmem>>) semaphore(%arg9 : memref<!tpu.dma_semaphore, #tpu.memory_space<semaphore_mem>>)
    %dma_wait3A_328 = arith.constant 0 : i32
    %dma_wait3A_329 = arith.constant 0 : i32
    %dma_wait3A_330 = arith.constant 0 : i32
    %dma_wait3A_331 = arith.constant 0 : i32
    %dma_wait3A_332 = tpu.memref_slice %arg8[%dma_wait3A_329, %dma_wait3A_330, %dma_wait3A_331] : memref<2x800x64xf32, #tpu.memory_space<vmem>> -> memref<1x800x64xf32, #tpu.memory_space<vmem>>
    %dma_wait3A_333 = tpu.memref_squeeze %dma_wait3A_332 : memref<1x800x64xf32, #tpu.memory_space<vmem>> -> memref<800x64xf32, #tpu.memory_space<vmem>>
    %dma_wait3A_334 = arith.constant 0 : i32
    %dma_wait3A_335 = tpu.memref_slice %arg6[%dma_wait3A_328, %dma_wait3A_334] : memref<2x800xi32, #tpu.memory_space<vmem>> -> memref<1x800xi32, #tpu.memory_space<vmem>>
    %dma_wait3A_336 = tpu.memref_squeeze %dma_wait3A_335 : memref<1x800xi32, #tpu.memory_space<vmem>> -> memref<800xi32, #tpu.memory_space<vmem>>
    %dma_wait3A_337 = arith.constant 0 : i32
    %dma_wait3A_338 = arith.constant 0 : i32
    %dma_wait3A_339 = tpu.memref_slice %arg4[%dma_wait3A_337, %dma_wait3A_338] : memref<1015808x64xf32, #tpu.memory_space<hbm>> -> memref<1015808x64xf32, #tpu.memory_space<hbm>>
    tpu.wait_indirect_dma semaphore(%arg9 : memref<!tpu.dma_semaphore, #tpu.memory_space<semaphore_mem>>) src(%dma_wait3A_339 : memref<1015808x64xf32, #tpu.memory_space<hbm>>) dst(%dma_wait3A_333 : memref<800x64xf32, #tpu.memory_space<vmem>>)
    %dma_start3A_340 = arith.constant 0 : i32
    %dma_start3A_341 = arith.constant 0 : i32
    %dma_start3A_342 = arith.constant 0 : i32
    %dma_start3A_343 = arith.constant 0 : i32
    %dma_start3A_344 = tpu.memref_slice %arg8[%dma_start3A_340, %dma_start3A_342, %dma_start3A_343] : memref<2x800x64xf32, #tpu.memory_space<vmem>> -> memref<1x800x64xf32, #tpu.memory_space<vmem>>
    %dma_start3A_345 = tpu.memref_squeeze %dma_start3A_344 : memref<1x800x64xf32, #tpu.memory_space<vmem>> -> memref<800x64xf32, #tpu.memory_space<vmem>>
    %dma_start3A_346 = arith.constant 0 : i32
    %dma_start3A_347 = tpu.memref_slice %arg7[%dma_start3A_341, %dma_start3A_346] : memref<2x800xi32, #tpu.memory_space<vmem>> -> memref<1x800xi32, #tpu.memory_space<vmem>>
    %dma_start3A_348 = tpu.memref_squeeze %dma_start3A_347 : memref<1x800xi32, #tpu.memory_space<vmem>> -> memref<800xi32, #tpu.memory_space<vmem>>
    %dma_start3A_349 = arith.constant 0 : i32
    %dma_start3A_350 = arith.constant 0 : i32
    %dma_start3A_351 = tpu.memref_slice %arg5[%dma_start3A_349, %dma_start3A_350] : memref<819200x64xf32, #tpu.memory_space<hbm>> -> memref<819200x64xf32, #tpu.memory_space<hbm>>
    tpu.enqueue_indirect_dma source(%dma_start3A_345 : memref<800x64xf32, #tpu.memory_space<vmem>>) target(%dma_start3A_351 : memref<819200x64xf32, #tpu.memory_space<hbm>>) offsets(%dma_start3A_348 : memref<800xi32, #tpu.memory_space<vmem>>) semaphore(%arg10 : memref<!tpu.dma_semaphore, #tpu.memory_space<semaphore_mem>>)
    %dma_wait3A_352 = arith.constant 1 : i32
    %dma_wait3A_353 = arith.constant 1 : i32
    %dma_wait3A_354 = arith.constant 0 : i32
    %dma_wait3A_355 = arith.constant 0 : i32
    %dma_wait3A_356 = tpu.memref_slice %arg8[%dma_wait3A_352, %dma_wait3A_354, %dma_wait3A_355] : memref<2x800x64xf32, #tpu.memory_space<vmem>> -> memref<1x800x64xf32, #tpu.memory_space<vmem>>
    %dma_wait3A_357 = tpu.memref_squeeze %dma_wait3A_356 : memref<1x800x64xf32, #tpu.memory_space<vmem>> -> memref<800x64xf32, #tpu.memory_space<vmem>>
    %dma_wait3A_358 = arith.constant 0 : i32
    %dma_wait3A_359 = tpu.memref_slice %arg7[%dma_wait3A_353, %dma_wait3A_358] : memref<2x800xi32, #tpu.memory_space<vmem>> -> memref<1x800xi32, #tpu.memory_space<vmem>>
    %dma_wait3A_360 = tpu.memref_squeeze %dma_wait3A_359 : memref<1x800xi32, #tpu.memory_space<vmem>> -> memref<800xi32, #tpu.memory_space<vmem>>
    %dma_wait3A_361 = arith.constant 0 : i32
    %dma_wait3A_362 = arith.constant 0 : i32
    %dma_wait3A_363 = tpu.memref_slice %arg5[%dma_wait3A_361, %dma_wait3A_362] : memref<819200x64xf32, #tpu.memory_space<hbm>> -> memref<819200x64xf32, #tpu.memory_space<hbm>>
    tpu.wait_indirect_dma semaphore(%arg11 : memref<!tpu.dma_semaphore, #tpu.memory_space<semaphore_mem>>) src(%dma_wait3A_357 : memref<800x64xf32, #tpu.memory_space<vmem>>) dst(%dma_wait3A_363 : memref<819200x64xf32, #tpu.memory_space<hbm>>)
    %mul3A_364 = arith.constant 25600 : i32
    %mul3A_365 = arith.muli %add3A, %mul3A_364 : i32
    %add3A_366 = arith.constant 5600 : i32
    %add3A_367 = arith.addi %mul3A_365, %add3A_366 : i32
    %run_scoped3A_368 = arith.constant 1 : i32
    "tpu.region"() ({
      %run_scoped3A_1726 = tpu.sem_alloc : memref<!tpu.dma_semaphore, #tpu.memory_space<semaphore_mem>>
      %dma_start3A_1727 = arith.constant 0 : i32
      %dma_start3A_1728 = tpu.memref_slice %arg6[%run_scoped3A_368, %dma_start3A_1727] : memref<2x800xi32, #tpu.memory_space<vmem>> -> memref<1x800xi32, #tpu.memory_space<vmem>>
      %dma_start3A_1729 = tpu.memref_squeeze %dma_start3A_1728 : memref<1x800xi32, #tpu.memory_space<vmem>> -> memref<800xi32, #tpu.memory_space<vmem>>
      %dma_start3A_1730 = tpu.memref_slice %arg2[%add3A_367] : memref<819200xi32, #tpu.memory_space<hbm>> -> memref<800xi32, #tpu.memory_space<hbm>>
      %dma_start3A_1731 = arith.constant 0 : i32
      %dma_start3A_1732 = tpu.memref_slice %arg6[%run_scoped3A_368, %dma_start3A_1731] : memref<2x800xi32, #tpu.memory_space<vmem>> -> memref<1x800xi32, #tpu.memory_space<vmem>>
      %dma_start3A_1733 = tpu.memref_squeeze %dma_start3A_1732 : memref<1x800xi32, #tpu.memory_space<vmem>> -> memref<800xi32, #tpu.memory_space<vmem>>
      %dma_start3A_1734 = tpu.memref_slice %arg2[%add3A_367] : memref<819200xi32, #tpu.memory_space<hbm>> -> memref<800xi32, #tpu.memory_space<hbm>>
      tpu.enqueue_dma source(%dma_start3A_1734 : memref<800xi32, #tpu.memory_space<hbm>>) target(%dma_start3A_1733 : memref<800xi32, #tpu.memory_space<vmem>>) target_semaphore(%run_scoped3A_1726 : memref<!tpu.dma_semaphore, #tpu.memory_space<semaphore_mem>>)
      %dma_wait3A_1735 = arith.constant 0 : i32
      %dma_wait3A_1736 = tpu.memref_slice %arg6[%run_scoped3A_368, %dma_wait3A_1735] : memref<2x800xi32, #tpu.memory_space<vmem>> -> memref<1x800xi32, #tpu.memory_space<vmem>>
      %dma_wait3A_1737 = tpu.memref_squeeze %dma_wait3A_1736 : memref<1x800xi32, #tpu.memory_space<vmem>> -> memref<800xi32, #tpu.memory_space<vmem>>
      %dma_wait3A_1738 = tpu.memref_slice %arg2[%add3A_367] : memref<819200xi32, #tpu.memory_space<hbm>> -> memref<800xi32, #tpu.memory_space<hbm>>
      %dma_wait3A_1739 = arith.constant 0 : i32
      %dma_wait3A_1740 = tpu.memref_slice %arg6[%run_scoped3A_368, %dma_wait3A_1739] : memref<2x800xi32, #tpu.memory_space<vmem>> -> memref<1x800xi32, #tpu.memory_space<vmem>>
      %dma_wait3A_1741 = tpu.memref_squeeze %dma_wait3A_1740 : memref<1x800xi32, #tpu.memory_space<vmem>> -> memref<800xi32, #tpu.memory_space<vmem>>
      %dma_wait3A_1742 = tpu.memref_slice %arg2[%add3A_367] : memref<819200xi32, #tpu.memory_space<hbm>> -> memref<800xi32, #tpu.memory_space<hbm>>
      tpu.wait_dma2 semaphore(%run_scoped3A_1726 : memref<!tpu.dma_semaphore, #tpu.memory_space<semaphore_mem>>) src(%dma_wait3A_1742 : memref<800xi32, #tpu.memory_space<hbm>>) dst(%dma_wait3A_1741 : memref<800xi32, #tpu.memory_space<vmem>>)
      tpu.yield
    }) : () -> ()
    %run_scoped3A_369 = arith.constant 1 : i32
    "tpu.region"() ({
      %run_scoped3A_1726 = tpu.sem_alloc : memref<!tpu.dma_semaphore, #tpu.memory_space<semaphore_mem>>
      %dma_start3A_1727 = arith.constant 0 : i32
      %dma_start3A_1728 = tpu.memref_slice %arg7[%run_scoped3A_369, %dma_start3A_1727] : memref<2x800xi32, #tpu.memory_space<vmem>> -> memref<1x800xi32, #tpu.memory_space<vmem>>
      %dma_start3A_1729 = tpu.memref_squeeze %dma_start3A_1728 : memref<1x800xi32, #tpu.memory_space<vmem>> -> memref<800xi32, #tpu.memory_space<vmem>>
      %dma_start3A_1730 = tpu.memref_slice %arg3[%add3A_367] : memref<819200xi32, #tpu.memory_space<hbm>> -> memref<800xi32, #tpu.memory_space<hbm>>
      %dma_start3A_1731 = arith.constant 0 : i32
      %dma_start3A_1732 = tpu.memref_slice %arg7[%run_scoped3A_369, %dma_start3A_1731] : memref<2x800xi32, #tpu.memory_space<vmem>> -> memref<1x800xi32, #tpu.memory_space<vmem>>
      %dma_start3A_1733 = tpu.memref_squeeze %dma_start3A_1732 : memref<1x800xi32, #tpu.memory_space<vmem>> -> memref<800xi32, #tpu.memory_space<vmem>>
      %dma_start3A_1734 = tpu.memref_slice %arg3[%add3A_367] : memref<819200xi32, #tpu.memory_space<hbm>> -> memref<800xi32, #tpu.memory_space<hbm>>
      tpu.enqueue_dma source(%dma_start3A_1734 : memref<800xi32, #tpu.memory_space<hbm>>) target(%dma_start3A_1733 : memref<800xi32, #tpu.memory_space<vmem>>) target_semaphore(%run_scoped3A_1726 : memref<!tpu.dma_semaphore, #tpu.memory_space<semaphore_mem>>)
      %dma_wait3A_1735 = arith.constant 0 : i32
      %dma_wait3A_1736 = tpu.memref_slice %arg7[%run_scoped3A_369, %dma_wait3A_1735] : memref<2x800xi32, #tpu.memory_space<vmem>> -> memref<1x800xi32, #tpu.memory_space<vmem>>
      %dma_wait3A_1737 = tpu.memref_squeeze %dma_wait3A_1736 : memref<1x800xi32, #tpu.memory_space<vmem>> -> memref<800xi32, #tpu.memory_space<vmem>>
      %dma_wait3A_1738 = tpu.memref_slice %arg3[%add3A_367] : memref<819200xi32, #tpu.memory_space<hbm>> -> memref<800xi32, #tpu.memory_space<hbm>>
      %dma_wait3A_1739 = arith.constant 0 : i32
      %dma_wait3A_1740 = tpu.memref_slice %arg7[%run_scoped3A_369, %dma_wait3A_1739] : memref<2x800xi32, #tpu.memory_space<vmem>> -> memref<1x800xi32, #tpu.memory_space<vmem>>
      %dma_wait3A_1741 = tpu.memref_squeeze %dma_wait3A_1740 : memref<1x800xi32, #tpu.memory_space<vmem>> -> memref<800xi32, #tpu.memory_space<vmem>>
      %dma_wait3A_1742 = tpu.memref_slice %arg3[%add3A_367] : memref<819200xi32, #tpu.memory_space<hbm>> -> memref<800xi32, #tpu.memory_space<hbm>>
      tpu.wait_dma2 semaphore(%run_scoped3A_1726 : memref<!tpu.dma_semaphore, #tpu.memory_space<semaphore_mem>>) src(%dma_wait3A_1742 : memref<800xi32, #tpu.memory_space<hbm>>) dst(%dma_wait3A_1741 : memref<800xi32, #tpu.memory_space<vmem>>)
      tpu.yield
    }) : () -> ()
    %dma_start3A_370 = arith.constant 1 : i32
    %dma_start3A_371 = arith.constant 1 : i32
    %dma_start3A_372 = arith.constant 0 : i32
    %dma_start3A_373 = arith.constant 0 : i32
    %dma_start3A_374 = tpu.memref_slice %arg8[%dma_start3A_371, %dma_start3A_372, %dma_start3A_373] : memref<2x800x64xf32, #tpu.memory_space<vmem>> -> memref<1x800x64xf32, #tpu.memory_space<vmem>>
    %dma_start3A_375 = tpu.memref_squeeze %dma_start3A_374 : memref<1x800x64xf32, #tpu.memory_space<vmem>> -> memref<800x64xf32, #tpu.memory_space<vmem>>
    %dma_start3A_376 = arith.constant 0 : i32
    %dma_start3A_377 = tpu.memref_slice %arg6[%dma_start3A_370, %dma_start3A_376] : memref<2x800xi32, #tpu.memory_space<vmem>> -> memref<1x800xi32, #tpu.memory_space<vmem>>
    %dma_start3A_378 = tpu.memref_squeeze %dma_start3A_377 : memref<1x800xi32, #tpu.memory_space<vmem>> -> memref<800xi32, #tpu.memory_space<vmem>>
    %dma_start3A_379 = arith.constant 0 : i32
    %dma_start3A_380 = arith.constant 0 : i32
    %dma_start3A_381 = tpu.memref_slice %arg4[%dma_start3A_379, %dma_start3A_380] : memref<1015808x64xf32, #tpu.memory_space<hbm>> -> memref<1015808x64xf32, #tpu.memory_space<hbm>>
    tpu.enqueue_indirect_dma source(%dma_start3A_381 : memref<1015808x64xf32, #tpu.memory_space<hbm>>) target(%dma_start3A_375 : memref<800x64xf32, #tpu.memory_space<vmem>>) offsets(%dma_start3A_378 : memref<800xi32, #tpu.memory_space<vmem>>) semaphore(%arg9 : memref<!tpu.dma_semaphore, #tpu.memory_space<semaphore_mem>>)
    %dma_wait3A_382 = arith.constant 1 : i32
    %dma_wait3A_383 = arith.constant 1 : i32
    %dma_wait3A_384 = arith.constant 0 : i32
    %dma_wait3A_385 = arith.constant 0 : i32
    %dma_wait3A_386 = tpu.memref_slice %arg8[%dma_wait3A_383, %dma_wait3A_384, %dma_wait3A_385] : memref<2x800x64xf32, #tpu.memory_space<vmem>> -> memref<1x800x64xf32, #tpu.memory_space<vmem>>
    %dma_wait3A_387 = tpu.memref_squeeze %dma_wait3A_386 : memref<1x800x64xf32, #tpu.memory_space<vmem>> -> memref<800x64xf32, #tpu.memory_space<vmem>>
    %dma_wait3A_388 = arith.constant 0 : i32
    %dma_wait3A_389 = tpu.memref_slice %arg6[%dma_wait3A_382, %dma_wait3A_388] : memref<2x800xi32, #tpu.memory_space<vmem>> -> memref<1x800xi32, #tpu.memory_space<vmem>>
    %dma_wait3A_390 = tpu.memref_squeeze %dma_wait3A_389 : memref<1x800xi32, #tpu.memory_space<vmem>> -> memref<800xi32, #tpu.memory_space<vmem>>
    %dma_wait3A_391 = arith.constant 0 : i32
    %dma_wait3A_392 = arith.constant 0 : i32
    %dma_wait3A_393 = tpu.memref_slice %arg4[%dma_wait3A_391, %dma_wait3A_392] : memref<1015808x64xf32, #tpu.memory_space<hbm>> -> memref<1015808x64xf32, #tpu.memory_space<hbm>>
    tpu.wait_indirect_dma semaphore(%arg9 : memref<!tpu.dma_semaphore, #tpu.memory_space<semaphore_mem>>) src(%dma_wait3A_393 : memref<1015808x64xf32, #tpu.memory_space<hbm>>) dst(%dma_wait3A_387 : memref<800x64xf32, #tpu.memory_space<vmem>>)
    %dma_start3A_394 = arith.constant 1 : i32
    %dma_start3A_395 = arith.constant 1 : i32
    %dma_start3A_396 = arith.constant 0 : i32
    %dma_start3A_397 = arith.constant 0 : i32
    %dma_start3A_398 = tpu.memref_slice %arg8[%dma_start3A_394, %dma_start3A_396, %dma_start3A_397] : memref<2x800x64xf32, #tpu.memory_space<vmem>> -> memref<1x800x64xf32, #tpu.memory_space<vmem>>
    %dma_start3A_399 = tpu.memref_squeeze %dma_start3A_398 : memref<1x800x64xf32, #tpu.memory_space<vmem>> -> memref<800x64xf32, #tpu.memory_space<vmem>>
    %dma_start3A_400 = arith.constant 0 : i32
    %dma_start3A_401 = tpu.memref_slice %arg7[%dma_start3A_395, %dma_start3A_400] : memref<2x800xi32, #tpu.memory_space<vmem>> -> memref<1x800xi32, #tpu.memory_space<vmem>>
    %dma_start3A_402 = tpu.memref_squeeze %dma_start3A_401 : memref<1x800xi32, #tpu.memory_space<vmem>> -> memref<800xi32, #tpu.memory_space<vmem>>
    %dma_start3A_403 = arith.constant 0 : i32
    %dma_start3A_404 = arith.constant 0 : i32
    %dma_start3A_405 = tpu.memref_slice %arg5[%dma_start3A_403, %dma_start3A_404] : memref<819200x64xf32, #tpu.memory_space<hbm>> -> memref<819200x64xf32, #tpu.memory_space<hbm>>
    tpu.enqueue_indirect_dma source(%dma_start3A_399 : memref<800x64xf32, #tpu.memory_space<vmem>>) target(%dma_start3A_405 : memref<819200x64xf32, #tpu.memory_space<hbm>>) offsets(%dma_start3A_402 : memref<800xi32, #tpu.memory_space<vmem>>) semaphore(%arg11 : memref<!tpu.dma_semaphore, #tpu.memory_space<semaphore_mem>>)
    %dma_wait3A_406 = arith.constant 0 : i32
    %dma_wait3A_407 = arith.constant 0 : i32
    %dma_wait3A_408 = arith.constant 0 : i32
    %dma_wait3A_409 = arith.constant 0 : i32
    %dma_wait3A_410 = tpu.memref_slice %arg8[%dma_wait3A_406, %dma_wait3A_408, %dma_wait3A_409] : memref<2x800x64xf32, #tpu.memory_space<vmem>> -> memref<1x800x64xf32, #tpu.memory_space<vmem>>
    %dma_wait3A_411 = tpu.memref_squeeze %dma_wait3A_410 : memref<1x800x64xf32, #tpu.memory_space<vmem>> -> memref<800x64xf32, #tpu.memory_space<vmem>>
    %dma_wait3A_412 = arith.constant 0 : i32
    %dma_wait3A_413 = tpu.memref_slice %arg7[%dma_wait3A_407, %dma_wait3A_412] : memref<2x800xi32, #tpu.memory_space<vmem>> -> memref<1x800xi32, #tpu.memory_space<vmem>>
    %dma_wait3A_414 = tpu.memref_squeeze %dma_wait3A_413 : memref<1x800xi32, #tpu.memory_space<vmem>> -> memref<800xi32, #tpu.memory_space<vmem>>
    %dma_wait3A_415 = arith.constant 0 : i32
    %dma_wait3A_416 = arith.constant 0 : i32
    %dma_wait3A_417 = tpu.memref_slice %arg5[%dma_wait3A_415, %dma_wait3A_416] : memref<819200x64xf32, #tpu.memory_space<hbm>> -> memref<819200x64xf32, #tpu.memory_space<hbm>>
    tpu.wait_indirect_dma semaphore(%arg10 : memref<!tpu.dma_semaphore, #tpu.memory_space<semaphore_mem>>) src(%dma_wait3A_411 : memref<800x64xf32, #tpu.memory_space<vmem>>) dst(%dma_wait3A_417 : memref<819200x64xf32, #tpu.memory_space<hbm>>)
    %mul3A_418 = arith.constant 25600 : i32
    %mul3A_419 = arith.muli %add3A, %mul3A_418 : i32
    %add3A_420 = arith.constant 6400 : i32
    %add3A_421 = arith.addi %mul3A_419, %add3A_420 : i32
    %run_scoped3A_422 = arith.constant 0 : i32
    "tpu.region"() ({
      %run_scoped3A_1726 = tpu.sem_alloc : memref<!tpu.dma_semaphore, #tpu.memory_space<semaphore_mem>>
      %dma_start3A_1727 = arith.constant 0 : i32
      %dma_start3A_1728 = tpu.memref_slice %arg6[%run_scoped3A_422, %dma_start3A_1727] : memref<2x800xi32, #tpu.memory_space<vmem>> -> memref<1x800xi32, #tpu.memory_space<vmem>>
      %dma_start3A_1729 = tpu.memref_squeeze %dma_start3A_1728 : memref<1x800xi32, #tpu.memory_space<vmem>> -> memref<800xi32, #tpu.memory_space<vmem>>
      %dma_start3A_1730 = tpu.memref_slice %arg2[%add3A_421] : memref<819200xi32, #tpu.memory_space<hbm>> -> memref<800xi32, #tpu.memory_space<hbm>>
      %dma_start3A_1731 = arith.constant 0 : i32
      %dma_start3A_1732 = tpu.memref_slice %arg6[%run_scoped3A_422, %dma_start3A_1731] : memref<2x800xi32, #tpu.memory_space<vmem>> -> memref<1x800xi32, #tpu.memory_space<vmem>>
      %dma_start3A_1733 = tpu.memref_squeeze %dma_start3A_1732 : memref<1x800xi32, #tpu.memory_space<vmem>> -> memref<800xi32, #tpu.memory_space<vmem>>
      %dma_start3A_1734 = tpu.memref_slice %arg2[%add3A_421] : memref<819200xi32, #tpu.memory_space<hbm>> -> memref<800xi32, #tpu.memory_space<hbm>>
      tpu.enqueue_dma source(%dma_start3A_1734 : memref<800xi32, #tpu.memory_space<hbm>>) target(%dma_start3A_1733 : memref<800xi32, #tpu.memory_space<vmem>>) target_semaphore(%run_scoped3A_1726 : memref<!tpu.dma_semaphore, #tpu.memory_space<semaphore_mem>>)
      %dma_wait3A_1735 = arith.constant 0 : i32
      %dma_wait3A_1736 = tpu.memref_slice %arg6[%run_scoped3A_422, %dma_wait3A_1735] : memref<2x800xi32, #tpu.memory_space<vmem>> -> memref<1x800xi32, #tpu.memory_space<vmem>>
      %dma_wait3A_1737 = tpu.memref_squeeze %dma_wait3A_1736 : memref<1x800xi32, #tpu.memory_space<vmem>> -> memref<800xi32, #tpu.memory_space<vmem>>
      %dma_wait3A_1738 = tpu.memref_slice %arg2[%add3A_421] : memref<819200xi32, #tpu.memory_space<hbm>> -> memref<800xi32, #tpu.memory_space<hbm>>
      %dma_wait3A_1739 = arith.constant 0 : i32
      %dma_wait3A_1740 = tpu.memref_slice %arg6[%run_scoped3A_422, %dma_wait3A_1739] : memref<2x800xi32, #tpu.memory_space<vmem>> -> memref<1x800xi32, #tpu.memory_space<vmem>>
      %dma_wait3A_1741 = tpu.memref_squeeze %dma_wait3A_1740 : memref<1x800xi32, #tpu.memory_space<vmem>> -> memref<800xi32, #tpu.memory_space<vmem>>
      %dma_wait3A_1742 = tpu.memref_slice %arg2[%add3A_421] : memref<819200xi32, #tpu.memory_space<hbm>> -> memref<800xi32, #tpu.memory_space<hbm>>
      tpu.wait_dma2 semaphore(%run_scoped3A_1726 : memref<!tpu.dma_semaphore, #tpu.memory_space<semaphore_mem>>) src(%dma_wait3A_1742 : memref<800xi32, #tpu.memory_space<hbm>>) dst(%dma_wait3A_1741 : memref<800xi32, #tpu.memory_space<vmem>>)
      tpu.yield
    }) : () -> ()
    %run_scoped3A_423 = arith.constant 0 : i32
    "tpu.region"() ({
      %run_scoped3A_1726 = tpu.sem_alloc : memref<!tpu.dma_semaphore, #tpu.memory_space<semaphore_mem>>
      %dma_start3A_1727 = arith.constant 0 : i32
      %dma_start3A_1728 = tpu.memref_slice %arg7[%run_scoped3A_423, %dma_start3A_1727] : memref<2x800xi32, #tpu.memory_space<vmem>> -> memref<1x800xi32, #tpu.memory_space<vmem>>
      %dma_start3A_1729 = tpu.memref_squeeze %dma_start3A_1728 : memref<1x800xi32, #tpu.memory_space<vmem>> -> memref<800xi32, #tpu.memory_space<vmem>>
      %dma_start3A_1730 = tpu.memref_slice %arg3[%add3A_421] : memref<819200xi32, #tpu.memory_space<hbm>> -> memref<800xi32, #tpu.memory_space<hbm>>
      %dma_start3A_1731 = arith.constant 0 : i32
      %dma_start3A_1732 = tpu.memref_slice %arg7[%run_scoped3A_423, %dma_start3A_1731] : memref<2x800xi32, #tpu.memory_space<vmem>> -> memref<1x800xi32, #tpu.memory_space<vmem>>
      %dma_start3A_1733 = tpu.memref_squeeze %dma_start3A_1732 : memref<1x800xi32, #tpu.memory_space<vmem>> -> memref<800xi32, #tpu.memory_space<vmem>>
      %dma_start3A_1734 = tpu.memref_slice %arg3[%add3A_421] : memref<819200xi32, #tpu.memory_space<hbm>> -> memref<800xi32, #tpu.memory_space<hbm>>
      tpu.enqueue_dma source(%dma_start3A_1734 : memref<800xi32, #tpu.memory_space<hbm>>) target(%dma_start3A_1733 : memref<800xi32, #tpu.memory_space<vmem>>) target_semaphore(%run_scoped3A_1726 : memref<!tpu.dma_semaphore, #tpu.memory_space<semaphore_mem>>)
      %dma_wait3A_1735 = arith.constant 0 : i32
      %dma_wait3A_1736 = tpu.memref_slice %arg7[%run_scoped3A_423, %dma_wait3A_1735] : memref<2x800xi32, #tpu.memory_space<vmem>> -> memref<1x800xi32, #tpu.memory_space<vmem>>
      %dma_wait3A_1737 = tpu.memref_squeeze %dma_wait3A_1736 : memref<1x800xi32, #tpu.memory_space<vmem>> -> memref<800xi32, #tpu.memory_space<vmem>>
      %dma_wait3A_1738 = tpu.memref_slice %arg3[%add3A_421] : memref<819200xi32, #tpu.memory_space<hbm>> -> memref<800xi32, #tpu.memory_space<hbm>>
      %dma_wait3A_1739 = arith.constant 0 : i32
      %dma_wait3A_1740 = tpu.memref_slice %arg7[%run_scoped3A_423, %dma_wait3A_1739] : memref<2x800xi32, #tpu.memory_space<vmem>> -> memref<1x800xi32, #tpu.memory_space<vmem>>
      %dma_wait3A_1741 = tpu.memref_squeeze %dma_wait3A_1740 : memref<1x800xi32, #tpu.memory_space<vmem>> -> memref<800xi32, #tpu.memory_space<vmem>>
      %dma_wait3A_1742 = tpu.memref_slice %arg3[%add3A_421] : memref<819200xi32, #tpu.memory_space<hbm>> -> memref<800xi32, #tpu.memory_space<hbm>>
      tpu.wait_dma2 semaphore(%run_scoped3A_1726 : memref<!tpu.dma_semaphore, #tpu.memory_space<semaphore_mem>>) src(%dma_wait3A_1742 : memref<800xi32, #tpu.memory_space<hbm>>) dst(%dma_wait3A_1741 : memref<800xi32, #tpu.memory_space<vmem>>)
      tpu.yield
    }) : () -> ()
    %dma_start3A_424 = arith.constant 0 : i32
    %dma_start3A_425 = arith.constant 0 : i32
    %dma_start3A_426 = arith.constant 0 : i32
    %dma_start3A_427 = arith.constant 0 : i32
    %dma_start3A_428 = tpu.memref_slice %arg8[%dma_start3A_425, %dma_start3A_426, %dma_start3A_427] : memref<2x800x64xf32, #tpu.memory_space<vmem>> -> memref<1x800x64xf32, #tpu.memory_space<vmem>>
    %dma_start3A_429 = tpu.memref_squeeze %dma_start3A_428 : memref<1x800x64xf32, #tpu.memory_space<vmem>> -> memref<800x64xf32, #tpu.memory_space<vmem>>
    %dma_start3A_430 = arith.constant 0 : i32
    %dma_start3A_431 = tpu.memref_slice %arg6[%dma_start3A_424, %dma_start3A_430] : memref<2x800xi32, #tpu.memory_space<vmem>> -> memref<1x800xi32, #tpu.memory_space<vmem>>
    %dma_start3A_432 = tpu.memref_squeeze %dma_start3A_431 : memref<1x800xi32, #tpu.memory_space<vmem>> -> memref<800xi32, #tpu.memory_space<vmem>>
    %dma_start3A_433 = arith.constant 0 : i32
    %dma_start3A_434 = arith.constant 0 : i32
    %dma_start3A_435 = tpu.memref_slice %arg4[%dma_start3A_433, %dma_start3A_434] : memref<1015808x64xf32, #tpu.memory_space<hbm>> -> memref<1015808x64xf32, #tpu.memory_space<hbm>>
    tpu.enqueue_indirect_dma source(%dma_start3A_435 : memref<1015808x64xf32, #tpu.memory_space<hbm>>) target(%dma_start3A_429 : memref<800x64xf32, #tpu.memory_space<vmem>>) offsets(%dma_start3A_432 : memref<800xi32, #tpu.memory_space<vmem>>) semaphore(%arg9 : memref<!tpu.dma_semaphore, #tpu.memory_space<semaphore_mem>>)
    %dma_wait3A_436 = arith.constant 0 : i32
    %dma_wait3A_437 = arith.constant 0 : i32
    %dma_wait3A_438 = arith.constant 0 : i32
    %dma_wait3A_439 = arith.constant 0 : i32
    %dma_wait3A_440 = tpu.memref_slice %arg8[%dma_wait3A_437, %dma_wait3A_438, %dma_wait3A_439] : memref<2x800x64xf32, #tpu.memory_space<vmem>> -> memref<1x800x64xf32, #tpu.memory_space<vmem>>
    %dma_wait3A_441 = tpu.memref_squeeze %dma_wait3A_440 : memref<1x800x64xf32, #tpu.memory_space<vmem>> -> memref<800x64xf32, #tpu.memory_space<vmem>>
    %dma_wait3A_442 = arith.constant 0 : i32
    %dma_wait3A_443 = tpu.memref_slice %arg6[%dma_wait3A_436, %dma_wait3A_442] : memref<2x800xi32, #tpu.memory_space<vmem>> -> memref<1x800xi32, #tpu.memory_space<vmem>>
    %dma_wait3A_444 = tpu.memref_squeeze %dma_wait3A_443 : memref<1x800xi32, #tpu.memory_space<vmem>> -> memref<800xi32, #tpu.memory_space<vmem>>
    %dma_wait3A_445 = arith.constant 0 : i32
    %dma_wait3A_446 = arith.constant 0 : i32
    %dma_wait3A_447 = tpu.memref_slice %arg4[%dma_wait3A_445, %dma_wait3A_446] : memref<1015808x64xf32, #tpu.memory_space<hbm>> -> memref<1015808x64xf32, #tpu.memory_space<hbm>>
    tpu.wait_indirect_dma semaphore(%arg9 : memref<!tpu.dma_semaphore, #tpu.memory_space<semaphore_mem>>) src(%dma_wait3A_447 : memref<1015808x64xf32, #tpu.memory_space<hbm>>) dst(%dma_wait3A_441 : memref<800x64xf32, #tpu.memory_space<vmem>>)
    %dma_start3A_448 = arith.constant 0 : i32
    %dma_start3A_449 = arith.constant 0 : i32
    %dma_start3A_450 = arith.constant 0 : i32
    %dma_start3A_451 = arith.constant 0 : i32
    %dma_start3A_452 = tpu.memref_slice %arg8[%dma_start3A_448, %dma_start3A_450, %dma_start3A_451] : memref<2x800x64xf32, #tpu.memory_space<vmem>> -> memref<1x800x64xf32, #tpu.memory_space<vmem>>
    %dma_start3A_453 = tpu.memref_squeeze %dma_start3A_452 : memref<1x800x64xf32, #tpu.memory_space<vmem>> -> memref<800x64xf32, #tpu.memory_space<vmem>>
    %dma_start3A_454 = arith.constant 0 : i32
    %dma_start3A_455 = tpu.memref_slice %arg7[%dma_start3A_449, %dma_start3A_454] : memref<2x800xi32, #tpu.memory_space<vmem>> -> memref<1x800xi32, #tpu.memory_space<vmem>>
    %dma_start3A_456 = tpu.memref_squeeze %dma_start3A_455 : memref<1x800xi32, #tpu.memory_space<vmem>> -> memref<800xi32, #tpu.memory_space<vmem>>
    %dma_start3A_457 = arith.constant 0 : i32
    %dma_start3A_458 = arith.constant 0 : i32
    %dma_start3A_459 = tpu.memref_slice %arg5[%dma_start3A_457, %dma_start3A_458] : memref<819200x64xf32, #tpu.memory_space<hbm>> -> memref<819200x64xf32, #tpu.memory_space<hbm>>
    tpu.enqueue_indirect_dma source(%dma_start3A_453 : memref<800x64xf32, #tpu.memory_space<vmem>>) target(%dma_start3A_459 : memref<819200x64xf32, #tpu.memory_space<hbm>>) offsets(%dma_start3A_456 : memref<800xi32, #tpu.memory_space<vmem>>) semaphore(%arg10 : memref<!tpu.dma_semaphore, #tpu.memory_space<semaphore_mem>>)
    %dma_wait3A_460 = arith.constant 1 : i32
    %dma_wait3A_461 = arith.constant 1 : i32
    %dma_wait3A_462 = arith.constant 0 : i32
    %dma_wait3A_463 = arith.constant 0 : i32
    %dma_wait3A_464 = tpu.memref_slice %arg8[%dma_wait3A_460, %dma_wait3A_462, %dma_wait3A_463] : memref<2x800x64xf32, #tpu.memory_space<vmem>> -> memref<1x800x64xf32, #tpu.memory_space<vmem>>
    %dma_wait3A_465 = tpu.memref_squeeze %dma_wait3A_464 : memref<1x800x64xf32, #tpu.memory_space<vmem>> -> memref<800x64xf32, #tpu.memory_space<vmem>>
    %dma_wait3A_466 = arith.constant 0 : i32
    %dma_wait3A_467 = tpu.memref_slice %arg7[%dma_wait3A_461, %dma_wait3A_466] : memref<2x800xi32, #tpu.memory_space<vmem>> -> memref<1x800xi32, #tpu.memory_space<vmem>>
    %dma_wait3A_468 = tpu.memref_squeeze %dma_wait3A_467 : memref<1x800xi32, #tpu.memory_space<vmem>> -> memref<800xi32, #tpu.memory_space<vmem>>
    %dma_wait3A_469 = arith.constant 0 : i32
    %dma_wait3A_470 = arith.constant 0 : i32
    %dma_wait3A_471 = tpu.memref_slice %arg5[%dma_wait3A_469, %dma_wait3A_470] : memref<819200x64xf32, #tpu.memory_space<hbm>> -> memref<819200x64xf32, #tpu.memory_space<hbm>>
    tpu.wait_indirect_dma semaphore(%arg11 : memref<!tpu.dma_semaphore, #tpu.memory_space<semaphore_mem>>) src(%dma_wait3A_465 : memref<800x64xf32, #tpu.memory_space<vmem>>) dst(%dma_wait3A_471 : memref<819200x64xf32, #tpu.memory_space<hbm>>)
    %mul3A_472 = arith.constant 25600 : i32
    %mul3A_473 = arith.muli %add3A, %mul3A_472 : i32
    %add3A_474 = arith.constant 7200 : i32
    %add3A_475 = arith.addi %mul3A_473, %add3A_474 : i32
    %run_scoped3A_476 = arith.constant 1 : i32
    "tpu.region"() ({
      %run_scoped3A_1726 = tpu.sem_alloc : memref<!tpu.dma_semaphore, #tpu.memory_space<semaphore_mem>>
      %dma_start3A_1727 = arith.constant 0 : i32
      %dma_start3A_1728 = tpu.memref_slice %arg6[%run_scoped3A_476, %dma_start3A_1727] : memref<2x800xi32, #tpu.memory_space<vmem>> -> memref<1x800xi32, #tpu.memory_space<vmem>>
      %dma_start3A_1729 = tpu.memref_squeeze %dma_start3A_1728 : memref<1x800xi32, #tpu.memory_space<vmem>> -> memref<800xi32, #tpu.memory_space<vmem>>
      %dma_start3A_1730 = tpu.memref_slice %arg2[%add3A_475] : memref<819200xi32, #tpu.memory_space<hbm>> -> memref<800xi32, #tpu.memory_space<hbm>>
      %dma_start3A_1731 = arith.constant 0 : i32
      %dma_start3A_1732 = tpu.memref_slice %arg6[%run_scoped3A_476, %dma_start3A_1731] : memref<2x800xi32, #tpu.memory_space<vmem>> -> memref<1x800xi32, #tpu.memory_space<vmem>>
      %dma_start3A_1733 = tpu.memref_squeeze %dma_start3A_1732 : memref<1x800xi32, #tpu.memory_space<vmem>> -> memref<800xi32, #tpu.memory_space<vmem>>
      %dma_start3A_1734 = tpu.memref_slice %arg2[%add3A_475] : memref<819200xi32, #tpu.memory_space<hbm>> -> memref<800xi32, #tpu.memory_space<hbm>>
      tpu.enqueue_dma source(%dma_start3A_1734 : memref<800xi32, #tpu.memory_space<hbm>>) target(%dma_start3A_1733 : memref<800xi32, #tpu.memory_space<vmem>>) target_semaphore(%run_scoped3A_1726 : memref<!tpu.dma_semaphore, #tpu.memory_space<semaphore_mem>>)
      %dma_wait3A_1735 = arith.constant 0 : i32
      %dma_wait3A_1736 = tpu.memref_slice %arg6[%run_scoped3A_476, %dma_wait3A_1735] : memref<2x800xi32, #tpu.memory_space<vmem>> -> memref<1x800xi32, #tpu.memory_space<vmem>>
      %dma_wait3A_1737 = tpu.memref_squeeze %dma_wait3A_1736 : memref<1x800xi32, #tpu.memory_space<vmem>> -> memref<800xi32, #tpu.memory_space<vmem>>
      %dma_wait3A_1738 = tpu.memref_slice %arg2[%add3A_475] : memref<819200xi32, #tpu.memory_space<hbm>> -> memref<800xi32, #tpu.memory_space<hbm>>
      %dma_wait3A_1739 = arith.constant 0 : i32
      %dma_wait3A_1740 = tpu.memref_slice %arg6[%run_scoped3A_476, %dma_wait3A_1739] : memref<2x800xi32, #tpu.memory_space<vmem>> -> memref<1x800xi32, #tpu.memory_space<vmem>>
      %dma_wait3A_1741 = tpu.memref_squeeze %dma_wait3A_1740 : memref<1x800xi32, #tpu.memory_space<vmem>> -> memref<800xi32, #tpu.memory_space<vmem>>
      %dma_wait3A_1742 = tpu.memref_slice %arg2[%add3A_475] : memref<819200xi32, #tpu.memory_space<hbm>> -> memref<800xi32, #tpu.memory_space<hbm>>
      tpu.wait_dma2 semaphore(%run_scoped3A_1726 : memref<!tpu.dma_semaphore, #tpu.memory_space<semaphore_mem>>) src(%dma_wait3A_1742 : memref<800xi32, #tpu.memory_space<hbm>>) dst(%dma_wait3A_1741 : memref<800xi32, #tpu.memory_space<vmem>>)
      tpu.yield
    }) : () -> ()
    %run_scoped3A_477 = arith.constant 1 : i32
    "tpu.region"() ({
      %run_scoped3A_1726 = tpu.sem_alloc : memref<!tpu.dma_semaphore, #tpu.memory_space<semaphore_mem>>
      %dma_start3A_1727 = arith.constant 0 : i32
      %dma_start3A_1728 = tpu.memref_slice %arg7[%run_scoped3A_477, %dma_start3A_1727] : memref<2x800xi32, #tpu.memory_space<vmem>> -> memref<1x800xi32, #tpu.memory_space<vmem>>
      %dma_start3A_1729 = tpu.memref_squeeze %dma_start3A_1728 : memref<1x800xi32, #tpu.memory_space<vmem>> -> memref<800xi32, #tpu.memory_space<vmem>>
      %dma_start3A_1730 = tpu.memref_slice %arg3[%add3A_475] : memref<819200xi32, #tpu.memory_space<hbm>> -> memref<800xi32, #tpu.memory_space<hbm>>
      %dma_start3A_1731 = arith.constant 0 : i32
      %dma_start3A_1732 = tpu.memref_slice %arg7[%run_scoped3A_477, %dma_start3A_1731] : memref<2x800xi32, #tpu.memory_space<vmem>> -> memref<1x800xi32, #tpu.memory_space<vmem>>
      %dma_start3A_1733 = tpu.memref_squeeze %dma_start3A_1732 : memref<1x800xi32, #tpu.memory_space<vmem>> -> memref<800xi32, #tpu.memory_space<vmem>>
      %dma_start3A_1734 = tpu.memref_slice %arg3[%add3A_475] : memref<819200xi32, #tpu.memory_space<hbm>> -> memref<800xi32, #tpu.memory_space<hbm>>
      tpu.enqueue_dma source(%dma_start3A_1734 : memref<800xi32, #tpu.memory_space<hbm>>) target(%dma_start3A_1733 : memref<800xi32, #tpu.memory_space<vmem>>) target_semaphore(%run_scoped3A_1726 : memref<!tpu.dma_semaphore, #tpu.memory_space<semaphore_mem>>)
      %dma_wait3A_1735 = arith.constant 0 : i32
      %dma_wait3A_1736 = tpu.memref_slice %arg7[%run_scoped3A_477, %dma_wait3A_1735] : memref<2x800xi32, #tpu.memory_space<vmem>> -> memref<1x800xi32, #tpu.memory_space<vmem>>
      %dma_wait3A_1737 = tpu.memref_squeeze %dma_wait3A_1736 : memref<1x800xi32, #tpu.memory_space<vmem>> -> memref<800xi32, #tpu.memory_space<vmem>>
      %dma_wait3A_1738 = tpu.memref_slice %arg3[%add3A_475] : memref<819200xi32, #tpu.memory_space<hbm>> -> memref<800xi32, #tpu.memory_space<hbm>>
      %dma_wait3A_1739 = arith.constant 0 : i32
      %dma_wait3A_1740 = tpu.memref_slice %arg7[%run_scoped3A_477, %dma_wait3A_1739] : memref<2x800xi32, #tpu.memory_space<vmem>> -> memref<1x800xi32, #tpu.memory_space<vmem>>
      %dma_wait3A_1741 = tpu.memref_squeeze %dma_wait3A_1740 : memref<1x800xi32, #tpu.memory_space<vmem>> -> memref<800xi32, #tpu.memory_space<vmem>>
      %dma_wait3A_1742 = tpu.memref_slice %arg3[%add3A_475] : memref<819200xi32, #tpu.memory_space<hbm>> -> memref<800xi32, #tpu.memory_space<hbm>>
      tpu.wait_dma2 semaphore(%run_scoped3A_1726 : memref<!tpu.dma_semaphore, #tpu.memory_space<semaphore_mem>>) src(%dma_wait3A_1742 : memref<800xi32, #tpu.memory_space<hbm>>) dst(%dma_wait3A_1741 : memref<800xi32, #tpu.memory_space<vmem>>)
      tpu.yield
    }) : () -> ()
    %dma_start3A_478 = arith.constant 1 : i32
    %dma_start3A_479 = arith.constant 1 : i32
    %dma_start3A_480 = arith.constant 0 : i32
    %dma_start3A_481 = arith.constant 0 : i32
    %dma_start3A_482 = tpu.memref_slice %arg8[%dma_start3A_479, %dma_start3A_480, %dma_start3A_481] : memref<2x800x64xf32, #tpu.memory_space<vmem>> -> memref<1x800x64xf32, #tpu.memory_space<vmem>>
    %dma_start3A_483 = tpu.memref_squeeze %dma_start3A_482 : memref<1x800x64xf32, #tpu.memory_space<vmem>> -> memref<800x64xf32, #tpu.memory_space<vmem>>
    %dma_start3A_484 = arith.constant 0 : i32
    %dma_start3A_485 = tpu.memref_slice %arg6[%dma_start3A_478, %dma_start3A_484] : memref<2x800xi32, #tpu.memory_space<vmem>> -> memref<1x800xi32, #tpu.memory_space<vmem>>
    %dma_start3A_486 = tpu.memref_squeeze %dma_start3A_485 : memref<1x800xi32, #tpu.memory_space<vmem>> -> memref<800xi32, #tpu.memory_space<vmem>>
    %dma_start3A_487 = arith.constant 0 : i32
    %dma_start3A_488 = arith.constant 0 : i32
    %dma_start3A_489 = tpu.memref_slice %arg4[%dma_start3A_487, %dma_start3A_488] : memref<1015808x64xf32, #tpu.memory_space<hbm>> -> memref<1015808x64xf32, #tpu.memory_space<hbm>>
    tpu.enqueue_indirect_dma source(%dma_start3A_489 : memref<1015808x64xf32, #tpu.memory_space<hbm>>) target(%dma_start3A_483 : memref<800x64xf32, #tpu.memory_space<vmem>>) offsets(%dma_start3A_486 : memref<800xi32, #tpu.memory_space<vmem>>) semaphore(%arg9 : memref<!tpu.dma_semaphore, #tpu.memory_space<semaphore_mem>>)
    %dma_wait3A_490 = arith.constant 1 : i32
    %dma_wait3A_491 = arith.constant 1 : i32
    %dma_wait3A_492 = arith.constant 0 : i32
    %dma_wait3A_493 = arith.constant 0 : i32
    %dma_wait3A_494 = tpu.memref_slice %arg8[%dma_wait3A_491, %dma_wait3A_492, %dma_wait3A_493] : memref<2x800x64xf32, #tpu.memory_space<vmem>> -> memref<1x800x64xf32, #tpu.memory_space<vmem>>
    %dma_wait3A_495 = tpu.memref_squeeze %dma_wait3A_494 : memref<1x800x64xf32, #tpu.memory_space<vmem>> -> memref<800x64xf32, #tpu.memory_space<vmem>>
    %dma_wait3A_496 = arith.constant 0 : i32
    %dma_wait3A_497 = tpu.memref_slice %arg6[%dma_wait3A_490, %dma_wait3A_496] : memref<2x800xi32, #tpu.memory_space<vmem>> -> memref<1x800xi32, #tpu.memory_space<vmem>>
    %dma_wait3A_498 = tpu.memref_squeeze %dma_wait3A_497 : memref<1x800xi32, #tpu.memory_space<vmem>> -> memref<800xi32, #tpu.memory_space<vmem>>
    %dma_wait3A_499 = arith.constant 0 : i32
    %dma_wait3A_500 = arith.constant 0 : i32
    %dma_wait3A_501 = tpu.memref_slice %arg4[%dma_wait3A_499, %dma_wait3A_500] : memref<1015808x64xf32, #tpu.memory_space<hbm>> -> memref<1015808x64xf32, #tpu.memory_space<hbm>>
    tpu.wait_indirect_dma semaphore(%arg9 : memref<!tpu.dma_semaphore, #tpu.memory_space<semaphore_mem>>) src(%dma_wait3A_501 : memref<1015808x64xf32, #tpu.memory_space<hbm>>) dst(%dma_wait3A_495 : memref<800x64xf32, #tpu.memory_space<vmem>>)
    %dma_start3A_502 = arith.constant 1 : i32
    %dma_start3A_503 = arith.constant 1 : i32
    %dma_start3A_504 = arith.constant 0 : i32
    %dma_start3A_505 = arith.constant 0 : i32
    %dma_start3A_506 = tpu.memref_slice %arg8[%dma_start3A_502, %dma_start3A_504, %dma_start3A_505] : memref<2x800x64xf32, #tpu.memory_space<vmem>> -> memref<1x800x64xf32, #tpu.memory_space<vmem>>
    %dma_start3A_507 = tpu.memref_squeeze %dma_start3A_506 : memref<1x800x64xf32, #tpu.memory_space<vmem>> -> memref<800x64xf32, #tpu.memory_space<vmem>>
    %dma_start3A_508 = arith.constant 0 : i32
    %dma_start3A_509 = tpu.memref_slice %arg7[%dma_start3A_503, %dma_start3A_508] : memref<2x800xi32, #tpu.memory_space<vmem>> -> memref<1x800xi32, #tpu.memory_space<vmem>>
    %dma_start3A_510 = tpu.memref_squeeze %dma_start3A_509 : memref<1x800xi32, #tpu.memory_space<vmem>> -> memref<800xi32, #tpu.memory_space<vmem>>
    %dma_start3A_511 = arith.constant 0 : i32
    %dma_start3A_512 = arith.constant 0 : i32
    %dma_start3A_513 = tpu.memref_slice %arg5[%dma_start3A_511, %dma_start3A_512] : memref<819200x64xf32, #tpu.memory_space<hbm>> -> memref<819200x64xf32, #tpu.memory_space<hbm>>
    tpu.enqueue_indirect_dma source(%dma_start3A_507 : memref<800x64xf32, #tpu.memory_space<vmem>>) target(%dma_start3A_513 : memref<819200x64xf32, #tpu.memory_space<hbm>>) offsets(%dma_start3A_510 : memref<800xi32, #tpu.memory_space<vmem>>) semaphore(%arg11 : memref<!tpu.dma_semaphore, #tpu.memory_space<semaphore_mem>>)
    %dma_wait3A_514 = arith.constant 0 : i32
    %dma_wait3A_515 = arith.constant 0 : i32
    %dma_wait3A_516 = arith.constant 0 : i32
    %dma_wait3A_517 = arith.constant 0 : i32
    %dma_wait3A_518 = tpu.memref_slice %arg8[%dma_wait3A_514, %dma_wait3A_516, %dma_wait3A_517] : memref<2x800x64xf32, #tpu.memory_space<vmem>> -> memref<1x800x64xf32, #tpu.memory_space<vmem>>
    %dma_wait3A_519 = tpu.memref_squeeze %dma_wait3A_518 : memref<1x800x64xf32, #tpu.memory_space<vmem>> -> memref<800x64xf32, #tpu.memory_space<vmem>>
    %dma_wait3A_520 = arith.constant 0 : i32
    %dma_wait3A_521 = tpu.memref_slice %arg7[%dma_wait3A_515, %dma_wait3A_520] : memref<2x800xi32, #tpu.memory_space<vmem>> -> memref<1x800xi32, #tpu.memory_space<vmem>>
    %dma_wait3A_522 = tpu.memref_squeeze %dma_wait3A_521 : memref<1x800xi32, #tpu.memory_space<vmem>> -> memref<800xi32, #tpu.memory_space<vmem>>
    %dma_wait3A_523 = arith.constant 0 : i32
    %dma_wait3A_524 = arith.constant 0 : i32
    %dma_wait3A_525 = tpu.memref_slice %arg5[%dma_wait3A_523, %dma_wait3A_524] : memref<819200x64xf32, #tpu.memory_space<hbm>> -> memref<819200x64xf32, #tpu.memory_space<hbm>>
    tpu.wait_indirect_dma semaphore(%arg10 : memref<!tpu.dma_semaphore, #tpu.memory_space<semaphore_mem>>) src(%dma_wait3A_519 : memref<800x64xf32, #tpu.memory_space<vmem>>) dst(%dma_wait3A_525 : memref<819200x64xf32, #tpu.memory_space<hbm>>)
    %mul3A_526 = arith.constant 25600 : i32
    %mul3A_527 = arith.muli %add3A, %mul3A_526 : i32
    %add3A_528 = arith.constant 8000 : i32
    %add3A_529 = arith.addi %mul3A_527, %add3A_528 : i32
    %run_scoped3A_530 = arith.constant 0 : i32
    "tpu.region"() ({
      %run_scoped3A_1726 = tpu.sem_alloc : memref<!tpu.dma_semaphore, #tpu.memory_space<semaphore_mem>>
      %dma_start3A_1727 = arith.constant 0 : i32
      %dma_start3A_1728 = tpu.memref_slice %arg6[%run_scoped3A_530, %dma_start3A_1727] : memref<2x800xi32, #tpu.memory_space<vmem>> -> memref<1x800xi32, #tpu.memory_space<vmem>>
      %dma_start3A_1729 = tpu.memref_squeeze %dma_start3A_1728 : memref<1x800xi32, #tpu.memory_space<vmem>> -> memref<800xi32, #tpu.memory_space<vmem>>
      %dma_start3A_1730 = tpu.memref_slice %arg2[%add3A_529] : memref<819200xi32, #tpu.memory_space<hbm>> -> memref<800xi32, #tpu.memory_space<hbm>>
      %dma_start3A_1731 = arith.constant 0 : i32
      %dma_start3A_1732 = tpu.memref_slice %arg6[%run_scoped3A_530, %dma_start3A_1731] : memref<2x800xi32, #tpu.memory_space<vmem>> -> memref<1x800xi32, #tpu.memory_space<vmem>>
      %dma_start3A_1733 = tpu.memref_squeeze %dma_start3A_1732 : memref<1x800xi32, #tpu.memory_space<vmem>> -> memref<800xi32, #tpu.memory_space<vmem>>
      %dma_start3A_1734 = tpu.memref_slice %arg2[%add3A_529] : memref<819200xi32, #tpu.memory_space<hbm>> -> memref<800xi32, #tpu.memory_space<hbm>>
      tpu.enqueue_dma source(%dma_start3A_1734 : memref<800xi32, #tpu.memory_space<hbm>>) target(%dma_start3A_1733 : memref<800xi32, #tpu.memory_space<vmem>>) target_semaphore(%run_scoped3A_1726 : memref<!tpu.dma_semaphore, #tpu.memory_space<semaphore_mem>>)
      %dma_wait3A_1735 = arith.constant 0 : i32
      %dma_wait3A_1736 = tpu.memref_slice %arg6[%run_scoped3A_530, %dma_wait3A_1735] : memref<2x800xi32, #tpu.memory_space<vmem>> -> memref<1x800xi32, #tpu.memory_space<vmem>>
      %dma_wait3A_1737 = tpu.memref_squeeze %dma_wait3A_1736 : memref<1x800xi32, #tpu.memory_space<vmem>> -> memref<800xi32, #tpu.memory_space<vmem>>
      %dma_wait3A_1738 = tpu.memref_slice %arg2[%add3A_529] : memref<819200xi32, #tpu.memory_space<hbm>> -> memref<800xi32, #tpu.memory_space<hbm>>
      %dma_wait3A_1739 = arith.constant 0 : i32
      %dma_wait3A_1740 = tpu.memref_slice %arg6[%run_scoped3A_530, %dma_wait3A_1739] : memref<2x800xi32, #tpu.memory_space<vmem>> -> memref<1x800xi32, #tpu.memory_space<vmem>>
      %dma_wait3A_1741 = tpu.memref_squeeze %dma_wait3A_1740 : memref<1x800xi32, #tpu.memory_space<vmem>> -> memref<800xi32, #tpu.memory_space<vmem>>
      %dma_wait3A_1742 = tpu.memref_slice %arg2[%add3A_529] : memref<819200xi32, #tpu.memory_space<hbm>> -> memref<800xi32, #tpu.memory_space<hbm>>
      tpu.wait_dma2 semaphore(%run_scoped3A_1726 : memref<!tpu.dma_semaphore, #tpu.memory_space<semaphore_mem>>) src(%dma_wait3A_1742 : memref<800xi32, #tpu.memory_space<hbm>>) dst(%dma_wait3A_1741 : memref<800xi32, #tpu.memory_space<vmem>>)
      tpu.yield
    }) : () -> ()
    %run_scoped3A_531 = arith.constant 0 : i32
    "tpu.region"() ({
      %run_scoped3A_1726 = tpu.sem_alloc : memref<!tpu.dma_semaphore, #tpu.memory_space<semaphore_mem>>
      %dma_start3A_1727 = arith.constant 0 : i32
      %dma_start3A_1728 = tpu.memref_slice %arg7[%run_scoped3A_531, %dma_start3A_1727] : memref<2x800xi32, #tpu.memory_space<vmem>> -> memref<1x800xi32, #tpu.memory_space<vmem>>
      %dma_start3A_1729 = tpu.memref_squeeze %dma_start3A_1728 : memref<1x800xi32, #tpu.memory_space<vmem>> -> memref<800xi32, #tpu.memory_space<vmem>>
      %dma_start3A_1730 = tpu.memref_slice %arg3[%add3A_529] : memref<819200xi32, #tpu.memory_space<hbm>> -> memref<800xi32, #tpu.memory_space<hbm>>
      %dma_start3A_1731 = arith.constant 0 : i32
      %dma_start3A_1732 = tpu.memref_slice %arg7[%run_scoped3A_531, %dma_start3A_1731] : memref<2x800xi32, #tpu.memory_space<vmem>> -> memref<1x800xi32, #tpu.memory_space<vmem>>
      %dma_start3A_1733 = tpu.memref_squeeze %dma_start3A_1732 : memref<1x800xi32, #tpu.memory_space<vmem>> -> memref<800xi32, #tpu.memory_space<vmem>>
      %dma_start3A_1734 = tpu.memref_slice %arg3[%add3A_529] : memref<819200xi32, #tpu.memory_space<hbm>> -> memref<800xi32, #tpu.memory_space<hbm>>
      tpu.enqueue_dma source(%dma_start3A_1734 : memref<800xi32, #tpu.memory_space<hbm>>) target(%dma_start3A_1733 : memref<800xi32, #tpu.memory_space<vmem>>) target_semaphore(%run_scoped3A_1726 : memref<!tpu.dma_semaphore, #tpu.memory_space<semaphore_mem>>)
      %dma_wait3A_1735 = arith.constant 0 : i32
      %dma_wait3A_1736 = tpu.memref_slice %arg7[%run_scoped3A_531, %dma_wait3A_1735] : memref<2x800xi32, #tpu.memory_space<vmem>> -> memref<1x800xi32, #tpu.memory_space<vmem>>
      %dma_wait3A_1737 = tpu.memref_squeeze %dma_wait3A_1736 : memref<1x800xi32, #tpu.memory_space<vmem>> -> memref<800xi32, #tpu.memory_space<vmem>>
      %dma_wait3A_1738 = tpu.memref_slice %arg3[%add3A_529] : memref<819200xi32, #tpu.memory_space<hbm>> -> memref<800xi32, #tpu.memory_space<hbm>>
      %dma_wait3A_1739 = arith.constant 0 : i32
      %dma_wait3A_1740 = tpu.memref_slice %arg7[%run_scoped3A_531, %dma_wait3A_1739] : memref<2x800xi32, #tpu.memory_space<vmem>> -> memref<1x800xi32, #tpu.memory_space<vmem>>
      %dma_wait3A_1741 = tpu.memref_squeeze %dma_wait3A_1740 : memref<1x800xi32, #tpu.memory_space<vmem>> -> memref<800xi32, #tpu.memory_space<vmem>>
      %dma_wait3A_1742 = tpu.memref_slice %arg3[%add3A_529] : memref<819200xi32, #tpu.memory_space<hbm>> -> memref<800xi32, #tpu.memory_space<hbm>>
      tpu.wait_dma2 semaphore(%run_scoped3A_1726 : memref<!tpu.dma_semaphore, #tpu.memory_space<semaphore_mem>>) src(%dma_wait3A_1742 : memref<800xi32, #tpu.memory_space<hbm>>) dst(%dma_wait3A_1741 : memref<800xi32, #tpu.memory_space<vmem>>)
      tpu.yield
    }) : () -> ()
    %dma_start3A_532 = arith.constant 0 : i32
    %dma_start3A_533 = arith.constant 0 : i32
    %dma_start3A_534 = arith.constant 0 : i32
    %dma_start3A_535 = arith.constant 0 : i32
    %dma_start3A_536 = tpu.memref_slice %arg8[%dma_start3A_533, %dma_start3A_534, %dma_start3A_535] : memref<2x800x64xf32, #tpu.memory_space<vmem>> -> memref<1x800x64xf32, #tpu.memory_space<vmem>>
    %dma_start3A_537 = tpu.memref_squeeze %dma_start3A_536 : memref<1x800x64xf32, #tpu.memory_space<vmem>> -> memref<800x64xf32, #tpu.memory_space<vmem>>
    %dma_start3A_538 = arith.constant 0 : i32
    %dma_start3A_539 = tpu.memref_slice %arg6[%dma_start3A_532, %dma_start3A_538] : memref<2x800xi32, #tpu.memory_space<vmem>> -> memref<1x800xi32, #tpu.memory_space<vmem>>
    %dma_start3A_540 = tpu.memref_squeeze %dma_start3A_539 : memref<1x800xi32, #tpu.memory_space<vmem>> -> memref<800xi32, #tpu.memory_space<vmem>>
    %dma_start3A_541 = arith.constant 0 : i32
    %dma_start3A_542 = arith.constant 0 : i32
    %dma_start3A_543 = tpu.memref_slice %arg4[%dma_start3A_541, %dma_start3A_542] : memref<1015808x64xf32, #tpu.memory_space<hbm>> -> memref<1015808x64xf32, #tpu.memory_space<hbm>>
    tpu.enqueue_indirect_dma source(%dma_start3A_543 : memref<1015808x64xf32, #tpu.memory_space<hbm>>) target(%dma_start3A_537 : memref<800x64xf32, #tpu.memory_space<vmem>>) offsets(%dma_start3A_540 : memref<800xi32, #tpu.memory_space<vmem>>) semaphore(%arg9 : memref<!tpu.dma_semaphore, #tpu.memory_space<semaphore_mem>>)
    %dma_wait3A_544 = arith.constant 0 : i32
    %dma_wait3A_545 = arith.constant 0 : i32
    %dma_wait3A_546 = arith.constant 0 : i32
    %dma_wait3A_547 = arith.constant 0 : i32
    %dma_wait3A_548 = tpu.memref_slice %arg8[%dma_wait3A_545, %dma_wait3A_546, %dma_wait3A_547] : memref<2x800x64xf32, #tpu.memory_space<vmem>> -> memref<1x800x64xf32, #tpu.memory_space<vmem>>
    %dma_wait3A_549 = tpu.memref_squeeze %dma_wait3A_548 : memref<1x800x64xf32, #tpu.memory_space<vmem>> -> memref<800x64xf32, #tpu.memory_space<vmem>>
    %dma_wait3A_550 = arith.constant 0 : i32
    %dma_wait3A_551 = tpu.memref_slice %arg6[%dma_wait3A_544, %dma_wait3A_550] : memref<2x800xi32, #tpu.memory_space<vmem>> -> memref<1x800xi32, #tpu.memory_space<vmem>>
    %dma_wait3A_552 = tpu.memref_squeeze %dma_wait3A_551 : memref<1x800xi32, #tpu.memory_space<vmem>> -> memref<800xi32, #tpu.memory_space<vmem>>
    %dma_wait3A_553 = arith.constant 0 : i32
    %dma_wait3A_554 = arith.constant 0 : i32
    %dma_wait3A_555 = tpu.memref_slice %arg4[%dma_wait3A_553, %dma_wait3A_554] : memref<1015808x64xf32, #tpu.memory_space<hbm>> -> memref<1015808x64xf32, #tpu.memory_space<hbm>>
    tpu.wait_indirect_dma semaphore(%arg9 : memref<!tpu.dma_semaphore, #tpu.memory_space<semaphore_mem>>) src(%dma_wait3A_555 : memref<1015808x64xf32, #tpu.memory_space<hbm>>) dst(%dma_wait3A_549 : memref<800x64xf32, #tpu.memory_space<vmem>>)
    %dma_start3A_556 = arith.constant 0 : i32
    %dma_start3A_557 = arith.constant 0 : i32
    %dma_start3A_558 = arith.constant 0 : i32
    %dma_start3A_559 = arith.constant 0 : i32
    %dma_start3A_560 = tpu.memref_slice %arg8[%dma_start3A_556, %dma_start3A_558, %dma_start3A_559] : memref<2x800x64xf32, #tpu.memory_space<vmem>> -> memref<1x800x64xf32, #tpu.memory_space<vmem>>
    %dma_start3A_561 = tpu.memref_squeeze %dma_start3A_560 : memref<1x800x64xf32, #tpu.memory_space<vmem>> -> memref<800x64xf32, #tpu.memory_space<vmem>>
    %dma_start3A_562 = arith.constant 0 : i32
    %dma_start3A_563 = tpu.memref_slice %arg7[%dma_start3A_557, %dma_start3A_562] : memref<2x800xi32, #tpu.memory_space<vmem>> -> memref<1x800xi32, #tpu.memory_space<vmem>>
    %dma_start3A_564 = tpu.memref_squeeze %dma_start3A_563 : memref<1x800xi32, #tpu.memory_space<vmem>> -> memref<800xi32, #tpu.memory_space<vmem>>
    %dma_start3A_565 = arith.constant 0 : i32
    %dma_start3A_566 = arith.constant 0 : i32
    %dma_start3A_567 = tpu.memref_slice %arg5[%dma_start3A_565, %dma_start3A_566] : memref<819200x64xf32, #tpu.memory_space<hbm>> -> memref<819200x64xf32, #tpu.memory_space<hbm>>
    tpu.enqueue_indirect_dma source(%dma_start3A_561 : memref<800x64xf32, #tpu.memory_space<vmem>>) target(%dma_start3A_567 : memref<819200x64xf32, #tpu.memory_space<hbm>>) offsets(%dma_start3A_564 : memref<800xi32, #tpu.memory_space<vmem>>) semaphore(%arg10 : memref<!tpu.dma_semaphore, #tpu.memory_space<semaphore_mem>>)
    %dma_wait3A_568 = arith.constant 1 : i32
    %dma_wait3A_569 = arith.constant 1 : i32
    %dma_wait3A_570 = arith.constant 0 : i32
    %dma_wait3A_571 = arith.constant 0 : i32
    %dma_wait3A_572 = tpu.memref_slice %arg8[%dma_wait3A_568, %dma_wait3A_570, %dma_wait3A_571] : memref<2x800x64xf32, #tpu.memory_space<vmem>> -> memref<1x800x64xf32, #tpu.memory_space<vmem>>
    %dma_wait3A_573 = tpu.memref_squeeze %dma_wait3A_572 : memref<1x800x64xf32, #tpu.memory_space<vmem>> -> memref<800x64xf32, #tpu.memory_space<vmem>>
    %dma_wait3A_574 = arith.constant 0 : i32
    %dma_wait3A_575 = tpu.memref_slice %arg7[%dma_wait3A_569, %dma_wait3A_574] : memref<2x800xi32, #tpu.memory_space<vmem>> -> memref<1x800xi32, #tpu.memory_space<vmem>>
    %dma_wait3A_576 = tpu.memref_squeeze %dma_wait3A_575 : memref<1x800xi32, #tpu.memory_space<vmem>> -> memref<800xi32, #tpu.memory_space<vmem>>
    %dma_wait3A_577 = arith.constant 0 : i32
    %dma_wait3A_578 = arith.constant 0 : i32
    %dma_wait3A_579 = tpu.memref_slice %arg5[%dma_wait3A_577, %dma_wait3A_578] : memref<819200x64xf32, #tpu.memory_space<hbm>> -> memref<819200x64xf32, #tpu.memory_space<hbm>>
    tpu.wait_indirect_dma semaphore(%arg11 : memref<!tpu.dma_semaphore, #tpu.memory_space<semaphore_mem>>) src(%dma_wait3A_573 : memref<800x64xf32, #tpu.memory_space<vmem>>) dst(%dma_wait3A_579 : memref<819200x64xf32, #tpu.memory_space<hbm>>)
    %mul3A_580 = arith.constant 25600 : i32
    %mul3A_581 = arith.muli %add3A, %mul3A_580 : i32
    %add3A_582 = arith.constant 8800 : i32
    %add3A_583 = arith.addi %mul3A_581, %add3A_582 : i32
    %run_scoped3A_584 = arith.constant 1 : i32
    "tpu.region"() ({
      %run_scoped3A_1726 = tpu.sem_alloc : memref<!tpu.dma_semaphore, #tpu.memory_space<semaphore_mem>>
      %dma_start3A_1727 = arith.constant 0 : i32
      %dma_start3A_1728 = tpu.memref_slice %arg6[%run_scoped3A_584, %dma_start3A_1727] : memref<2x800xi32, #tpu.memory_space<vmem>> -> memref<1x800xi32, #tpu.memory_space<vmem>>
      %dma_start3A_1729 = tpu.memref_squeeze %dma_start3A_1728 : memref<1x800xi32, #tpu.memory_space<vmem>> -> memref<800xi32, #tpu.memory_space<vmem>>
      %dma_start3A_1730 = tpu.memref_slice %arg2[%add3A_583] : memref<819200xi32, #tpu.memory_space<hbm>> -> memref<800xi32, #tpu.memory_space<hbm>>
      %dma_start3A_1731 = arith.constant 0 : i32
      %dma_start3A_1732 = tpu.memref_slice %arg6[%run_scoped3A_584, %dma_start3A_1731] : memref<2x800xi32, #tpu.memory_space<vmem>> -> memref<1x800xi32, #tpu.memory_space<vmem>>
      %dma_start3A_1733 = tpu.memref_squeeze %dma_start3A_1732 : memref<1x800xi32, #tpu.memory_space<vmem>> -> memref<800xi32, #tpu.memory_space<vmem>>
      %dma_start3A_1734 = tpu.memref_slice %arg2[%add3A_583] : memref<819200xi32, #tpu.memory_space<hbm>> -> memref<800xi32, #tpu.memory_space<hbm>>
      tpu.enqueue_dma source(%dma_start3A_1734 : memref<800xi32, #tpu.memory_space<hbm>>) target(%dma_start3A_1733 : memref<800xi32, #tpu.memory_space<vmem>>) target_semaphore(%run_scoped3A_1726 : memref<!tpu.dma_semaphore, #tpu.memory_space<semaphore_mem>>)
      %dma_wait3A_1735 = arith.constant 0 : i32
      %dma_wait3A_1736 = tpu.memref_slice %arg6[%run_scoped3A_584, %dma_wait3A_1735] : memref<2x800xi32, #tpu.memory_space<vmem>> -> memref<1x800xi32, #tpu.memory_space<vmem>>
      %dma_wait3A_1737 = tpu.memref_squeeze %dma_wait3A_1736 : memref<1x800xi32, #tpu.memory_space<vmem>> -> memref<800xi32, #tpu.memory_space<vmem>>
      %dma_wait3A_1738 = tpu.memref_slice %arg2[%add3A_583] : memref<819200xi32, #tpu.memory_space<hbm>> -> memref<800xi32, #tpu.memory_space<hbm>>
      %dma_wait3A_1739 = arith.constant 0 : i32
      %dma_wait3A_1740 = tpu.memref_slice %arg6[%run_scoped3A_584, %dma_wait3A_1739] : memref<2x800xi32, #tpu.memory_space<vmem>> -> memref<1x800xi32, #tpu.memory_space<vmem>>
      %dma_wait3A_1741 = tpu.memref_squeeze %dma_wait3A_1740 : memref<1x800xi32, #tpu.memory_space<vmem>> -> memref<800xi32, #tpu.memory_space<vmem>>
      %dma_wait3A_1742 = tpu.memref_slice %arg2[%add3A_583] : memref<819200xi32, #tpu.memory_space<hbm>> -> memref<800xi32, #tpu.memory_space<hbm>>
      tpu.wait_dma2 semaphore(%run_scoped3A_1726 : memref<!tpu.dma_semaphore, #tpu.memory_space<semaphore_mem>>) src(%dma_wait3A_1742 : memref<800xi32, #tpu.memory_space<hbm>>) dst(%dma_wait3A_1741 : memref<800xi32, #tpu.memory_space<vmem>>)
      tpu.yield
    }) : () -> ()
    %run_scoped3A_585 = arith.constant 1 : i32
    "tpu.region"() ({
      %run_scoped3A_1726 = tpu.sem_alloc : memref<!tpu.dma_semaphore, #tpu.memory_space<semaphore_mem>>
      %dma_start3A_1727 = arith.constant 0 : i32
      %dma_start3A_1728 = tpu.memref_slice %arg7[%run_scoped3A_585, %dma_start3A_1727] : memref<2x800xi32, #tpu.memory_space<vmem>> -> memref<1x800xi32, #tpu.memory_space<vmem>>
      %dma_start3A_1729 = tpu.memref_squeeze %dma_start3A_1728 : memref<1x800xi32, #tpu.memory_space<vmem>> -> memref<800xi32, #tpu.memory_space<vmem>>
      %dma_start3A_1730 = tpu.memref_slice %arg3[%add3A_583] : memref<819200xi32, #tpu.memory_space<hbm>> -> memref<800xi32, #tpu.memory_space<hbm>>
      %dma_start3A_1731 = arith.constant 0 : i32
      %dma_start3A_1732 = tpu.memref_slice %arg7[%run_scoped3A_585, %dma_start3A_1731] : memref<2x800xi32, #tpu.memory_space<vmem>> -> memref<1x800xi32, #tpu.memory_space<vmem>>
      %dma_start3A_1733 = tpu.memref_squeeze %dma_start3A_1732 : memref<1x800xi32, #tpu.memory_space<vmem>> -> memref<800xi32, #tpu.memory_space<vmem>>
      %dma_start3A_1734 = tpu.memref_slice %arg3[%add3A_583] : memref<819200xi32, #tpu.memory_space<hbm>> -> memref<800xi32, #tpu.memory_space<hbm>>
      tpu.enqueue_dma source(%dma_start3A_1734 : memref<800xi32, #tpu.memory_space<hbm>>) target(%dma_start3A_1733 : memref<800xi32, #tpu.memory_space<vmem>>) target_semaphore(%run_scoped3A_1726 : memref<!tpu.dma_semaphore, #tpu.memory_space<semaphore_mem>>)
      %dma_wait3A_1735 = arith.constant 0 : i32
      %dma_wait3A_1736 = tpu.memref_slice %arg7[%run_scoped3A_585, %dma_wait3A_1735] : memref<2x800xi32, #tpu.memory_space<vmem>> -> memref<1x800xi32, #tpu.memory_space<vmem>>
      %dma_wait3A_1737 = tpu.memref_squeeze %dma_wait3A_1736 : memref<1x800xi32, #tpu.memory_space<vmem>> -> memref<800xi32, #tpu.memory_space<vmem>>
      %dma_wait3A_1738 = tpu.memref_slice %arg3[%add3A_583] : memref<819200xi32, #tpu.memory_space<hbm>> -> memref<800xi32, #tpu.memory_space<hbm>>
      %dma_wait3A_1739 = arith.constant 0 : i32
      %dma_wait3A_1740 = tpu.memref_slice %arg7[%run_scoped3A_585, %dma_wait3A_1739] : memref<2x800xi32, #tpu.memory_space<vmem>> -> memref<1x800xi32, #tpu.memory_space<vmem>>
      %dma_wait3A_1741 = tpu.memref_squeeze %dma_wait3A_1740 : memref<1x800xi32, #tpu.memory_space<vmem>> -> memref<800xi32, #tpu.memory_space<vmem>>
      %dma_wait3A_1742 = tpu.memref_slice %arg3[%add3A_583] : memref<819200xi32, #tpu.memory_space<hbm>> -> memref<800xi32, #tpu.memory_space<hbm>>
      tpu.wait_dma2 semaphore(%run_scoped3A_1726 : memref<!tpu.dma_semaphore, #tpu.memory_space<semaphore_mem>>) src(%dma_wait3A_1742 : memref<800xi32, #tpu.memory_space<hbm>>) dst(%dma_wait3A_1741 : memref<800xi32, #tpu.memory_space<vmem>>)
      tpu.yield
    }) : () -> ()
    %dma_start3A_586 = arith.constant 1 : i32
    %dma_start3A_587 = arith.constant 1 : i32
    %dma_start3A_588 = arith.constant 0 : i32
    %dma_start3A_589 = arith.constant 0 : i32
    %dma_start3A_590 = tpu.memref_slice %arg8[%dma_start3A_587, %dma_start3A_588, %dma_start3A_589] : memref<2x800x64xf32, #tpu.memory_space<vmem>> -> memref<1x800x64xf32, #tpu.memory_space<vmem>>
    %dma_start3A_591 = tpu.memref_squeeze %dma_start3A_590 : memref<1x800x64xf32, #tpu.memory_space<vmem>> -> memref<800x64xf32, #tpu.memory_space<vmem>>
    %dma_start3A_592 = arith.constant 0 : i32
    %dma_start3A_593 = tpu.memref_slice %arg6[%dma_start3A_586, %dma_start3A_592] : memref<2x800xi32, #tpu.memory_space<vmem>> -> memref<1x800xi32, #tpu.memory_space<vmem>>
    %dma_start3A_594 = tpu.memref_squeeze %dma_start3A_593 : memref<1x800xi32, #tpu.memory_space<vmem>> -> memref<800xi32, #tpu.memory_space<vmem>>
    %dma_start3A_595 = arith.constant 0 : i32
    %dma_start3A_596 = arith.constant 0 : i32
    %dma_start3A_597 = tpu.memref_slice %arg4[%dma_start3A_595, %dma_start3A_596] : memref<1015808x64xf32, #tpu.memory_space<hbm>> -> memref<1015808x64xf32, #tpu.memory_space<hbm>>
    tpu.enqueue_indirect_dma source(%dma_start3A_597 : memref<1015808x64xf32, #tpu.memory_space<hbm>>) target(%dma_start3A_591 : memref<800x64xf32, #tpu.memory_space<vmem>>) offsets(%dma_start3A_594 : memref<800xi32, #tpu.memory_space<vmem>>) semaphore(%arg9 : memref<!tpu.dma_semaphore, #tpu.memory_space<semaphore_mem>>)
    %dma_wait3A_598 = arith.constant 1 : i32
    %dma_wait3A_599 = arith.constant 1 : i32
    %dma_wait3A_600 = arith.constant 0 : i32
    %dma_wait3A_601 = arith.constant 0 : i32
    %dma_wait3A_602 = tpu.memref_slice %arg8[%dma_wait3A_599, %dma_wait3A_600, %dma_wait3A_601] : memref<2x800x64xf32, #tpu.memory_space<vmem>> -> memref<1x800x64xf32, #tpu.memory_space<vmem>>
    %dma_wait3A_603 = tpu.memref_squeeze %dma_wait3A_602 : memref<1x800x64xf32, #tpu.memory_space<vmem>> -> memref<800x64xf32, #tpu.memory_space<vmem>>
    %dma_wait3A_604 = arith.constant 0 : i32
    %dma_wait3A_605 = tpu.memref_slice %arg6[%dma_wait3A_598, %dma_wait3A_604] : memref<2x800xi32, #tpu.memory_space<vmem>> -> memref<1x800xi32, #tpu.memory_space<vmem>>
    %dma_wait3A_606 = tpu.memref_squeeze %dma_wait3A_605 : memref<1x800xi32, #tpu.memory_space<vmem>> -> memref<800xi32, #tpu.memory_space<vmem>>
    %dma_wait3A_607 = arith.constant 0 : i32
    %dma_wait3A_608 = arith.constant 0 : i32
    %dma_wait3A_609 = tpu.memref_slice %arg4[%dma_wait3A_607, %dma_wait3A_608] : memref<1015808x64xf32, #tpu.memory_space<hbm>> -> memref<1015808x64xf32, #tpu.memory_space<hbm>>
    tpu.wait_indirect_dma semaphore(%arg9 : memref<!tpu.dma_semaphore, #tpu.memory_space<semaphore_mem>>) src(%dma_wait3A_609 : memref<1015808x64xf32, #tpu.memory_space<hbm>>) dst(%dma_wait3A_603 : memref<800x64xf32, #tpu.memory_space<vmem>>)
    %dma_start3A_610 = arith.constant 1 : i32
    %dma_start3A_611 = arith.constant 1 : i32
    %dma_start3A_612 = arith.constant 0 : i32
    %dma_start3A_613 = arith.constant 0 : i32
    %dma_start3A_614 = tpu.memref_slice %arg8[%dma_start3A_610, %dma_start3A_612, %dma_start3A_613] : memref<2x800x64xf32, #tpu.memory_space<vmem>> -> memref<1x800x64xf32, #tpu.memory_space<vmem>>
    %dma_start3A_615 = tpu.memref_squeeze %dma_start3A_614 : memref<1x800x64xf32, #tpu.memory_space<vmem>> -> memref<800x64xf32, #tpu.memory_space<vmem>>
    %dma_start3A_616 = arith.constant 0 : i32
    %dma_start3A_617 = tpu.memref_slice %arg7[%dma_start3A_611, %dma_start3A_616] : memref<2x800xi32, #tpu.memory_space<vmem>> -> memref<1x800xi32, #tpu.memory_space<vmem>>
    %dma_start3A_618 = tpu.memref_squeeze %dma_start3A_617 : memref<1x800xi32, #tpu.memory_space<vmem>> -> memref<800xi32, #tpu.memory_space<vmem>>
    %dma_start3A_619 = arith.constant 0 : i32
    %dma_start3A_620 = arith.constant 0 : i32
    %dma_start3A_621 = tpu.memref_slice %arg5[%dma_start3A_619, %dma_start3A_620] : memref<819200x64xf32, #tpu.memory_space<hbm>> -> memref<819200x64xf32, #tpu.memory_space<hbm>>
    tpu.enqueue_indirect_dma source(%dma_start3A_615 : memref<800x64xf32, #tpu.memory_space<vmem>>) target(%dma_start3A_621 : memref<819200x64xf32, #tpu.memory_space<hbm>>) offsets(%dma_start3A_618 : memref<800xi32, #tpu.memory_space<vmem>>) semaphore(%arg11 : memref<!tpu.dma_semaphore, #tpu.memory_space<semaphore_mem>>)
    %dma_wait3A_622 = arith.constant 0 : i32
    %dma_wait3A_623 = arith.constant 0 : i32
    %dma_wait3A_624 = arith.constant 0 : i32
    %dma_wait3A_625 = arith.constant 0 : i32
    %dma_wait3A_626 = tpu.memref_slice %arg8[%dma_wait3A_622, %dma_wait3A_624, %dma_wait3A_625] : memref<2x800x64xf32, #tpu.memory_space<vmem>> -> memref<1x800x64xf32, #tpu.memory_space<vmem>>
    %dma_wait3A_627 = tpu.memref_squeeze %dma_wait3A_626 : memref<1x800x64xf32, #tpu.memory_space<vmem>> -> memref<800x64xf32, #tpu.memory_space<vmem>>
    %dma_wait3A_628 = arith.constant 0 : i32
    %dma_wait3A_629 = tpu.memref_slice %arg7[%dma_wait3A_623, %dma_wait3A_628] : memref<2x800xi32, #tpu.memory_space<vmem>> -> memref<1x800xi32, #tpu.memory_space<vmem>>
    %dma_wait3A_630 = tpu.memref_squeeze %dma_wait3A_629 : memref<1x800xi32, #tpu.memory_space<vmem>> -> memref<800xi32, #tpu.memory_space<vmem>>
    %dma_wait3A_631 = arith.constant 0 : i32
    %dma_wait3A_632 = arith.constant 0 : i32
    %dma_wait3A_633 = tpu.memref_slice %arg5[%dma_wait3A_631, %dma_wait3A_632] : memref<819200x64xf32, #tpu.memory_space<hbm>> -> memref<819200x64xf32, #tpu.memory_space<hbm>>
    tpu.wait_indirect_dma semaphore(%arg10 : memref<!tpu.dma_semaphore, #tpu.memory_space<semaphore_mem>>) src(%dma_wait3A_627 : memref<800x64xf32, #tpu.memory_space<vmem>>) dst(%dma_wait3A_633 : memref<819200x64xf32, #tpu.memory_space<hbm>>)
    %mul3A_634 = arith.constant 25600 : i32
    %mul3A_635 = arith.muli %add3A, %mul3A_634 : i32
    %add3A_636 = arith.constant 9600 : i32
    %add3A_637 = arith.addi %mul3A_635, %add3A_636 : i32
    %run_scoped3A_638 = arith.constant 0 : i32
    "tpu.region"() ({
      %run_scoped3A_1726 = tpu.sem_alloc : memref<!tpu.dma_semaphore, #tpu.memory_space<semaphore_mem>>
      %dma_start3A_1727 = arith.constant 0 : i32
      %dma_start3A_1728 = tpu.memref_slice %arg6[%run_scoped3A_638, %dma_start3A_1727] : memref<2x800xi32, #tpu.memory_space<vmem>> -> memref<1x800xi32, #tpu.memory_space<vmem>>
      %dma_start3A_1729 = tpu.memref_squeeze %dma_start3A_1728 : memref<1x800xi32, #tpu.memory_space<vmem>> -> memref<800xi32, #tpu.memory_space<vmem>>
      %dma_start3A_1730 = tpu.memref_slice %arg2[%add3A_637] : memref<819200xi32, #tpu.memory_space<hbm>> -> memref<800xi32, #tpu.memory_space<hbm>>
      %dma_start3A_1731 = arith.constant 0 : i32
      %dma_start3A_1732 = tpu.memref_slice %arg6[%run_scoped3A_638, %dma_start3A_1731] : memref<2x800xi32, #tpu.memory_space<vmem>> -> memref<1x800xi32, #tpu.memory_space<vmem>>
      %dma_start3A_1733 = tpu.memref_squeeze %dma_start3A_1732 : memref<1x800xi32, #tpu.memory_space<vmem>> -> memref<800xi32, #tpu.memory_space<vmem>>
      %dma_start3A_1734 = tpu.memref_slice %arg2[%add3A_637] : memref<819200xi32, #tpu.memory_space<hbm>> -> memref<800xi32, #tpu.memory_space<hbm>>
      tpu.enqueue_dma source(%dma_start3A_1734 : memref<800xi32, #tpu.memory_space<hbm>>) target(%dma_start3A_1733 : memref<800xi32, #tpu.memory_space<vmem>>) target_semaphore(%run_scoped3A_1726 : memref<!tpu.dma_semaphore, #tpu.memory_space<semaphore_mem>>)
      %dma_wait3A_1735 = arith.constant 0 : i32
      %dma_wait3A_1736 = tpu.memref_slice %arg6[%run_scoped3A_638, %dma_wait3A_1735] : memref<2x800xi32, #tpu.memory_space<vmem>> -> memref<1x800xi32, #tpu.memory_space<vmem>>
      %dma_wait3A_1737 = tpu.memref_squeeze %dma_wait3A_1736 : memref<1x800xi32, #tpu.memory_space<vmem>> -> memref<800xi32, #tpu.memory_space<vmem>>
      %dma_wait3A_1738 = tpu.memref_slice %arg2[%add3A_637] : memref<819200xi32, #tpu.memory_space<hbm>> -> memref<800xi32, #tpu.memory_space<hbm>>
      %dma_wait3A_1739 = arith.constant 0 : i32
      %dma_wait3A_1740 = tpu.memref_slice %arg6[%run_scoped3A_638, %dma_wait3A_1739] : memref<2x800xi32, #tpu.memory_space<vmem>> -> memref<1x800xi32, #tpu.memory_space<vmem>>
      %dma_wait3A_1741 = tpu.memref_squeeze %dma_wait3A_1740 : memref<1x800xi32, #tpu.memory_space<vmem>> -> memref<800xi32, #tpu.memory_space<vmem>>
      %dma_wait3A_1742 = tpu.memref_slice %arg2[%add3A_637] : memref<819200xi32, #tpu.memory_space<hbm>> -> memref<800xi32, #tpu.memory_space<hbm>>
      tpu.wait_dma2 semaphore(%run_scoped3A_1726 : memref<!tpu.dma_semaphore, #tpu.memory_space<semaphore_mem>>) src(%dma_wait3A_1742 : memref<800xi32, #tpu.memory_space<hbm>>) dst(%dma_wait3A_1741 : memref<800xi32, #tpu.memory_space<vmem>>)
      tpu.yield
    }) : () -> ()
    %run_scoped3A_639 = arith.constant 0 : i32
    "tpu.region"() ({
      %run_scoped3A_1726 = tpu.sem_alloc : memref<!tpu.dma_semaphore, #tpu.memory_space<semaphore_mem>>
      %dma_start3A_1727 = arith.constant 0 : i32
      %dma_start3A_1728 = tpu.memref_slice %arg7[%run_scoped3A_639, %dma_start3A_1727] : memref<2x800xi32, #tpu.memory_space<vmem>> -> memref<1x800xi32, #tpu.memory_space<vmem>>
      %dma_start3A_1729 = tpu.memref_squeeze %dma_start3A_1728 : memref<1x800xi32, #tpu.memory_space<vmem>> -> memref<800xi32, #tpu.memory_space<vmem>>
      %dma_start3A_1730 = tpu.memref_slice %arg3[%add3A_637] : memref<819200xi32, #tpu.memory_space<hbm>> -> memref<800xi32, #tpu.memory_space<hbm>>
      %dma_start3A_1731 = arith.constant 0 : i32
      %dma_start3A_1732 = tpu.memref_slice %arg7[%run_scoped3A_639, %dma_start3A_1731] : memref<2x800xi32, #tpu.memory_space<vmem>> -> memref<1x800xi32, #tpu.memory_space<vmem>>
      %dma_start3A_1733 = tpu.memref_squeeze %dma_start3A_1732 : memref<1x800xi32, #tpu.memory_space<vmem>> -> memref<800xi32, #tpu.memory_space<vmem>>
      %dma_start3A_1734 = tpu.memref_slice %arg3[%add3A_637] : memref<819200xi32, #tpu.memory_space<hbm>> -> memref<800xi32, #tpu.memory_space<hbm>>
      tpu.enqueue_dma source(%dma_start3A_1734 : memref<800xi32, #tpu.memory_space<hbm>>) target(%dma_start3A_1733 : memref<800xi32, #tpu.memory_space<vmem>>) target_semaphore(%run_scoped3A_1726 : memref<!tpu.dma_semaphore, #tpu.memory_space<semaphore_mem>>)
      %dma_wait3A_1735 = arith.constant 0 : i32
      %dma_wait3A_1736 = tpu.memref_slice %arg7[%run_scoped3A_639, %dma_wait3A_1735] : memref<2x800xi32, #tpu.memory_space<vmem>> -> memref<1x800xi32, #tpu.memory_space<vmem>>
      %dma_wait3A_1737 = tpu.memref_squeeze %dma_wait3A_1736 : memref<1x800xi32, #tpu.memory_space<vmem>> -> memref<800xi32, #tpu.memory_space<vmem>>
      %dma_wait3A_1738 = tpu.memref_slice %arg3[%add3A_637] : memref<819200xi32, #tpu.memory_space<hbm>> -> memref<800xi32, #tpu.memory_space<hbm>>
      %dma_wait3A_1739 = arith.constant 0 : i32
      %dma_wait3A_1740 = tpu.memref_slice %arg7[%run_scoped3A_639, %dma_wait3A_1739] : memref<2x800xi32, #tpu.memory_space<vmem>> -> memref<1x800xi32, #tpu.memory_space<vmem>>
      %dma_wait3A_1741 = tpu.memref_squeeze %dma_wait3A_1740 : memref<1x800xi32, #tpu.memory_space<vmem>> -> memref<800xi32, #tpu.memory_space<vmem>>
      %dma_wait3A_1742 = tpu.memref_slice %arg3[%add3A_637] : memref<819200xi32, #tpu.memory_space<hbm>> -> memref<800xi32, #tpu.memory_space<hbm>>
      tpu.wait_dma2 semaphore(%run_scoped3A_1726 : memref<!tpu.dma_semaphore, #tpu.memory_space<semaphore_mem>>) src(%dma_wait3A_1742 : memref<800xi32, #tpu.memory_space<hbm>>) dst(%dma_wait3A_1741 : memref<800xi32, #tpu.memory_space<vmem>>)
      tpu.yield
    }) : () -> ()
    %dma_start3A_640 = arith.constant 0 : i32
    %dma_start3A_641 = arith.constant 0 : i32
    %dma_start3A_642 = arith.constant 0 : i32
    %dma_start3A_643 = arith.constant 0 : i32
    %dma_start3A_644 = tpu.memref_slice %arg8[%dma_start3A_641, %dma_start3A_642, %dma_start3A_643] : memref<2x800x64xf32, #tpu.memory_space<vmem>> -> memref<1x800x64xf32, #tpu.memory_space<vmem>>
    %dma_start3A_645 = tpu.memref_squeeze %dma_start3A_644 : memref<1x800x64xf32, #tpu.memory_space<vmem>> -> memref<800x64xf32, #tpu.memory_space<vmem>>
    %dma_start3A_646 = arith.constant 0 : i32
    %dma_start3A_647 = tpu.memref_slice %arg6[%dma_start3A_640, %dma_start3A_646] : memref<2x800xi32, #tpu.memory_space<vmem>> -> memref<1x800xi32, #tpu.memory_space<vmem>>
    %dma_start3A_648 = tpu.memref_squeeze %dma_start3A_647 : memref<1x800xi32, #tpu.memory_space<vmem>> -> memref<800xi32, #tpu.memory_space<vmem>>
    %dma_start3A_649 = arith.constant 0 : i32
    %dma_start3A_650 = arith.constant 0 : i32
    %dma_start3A_651 = tpu.memref_slice %arg4[%dma_start3A_649, %dma_start3A_650] : memref<1015808x64xf32, #tpu.memory_space<hbm>> -> memref<1015808x64xf32, #tpu.memory_space<hbm>>
    tpu.enqueue_indirect_dma source(%dma_start3A_651 : memref<1015808x64xf32, #tpu.memory_space<hbm>>) target(%dma_start3A_645 : memref<800x64xf32, #tpu.memory_space<vmem>>) offsets(%dma_start3A_648 : memref<800xi32, #tpu.memory_space<vmem>>) semaphore(%arg9 : memref<!tpu.dma_semaphore, #tpu.memory_space<semaphore_mem>>)
    %dma_wait3A_652 = arith.constant 0 : i32
    %dma_wait3A_653 = arith.constant 0 : i32
    %dma_wait3A_654 = arith.constant 0 : i32
    %dma_wait3A_655 = arith.constant 0 : i32
    %dma_wait3A_656 = tpu.memref_slice %arg8[%dma_wait3A_653, %dma_wait3A_654, %dma_wait3A_655] : memref<2x800x64xf32, #tpu.memory_space<vmem>> -> memref<1x800x64xf32, #tpu.memory_space<vmem>>
    %dma_wait3A_657 = tpu.memref_squeeze %dma_wait3A_656 : memref<1x800x64xf32, #tpu.memory_space<vmem>> -> memref<800x64xf32, #tpu.memory_space<vmem>>
    %dma_wait3A_658 = arith.constant 0 : i32
    %dma_wait3A_659 = tpu.memref_slice %arg6[%dma_wait3A_652, %dma_wait3A_658] : memref<2x800xi32, #tpu.memory_space<vmem>> -> memref<1x800xi32, #tpu.memory_space<vmem>>
    %dma_wait3A_660 = tpu.memref_squeeze %dma_wait3A_659 : memref<1x800xi32, #tpu.memory_space<vmem>> -> memref<800xi32, #tpu.memory_space<vmem>>
    %dma_wait3A_661 = arith.constant 0 : i32
    %dma_wait3A_662 = arith.constant 0 : i32
    %dma_wait3A_663 = tpu.memref_slice %arg4[%dma_wait3A_661, %dma_wait3A_662] : memref<1015808x64xf32, #tpu.memory_space<hbm>> -> memref<1015808x64xf32, #tpu.memory_space<hbm>>
    tpu.wait_indirect_dma semaphore(%arg9 : memref<!tpu.dma_semaphore, #tpu.memory_space<semaphore_mem>>) src(%dma_wait3A_663 : memref<1015808x64xf32, #tpu.memory_space<hbm>>) dst(%dma_wait3A_657 : memref<800x64xf32, #tpu.memory_space<vmem>>)
    %dma_start3A_664 = arith.constant 0 : i32
    %dma_start3A_665 = arith.constant 0 : i32
    %dma_start3A_666 = arith.constant 0 : i32
    %dma_start3A_667 = arith.constant 0 : i32
    %dma_start3A_668 = tpu.memref_slice %arg8[%dma_start3A_664, %dma_start3A_666, %dma_start3A_667] : memref<2x800x64xf32, #tpu.memory_space<vmem>> -> memref<1x800x64xf32, #tpu.memory_space<vmem>>
    %dma_start3A_669 = tpu.memref_squeeze %dma_start3A_668 : memref<1x800x64xf32, #tpu.memory_space<vmem>> -> memref<800x64xf32, #tpu.memory_space<vmem>>
    %dma_start3A_670 = arith.constant 0 : i32
    %dma_start3A_671 = tpu.memref_slice %arg7[%dma_start3A_665, %dma_start3A_670] : memref<2x800xi32, #tpu.memory_space<vmem>> -> memref<1x800xi32, #tpu.memory_space<vmem>>
    %dma_start3A_672 = tpu.memref_squeeze %dma_start3A_671 : memref<1x800xi32, #tpu.memory_space<vmem>> -> memref<800xi32, #tpu.memory_space<vmem>>
    %dma_start3A_673 = arith.constant 0 : i32
    %dma_start3A_674 = arith.constant 0 : i32
    %dma_start3A_675 = tpu.memref_slice %arg5[%dma_start3A_673, %dma_start3A_674] : memref<819200x64xf32, #tpu.memory_space<hbm>> -> memref<819200x64xf32, #tpu.memory_space<hbm>>
    tpu.enqueue_indirect_dma source(%dma_start3A_669 : memref<800x64xf32, #tpu.memory_space<vmem>>) target(%dma_start3A_675 : memref<819200x64xf32, #tpu.memory_space<hbm>>) offsets(%dma_start3A_672 : memref<800xi32, #tpu.memory_space<vmem>>) semaphore(%arg10 : memref<!tpu.dma_semaphore, #tpu.memory_space<semaphore_mem>>)
    %dma_wait3A_676 = arith.constant 1 : i32
    %dma_wait3A_677 = arith.constant 1 : i32
    %dma_wait3A_678 = arith.constant 0 : i32
    %dma_wait3A_679 = arith.constant 0 : i32
    %dma_wait3A_680 = tpu.memref_slice %arg8[%dma_wait3A_676, %dma_wait3A_678, %dma_wait3A_679] : memref<2x800x64xf32, #tpu.memory_space<vmem>> -> memref<1x800x64xf32, #tpu.memory_space<vmem>>
    %dma_wait3A_681 = tpu.memref_squeeze %dma_wait3A_680 : memref<1x800x64xf32, #tpu.memory_space<vmem>> -> memref<800x64xf32, #tpu.memory_space<vmem>>
    %dma_wait3A_682 = arith.constant 0 : i32
    %dma_wait3A_683 = tpu.memref_slice %arg7[%dma_wait3A_677, %dma_wait3A_682] : memref<2x800xi32, #tpu.memory_space<vmem>> -> memref<1x800xi32, #tpu.memory_space<vmem>>
    %dma_wait3A_684 = tpu.memref_squeeze %dma_wait3A_683 : memref<1x800xi32, #tpu.memory_space<vmem>> -> memref<800xi32, #tpu.memory_space<vmem>>
    %dma_wait3A_685 = arith.constant 0 : i32
    %dma_wait3A_686 = arith.constant 0 : i32
    %dma_wait3A_687 = tpu.memref_slice %arg5[%dma_wait3A_685, %dma_wait3A_686] : memref<819200x64xf32, #tpu.memory_space<hbm>> -> memref<819200x64xf32, #tpu.memory_space<hbm>>
    tpu.wait_indirect_dma semaphore(%arg11 : memref<!tpu.dma_semaphore, #tpu.memory_space<semaphore_mem>>) src(%dma_wait3A_681 : memref<800x64xf32, #tpu.memory_space<vmem>>) dst(%dma_wait3A_687 : memref<819200x64xf32, #tpu.memory_space<hbm>>)
    %mul3A_688 = arith.constant 25600 : i32
    %mul3A_689 = arith.muli %add3A, %mul3A_688 : i32
    %add3A_690 = arith.constant 10400 : i32
    %add3A_691 = arith.addi %mul3A_689, %add3A_690 : i32
    %run_scoped3A_692 = arith.constant 1 : i32
    "tpu.region"() ({
      %run_scoped3A_1726 = tpu.sem_alloc : memref<!tpu.dma_semaphore, #tpu.memory_space<semaphore_mem>>
      %dma_start3A_1727 = arith.constant 0 : i32
      %dma_start3A_1728 = tpu.memref_slice %arg6[%run_scoped3A_692, %dma_start3A_1727] : memref<2x800xi32, #tpu.memory_space<vmem>> -> memref<1x800xi32, #tpu.memory_space<vmem>>
      %dma_start3A_1729 = tpu.memref_squeeze %dma_start3A_1728 : memref<1x800xi32, #tpu.memory_space<vmem>> -> memref<800xi32, #tpu.memory_space<vmem>>
      %dma_start3A_1730 = tpu.memref_slice %arg2[%add3A_691] : memref<819200xi32, #tpu.memory_space<hbm>> -> memref<800xi32, #tpu.memory_space<hbm>>
      %dma_start3A_1731 = arith.constant 0 : i32
      %dma_start3A_1732 = tpu.memref_slice %arg6[%run_scoped3A_692, %dma_start3A_1731] : memref<2x800xi32, #tpu.memory_space<vmem>> -> memref<1x800xi32, #tpu.memory_space<vmem>>
      %dma_start3A_1733 = tpu.memref_squeeze %dma_start3A_1732 : memref<1x800xi32, #tpu.memory_space<vmem>> -> memref<800xi32, #tpu.memory_space<vmem>>
      %dma_start3A_1734 = tpu.memref_slice %arg2[%add3A_691] : memref<819200xi32, #tpu.memory_space<hbm>> -> memref<800xi32, #tpu.memory_space<hbm>>
      tpu.enqueue_dma source(%dma_start3A_1734 : memref<800xi32, #tpu.memory_space<hbm>>) target(%dma_start3A_1733 : memref<800xi32, #tpu.memory_space<vmem>>) target_semaphore(%run_scoped3A_1726 : memref<!tpu.dma_semaphore, #tpu.memory_space<semaphore_mem>>)
      %dma_wait3A_1735 = arith.constant 0 : i32
      %dma_wait3A_1736 = tpu.memref_slice %arg6[%run_scoped3A_692, %dma_wait3A_1735] : memref<2x800xi32, #tpu.memory_space<vmem>> -> memref<1x800xi32, #tpu.memory_space<vmem>>
      %dma_wait3A_1737 = tpu.memref_squeeze %dma_wait3A_1736 : memref<1x800xi32, #tpu.memory_space<vmem>> -> memref<800xi32, #tpu.memory_space<vmem>>
      %dma_wait3A_1738 = tpu.memref_slice %arg2[%add3A_691] : memref<819200xi32, #tpu.memory_space<hbm>> -> memref<800xi32, #tpu.memory_space<hbm>>
      %dma_wait3A_1739 = arith.constant 0 : i32
      %dma_wait3A_1740 = tpu.memref_slice %arg6[%run_scoped3A_692, %dma_wait3A_1739] : memref<2x800xi32, #tpu.memory_space<vmem>> -> memref<1x800xi32, #tpu.memory_space<vmem>>
      %dma_wait3A_1741 = tpu.memref_squeeze %dma_wait3A_1740 : memref<1x800xi32, #tpu.memory_space<vmem>> -> memref<800xi32, #tpu.memory_space<vmem>>
      %dma_wait3A_1742 = tpu.memref_slice %arg2[%add3A_691] : memref<819200xi32, #tpu.memory_space<hbm>> -> memref<800xi32, #tpu.memory_space<hbm>>
      tpu.wait_dma2 semaphore(%run_scoped3A_1726 : memref<!tpu.dma_semaphore, #tpu.memory_space<semaphore_mem>>) src(%dma_wait3A_1742 : memref<800xi32, #tpu.memory_space<hbm>>) dst(%dma_wait3A_1741 : memref<800xi32, #tpu.memory_space<vmem>>)
      tpu.yield
    }) : () -> ()
    %run_scoped3A_693 = arith.constant 1 : i32
    "tpu.region"() ({
      %run_scoped3A_1726 = tpu.sem_alloc : memref<!tpu.dma_semaphore, #tpu.memory_space<semaphore_mem>>
      %dma_start3A_1727 = arith.constant 0 : i32
      %dma_start3A_1728 = tpu.memref_slice %arg7[%run_scoped3A_693, %dma_start3A_1727] : memref<2x800xi32, #tpu.memory_space<vmem>> -> memref<1x800xi32, #tpu.memory_space<vmem>>
      %dma_start3A_1729 = tpu.memref_squeeze %dma_start3A_1728 : memref<1x800xi32, #tpu.memory_space<vmem>> -> memref<800xi32, #tpu.memory_space<vmem>>
      %dma_start3A_1730 = tpu.memref_slice %arg3[%add3A_691] : memref<819200xi32, #tpu.memory_space<hbm>> -> memref<800xi32, #tpu.memory_space<hbm>>
      %dma_start3A_1731 = arith.constant 0 : i32
      %dma_start3A_1732 = tpu.memref_slice %arg7[%run_scoped3A_693, %dma_start3A_1731] : memref<2x800xi32, #tpu.memory_space<vmem>> -> memref<1x800xi32, #tpu.memory_space<vmem>>
      %dma_start3A_1733 = tpu.memref_squeeze %dma_start3A_1732 : memref<1x800xi32, #tpu.memory_space<vmem>> -> memref<800xi32, #tpu.memory_space<vmem>>
      %dma_start3A_1734 = tpu.memref_slice %arg3[%add3A_691] : memref<819200xi32, #tpu.memory_space<hbm>> -> memref<800xi32, #tpu.memory_space<hbm>>
      tpu.enqueue_dma source(%dma_start3A_1734 : memref<800xi32, #tpu.memory_space<hbm>>) target(%dma_start3A_1733 : memref<800xi32, #tpu.memory_space<vmem>>) target_semaphore(%run_scoped3A_1726 : memref<!tpu.dma_semaphore, #tpu.memory_space<semaphore_mem>>)
      %dma_wait3A_1735 = arith.constant 0 : i32
      %dma_wait3A_1736 = tpu.memref_slice %arg7[%run_scoped3A_693, %dma_wait3A_1735] : memref<2x800xi32, #tpu.memory_space<vmem>> -> memref<1x800xi32, #tpu.memory_space<vmem>>
      %dma_wait3A_1737 = tpu.memref_squeeze %dma_wait3A_1736 : memref<1x800xi32, #tpu.memory_space<vmem>> -> memref<800xi32, #tpu.memory_space<vmem>>
      %dma_wait3A_1738 = tpu.memref_slice %arg3[%add3A_691] : memref<819200xi32, #tpu.memory_space<hbm>> -> memref<800xi32, #tpu.memory_space<hbm>>
      %dma_wait3A_1739 = arith.constant 0 : i32
      %dma_wait3A_1740 = tpu.memref_slice %arg7[%run_scoped3A_693, %dma_wait3A_1739] : memref<2x800xi32, #tpu.memory_space<vmem>> -> memref<1x800xi32, #tpu.memory_space<vmem>>
      %dma_wait3A_1741 = tpu.memref_squeeze %dma_wait3A_1740 : memref<1x800xi32, #tpu.memory_space<vmem>> -> memref<800xi32, #tpu.memory_space<vmem>>
      %dma_wait3A_1742 = tpu.memref_slice %arg3[%add3A_691] : memref<819200xi32, #tpu.memory_space<hbm>> -> memref<800xi32, #tpu.memory_space<hbm>>
      tpu.wait_dma2 semaphore(%run_scoped3A_1726 : memref<!tpu.dma_semaphore, #tpu.memory_space<semaphore_mem>>) src(%dma_wait3A_1742 : memref<800xi32, #tpu.memory_space<hbm>>) dst(%dma_wait3A_1741 : memref<800xi32, #tpu.memory_space<vmem>>)
      tpu.yield
    }) : () -> ()
    %dma_start3A_694 = arith.constant 1 : i32
    %dma_start3A_695 = arith.constant 1 : i32
    %dma_start3A_696 = arith.constant 0 : i32
    %dma_start3A_697 = arith.constant 0 : i32
    %dma_start3A_698 = tpu.memref_slice %arg8[%dma_start3A_695, %dma_start3A_696, %dma_start3A_697] : memref<2x800x64xf32, #tpu.memory_space<vmem>> -> memref<1x800x64xf32, #tpu.memory_space<vmem>>
    %dma_start3A_699 = tpu.memref_squeeze %dma_start3A_698 : memref<1x800x64xf32, #tpu.memory_space<vmem>> -> memref<800x64xf32, #tpu.memory_space<vmem>>
    %dma_start3A_700 = arith.constant 0 : i32
    %dma_start3A_701 = tpu.memref_slice %arg6[%dma_start3A_694, %dma_start3A_700] : memref<2x800xi32, #tpu.memory_space<vmem>> -> memref<1x800xi32, #tpu.memory_space<vmem>>
    %dma_start3A_702 = tpu.memref_squeeze %dma_start3A_701 : memref<1x800xi32, #tpu.memory_space<vmem>> -> memref<800xi32, #tpu.memory_space<vmem>>
    %dma_start3A_703 = arith.constant 0 : i32
    %dma_start3A_704 = arith.constant 0 : i32
    %dma_start3A_705 = tpu.memref_slice %arg4[%dma_start3A_703, %dma_start3A_704] : memref<1015808x64xf32, #tpu.memory_space<hbm>> -> memref<1015808x64xf32, #tpu.memory_space<hbm>>
    tpu.enqueue_indirect_dma source(%dma_start3A_705 : memref<1015808x64xf32, #tpu.memory_space<hbm>>) target(%dma_start3A_699 : memref<800x64xf32, #tpu.memory_space<vmem>>) offsets(%dma_start3A_702 : memref<800xi32, #tpu.memory_space<vmem>>) semaphore(%arg9 : memref<!tpu.dma_semaphore, #tpu.memory_space<semaphore_mem>>)
    %dma_wait3A_706 = arith.constant 1 : i32
    %dma_wait3A_707 = arith.constant 1 : i32
    %dma_wait3A_708 = arith.constant 0 : i32
    %dma_wait3A_709 = arith.constant 0 : i32
    %dma_wait3A_710 = tpu.memref_slice %arg8[%dma_wait3A_707, %dma_wait3A_708, %dma_wait3A_709] : memref<2x800x64xf32, #tpu.memory_space<vmem>> -> memref<1x800x64xf32, #tpu.memory_space<vmem>>
    %dma_wait3A_711 = tpu.memref_squeeze %dma_wait3A_710 : memref<1x800x64xf32, #tpu.memory_space<vmem>> -> memref<800x64xf32, #tpu.memory_space<vmem>>
    %dma_wait3A_712 = arith.constant 0 : i32
    %dma_wait3A_713 = tpu.memref_slice %arg6[%dma_wait3A_706, %dma_wait3A_712] : memref<2x800xi32, #tpu.memory_space<vmem>> -> memref<1x800xi32, #tpu.memory_space<vmem>>
    %dma_wait3A_714 = tpu.memref_squeeze %dma_wait3A_713 : memref<1x800xi32, #tpu.memory_space<vmem>> -> memref<800xi32, #tpu.memory_space<vmem>>
    %dma_wait3A_715 = arith.constant 0 : i32
    %dma_wait3A_716 = arith.constant 0 : i32
    %dma_wait3A_717 = tpu.memref_slice %arg4[%dma_wait3A_715, %dma_wait3A_716] : memref<1015808x64xf32, #tpu.memory_space<hbm>> -> memref<1015808x64xf32, #tpu.memory_space<hbm>>
    tpu.wait_indirect_dma semaphore(%arg9 : memref<!tpu.dma_semaphore, #tpu.memory_space<semaphore_mem>>) src(%dma_wait3A_717 : memref<1015808x64xf32, #tpu.memory_space<hbm>>) dst(%dma_wait3A_711 : memref<800x64xf32, #tpu.memory_space<vmem>>)
    %dma_start3A_718 = arith.constant 1 : i32
    %dma_start3A_719 = arith.constant 1 : i32
    %dma_start3A_720 = arith.constant 0 : i32
    %dma_start3A_721 = arith.constant 0 : i32
    %dma_start3A_722 = tpu.memref_slice %arg8[%dma_start3A_718, %dma_start3A_720, %dma_start3A_721] : memref<2x800x64xf32, #tpu.memory_space<vmem>> -> memref<1x800x64xf32, #tpu.memory_space<vmem>>
    %dma_start3A_723 = tpu.memref_squeeze %dma_start3A_722 : memref<1x800x64xf32, #tpu.memory_space<vmem>> -> memref<800x64xf32, #tpu.memory_space<vmem>>
    %dma_start3A_724 = arith.constant 0 : i32
    %dma_start3A_725 = tpu.memref_slice %arg7[%dma_start3A_719, %dma_start3A_724] : memref<2x800xi32, #tpu.memory_space<vmem>> -> memref<1x800xi32, #tpu.memory_space<vmem>>
    %dma_start3A_726 = tpu.memref_squeeze %dma_start3A_725 : memref<1x800xi32, #tpu.memory_space<vmem>> -> memref<800xi32, #tpu.memory_space<vmem>>
    %dma_start3A_727 = arith.constant 0 : i32
    %dma_start3A_728 = arith.constant 0 : i32
    %dma_start3A_729 = tpu.memref_slice %arg5[%dma_start3A_727, %dma_start3A_728] : memref<819200x64xf32, #tpu.memory_space<hbm>> -> memref<819200x64xf32, #tpu.memory_space<hbm>>
    tpu.enqueue_indirect_dma source(%dma_start3A_723 : memref<800x64xf32, #tpu.memory_space<vmem>>) target(%dma_start3A_729 : memref<819200x64xf32, #tpu.memory_space<hbm>>) offsets(%dma_start3A_726 : memref<800xi32, #tpu.memory_space<vmem>>) semaphore(%arg11 : memref<!tpu.dma_semaphore, #tpu.memory_space<semaphore_mem>>)
    %dma_wait3A_730 = arith.constant 0 : i32
    %dma_wait3A_731 = arith.constant 0 : i32
    %dma_wait3A_732 = arith.constant 0 : i32
    %dma_wait3A_733 = arith.constant 0 : i32
    %dma_wait3A_734 = tpu.memref_slice %arg8[%dma_wait3A_730, %dma_wait3A_732, %dma_wait3A_733] : memref<2x800x64xf32, #tpu.memory_space<vmem>> -> memref<1x800x64xf32, #tpu.memory_space<vmem>>
    %dma_wait3A_735 = tpu.memref_squeeze %dma_wait3A_734 : memref<1x800x64xf32, #tpu.memory_space<vmem>> -> memref<800x64xf32, #tpu.memory_space<vmem>>
    %dma_wait3A_736 = arith.constant 0 : i32
    %dma_wait3A_737 = tpu.memref_slice %arg7[%dma_wait3A_731, %dma_wait3A_736] : memref<2x800xi32, #tpu.memory_space<vmem>> -> memref<1x800xi32, #tpu.memory_space<vmem>>
    %dma_wait3A_738 = tpu.memref_squeeze %dma_wait3A_737 : memref<1x800xi32, #tpu.memory_space<vmem>> -> memref<800xi32, #tpu.memory_space<vmem>>
    %dma_wait3A_739 = arith.constant 0 : i32
    %dma_wait3A_740 = arith.constant 0 : i32
    %dma_wait3A_741 = tpu.memref_slice %arg5[%dma_wait3A_739, %dma_wait3A_740] : memref<819200x64xf32, #tpu.memory_space<hbm>> -> memref<819200x64xf32, #tpu.memory_space<hbm>>
    tpu.wait_indirect_dma semaphore(%arg10 : memref<!tpu.dma_semaphore, #tpu.memory_space<semaphore_mem>>) src(%dma_wait3A_735 : memref<800x64xf32, #tpu.memory_space<vmem>>) dst(%dma_wait3A_741 : memref<819200x64xf32, #tpu.memory_space<hbm>>)
    %mul3A_742 = arith.constant 25600 : i32
    %mul3A_743 = arith.muli %add3A, %mul3A_742 : i32
    %add3A_744 = arith.constant 11200 : i32
    %add3A_745 = arith.addi %mul3A_743, %add3A_744 : i32
    %run_scoped3A_746 = arith.constant 0 : i32
    "tpu.region"() ({
      %run_scoped3A_1726 = tpu.sem_alloc : memref<!tpu.dma_semaphore, #tpu.memory_space<semaphore_mem>>
      %dma_start3A_1727 = arith.constant 0 : i32
      %dma_start3A_1728 = tpu.memref_slice %arg6[%run_scoped3A_746, %dma_start3A_1727] : memref<2x800xi32, #tpu.memory_space<vmem>> -> memref<1x800xi32, #tpu.memory_space<vmem>>
      %dma_start3A_1729 = tpu.memref_squeeze %dma_start3A_1728 : memref<1x800xi32, #tpu.memory_space<vmem>> -> memref<800xi32, #tpu.memory_space<vmem>>
      %dma_start3A_1730 = tpu.memref_slice %arg2[%add3A_745] : memref<819200xi32, #tpu.memory_space<hbm>> -> memref<800xi32, #tpu.memory_space<hbm>>
      %dma_start3A_1731 = arith.constant 0 : i32
      %dma_start3A_1732 = tpu.memref_slice %arg6[%run_scoped3A_746, %dma_start3A_1731] : memref<2x800xi32, #tpu.memory_space<vmem>> -> memref<1x800xi32, #tpu.memory_space<vmem>>
      %dma_start3A_1733 = tpu.memref_squeeze %dma_start3A_1732 : memref<1x800xi32, #tpu.memory_space<vmem>> -> memref<800xi32, #tpu.memory_space<vmem>>
      %dma_start3A_1734 = tpu.memref_slice %arg2[%add3A_745] : memref<819200xi32, #tpu.memory_space<hbm>> -> memref<800xi32, #tpu.memory_space<hbm>>
      tpu.enqueue_dma source(%dma_start3A_1734 : memref<800xi32, #tpu.memory_space<hbm>>) target(%dma_start3A_1733 : memref<800xi32, #tpu.memory_space<vmem>>) target_semaphore(%run_scoped3A_1726 : memref<!tpu.dma_semaphore, #tpu.memory_space<semaphore_mem>>)
      %dma_wait3A_1735 = arith.constant 0 : i32
      %dma_wait3A_1736 = tpu.memref_slice %arg6[%run_scoped3A_746, %dma_wait3A_1735] : memref<2x800xi32, #tpu.memory_space<vmem>> -> memref<1x800xi32, #tpu.memory_space<vmem>>
      %dma_wait3A_1737 = tpu.memref_squeeze %dma_wait3A_1736 : memref<1x800xi32, #tpu.memory_space<vmem>> -> memref<800xi32, #tpu.memory_space<vmem>>
      %dma_wait3A_1738 = tpu.memref_slice %arg2[%add3A_745] : memref<819200xi32, #tpu.memory_space<hbm>> -> memref<800xi32, #tpu.memory_space<hbm>>
      %dma_wait3A_1739 = arith.constant 0 : i32
      %dma_wait3A_1740 = tpu.memref_slice %arg6[%run_scoped3A_746, %dma_wait3A_1739] : memref<2x800xi32, #tpu.memory_space<vmem>> -> memref<1x800xi32, #tpu.memory_space<vmem>>
      %dma_wait3A_1741 = tpu.memref_squeeze %dma_wait3A_1740 : memref<1x800xi32, #tpu.memory_space<vmem>> -> memref<800xi32, #tpu.memory_space<vmem>>
      %dma_wait3A_1742 = tpu.memref_slice %arg2[%add3A_745] : memref<819200xi32, #tpu.memory_space<hbm>> -> memref<800xi32, #tpu.memory_space<hbm>>
      tpu.wait_dma2 semaphore(%run_scoped3A_1726 : memref<!tpu.dma_semaphore, #tpu.memory_space<semaphore_mem>>) src(%dma_wait3A_1742 : memref<800xi32, #tpu.memory_space<hbm>>) dst(%dma_wait3A_1741 : memref<800xi32, #tpu.memory_space<vmem>>)
      tpu.yield
    }) : () -> ()
    %run_scoped3A_747 = arith.constant 0 : i32
    "tpu.region"() ({
      %run_scoped3A_1726 = tpu.sem_alloc : memref<!tpu.dma_semaphore, #tpu.memory_space<semaphore_mem>>
      %dma_start3A_1727 = arith.constant 0 : i32
      %dma_start3A_1728 = tpu.memref_slice %arg7[%run_scoped3A_747, %dma_start3A_1727] : memref<2x800xi32, #tpu.memory_space<vmem>> -> memref<1x800xi32, #tpu.memory_space<vmem>>
      %dma_start3A_1729 = tpu.memref_squeeze %dma_start3A_1728 : memref<1x800xi32, #tpu.memory_space<vmem>> -> memref<800xi32, #tpu.memory_space<vmem>>
      %dma_start3A_1730 = tpu.memref_slice %arg3[%add3A_745] : memref<819200xi32, #tpu.memory_space<hbm>> -> memref<800xi32, #tpu.memory_space<hbm>>
      %dma_start3A_1731 = arith.constant 0 : i32
      %dma_start3A_1732 = tpu.memref_slice %arg7[%run_scoped3A_747, %dma_start3A_1731] : memref<2x800xi32, #tpu.memory_space<vmem>> -> memref<1x800xi32, #tpu.memory_space<vmem>>
      %dma_start3A_1733 = tpu.memref_squeeze %dma_start3A_1732 : memref<1x800xi32, #tpu.memory_space<vmem>> -> memref<800xi32, #tpu.memory_space<vmem>>
      %dma_start3A_1734 = tpu.memref_slice %arg3[%add3A_745] : memref<819200xi32, #tpu.memory_space<hbm>> -> memref<800xi32, #tpu.memory_space<hbm>>
      tpu.enqueue_dma source(%dma_start3A_1734 : memref<800xi32, #tpu.memory_space<hbm>>) target(%dma_start3A_1733 : memref<800xi32, #tpu.memory_space<vmem>>) target_semaphore(%run_scoped3A_1726 : memref<!tpu.dma_semaphore, #tpu.memory_space<semaphore_mem>>)
      %dma_wait3A_1735 = arith.constant 0 : i32
      %dma_wait3A_1736 = tpu.memref_slice %arg7[%run_scoped3A_747, %dma_wait3A_1735] : memref<2x800xi32, #tpu.memory_space<vmem>> -> memref<1x800xi32, #tpu.memory_space<vmem>>
      %dma_wait3A_1737 = tpu.memref_squeeze %dma_wait3A_1736 : memref<1x800xi32, #tpu.memory_space<vmem>> -> memref<800xi32, #tpu.memory_space<vmem>>
      %dma_wait3A_1738 = tpu.memref_slice %arg3[%add3A_745] : memref<819200xi32, #tpu.memory_space<hbm>> -> memref<800xi32, #tpu.memory_space<hbm>>
      %dma_wait3A_1739 = arith.constant 0 : i32
      %dma_wait3A_1740 = tpu.memref_slice %arg7[%run_scoped3A_747, %dma_wait3A_1739] : memref<2x800xi32, #tpu.memory_space<vmem>> -> memref<1x800xi32, #tpu.memory_space<vmem>>
      %dma_wait3A_1741 = tpu.memref_squeeze %dma_wait3A_1740 : memref<1x800xi32, #tpu.memory_space<vmem>> -> memref<800xi32, #tpu.memory_space<vmem>>
      %dma_wait3A_1742 = tpu.memref_slice %arg3[%add3A_745] : memref<819200xi32, #tpu.memory_space<hbm>> -> memref<800xi32, #tpu.memory_space<hbm>>
      tpu.wait_dma2 semaphore(%run_scoped3A_1726 : memref<!tpu.dma_semaphore, #tpu.memory_space<semaphore_mem>>) src(%dma_wait3A_1742 : memref<800xi32, #tpu.memory_space<hbm>>) dst(%dma_wait3A_1741 : memref<800xi32, #tpu.memory_space<vmem>>)
      tpu.yield
    }) : () -> ()
    %dma_start3A_748 = arith.constant 0 : i32
    %dma_start3A_749 = arith.constant 0 : i32
    %dma_start3A_750 = arith.constant 0 : i32
    %dma_start3A_751 = arith.constant 0 : i32
    %dma_start3A_752 = tpu.memref_slice %arg8[%dma_start3A_749, %dma_start3A_750, %dma_start3A_751] : memref<2x800x64xf32, #tpu.memory_space<vmem>> -> memref<1x800x64xf32, #tpu.memory_space<vmem>>
    %dma_start3A_753 = tpu.memref_squeeze %dma_start3A_752 : memref<1x800x64xf32, #tpu.memory_space<vmem>> -> memref<800x64xf32, #tpu.memory_space<vmem>>
    %dma_start3A_754 = arith.constant 0 : i32
    %dma_start3A_755 = tpu.memref_slice %arg6[%dma_start3A_748, %dma_start3A_754] : memref<2x800xi32, #tpu.memory_space<vmem>> -> memref<1x800xi32, #tpu.memory_space<vmem>>
    %dma_start3A_756 = tpu.memref_squeeze %dma_start3A_755 : memref<1x800xi32, #tpu.memory_space<vmem>> -> memref<800xi32, #tpu.memory_space<vmem>>
    %dma_start3A_757 = arith.constant 0 : i32
    %dma_start3A_758 = arith.constant 0 : i32
    %dma_start3A_759 = tpu.memref_slice %arg4[%dma_start3A_757, %dma_start3A_758] : memref<1015808x64xf32, #tpu.memory_space<hbm>> -> memref<1015808x64xf32, #tpu.memory_space<hbm>>
    tpu.enqueue_indirect_dma source(%dma_start3A_759 : memref<1015808x64xf32, #tpu.memory_space<hbm>>) target(%dma_start3A_753 : memref<800x64xf32, #tpu.memory_space<vmem>>) offsets(%dma_start3A_756 : memref<800xi32, #tpu.memory_space<vmem>>) semaphore(%arg9 : memref<!tpu.dma_semaphore, #tpu.memory_space<semaphore_mem>>)
    %dma_wait3A_760 = arith.constant 0 : i32
    %dma_wait3A_761 = arith.constant 0 : i32
    %dma_wait3A_762 = arith.constant 0 : i32
    %dma_wait3A_763 = arith.constant 0 : i32
    %dma_wait3A_764 = tpu.memref_slice %arg8[%dma_wait3A_761, %dma_wait3A_762, %dma_wait3A_763] : memref<2x800x64xf32, #tpu.memory_space<vmem>> -> memref<1x800x64xf32, #tpu.memory_space<vmem>>
    %dma_wait3A_765 = tpu.memref_squeeze %dma_wait3A_764 : memref<1x800x64xf32, #tpu.memory_space<vmem>> -> memref<800x64xf32, #tpu.memory_space<vmem>>
    %dma_wait3A_766 = arith.constant 0 : i32
    %dma_wait3A_767 = tpu.memref_slice %arg6[%dma_wait3A_760, %dma_wait3A_766] : memref<2x800xi32, #tpu.memory_space<vmem>> -> memref<1x800xi32, #tpu.memory_space<vmem>>
    %dma_wait3A_768 = tpu.memref_squeeze %dma_wait3A_767 : memref<1x800xi32, #tpu.memory_space<vmem>> -> memref<800xi32, #tpu.memory_space<vmem>>
    %dma_wait3A_769 = arith.constant 0 : i32
    %dma_wait3A_770 = arith.constant 0 : i32
    %dma_wait3A_771 = tpu.memref_slice %arg4[%dma_wait3A_769, %dma_wait3A_770] : memref<1015808x64xf32, #tpu.memory_space<hbm>> -> memref<1015808x64xf32, #tpu.memory_space<hbm>>
    tpu.wait_indirect_dma semaphore(%arg9 : memref<!tpu.dma_semaphore, #tpu.memory_space<semaphore_mem>>) src(%dma_wait3A_771 : memref<1015808x64xf32, #tpu.memory_space<hbm>>) dst(%dma_wait3A_765 : memref<800x64xf32, #tpu.memory_space<vmem>>)
    %dma_start3A_772 = arith.constant 0 : i32
    %dma_start3A_773 = arith.constant 0 : i32
    %dma_start3A_774 = arith.constant 0 : i32
    %dma_start3A_775 = arith.constant 0 : i32
    %dma_start3A_776 = tpu.memref_slice %arg8[%dma_start3A_772, %dma_start3A_774, %dma_start3A_775] : memref<2x800x64xf32, #tpu.memory_space<vmem>> -> memref<1x800x64xf32, #tpu.memory_space<vmem>>
    %dma_start3A_777 = tpu.memref_squeeze %dma_start3A_776 : memref<1x800x64xf32, #tpu.memory_space<vmem>> -> memref<800x64xf32, #tpu.memory_space<vmem>>
    %dma_start3A_778 = arith.constant 0 : i32
    %dma_start3A_779 = tpu.memref_slice %arg7[%dma_start3A_773, %dma_start3A_778] : memref<2x800xi32, #tpu.memory_space<vmem>> -> memref<1x800xi32, #tpu.memory_space<vmem>>
    %dma_start3A_780 = tpu.memref_squeeze %dma_start3A_779 : memref<1x800xi32, #tpu.memory_space<vmem>> -> memref<800xi32, #tpu.memory_space<vmem>>
    %dma_start3A_781 = arith.constant 0 : i32
    %dma_start3A_782 = arith.constant 0 : i32
    %dma_start3A_783 = tpu.memref_slice %arg5[%dma_start3A_781, %dma_start3A_782] : memref<819200x64xf32, #tpu.memory_space<hbm>> -> memref<819200x64xf32, #tpu.memory_space<hbm>>
    tpu.enqueue_indirect_dma source(%dma_start3A_777 : memref<800x64xf32, #tpu.memory_space<vmem>>) target(%dma_start3A_783 : memref<819200x64xf32, #tpu.memory_space<hbm>>) offsets(%dma_start3A_780 : memref<800xi32, #tpu.memory_space<vmem>>) semaphore(%arg10 : memref<!tpu.dma_semaphore, #tpu.memory_space<semaphore_mem>>)
    %dma_wait3A_784 = arith.constant 1 : i32
    %dma_wait3A_785 = arith.constant 1 : i32
    %dma_wait3A_786 = arith.constant 0 : i32
    %dma_wait3A_787 = arith.constant 0 : i32
    %dma_wait3A_788 = tpu.memref_slice %arg8[%dma_wait3A_784, %dma_wait3A_786, %dma_wait3A_787] : memref<2x800x64xf32, #tpu.memory_space<vmem>> -> memref<1x800x64xf32, #tpu.memory_space<vmem>>
    %dma_wait3A_789 = tpu.memref_squeeze %dma_wait3A_788 : memref<1x800x64xf32, #tpu.memory_space<vmem>> -> memref<800x64xf32, #tpu.memory_space<vmem>>
    %dma_wait3A_790 = arith.constant 0 : i32
    %dma_wait3A_791 = tpu.memref_slice %arg7[%dma_wait3A_785, %dma_wait3A_790] : memref<2x800xi32, #tpu.memory_space<vmem>> -> memref<1x800xi32, #tpu.memory_space<vmem>>
    %dma_wait3A_792 = tpu.memref_squeeze %dma_wait3A_791 : memref<1x800xi32, #tpu.memory_space<vmem>> -> memref<800xi32, #tpu.memory_space<vmem>>
    %dma_wait3A_793 = arith.constant 0 : i32
    %dma_wait3A_794 = arith.constant 0 : i32
    %dma_wait3A_795 = tpu.memref_slice %arg5[%dma_wait3A_793, %dma_wait3A_794] : memref<819200x64xf32, #tpu.memory_space<hbm>> -> memref<819200x64xf32, #tpu.memory_space<hbm>>
    tpu.wait_indirect_dma semaphore(%arg11 : memref<!tpu.dma_semaphore, #tpu.memory_space<semaphore_mem>>) src(%dma_wait3A_789 : memref<800x64xf32, #tpu.memory_space<vmem>>) dst(%dma_wait3A_795 : memref<819200x64xf32, #tpu.memory_space<hbm>>)
    %mul3A_796 = arith.constant 25600 : i32
    %mul3A_797 = arith.muli %add3A, %mul3A_796 : i32
    %add3A_798 = arith.constant 12000 : i32
    %add3A_799 = arith.addi %mul3A_797, %add3A_798 : i32
    %run_scoped3A_800 = arith.constant 1 : i32
    "tpu.region"() ({
      %run_scoped3A_1726 = tpu.sem_alloc : memref<!tpu.dma_semaphore, #tpu.memory_space<semaphore_mem>>
      %dma_start3A_1727 = arith.constant 0 : i32
      %dma_start3A_1728 = tpu.memref_slice %arg6[%run_scoped3A_800, %dma_start3A_1727] : memref<2x800xi32, #tpu.memory_space<vmem>> -> memref<1x800xi32, #tpu.memory_space<vmem>>
      %dma_start3A_1729 = tpu.memref_squeeze %dma_start3A_1728 : memref<1x800xi32, #tpu.memory_space<vmem>> -> memref<800xi32, #tpu.memory_space<vmem>>
      %dma_start3A_1730 = tpu.memref_slice %arg2[%add3A_799] : memref<819200xi32, #tpu.memory_space<hbm>> -> memref<800xi32, #tpu.memory_space<hbm>>
      %dma_start3A_1731 = arith.constant 0 : i32
      %dma_start3A_1732 = tpu.memref_slice %arg6[%run_scoped3A_800, %dma_start3A_1731] : memref<2x800xi32, #tpu.memory_space<vmem>> -> memref<1x800xi32, #tpu.memory_space<vmem>>
      %dma_start3A_1733 = tpu.memref_squeeze %dma_start3A_1732 : memref<1x800xi32, #tpu.memory_space<vmem>> -> memref<800xi32, #tpu.memory_space<vmem>>
      %dma_start3A_1734 = tpu.memref_slice %arg2[%add3A_799] : memref<819200xi32, #tpu.memory_space<hbm>> -> memref<800xi32, #tpu.memory_space<hbm>>
      tpu.enqueue_dma source(%dma_start3A_1734 : memref<800xi32, #tpu.memory_space<hbm>>) target(%dma_start3A_1733 : memref<800xi32, #tpu.memory_space<vmem>>) target_semaphore(%run_scoped3A_1726 : memref<!tpu.dma_semaphore, #tpu.memory_space<semaphore_mem>>)
      %dma_wait3A_1735 = arith.constant 0 : i32
      %dma_wait3A_1736 = tpu.memref_slice %arg6[%run_scoped3A_800, %dma_wait3A_1735] : memref<2x800xi32, #tpu.memory_space<vmem>> -> memref<1x800xi32, #tpu.memory_space<vmem>>
      %dma_wait3A_1737 = tpu.memref_squeeze %dma_wait3A_1736 : memref<1x800xi32, #tpu.memory_space<vmem>> -> memref<800xi32, #tpu.memory_space<vmem>>
      %dma_wait3A_1738 = tpu.memref_slice %arg2[%add3A_799] : memref<819200xi32, #tpu.memory_space<hbm>> -> memref<800xi32, #tpu.memory_space<hbm>>
      %dma_wait3A_1739 = arith.constant 0 : i32
      %dma_wait3A_1740 = tpu.memref_slice %arg6[%run_scoped3A_800, %dma_wait3A_1739] : memref<2x800xi32, #tpu.memory_space<vmem>> -> memref<1x800xi32, #tpu.memory_space<vmem>>
      %dma_wait3A_1741 = tpu.memref_squeeze %dma_wait3A_1740 : memref<1x800xi32, #tpu.memory_space<vmem>> -> memref<800xi32, #tpu.memory_space<vmem>>
      %dma_wait3A_1742 = tpu.memref_slice %arg2[%add3A_799] : memref<819200xi32, #tpu.memory_space<hbm>> -> memref<800xi32, #tpu.memory_space<hbm>>
      tpu.wait_dma2 semaphore(%run_scoped3A_1726 : memref<!tpu.dma_semaphore, #tpu.memory_space<semaphore_mem>>) src(%dma_wait3A_1742 : memref<800xi32, #tpu.memory_space<hbm>>) dst(%dma_wait3A_1741 : memref<800xi32, #tpu.memory_space<vmem>>)
      tpu.yield
    }) : () -> ()
    %run_scoped3A_801 = arith.constant 1 : i32
    "tpu.region"() ({
      %run_scoped3A_1726 = tpu.sem_alloc : memref<!tpu.dma_semaphore, #tpu.memory_space<semaphore_mem>>
      %dma_start3A_1727 = arith.constant 0 : i32
      %dma_start3A_1728 = tpu.memref_slice %arg7[%run_scoped3A_801, %dma_start3A_1727] : memref<2x800xi32, #tpu.memory_space<vmem>> -> memref<1x800xi32, #tpu.memory_space<vmem>>
      %dma_start3A_1729 = tpu.memref_squeeze %dma_start3A_1728 : memref<1x800xi32, #tpu.memory_space<vmem>> -> memref<800xi32, #tpu.memory_space<vmem>>
      %dma_start3A_1730 = tpu.memref_slice %arg3[%add3A_799] : memref<819200xi32, #tpu.memory_space<hbm>> -> memref<800xi32, #tpu.memory_space<hbm>>
      %dma_start3A_1731 = arith.constant 0 : i32
      %dma_start3A_1732 = tpu.memref_slice %arg7[%run_scoped3A_801, %dma_start3A_1731] : memref<2x800xi32, #tpu.memory_space<vmem>> -> memref<1x800xi32, #tpu.memory_space<vmem>>
      %dma_start3A_1733 = tpu.memref_squeeze %dma_start3A_1732 : memref<1x800xi32, #tpu.memory_space<vmem>> -> memref<800xi32, #tpu.memory_space<vmem>>
      %dma_start3A_1734 = tpu.memref_slice %arg3[%add3A_799] : memref<819200xi32, #tpu.memory_space<hbm>> -> memref<800xi32, #tpu.memory_space<hbm>>
      tpu.enqueue_dma source(%dma_start3A_1734 : memref<800xi32, #tpu.memory_space<hbm>>) target(%dma_start3A_1733 : memref<800xi32, #tpu.memory_space<vmem>>) target_semaphore(%run_scoped3A_1726 : memref<!tpu.dma_semaphore, #tpu.memory_space<semaphore_mem>>)
      %dma_wait3A_1735 = arith.constant 0 : i32
      %dma_wait3A_1736 = tpu.memref_slice %arg7[%run_scoped3A_801, %dma_wait3A_1735] : memref<2x800xi32, #tpu.memory_space<vmem>> -> memref<1x800xi32, #tpu.memory_space<vmem>>
      %dma_wait3A_1737 = tpu.memref_squeeze %dma_wait3A_1736 : memref<1x800xi32, #tpu.memory_space<vmem>> -> memref<800xi32, #tpu.memory_space<vmem>>
      %dma_wait3A_1738 = tpu.memref_slice %arg3[%add3A_799] : memref<819200xi32, #tpu.memory_space<hbm>> -> memref<800xi32, #tpu.memory_space<hbm>>
      %dma_wait3A_1739 = arith.constant 0 : i32
      %dma_wait3A_1740 = tpu.memref_slice %arg7[%run_scoped3A_801, %dma_wait3A_1739] : memref<2x800xi32, #tpu.memory_space<vmem>> -> memref<1x800xi32, #tpu.memory_space<vmem>>
      %dma_wait3A_1741 = tpu.memref_squeeze %dma_wait3A_1740 : memref<1x800xi32, #tpu.memory_space<vmem>> -> memref<800xi32, #tpu.memory_space<vmem>>
      %dma_wait3A_1742 = tpu.memref_slice %arg3[%add3A_799] : memref<819200xi32, #tpu.memory_space<hbm>> -> memref<800xi32, #tpu.memory_space<hbm>>
      tpu.wait_dma2 semaphore(%run_scoped3A_1726 : memref<!tpu.dma_semaphore, #tpu.memory_space<semaphore_mem>>) src(%dma_wait3A_1742 : memref<800xi32, #tpu.memory_space<hbm>>) dst(%dma_wait3A_1741 : memref<800xi32, #tpu.memory_space<vmem>>)
      tpu.yield
    }) : () -> ()
    %dma_start3A_802 = arith.constant 1 : i32
    %dma_start3A_803 = arith.constant 1 : i32
    %dma_start3A_804 = arith.constant 0 : i32
    %dma_start3A_805 = arith.constant 0 : i32
    %dma_start3A_806 = tpu.memref_slice %arg8[%dma_start3A_803, %dma_start3A_804, %dma_start3A_805] : memref<2x800x64xf32, #tpu.memory_space<vmem>> -> memref<1x800x64xf32, #tpu.memory_space<vmem>>
    %dma_start3A_807 = tpu.memref_squeeze %dma_start3A_806 : memref<1x800x64xf32, #tpu.memory_space<vmem>> -> memref<800x64xf32, #tpu.memory_space<vmem>>
    %dma_start3A_808 = arith.constant 0 : i32
    %dma_start3A_809 = tpu.memref_slice %arg6[%dma_start3A_802, %dma_start3A_808] : memref<2x800xi32, #tpu.memory_space<vmem>> -> memref<1x800xi32, #tpu.memory_space<vmem>>
    %dma_start3A_810 = tpu.memref_squeeze %dma_start3A_809 : memref<1x800xi32, #tpu.memory_space<vmem>> -> memref<800xi32, #tpu.memory_space<vmem>>
    %dma_start3A_811 = arith.constant 0 : i32
    %dma_start3A_812 = arith.constant 0 : i32
    %dma_start3A_813 = tpu.memref_slice %arg4[%dma_start3A_811, %dma_start3A_812] : memref<1015808x64xf32, #tpu.memory_space<hbm>> -> memref<1015808x64xf32, #tpu.memory_space<hbm>>
    tpu.enqueue_indirect_dma source(%dma_start3A_813 : memref<1015808x64xf32, #tpu.memory_space<hbm>>) target(%dma_start3A_807 : memref<800x64xf32, #tpu.memory_space<vmem>>) offsets(%dma_start3A_810 : memref<800xi32, #tpu.memory_space<vmem>>) semaphore(%arg9 : memref<!tpu.dma_semaphore, #tpu.memory_space<semaphore_mem>>)
    %dma_wait3A_814 = arith.constant 1 : i32
    %dma_wait3A_815 = arith.constant 1 : i32
    %dma_wait3A_816 = arith.constant 0 : i32
    %dma_wait3A_817 = arith.constant 0 : i32
    %dma_wait3A_818 = tpu.memref_slice %arg8[%dma_wait3A_815, %dma_wait3A_816, %dma_wait3A_817] : memref<2x800x64xf32, #tpu.memory_space<vmem>> -> memref<1x800x64xf32, #tpu.memory_space<vmem>>
    %dma_wait3A_819 = tpu.memref_squeeze %dma_wait3A_818 : memref<1x800x64xf32, #tpu.memory_space<vmem>> -> memref<800x64xf32, #tpu.memory_space<vmem>>
    %dma_wait3A_820 = arith.constant 0 : i32
    %dma_wait3A_821 = tpu.memref_slice %arg6[%dma_wait3A_814, %dma_wait3A_820] : memref<2x800xi32, #tpu.memory_space<vmem>> -> memref<1x800xi32, #tpu.memory_space<vmem>>
    %dma_wait3A_822 = tpu.memref_squeeze %dma_wait3A_821 : memref<1x800xi32, #tpu.memory_space<vmem>> -> memref<800xi32, #tpu.memory_space<vmem>>
    %dma_wait3A_823 = arith.constant 0 : i32
    %dma_wait3A_824 = arith.constant 0 : i32
    %dma_wait3A_825 = tpu.memref_slice %arg4[%dma_wait3A_823, %dma_wait3A_824] : memref<1015808x64xf32, #tpu.memory_space<hbm>> -> memref<1015808x64xf32, #tpu.memory_space<hbm>>
    tpu.wait_indirect_dma semaphore(%arg9 : memref<!tpu.dma_semaphore, #tpu.memory_space<semaphore_mem>>) src(%dma_wait3A_825 : memref<1015808x64xf32, #tpu.memory_space<hbm>>) dst(%dma_wait3A_819 : memref<800x64xf32, #tpu.memory_space<vmem>>)
    %dma_start3A_826 = arith.constant 1 : i32
    %dma_start3A_827 = arith.constant 1 : i32
    %dma_start3A_828 = arith.constant 0 : i32
    %dma_start3A_829 = arith.constant 0 : i32
    %dma_start3A_830 = tpu.memref_slice %arg8[%dma_start3A_826, %dma_start3A_828, %dma_start3A_829] : memref<2x800x64xf32, #tpu.memory_space<vmem>> -> memref<1x800x64xf32, #tpu.memory_space<vmem>>
    %dma_start3A_831 = tpu.memref_squeeze %dma_start3A_830 : memref<1x800x64xf32, #tpu.memory_space<vmem>> -> memref<800x64xf32, #tpu.memory_space<vmem>>
    %dma_start3A_832 = arith.constant 0 : i32
    %dma_start3A_833 = tpu.memref_slice %arg7[%dma_start3A_827, %dma_start3A_832] : memref<2x800xi32, #tpu.memory_space<vmem>> -> memref<1x800xi32, #tpu.memory_space<vmem>>
    %dma_start3A_834 = tpu.memref_squeeze %dma_start3A_833 : memref<1x800xi32, #tpu.memory_space<vmem>> -> memref<800xi32, #tpu.memory_space<vmem>>
    %dma_start3A_835 = arith.constant 0 : i32
    %dma_start3A_836 = arith.constant 0 : i32
    %dma_start3A_837 = tpu.memref_slice %arg5[%dma_start3A_835, %dma_start3A_836] : memref<819200x64xf32, #tpu.memory_space<hbm>> -> memref<819200x64xf32, #tpu.memory_space<hbm>>
    tpu.enqueue_indirect_dma source(%dma_start3A_831 : memref<800x64xf32, #tpu.memory_space<vmem>>) target(%dma_start3A_837 : memref<819200x64xf32, #tpu.memory_space<hbm>>) offsets(%dma_start3A_834 : memref<800xi32, #tpu.memory_space<vmem>>) semaphore(%arg11 : memref<!tpu.dma_semaphore, #tpu.memory_space<semaphore_mem>>)
    %dma_wait3A_838 = arith.constant 0 : i32
    %dma_wait3A_839 = arith.constant 0 : i32
    %dma_wait3A_840 = arith.constant 0 : i32
    %dma_wait3A_841 = arith.constant 0 : i32
    %dma_wait3A_842 = tpu.memref_slice %arg8[%dma_wait3A_838, %dma_wait3A_840, %dma_wait3A_841] : memref<2x800x64xf32, #tpu.memory_space<vmem>> -> memref<1x800x64xf32, #tpu.memory_space<vmem>>
    %dma_wait3A_843 = tpu.memref_squeeze %dma_wait3A_842 : memref<1x800x64xf32, #tpu.memory_space<vmem>> -> memref<800x64xf32, #tpu.memory_space<vmem>>
    %dma_wait3A_844 = arith.constant 0 : i32
    %dma_wait3A_845 = tpu.memref_slice %arg7[%dma_wait3A_839, %dma_wait3A_844] : memref<2x800xi32, #tpu.memory_space<vmem>> -> memref<1x800xi32, #tpu.memory_space<vmem>>
    %dma_wait3A_846 = tpu.memref_squeeze %dma_wait3A_845 : memref<1x800xi32, #tpu.memory_space<vmem>> -> memref<800xi32, #tpu.memory_space<vmem>>
    %dma_wait3A_847 = arith.constant 0 : i32
    %dma_wait3A_848 = arith.constant 0 : i32
    %dma_wait3A_849 = tpu.memref_slice %arg5[%dma_wait3A_847, %dma_wait3A_848] : memref<819200x64xf32, #tpu.memory_space<hbm>> -> memref<819200x64xf32, #tpu.memory_space<hbm>>
    tpu.wait_indirect_dma semaphore(%arg10 : memref<!tpu.dma_semaphore, #tpu.memory_space<semaphore_mem>>) src(%dma_wait3A_843 : memref<800x64xf32, #tpu.memory_space<vmem>>) dst(%dma_wait3A_849 : memref<819200x64xf32, #tpu.memory_space<hbm>>)
    %mul3A_850 = arith.constant 25600 : i32
    %mul3A_851 = arith.muli %add3A, %mul3A_850 : i32
    %add3A_852 = arith.constant 12800 : i32
    %add3A_853 = arith.addi %mul3A_851, %add3A_852 : i32
    %run_scoped3A_854 = arith.constant 0 : i32
    "tpu.region"() ({
      %run_scoped3A_1726 = tpu.sem_alloc : memref<!tpu.dma_semaphore, #tpu.memory_space<semaphore_mem>>
      %dma_start3A_1727 = arith.constant 0 : i32
      %dma_start3A_1728 = tpu.memref_slice %arg6[%run_scoped3A_854, %dma_start3A_1727] : memref<2x800xi32, #tpu.memory_space<vmem>> -> memref<1x800xi32, #tpu.memory_space<vmem>>
      %dma_start3A_1729 = tpu.memref_squeeze %dma_start3A_1728 : memref<1x800xi32, #tpu.memory_space<vmem>> -> memref<800xi32, #tpu.memory_space<vmem>>
      %dma_start3A_1730 = tpu.memref_slice %arg2[%add3A_853] : memref<819200xi32, #tpu.memory_space<hbm>> -> memref<800xi32, #tpu.memory_space<hbm>>
      %dma_start3A_1731 = arith.constant 0 : i32
      %dma_start3A_1732 = tpu.memref_slice %arg6[%run_scoped3A_854, %dma_start3A_1731] : memref<2x800xi32, #tpu.memory_space<vmem>> -> memref<1x800xi32, #tpu.memory_space<vmem>>
      %dma_start3A_1733 = tpu.memref_squeeze %dma_start3A_1732 : memref<1x800xi32, #tpu.memory_space<vmem>> -> memref<800xi32, #tpu.memory_space<vmem>>
      %dma_start3A_1734 = tpu.memref_slice %arg2[%add3A_853] : memref<819200xi32, #tpu.memory_space<hbm>> -> memref<800xi32, #tpu.memory_space<hbm>>
      tpu.enqueue_dma source(%dma_start3A_1734 : memref<800xi32, #tpu.memory_space<hbm>>) target(%dma_start3A_1733 : memref<800xi32, #tpu.memory_space<vmem>>) target_semaphore(%run_scoped3A_1726 : memref<!tpu.dma_semaphore, #tpu.memory_space<semaphore_mem>>)
      %dma_wait3A_1735 = arith.constant 0 : i32
      %dma_wait3A_1736 = tpu.memref_slice %arg6[%run_scoped3A_854, %dma_wait3A_1735] : memref<2x800xi32, #tpu.memory_space<vmem>> -> memref<1x800xi32, #tpu.memory_space<vmem>>
      %dma_wait3A_1737 = tpu.memref_squeeze %dma_wait3A_1736 : memref<1x800xi32, #tpu.memory_space<vmem>> -> memref<800xi32, #tpu.memory_space<vmem>>
      %dma_wait3A_1738 = tpu.memref_slice %arg2[%add3A_853] : memref<819200xi32, #tpu.memory_space<hbm>> -> memref<800xi32, #tpu.memory_space<hbm>>
      %dma_wait3A_1739 = arith.constant 0 : i32
      %dma_wait3A_1740 = tpu.memref_slice %arg6[%run_scoped3A_854, %dma_wait3A_1739] : memref<2x800xi32, #tpu.memory_space<vmem>> -> memref<1x800xi32, #tpu.memory_space<vmem>>
      %dma_wait3A_1741 = tpu.memref_squeeze %dma_wait3A_1740 : memref<1x800xi32, #tpu.memory_space<vmem>> -> memref<800xi32, #tpu.memory_space<vmem>>
      %dma_wait3A_1742 = tpu.memref_slice %arg2[%add3A_853] : memref<819200xi32, #tpu.memory_space<hbm>> -> memref<800xi32, #tpu.memory_space<hbm>>
      tpu.wait_dma2 semaphore(%run_scoped3A_1726 : memref<!tpu.dma_semaphore, #tpu.memory_space<semaphore_mem>>) src(%dma_wait3A_1742 : memref<800xi32, #tpu.memory_space<hbm>>) dst(%dma_wait3A_1741 : memref<800xi32, #tpu.memory_space<vmem>>)
      tpu.yield
    }) : () -> ()
    %run_scoped3A_855 = arith.constant 0 : i32
    "tpu.region"() ({
      %run_scoped3A_1726 = tpu.sem_alloc : memref<!tpu.dma_semaphore, #tpu.memory_space<semaphore_mem>>
      %dma_start3A_1727 = arith.constant 0 : i32
      %dma_start3A_1728 = tpu.memref_slice %arg7[%run_scoped3A_855, %dma_start3A_1727] : memref<2x800xi32, #tpu.memory_space<vmem>> -> memref<1x800xi32, #tpu.memory_space<vmem>>
      %dma_start3A_1729 = tpu.memref_squeeze %dma_start3A_1728 : memref<1x800xi32, #tpu.memory_space<vmem>> -> memref<800xi32, #tpu.memory_space<vmem>>
      %dma_start3A_1730 = tpu.memref_slice %arg3[%add3A_853] : memref<819200xi32, #tpu.memory_space<hbm>> -> memref<800xi32, #tpu.memory_space<hbm>>
      %dma_start3A_1731 = arith.constant 0 : i32
      %dma_start3A_1732 = tpu.memref_slice %arg7[%run_scoped3A_855, %dma_start3A_1731] : memref<2x800xi32, #tpu.memory_space<vmem>> -> memref<1x800xi32, #tpu.memory_space<vmem>>
      %dma_start3A_1733 = tpu.memref_squeeze %dma_start3A_1732 : memref<1x800xi32, #tpu.memory_space<vmem>> -> memref<800xi32, #tpu.memory_space<vmem>>
      %dma_start3A_1734 = tpu.memref_slice %arg3[%add3A_853] : memref<819200xi32, #tpu.memory_space<hbm>> -> memref<800xi32, #tpu.memory_space<hbm>>
      tpu.enqueue_dma source(%dma_start3A_1734 : memref<800xi32, #tpu.memory_space<hbm>>) target(%dma_start3A_1733 : memref<800xi32, #tpu.memory_space<vmem>>) target_semaphore(%run_scoped3A_1726 : memref<!tpu.dma_semaphore, #tpu.memory_space<semaphore_mem>>)
      %dma_wait3A_1735 = arith.constant 0 : i32
      %dma_wait3A_1736 = tpu.memref_slice %arg7[%run_scoped3A_855, %dma_wait3A_1735] : memref<2x800xi32, #tpu.memory_space<vmem>> -> memref<1x800xi32, #tpu.memory_space<vmem>>
      %dma_wait3A_1737 = tpu.memref_squeeze %dma_wait3A_1736 : memref<1x800xi32, #tpu.memory_space<vmem>> -> memref<800xi32, #tpu.memory_space<vmem>>
      %dma_wait3A_1738 = tpu.memref_slice %arg3[%add3A_853] : memref<819200xi32, #tpu.memory_space<hbm>> -> memref<800xi32, #tpu.memory_space<hbm>>
      %dma_wait3A_1739 = arith.constant 0 : i32
      %dma_wait3A_1740 = tpu.memref_slice %arg7[%run_scoped3A_855, %dma_wait3A_1739] : memref<2x800xi32, #tpu.memory_space<vmem>> -> memref<1x800xi32, #tpu.memory_space<vmem>>
      %dma_wait3A_1741 = tpu.memref_squeeze %dma_wait3A_1740 : memref<1x800xi32, #tpu.memory_space<vmem>> -> memref<800xi32, #tpu.memory_space<vmem>>
      %dma_wait3A_1742 = tpu.memref_slice %arg3[%add3A_853] : memref<819200xi32, #tpu.memory_space<hbm>> -> memref<800xi32, #tpu.memory_space<hbm>>
      tpu.wait_dma2 semaphore(%run_scoped3A_1726 : memref<!tpu.dma_semaphore, #tpu.memory_space<semaphore_mem>>) src(%dma_wait3A_1742 : memref<800xi32, #tpu.memory_space<hbm>>) dst(%dma_wait3A_1741 : memref<800xi32, #tpu.memory_space<vmem>>)
      tpu.yield
    }) : () -> ()
    %dma_start3A_856 = arith.constant 0 : i32
    %dma_start3A_857 = arith.constant 0 : i32
    %dma_start3A_858 = arith.constant 0 : i32
    %dma_start3A_859 = arith.constant 0 : i32
    %dma_start3A_860 = tpu.memref_slice %arg8[%dma_start3A_857, %dma_start3A_858, %dma_start3A_859] : memref<2x800x64xf32, #tpu.memory_space<vmem>> -> memref<1x800x64xf32, #tpu.memory_space<vmem>>
    %dma_start3A_861 = tpu.memref_squeeze %dma_start3A_860 : memref<1x800x64xf32, #tpu.memory_space<vmem>> -> memref<800x64xf32, #tpu.memory_space<vmem>>
    %dma_start3A_862 = arith.constant 0 : i32
    %dma_start3A_863 = tpu.memref_slice %arg6[%dma_start3A_856, %dma_start3A_862] : memref<2x800xi32, #tpu.memory_space<vmem>> -> memref<1x800xi32, #tpu.memory_space<vmem>>
    %dma_start3A_864 = tpu.memref_squeeze %dma_start3A_863 : memref<1x800xi32, #tpu.memory_space<vmem>> -> memref<800xi32, #tpu.memory_space<vmem>>
    %dma_start3A_865 = arith.constant 0 : i32
    %dma_start3A_866 = arith.constant 0 : i32
    %dma_start3A_867 = tpu.memref_slice %arg4[%dma_start3A_865, %dma_start3A_866] : memref<1015808x64xf32, #tpu.memory_space<hbm>> -> memref<1015808x64xf32, #tpu.memory_space<hbm>>
    tpu.enqueue_indirect_dma source(%dma_start3A_867 : memref<1015808x64xf32, #tpu.memory_space<hbm>>) target(%dma_start3A_861 : memref<800x64xf32, #tpu.memory_space<vmem>>) offsets(%dma_start3A_864 : memref<800xi32, #tpu.memory_space<vmem>>) semaphore(%arg9 : memref<!tpu.dma_semaphore, #tpu.memory_space<semaphore_mem>>)
    %dma_wait3A_868 = arith.constant 0 : i32
    %dma_wait3A_869 = arith.constant 0 : i32
    %dma_wait3A_870 = arith.constant 0 : i32
    %dma_wait3A_871 = arith.constant 0 : i32
    %dma_wait3A_872 = tpu.memref_slice %arg8[%dma_wait3A_869, %dma_wait3A_870, %dma_wait3A_871] : memref<2x800x64xf32, #tpu.memory_space<vmem>> -> memref<1x800x64xf32, #tpu.memory_space<vmem>>
    %dma_wait3A_873 = tpu.memref_squeeze %dma_wait3A_872 : memref<1x800x64xf32, #tpu.memory_space<vmem>> -> memref<800x64xf32, #tpu.memory_space<vmem>>
    %dma_wait3A_874 = arith.constant 0 : i32
    %dma_wait3A_875 = tpu.memref_slice %arg6[%dma_wait3A_868, %dma_wait3A_874] : memref<2x800xi32, #tpu.memory_space<vmem>> -> memref<1x800xi32, #tpu.memory_space<vmem>>
    %dma_wait3A_876 = tpu.memref_squeeze %dma_wait3A_875 : memref<1x800xi32, #tpu.memory_space<vmem>> -> memref<800xi32, #tpu.memory_space<vmem>>
    %dma_wait3A_877 = arith.constant 0 : i32
    %dma_wait3A_878 = arith.constant 0 : i32
    %dma_wait3A_879 = tpu.memref_slice %arg4[%dma_wait3A_877, %dma_wait3A_878] : memref<1015808x64xf32, #tpu.memory_space<hbm>> -> memref<1015808x64xf32, #tpu.memory_space<hbm>>
    tpu.wait_indirect_dma semaphore(%arg9 : memref<!tpu.dma_semaphore, #tpu.memory_space<semaphore_mem>>) src(%dma_wait3A_879 : memref<1015808x64xf32, #tpu.memory_space<hbm>>) dst(%dma_wait3A_873 : memref<800x64xf32, #tpu.memory_space<vmem>>)
    %dma_start3A_880 = arith.constant 0 : i32
    %dma_start3A_881 = arith.constant 0 : i32
    %dma_start3A_882 = arith.constant 0 : i32
    %dma_start3A_883 = arith.constant 0 : i32
    %dma_start3A_884 = tpu.memref_slice %arg8[%dma_start3A_880, %dma_start3A_882, %dma_start3A_883] : memref<2x800x64xf32, #tpu.memory_space<vmem>> -> memref<1x800x64xf32, #tpu.memory_space<vmem>>
    %dma_start3A_885 = tpu.memref_squeeze %dma_start3A_884 : memref<1x800x64xf32, #tpu.memory_space<vmem>> -> memref<800x64xf32, #tpu.memory_space<vmem>>
    %dma_start3A_886 = arith.constant 0 : i32
    %dma_start3A_887 = tpu.memref_slice %arg7[%dma_start3A_881, %dma_start3A_886] : memref<2x800xi32, #tpu.memory_space<vmem>> -> memref<1x800xi32, #tpu.memory_space<vmem>>
    %dma_start3A_888 = tpu.memref_squeeze %dma_start3A_887 : memref<1x800xi32, #tpu.memory_space<vmem>> -> memref<800xi32, #tpu.memory_space<vmem>>
    %dma_start3A_889 = arith.constant 0 : i32
    %dma_start3A_890 = arith.constant 0 : i32
    %dma_start3A_891 = tpu.memref_slice %arg5[%dma_start3A_889, %dma_start3A_890] : memref<819200x64xf32, #tpu.memory_space<hbm>> -> memref<819200x64xf32, #tpu.memory_space<hbm>>
    tpu.enqueue_indirect_dma source(%dma_start3A_885 : memref<800x64xf32, #tpu.memory_space<vmem>>) target(%dma_start3A_891 : memref<819200x64xf32, #tpu.memory_space<hbm>>) offsets(%dma_start3A_888 : memref<800xi32, #tpu.memory_space<vmem>>) semaphore(%arg10 : memref<!tpu.dma_semaphore, #tpu.memory_space<semaphore_mem>>)
    %dma_wait3A_892 = arith.constant 1 : i32
    %dma_wait3A_893 = arith.constant 1 : i32
    %dma_wait3A_894 = arith.constant 0 : i32
    %dma_wait3A_895 = arith.constant 0 : i32
    %dma_wait3A_896 = tpu.memref_slice %arg8[%dma_wait3A_892, %dma_wait3A_894, %dma_wait3A_895] : memref<2x800x64xf32, #tpu.memory_space<vmem>> -> memref<1x800x64xf32, #tpu.memory_space<vmem>>
    %dma_wait3A_897 = tpu.memref_squeeze %dma_wait3A_896 : memref<1x800x64xf32, #tpu.memory_space<vmem>> -> memref<800x64xf32, #tpu.memory_space<vmem>>
    %dma_wait3A_898 = arith.constant 0 : i32
    %dma_wait3A_899 = tpu.memref_slice %arg7[%dma_wait3A_893, %dma_wait3A_898] : memref<2x800xi32, #tpu.memory_space<vmem>> -> memref<1x800xi32, #tpu.memory_space<vmem>>
    %dma_wait3A_900 = tpu.memref_squeeze %dma_wait3A_899 : memref<1x800xi32, #tpu.memory_space<vmem>> -> memref<800xi32, #tpu.memory_space<vmem>>
    %dma_wait3A_901 = arith.constant 0 : i32
    %dma_wait3A_902 = arith.constant 0 : i32
    %dma_wait3A_903 = tpu.memref_slice %arg5[%dma_wait3A_901, %dma_wait3A_902] : memref<819200x64xf32, #tpu.memory_space<hbm>> -> memref<819200x64xf32, #tpu.memory_space<hbm>>
    tpu.wait_indirect_dma semaphore(%arg11 : memref<!tpu.dma_semaphore, #tpu.memory_space<semaphore_mem>>) src(%dma_wait3A_897 : memref<800x64xf32, #tpu.memory_space<vmem>>) dst(%dma_wait3A_903 : memref<819200x64xf32, #tpu.memory_space<hbm>>)
    %mul3A_904 = arith.constant 25600 : i32
    %mul3A_905 = arith.muli %add3A, %mul3A_904 : i32
    %add3A_906 = arith.constant 13600 : i32
    %add3A_907 = arith.addi %mul3A_905, %add3A_906 : i32
    %run_scoped3A_908 = arith.constant 1 : i32
    "tpu.region"() ({
      %run_scoped3A_1726 = tpu.sem_alloc : memref<!tpu.dma_semaphore, #tpu.memory_space<semaphore_mem>>
      %dma_start3A_1727 = arith.constant 0 : i32
      %dma_start3A_1728 = tpu.memref_slice %arg6[%run_scoped3A_908, %dma_start3A_1727] : memref<2x800xi32, #tpu.memory_space<vmem>> -> memref<1x800xi32, #tpu.memory_space<vmem>>
      %dma_start3A_1729 = tpu.memref_squeeze %dma_start3A_1728 : memref<1x800xi32, #tpu.memory_space<vmem>> -> memref<800xi32, #tpu.memory_space<vmem>>
      %dma_start3A_1730 = tpu.memref_slice %arg2[%add3A_907] : memref<819200xi32, #tpu.memory_space<hbm>> -> memref<800xi32, #tpu.memory_space<hbm>>
      %dma_start3A_1731 = arith.constant 0 : i32
      %dma_start3A_1732 = tpu.memref_slice %arg6[%run_scoped3A_908, %dma_start3A_1731] : memref<2x800xi32, #tpu.memory_space<vmem>> -> memref<1x800xi32, #tpu.memory_space<vmem>>
      %dma_start3A_1733 = tpu.memref_squeeze %dma_start3A_1732 : memref<1x800xi32, #tpu.memory_space<vmem>> -> memref<800xi32, #tpu.memory_space<vmem>>
      %dma_start3A_1734 = tpu.memref_slice %arg2[%add3A_907] : memref<819200xi32, #tpu.memory_space<hbm>> -> memref<800xi32, #tpu.memory_space<hbm>>
      tpu.enqueue_dma source(%dma_start3A_1734 : memref<800xi32, #tpu.memory_space<hbm>>) target(%dma_start3A_1733 : memref<800xi32, #tpu.memory_space<vmem>>) target_semaphore(%run_scoped3A_1726 : memref<!tpu.dma_semaphore, #tpu.memory_space<semaphore_mem>>)
      %dma_wait3A_1735 = arith.constant 0 : i32
      %dma_wait3A_1736 = tpu.memref_slice %arg6[%run_scoped3A_908, %dma_wait3A_1735] : memref<2x800xi32, #tpu.memory_space<vmem>> -> memref<1x800xi32, #tpu.memory_space<vmem>>
      %dma_wait3A_1737 = tpu.memref_squeeze %dma_wait3A_1736 : memref<1x800xi32, #tpu.memory_space<vmem>> -> memref<800xi32, #tpu.memory_space<vmem>>
      %dma_wait3A_1738 = tpu.memref_slice %arg2[%add3A_907] : memref<819200xi32, #tpu.memory_space<hbm>> -> memref<800xi32, #tpu.memory_space<hbm>>
      %dma_wait3A_1739 = arith.constant 0 : i32
      %dma_wait3A_1740 = tpu.memref_slice %arg6[%run_scoped3A_908, %dma_wait3A_1739] : memref<2x800xi32, #tpu.memory_space<vmem>> -> memref<1x800xi32, #tpu.memory_space<vmem>>
      %dma_wait3A_1741 = tpu.memref_squeeze %dma_wait3A_1740 : memref<1x800xi32, #tpu.memory_space<vmem>> -> memref<800xi32, #tpu.memory_space<vmem>>
      %dma_wait3A_1742 = tpu.memref_slice %arg2[%add3A_907] : memref<819200xi32, #tpu.memory_space<hbm>> -> memref<800xi32, #tpu.memory_space<hbm>>
      tpu.wait_dma2 semaphore(%run_scoped3A_1726 : memref<!tpu.dma_semaphore, #tpu.memory_space<semaphore_mem>>) src(%dma_wait3A_1742 : memref<800xi32, #tpu.memory_space<hbm>>) dst(%dma_wait3A_1741 : memref<800xi32, #tpu.memory_space<vmem>>)
      tpu.yield
    }) : () -> ()
    %run_scoped3A_909 = arith.constant 1 : i32
    "tpu.region"() ({
      %run_scoped3A_1726 = tpu.sem_alloc : memref<!tpu.dma_semaphore, #tpu.memory_space<semaphore_mem>>
      %dma_start3A_1727 = arith.constant 0 : i32
      %dma_start3A_1728 = tpu.memref_slice %arg7[%run_scoped3A_909, %dma_start3A_1727] : memref<2x800xi32, #tpu.memory_space<vmem>> -> memref<1x800xi32, #tpu.memory_space<vmem>>
      %dma_start3A_1729 = tpu.memref_squeeze %dma_start3A_1728 : memref<1x800xi32, #tpu.memory_space<vmem>> -> memref<800xi32, #tpu.memory_space<vmem>>
      %dma_start3A_1730 = tpu.memref_slice %arg3[%add3A_907] : memref<819200xi32, #tpu.memory_space<hbm>> -> memref<800xi32, #tpu.memory_space<hbm>>
      %dma_start3A_1731 = arith.constant 0 : i32
      %dma_start3A_1732 = tpu.memref_slice %arg7[%run_scoped3A_909, %dma_start3A_1731] : memref<2x800xi32, #tpu.memory_space<vmem>> -> memref<1x800xi32, #tpu.memory_space<vmem>>
      %dma_start3A_1733 = tpu.memref_squeeze %dma_start3A_1732 : memref<1x800xi32, #tpu.memory_space<vmem>> -> memref<800xi32, #tpu.memory_space<vmem>>
      %dma_start3A_1734 = tpu.memref_slice %arg3[%add3A_907] : memref<819200xi32, #tpu.memory_space<hbm>> -> memref<800xi32, #tpu.memory_space<hbm>>
      tpu.enqueue_dma source(%dma_start3A_1734 : memref<800xi32, #tpu.memory_space<hbm>>) target(%dma_start3A_1733 : memref<800xi32, #tpu.memory_space<vmem>>) target_semaphore(%run_scoped3A_1726 : memref<!tpu.dma_semaphore, #tpu.memory_space<semaphore_mem>>)
      %dma_wait3A_1735 = arith.constant 0 : i32
      %dma_wait3A_1736 = tpu.memref_slice %arg7[%run_scoped3A_909, %dma_wait3A_1735] : memref<2x800xi32, #tpu.memory_space<vmem>> -> memref<1x800xi32, #tpu.memory_space<vmem>>
      %dma_wait3A_1737 = tpu.memref_squeeze %dma_wait3A_1736 : memref<1x800xi32, #tpu.memory_space<vmem>> -> memref<800xi32, #tpu.memory_space<vmem>>
      %dma_wait3A_1738 = tpu.memref_slice %arg3[%add3A_907] : memref<819200xi32, #tpu.memory_space<hbm>> -> memref<800xi32, #tpu.memory_space<hbm>>
      %dma_wait3A_1739 = arith.constant 0 : i32
      %dma_wait3A_1740 = tpu.memref_slice %arg7[%run_scoped3A_909, %dma_wait3A_1739] : memref<2x800xi32, #tpu.memory_space<vmem>> -> memref<1x800xi32, #tpu.memory_space<vmem>>
      %dma_wait3A_1741 = tpu.memref_squeeze %dma_wait3A_1740 : memref<1x800xi32, #tpu.memory_space<vmem>> -> memref<800xi32, #tpu.memory_space<vmem>>
      %dma_wait3A_1742 = tpu.memref_slice %arg3[%add3A_907] : memref<819200xi32, #tpu.memory_space<hbm>> -> memref<800xi32, #tpu.memory_space<hbm>>
      tpu.wait_dma2 semaphore(%run_scoped3A_1726 : memref<!tpu.dma_semaphore, #tpu.memory_space<semaphore_mem>>) src(%dma_wait3A_1742 : memref<800xi32, #tpu.memory_space<hbm>>) dst(%dma_wait3A_1741 : memref<800xi32, #tpu.memory_space<vmem>>)
      tpu.yield
    }) : () -> ()
    %dma_start3A_910 = arith.constant 1 : i32
    %dma_start3A_911 = arith.constant 1 : i32
    %dma_start3A_912 = arith.constant 0 : i32
    %dma_start3A_913 = arith.constant 0 : i32
    %dma_start3A_914 = tpu.memref_slice %arg8[%dma_start3A_911, %dma_start3A_912, %dma_start3A_913] : memref<2x800x64xf32, #tpu.memory_space<vmem>> -> memref<1x800x64xf32, #tpu.memory_space<vmem>>
    %dma_start3A_915 = tpu.memref_squeeze %dma_start3A_914 : memref<1x800x64xf32, #tpu.memory_space<vmem>> -> memref<800x64xf32, #tpu.memory_space<vmem>>
    %dma_start3A_916 = arith.constant 0 : i32
    %dma_start3A_917 = tpu.memref_slice %arg6[%dma_start3A_910, %dma_start3A_916] : memref<2x800xi32, #tpu.memory_space<vmem>> -> memref<1x800xi32, #tpu.memory_space<vmem>>
    %dma_start3A_918 = tpu.memref_squeeze %dma_start3A_917 : memref<1x800xi32, #tpu.memory_space<vmem>> -> memref<800xi32, #tpu.memory_space<vmem>>
    %dma_start3A_919 = arith.constant 0 : i32
    %dma_start3A_920 = arith.constant 0 : i32
    %dma_start3A_921 = tpu.memref_slice %arg4[%dma_start3A_919, %dma_start3A_920] : memref<1015808x64xf32, #tpu.memory_space<hbm>> -> memref<1015808x64xf32, #tpu.memory_space<hbm>>
    tpu.enqueue_indirect_dma source(%dma_start3A_921 : memref<1015808x64xf32, #tpu.memory_space<hbm>>) target(%dma_start3A_915 : memref<800x64xf32, #tpu.memory_space<vmem>>) offsets(%dma_start3A_918 : memref<800xi32, #tpu.memory_space<vmem>>) semaphore(%arg9 : memref<!tpu.dma_semaphore, #tpu.memory_space<semaphore_mem>>)
    %dma_wait3A_922 = arith.constant 1 : i32
    %dma_wait3A_923 = arith.constant 1 : i32
    %dma_wait3A_924 = arith.constant 0 : i32
    %dma_wait3A_925 = arith.constant 0 : i32
    %dma_wait3A_926 = tpu.memref_slice %arg8[%dma_wait3A_923, %dma_wait3A_924, %dma_wait3A_925] : memref<2x800x64xf32, #tpu.memory_space<vmem>> -> memref<1x800x64xf32, #tpu.memory_space<vmem>>
    %dma_wait3A_927 = tpu.memref_squeeze %dma_wait3A_926 : memref<1x800x64xf32, #tpu.memory_space<vmem>> -> memref<800x64xf32, #tpu.memory_space<vmem>>
    %dma_wait3A_928 = arith.constant 0 : i32
    %dma_wait3A_929 = tpu.memref_slice %arg6[%dma_wait3A_922, %dma_wait3A_928] : memref<2x800xi32, #tpu.memory_space<vmem>> -> memref<1x800xi32, #tpu.memory_space<vmem>>
    %dma_wait3A_930 = tpu.memref_squeeze %dma_wait3A_929 : memref<1x800xi32, #tpu.memory_space<vmem>> -> memref<800xi32, #tpu.memory_space<vmem>>
    %dma_wait3A_931 = arith.constant 0 : i32
    %dma_wait3A_932 = arith.constant 0 : i32
    %dma_wait3A_933 = tpu.memref_slice %arg4[%dma_wait3A_931, %dma_wait3A_932] : memref<1015808x64xf32, #tpu.memory_space<hbm>> -> memref<1015808x64xf32, #tpu.memory_space<hbm>>
    tpu.wait_indirect_dma semaphore(%arg9 : memref<!tpu.dma_semaphore, #tpu.memory_space<semaphore_mem>>) src(%dma_wait3A_933 : memref<1015808x64xf32, #tpu.memory_space<hbm>>) dst(%dma_wait3A_927 : memref<800x64xf32, #tpu.memory_space<vmem>>)
    %dma_start3A_934 = arith.constant 1 : i32
    %dma_start3A_935 = arith.constant 1 : i32
    %dma_start3A_936 = arith.constant 0 : i32
    %dma_start3A_937 = arith.constant 0 : i32
    %dma_start3A_938 = tpu.memref_slice %arg8[%dma_start3A_934, %dma_start3A_936, %dma_start3A_937] : memref<2x800x64xf32, #tpu.memory_space<vmem>> -> memref<1x800x64xf32, #tpu.memory_space<vmem>>
    %dma_start3A_939 = tpu.memref_squeeze %dma_start3A_938 : memref<1x800x64xf32, #tpu.memory_space<vmem>> -> memref<800x64xf32, #tpu.memory_space<vmem>>
    %dma_start3A_940 = arith.constant 0 : i32
    %dma_start3A_941 = tpu.memref_slice %arg7[%dma_start3A_935, %dma_start3A_940] : memref<2x800xi32, #tpu.memory_space<vmem>> -> memref<1x800xi32, #tpu.memory_space<vmem>>
    %dma_start3A_942 = tpu.memref_squeeze %dma_start3A_941 : memref<1x800xi32, #tpu.memory_space<vmem>> -> memref<800xi32, #tpu.memory_space<vmem>>
    %dma_start3A_943 = arith.constant 0 : i32
    %dma_start3A_944 = arith.constant 0 : i32
    %dma_start3A_945 = tpu.memref_slice %arg5[%dma_start3A_943, %dma_start3A_944] : memref<819200x64xf32, #tpu.memory_space<hbm>> -> memref<819200x64xf32, #tpu.memory_space<hbm>>
    tpu.enqueue_indirect_dma source(%dma_start3A_939 : memref<800x64xf32, #tpu.memory_space<vmem>>) target(%dma_start3A_945 : memref<819200x64xf32, #tpu.memory_space<hbm>>) offsets(%dma_start3A_942 : memref<800xi32, #tpu.memory_space<vmem>>) semaphore(%arg11 : memref<!tpu.dma_semaphore, #tpu.memory_space<semaphore_mem>>)
    %dma_wait3A_946 = arith.constant 0 : i32
    %dma_wait3A_947 = arith.constant 0 : i32
    %dma_wait3A_948 = arith.constant 0 : i32
    %dma_wait3A_949 = arith.constant 0 : i32
    %dma_wait3A_950 = tpu.memref_slice %arg8[%dma_wait3A_946, %dma_wait3A_948, %dma_wait3A_949] : memref<2x800x64xf32, #tpu.memory_space<vmem>> -> memref<1x800x64xf32, #tpu.memory_space<vmem>>
    %dma_wait3A_951 = tpu.memref_squeeze %dma_wait3A_950 : memref<1x800x64xf32, #tpu.memory_space<vmem>> -> memref<800x64xf32, #tpu.memory_space<vmem>>
    %dma_wait3A_952 = arith.constant 0 : i32
    %dma_wait3A_953 = tpu.memref_slice %arg7[%dma_wait3A_947, %dma_wait3A_952] : memref<2x800xi32, #tpu.memory_space<vmem>> -> memref<1x800xi32, #tpu.memory_space<vmem>>
    %dma_wait3A_954 = tpu.memref_squeeze %dma_wait3A_953 : memref<1x800xi32, #tpu.memory_space<vmem>> -> memref<800xi32, #tpu.memory_space<vmem>>
    %dma_wait3A_955 = arith.constant 0 : i32
    %dma_wait3A_956 = arith.constant 0 : i32
    %dma_wait3A_957 = tpu.memref_slice %arg5[%dma_wait3A_955, %dma_wait3A_956] : memref<819200x64xf32, #tpu.memory_space<hbm>> -> memref<819200x64xf32, #tpu.memory_space<hbm>>
    tpu.wait_indirect_dma semaphore(%arg10 : memref<!tpu.dma_semaphore, #tpu.memory_space<semaphore_mem>>) src(%dma_wait3A_951 : memref<800x64xf32, #tpu.memory_space<vmem>>) dst(%dma_wait3A_957 : memref<819200x64xf32, #tpu.memory_space<hbm>>)
    %mul3A_958 = arith.constant 25600 : i32
    %mul3A_959 = arith.muli %add3A, %mul3A_958 : i32
    %add3A_960 = arith.constant 14400 : i32
    %add3A_961 = arith.addi %mul3A_959, %add3A_960 : i32
    %run_scoped3A_962 = arith.constant 0 : i32
    "tpu.region"() ({
      %run_scoped3A_1726 = tpu.sem_alloc : memref<!tpu.dma_semaphore, #tpu.memory_space<semaphore_mem>>
      %dma_start3A_1727 = arith.constant 0 : i32
      %dma_start3A_1728 = tpu.memref_slice %arg6[%run_scoped3A_962, %dma_start3A_1727] : memref<2x800xi32, #tpu.memory_space<vmem>> -> memref<1x800xi32, #tpu.memory_space<vmem>>
      %dma_start3A_1729 = tpu.memref_squeeze %dma_start3A_1728 : memref<1x800xi32, #tpu.memory_space<vmem>> -> memref<800xi32, #tpu.memory_space<vmem>>
      %dma_start3A_1730 = tpu.memref_slice %arg2[%add3A_961] : memref<819200xi32, #tpu.memory_space<hbm>> -> memref<800xi32, #tpu.memory_space<hbm>>
      %dma_start3A_1731 = arith.constant 0 : i32
      %dma_start3A_1732 = tpu.memref_slice %arg6[%run_scoped3A_962, %dma_start3A_1731] : memref<2x800xi32, #tpu.memory_space<vmem>> -> memref<1x800xi32, #tpu.memory_space<vmem>>
      %dma_start3A_1733 = tpu.memref_squeeze %dma_start3A_1732 : memref<1x800xi32, #tpu.memory_space<vmem>> -> memref<800xi32, #tpu.memory_space<vmem>>
      %dma_start3A_1734 = tpu.memref_slice %arg2[%add3A_961] : memref<819200xi32, #tpu.memory_space<hbm>> -> memref<800xi32, #tpu.memory_space<hbm>>
      tpu.enqueue_dma source(%dma_start3A_1734 : memref<800xi32, #tpu.memory_space<hbm>>) target(%dma_start3A_1733 : memref<800xi32, #tpu.memory_space<vmem>>) target_semaphore(%run_scoped3A_1726 : memref<!tpu.dma_semaphore, #tpu.memory_space<semaphore_mem>>)
      %dma_wait3A_1735 = arith.constant 0 : i32
      %dma_wait3A_1736 = tpu.memref_slice %arg6[%run_scoped3A_962, %dma_wait3A_1735] : memref<2x800xi32, #tpu.memory_space<vmem>> -> memref<1x800xi32, #tpu.memory_space<vmem>>
      %dma_wait3A_1737 = tpu.memref_squeeze %dma_wait3A_1736 : memref<1x800xi32, #tpu.memory_space<vmem>> -> memref<800xi32, #tpu.memory_space<vmem>>
      %dma_wait3A_1738 = tpu.memref_slice %arg2[%add3A_961] : memref<819200xi32, #tpu.memory_space<hbm>> -> memref<800xi32, #tpu.memory_space<hbm>>
      %dma_wait3A_1739 = arith.constant 0 : i32
      %dma_wait3A_1740 = tpu.memref_slice %arg6[%run_scoped3A_962, %dma_wait3A_1739] : memref<2x800xi32, #tpu.memory_space<vmem>> -> memref<1x800xi32, #tpu.memory_space<vmem>>
      %dma_wait3A_1741 = tpu.memref_squeeze %dma_wait3A_1740 : memref<1x800xi32, #tpu.memory_space<vmem>> -> memref<800xi32, #tpu.memory_space<vmem>>
      %dma_wait3A_1742 = tpu.memref_slice %arg2[%add3A_961] : memref<819200xi32, #tpu.memory_space<hbm>> -> memref<800xi32, #tpu.memory_space<hbm>>
      tpu.wait_dma2 semaphore(%run_scoped3A_1726 : memref<!tpu.dma_semaphore, #tpu.memory_space<semaphore_mem>>) src(%dma_wait3A_1742 : memref<800xi32, #tpu.memory_space<hbm>>) dst(%dma_wait3A_1741 : memref<800xi32, #tpu.memory_space<vmem>>)
      tpu.yield
    }) : () -> ()
    %run_scoped3A_963 = arith.constant 0 : i32
    "tpu.region"() ({
      %run_scoped3A_1726 = tpu.sem_alloc : memref<!tpu.dma_semaphore, #tpu.memory_space<semaphore_mem>>
      %dma_start3A_1727 = arith.constant 0 : i32
      %dma_start3A_1728 = tpu.memref_slice %arg7[%run_scoped3A_963, %dma_start3A_1727] : memref<2x800xi32, #tpu.memory_space<vmem>> -> memref<1x800xi32, #tpu.memory_space<vmem>>
      %dma_start3A_1729 = tpu.memref_squeeze %dma_start3A_1728 : memref<1x800xi32, #tpu.memory_space<vmem>> -> memref<800xi32, #tpu.memory_space<vmem>>
      %dma_start3A_1730 = tpu.memref_slice %arg3[%add3A_961] : memref<819200xi32, #tpu.memory_space<hbm>> -> memref<800xi32, #tpu.memory_space<hbm>>
      %dma_start3A_1731 = arith.constant 0 : i32
      %dma_start3A_1732 = tpu.memref_slice %arg7[%run_scoped3A_963, %dma_start3A_1731] : memref<2x800xi32, #tpu.memory_space<vmem>> -> memref<1x800xi32, #tpu.memory_space<vmem>>
      %dma_start3A_1733 = tpu.memref_squeeze %dma_start3A_1732 : memref<1x800xi32, #tpu.memory_space<vmem>> -> memref<800xi32, #tpu.memory_space<vmem>>
      %dma_start3A_1734 = tpu.memref_slice %arg3[%add3A_961] : memref<819200xi32, #tpu.memory_space<hbm>> -> memref<800xi32, #tpu.memory_space<hbm>>
      tpu.enqueue_dma source(%dma_start3A_1734 : memref<800xi32, #tpu.memory_space<hbm>>) target(%dma_start3A_1733 : memref<800xi32, #tpu.memory_space<vmem>>) target_semaphore(%run_scoped3A_1726 : memref<!tpu.dma_semaphore, #tpu.memory_space<semaphore_mem>>)
      %dma_wait3A_1735 = arith.constant 0 : i32
      %dma_wait3A_1736 = tpu.memref_slice %arg7[%run_scoped3A_963, %dma_wait3A_1735] : memref<2x800xi32, #tpu.memory_space<vmem>> -> memref<1x800xi32, #tpu.memory_space<vmem>>
      %dma_wait3A_1737 = tpu.memref_squeeze %dma_wait3A_1736 : memref<1x800xi32, #tpu.memory_space<vmem>> -> memref<800xi32, #tpu.memory_space<vmem>>
      %dma_wait3A_1738 = tpu.memref_slice %arg3[%add3A_961] : memref<819200xi32, #tpu.memory_space<hbm>> -> memref<800xi32, #tpu.memory_space<hbm>>
      %dma_wait3A_1739 = arith.constant 0 : i32
      %dma_wait3A_1740 = tpu.memref_slice %arg7[%run_scoped3A_963, %dma_wait3A_1739] : memref<2x800xi32, #tpu.memory_space<vmem>> -> memref<1x800xi32, #tpu.memory_space<vmem>>
      %dma_wait3A_1741 = tpu.memref_squeeze %dma_wait3A_1740 : memref<1x800xi32, #tpu.memory_space<vmem>> -> memref<800xi32, #tpu.memory_space<vmem>>
      %dma_wait3A_1742 = tpu.memref_slice %arg3[%add3A_961] : memref<819200xi32, #tpu.memory_space<hbm>> -> memref<800xi32, #tpu.memory_space<hbm>>
      tpu.wait_dma2 semaphore(%run_scoped3A_1726 : memref<!tpu.dma_semaphore, #tpu.memory_space<semaphore_mem>>) src(%dma_wait3A_1742 : memref<800xi32, #tpu.memory_space<hbm>>) dst(%dma_wait3A_1741 : memref<800xi32, #tpu.memory_space<vmem>>)
      tpu.yield
    }) : () -> ()
    %dma_start3A_964 = arith.constant 0 : i32
    %dma_start3A_965 = arith.constant 0 : i32
    %dma_start3A_966 = arith.constant 0 : i32
    %dma_start3A_967 = arith.constant 0 : i32
    %dma_start3A_968 = tpu.memref_slice %arg8[%dma_start3A_965, %dma_start3A_966, %dma_start3A_967] : memref<2x800x64xf32, #tpu.memory_space<vmem>> -> memref<1x800x64xf32, #tpu.memory_space<vmem>>
    %dma_start3A_969 = tpu.memref_squeeze %dma_start3A_968 : memref<1x800x64xf32, #tpu.memory_space<vmem>> -> memref<800x64xf32, #tpu.memory_space<vmem>>
    %dma_start3A_970 = arith.constant 0 : i32
    %dma_start3A_971 = tpu.memref_slice %arg6[%dma_start3A_964, %dma_start3A_970] : memref<2x800xi32, #tpu.memory_space<vmem>> -> memref<1x800xi32, #tpu.memory_space<vmem>>
    %dma_start3A_972 = tpu.memref_squeeze %dma_start3A_971 : memref<1x800xi32, #tpu.memory_space<vmem>> -> memref<800xi32, #tpu.memory_space<vmem>>
    %dma_start3A_973 = arith.constant 0 : i32
    %dma_start3A_974 = arith.constant 0 : i32
    %dma_start3A_975 = tpu.memref_slice %arg4[%dma_start3A_973, %dma_start3A_974] : memref<1015808x64xf32, #tpu.memory_space<hbm>> -> memref<1015808x64xf32, #tpu.memory_space<hbm>>
    tpu.enqueue_indirect_dma source(%dma_start3A_975 : memref<1015808x64xf32, #tpu.memory_space<hbm>>) target(%dma_start3A_969 : memref<800x64xf32, #tpu.memory_space<vmem>>) offsets(%dma_start3A_972 : memref<800xi32, #tpu.memory_space<vmem>>) semaphore(%arg9 : memref<!tpu.dma_semaphore, #tpu.memory_space<semaphore_mem>>)
    %dma_wait3A_976 = arith.constant 0 : i32
    %dma_wait3A_977 = arith.constant 0 : i32
    %dma_wait3A_978 = arith.constant 0 : i32
    %dma_wait3A_979 = arith.constant 0 : i32
    %dma_wait3A_980 = tpu.memref_slice %arg8[%dma_wait3A_977, %dma_wait3A_978, %dma_wait3A_979] : memref<2x800x64xf32, #tpu.memory_space<vmem>> -> memref<1x800x64xf32, #tpu.memory_space<vmem>>
    %dma_wait3A_981 = tpu.memref_squeeze %dma_wait3A_980 : memref<1x800x64xf32, #tpu.memory_space<vmem>> -> memref<800x64xf32, #tpu.memory_space<vmem>>
    %dma_wait3A_982 = arith.constant 0 : i32
    %dma_wait3A_983 = tpu.memref_slice %arg6[%dma_wait3A_976, %dma_wait3A_982] : memref<2x800xi32, #tpu.memory_space<vmem>> -> memref<1x800xi32, #tpu.memory_space<vmem>>
    %dma_wait3A_984 = tpu.memref_squeeze %dma_wait3A_983 : memref<1x800xi32, #tpu.memory_space<vmem>> -> memref<800xi32, #tpu.memory_space<vmem>>
    %dma_wait3A_985 = arith.constant 0 : i32
    %dma_wait3A_986 = arith.constant 0 : i32
    %dma_wait3A_987 = tpu.memref_slice %arg4[%dma_wait3A_985, %dma_wait3A_986] : memref<1015808x64xf32, #tpu.memory_space<hbm>> -> memref<1015808x64xf32, #tpu.memory_space<hbm>>
    tpu.wait_indirect_dma semaphore(%arg9 : memref<!tpu.dma_semaphore, #tpu.memory_space<semaphore_mem>>) src(%dma_wait3A_987 : memref<1015808x64xf32, #tpu.memory_space<hbm>>) dst(%dma_wait3A_981 : memref<800x64xf32, #tpu.memory_space<vmem>>)
    %dma_start3A_988 = arith.constant 0 : i32
    %dma_start3A_989 = arith.constant 0 : i32
    %dma_start3A_990 = arith.constant 0 : i32
    %dma_start3A_991 = arith.constant 0 : i32
    %dma_start3A_992 = tpu.memref_slice %arg8[%dma_start3A_988, %dma_start3A_990, %dma_start3A_991] : memref<2x800x64xf32, #tpu.memory_space<vmem>> -> memref<1x800x64xf32, #tpu.memory_space<vmem>>
    %dma_start3A_993 = tpu.memref_squeeze %dma_start3A_992 : memref<1x800x64xf32, #tpu.memory_space<vmem>> -> memref<800x64xf32, #tpu.memory_space<vmem>>
    %dma_start3A_994 = arith.constant 0 : i32
    %dma_start3A_995 = tpu.memref_slice %arg7[%dma_start3A_989, %dma_start3A_994] : memref<2x800xi32, #tpu.memory_space<vmem>> -> memref<1x800xi32, #tpu.memory_space<vmem>>
    %dma_start3A_996 = tpu.memref_squeeze %dma_start3A_995 : memref<1x800xi32, #tpu.memory_space<vmem>> -> memref<800xi32, #tpu.memory_space<vmem>>
    %dma_start3A_997 = arith.constant 0 : i32
    %dma_start3A_998 = arith.constant 0 : i32
    %dma_start3A_999 = tpu.memref_slice %arg5[%dma_start3A_997, %dma_start3A_998] : memref<819200x64xf32, #tpu.memory_space<hbm>> -> memref<819200x64xf32, #tpu.memory_space<hbm>>
    tpu.enqueue_indirect_dma source(%dma_start3A_993 : memref<800x64xf32, #tpu.memory_space<vmem>>) target(%dma_start3A_999 : memref<819200x64xf32, #tpu.memory_space<hbm>>) offsets(%dma_start3A_996 : memref<800xi32, #tpu.memory_space<vmem>>) semaphore(%arg10 : memref<!tpu.dma_semaphore, #tpu.memory_space<semaphore_mem>>)
    %dma_wait3A_1000 = arith.constant 1 : i32
    %dma_wait3A_1001 = arith.constant 1 : i32
    %dma_wait3A_1002 = arith.constant 0 : i32
    %dma_wait3A_1003 = arith.constant 0 : i32
    %dma_wait3A_1004 = tpu.memref_slice %arg8[%dma_wait3A_1000, %dma_wait3A_1002, %dma_wait3A_1003] : memref<2x800x64xf32, #tpu.memory_space<vmem>> -> memref<1x800x64xf32, #tpu.memory_space<vmem>>
    %dma_wait3A_1005 = tpu.memref_squeeze %dma_wait3A_1004 : memref<1x800x64xf32, #tpu.memory_space<vmem>> -> memref<800x64xf32, #tpu.memory_space<vmem>>
    %dma_wait3A_1006 = arith.constant 0 : i32
    %dma_wait3A_1007 = tpu.memref_slice %arg7[%dma_wait3A_1001, %dma_wait3A_1006] : memref<2x800xi32, #tpu.memory_space<vmem>> -> memref<1x800xi32, #tpu.memory_space<vmem>>
    %dma_wait3A_1008 = tpu.memref_squeeze %dma_wait3A_1007 : memref<1x800xi32, #tpu.memory_space<vmem>> -> memref<800xi32, #tpu.memory_space<vmem>>
    %dma_wait3A_1009 = arith.constant 0 : i32
    %dma_wait3A_1010 = arith.constant 0 : i32
    %dma_wait3A_1011 = tpu.memref_slice %arg5[%dma_wait3A_1009, %dma_wait3A_1010] : memref<819200x64xf32, #tpu.memory_space<hbm>> -> memref<819200x64xf32, #tpu.memory_space<hbm>>
    tpu.wait_indirect_dma semaphore(%arg11 : memref<!tpu.dma_semaphore, #tpu.memory_space<semaphore_mem>>) src(%dma_wait3A_1005 : memref<800x64xf32, #tpu.memory_space<vmem>>) dst(%dma_wait3A_1011 : memref<819200x64xf32, #tpu.memory_space<hbm>>)
    %mul3A_1012 = arith.constant 25600 : i32
    %mul3A_1013 = arith.muli %add3A, %mul3A_1012 : i32
    %add3A_1014 = arith.constant 15200 : i32
    %add3A_1015 = arith.addi %mul3A_1013, %add3A_1014 : i32
    %run_scoped3A_1016 = arith.constant 1 : i32
    "tpu.region"() ({
      %run_scoped3A_1726 = tpu.sem_alloc : memref<!tpu.dma_semaphore, #tpu.memory_space<semaphore_mem>>
      %dma_start3A_1727 = arith.constant 0 : i32
      %dma_start3A_1728 = tpu.memref_slice %arg6[%run_scoped3A_1016, %dma_start3A_1727] : memref<2x800xi32, #tpu.memory_space<vmem>> -> memref<1x800xi32, #tpu.memory_space<vmem>>
      %dma_start3A_1729 = tpu.memref_squeeze %dma_start3A_1728 : memref<1x800xi32, #tpu.memory_space<vmem>> -> memref<800xi32, #tpu.memory_space<vmem>>
      %dma_start3A_1730 = tpu.memref_slice %arg2[%add3A_1015] : memref<819200xi32, #tpu.memory_space<hbm>> -> memref<800xi32, #tpu.memory_space<hbm>>
      %dma_start3A_1731 = arith.constant 0 : i32
      %dma_start3A_1732 = tpu.memref_slice %arg6[%run_scoped3A_1016, %dma_start3A_1731] : memref<2x800xi32, #tpu.memory_space<vmem>> -> memref<1x800xi32, #tpu.memory_space<vmem>>
      %dma_start3A_1733 = tpu.memref_squeeze %dma_start3A_1732 : memref<1x800xi32, #tpu.memory_space<vmem>> -> memref<800xi32, #tpu.memory_space<vmem>>
      %dma_start3A_1734 = tpu.memref_slice %arg2[%add3A_1015] : memref<819200xi32, #tpu.memory_space<hbm>> -> memref<800xi32, #tpu.memory_space<hbm>>
      tpu.enqueue_dma source(%dma_start3A_1734 : memref<800xi32, #tpu.memory_space<hbm>>) target(%dma_start3A_1733 : memref<800xi32, #tpu.memory_space<vmem>>) target_semaphore(%run_scoped3A_1726 : memref<!tpu.dma_semaphore, #tpu.memory_space<semaphore_mem>>)
      %dma_wait3A_1735 = arith.constant 0 : i32
      %dma_wait3A_1736 = tpu.memref_slice %arg6[%run_scoped3A_1016, %dma_wait3A_1735] : memref<2x800xi32, #tpu.memory_space<vmem>> -> memref<1x800xi32, #tpu.memory_space<vmem>>
      %dma_wait3A_1737 = tpu.memref_squeeze %dma_wait3A_1736 : memref<1x800xi32, #tpu.memory_space<vmem>> -> memref<800xi32, #tpu.memory_space<vmem>>
      %dma_wait3A_1738 = tpu.memref_slice %arg2[%add3A_1015] : memref<819200xi32, #tpu.memory_space<hbm>> -> memref<800xi32, #tpu.memory_space<hbm>>
      %dma_wait3A_1739 = arith.constant 0 : i32
      %dma_wait3A_1740 = tpu.memref_slice %arg6[%run_scoped3A_1016, %dma_wait3A_1739] : memref<2x800xi32, #tpu.memory_space<vmem>> -> memref<1x800xi32, #tpu.memory_space<vmem>>
      %dma_wait3A_1741 = tpu.memref_squeeze %dma_wait3A_1740 : memref<1x800xi32, #tpu.memory_space<vmem>> -> memref<800xi32, #tpu.memory_space<vmem>>
      %dma_wait3A_1742 = tpu.memref_slice %arg2[%add3A_1015] : memref<819200xi32, #tpu.memory_space<hbm>> -> memref<800xi32, #tpu.memory_space<hbm>>
      tpu.wait_dma2 semaphore(%run_scoped3A_1726 : memref<!tpu.dma_semaphore, #tpu.memory_space<semaphore_mem>>) src(%dma_wait3A_1742 : memref<800xi32, #tpu.memory_space<hbm>>) dst(%dma_wait3A_1741 : memref<800xi32, #tpu.memory_space<vmem>>)
      tpu.yield
    }) : () -> ()
    %run_scoped3A_1017 = arith.constant 1 : i32
    "tpu.region"() ({
      %run_scoped3A_1726 = tpu.sem_alloc : memref<!tpu.dma_semaphore, #tpu.memory_space<semaphore_mem>>
      %dma_start3A_1727 = arith.constant 0 : i32
      %dma_start3A_1728 = tpu.memref_slice %arg7[%run_scoped3A_1017, %dma_start3A_1727] : memref<2x800xi32, #tpu.memory_space<vmem>> -> memref<1x800xi32, #tpu.memory_space<vmem>>
      %dma_start3A_1729 = tpu.memref_squeeze %dma_start3A_1728 : memref<1x800xi32, #tpu.memory_space<vmem>> -> memref<800xi32, #tpu.memory_space<vmem>>
      %dma_start3A_1730 = tpu.memref_slice %arg3[%add3A_1015] : memref<819200xi32, #tpu.memory_space<hbm>> -> memref<800xi32, #tpu.memory_space<hbm>>
      %dma_start3A_1731 = arith.constant 0 : i32
      %dma_start3A_1732 = tpu.memref_slice %arg7[%run_scoped3A_1017, %dma_start3A_1731] : memref<2x800xi32, #tpu.memory_space<vmem>> -> memref<1x800xi32, #tpu.memory_space<vmem>>
      %dma_start3A_1733 = tpu.memref_squeeze %dma_start3A_1732 : memref<1x800xi32, #tpu.memory_space<vmem>> -> memref<800xi32, #tpu.memory_space<vmem>>
      %dma_start3A_1734 = tpu.memref_slice %arg3[%add3A_1015] : memref<819200xi32, #tpu.memory_space<hbm>> -> memref<800xi32, #tpu.memory_space<hbm>>
      tpu.enqueue_dma source(%dma_start3A_1734 : memref<800xi32, #tpu.memory_space<hbm>>) target(%dma_start3A_1733 : memref<800xi32, #tpu.memory_space<vmem>>) target_semaphore(%run_scoped3A_1726 : memref<!tpu.dma_semaphore, #tpu.memory_space<semaphore_mem>>)
      %dma_wait3A_1735 = arith.constant 0 : i32
      %dma_wait3A_1736 = tpu.memref_slice %arg7[%run_scoped3A_1017, %dma_wait3A_1735] : memref<2x800xi32, #tpu.memory_space<vmem>> -> memref<1x800xi32, #tpu.memory_space<vmem>>
      %dma_wait3A_1737 = tpu.memref_squeeze %dma_wait3A_1736 : memref<1x800xi32, #tpu.memory_space<vmem>> -> memref<800xi32, #tpu.memory_space<vmem>>
      %dma_wait3A_1738 = tpu.memref_slice %arg3[%add3A_1015] : memref<819200xi32, #tpu.memory_space<hbm>> -> memref<800xi32, #tpu.memory_space<hbm>>
      %dma_wait3A_1739 = arith.constant 0 : i32
      %dma_wait3A_1740 = tpu.memref_slice %arg7[%run_scoped3A_1017, %dma_wait3A_1739] : memref<2x800xi32, #tpu.memory_space<vmem>> -> memref<1x800xi32, #tpu.memory_space<vmem>>
      %dma_wait3A_1741 = tpu.memref_squeeze %dma_wait3A_1740 : memref<1x800xi32, #tpu.memory_space<vmem>> -> memref<800xi32, #tpu.memory_space<vmem>>
      %dma_wait3A_1742 = tpu.memref_slice %arg3[%add3A_1015] : memref<819200xi32, #tpu.memory_space<hbm>> -> memref<800xi32, #tpu.memory_space<hbm>>
      tpu.wait_dma2 semaphore(%run_scoped3A_1726 : memref<!tpu.dma_semaphore, #tpu.memory_space<semaphore_mem>>) src(%dma_wait3A_1742 : memref<800xi32, #tpu.memory_space<hbm>>) dst(%dma_wait3A_1741 : memref<800xi32, #tpu.memory_space<vmem>>)
      tpu.yield
    }) : () -> ()
    %dma_start3A_1018 = arith.constant 1 : i32
    %dma_start3A_1019 = arith.constant 1 : i32
    %dma_start3A_1020 = arith.constant 0 : i32
    %dma_start3A_1021 = arith.constant 0 : i32
    %dma_start3A_1022 = tpu.memref_slice %arg8[%dma_start3A_1019, %dma_start3A_1020, %dma_start3A_1021] : memref<2x800x64xf32, #tpu.memory_space<vmem>> -> memref<1x800x64xf32, #tpu.memory_space<vmem>>
    %dma_start3A_1023 = tpu.memref_squeeze %dma_start3A_1022 : memref<1x800x64xf32, #tpu.memory_space<vmem>> -> memref<800x64xf32, #tpu.memory_space<vmem>>
    %dma_start3A_1024 = arith.constant 0 : i32
    %dma_start3A_1025 = tpu.memref_slice %arg6[%dma_start3A_1018, %dma_start3A_1024] : memref<2x800xi32, #tpu.memory_space<vmem>> -> memref<1x800xi32, #tpu.memory_space<vmem>>
    %dma_start3A_1026 = tpu.memref_squeeze %dma_start3A_1025 : memref<1x800xi32, #tpu.memory_space<vmem>> -> memref<800xi32, #tpu.memory_space<vmem>>
    %dma_start3A_1027 = arith.constant 0 : i32
    %dma_start3A_1028 = arith.constant 0 : i32
    %dma_start3A_1029 = tpu.memref_slice %arg4[%dma_start3A_1027, %dma_start3A_1028] : memref<1015808x64xf32, #tpu.memory_space<hbm>> -> memref<1015808x64xf32, #tpu.memory_space<hbm>>
    tpu.enqueue_indirect_dma source(%dma_start3A_1029 : memref<1015808x64xf32, #tpu.memory_space<hbm>>) target(%dma_start3A_1023 : memref<800x64xf32, #tpu.memory_space<vmem>>) offsets(%dma_start3A_1026 : memref<800xi32, #tpu.memory_space<vmem>>) semaphore(%arg9 : memref<!tpu.dma_semaphore, #tpu.memory_space<semaphore_mem>>)
    %dma_wait3A_1030 = arith.constant 1 : i32
    %dma_wait3A_1031 = arith.constant 1 : i32
    %dma_wait3A_1032 = arith.constant 0 : i32
    %dma_wait3A_1033 = arith.constant 0 : i32
    %dma_wait3A_1034 = tpu.memref_slice %arg8[%dma_wait3A_1031, %dma_wait3A_1032, %dma_wait3A_1033] : memref<2x800x64xf32, #tpu.memory_space<vmem>> -> memref<1x800x64xf32, #tpu.memory_space<vmem>>
    %dma_wait3A_1035 = tpu.memref_squeeze %dma_wait3A_1034 : memref<1x800x64xf32, #tpu.memory_space<vmem>> -> memref<800x64xf32, #tpu.memory_space<vmem>>
    %dma_wait3A_1036 = arith.constant 0 : i32
    %dma_wait3A_1037 = tpu.memref_slice %arg6[%dma_wait3A_1030, %dma_wait3A_1036] : memref<2x800xi32, #tpu.memory_space<vmem>> -> memref<1x800xi32, #tpu.memory_space<vmem>>
    %dma_wait3A_1038 = tpu.memref_squeeze %dma_wait3A_1037 : memref<1x800xi32, #tpu.memory_space<vmem>> -> memref<800xi32, #tpu.memory_space<vmem>>
    %dma_wait3A_1039 = arith.constant 0 : i32
    %dma_wait3A_1040 = arith.constant 0 : i32
    %dma_wait3A_1041 = tpu.memref_slice %arg4[%dma_wait3A_1039, %dma_wait3A_1040] : memref<1015808x64xf32, #tpu.memory_space<hbm>> -> memref<1015808x64xf32, #tpu.memory_space<hbm>>
    tpu.wait_indirect_dma semaphore(%arg9 : memref<!tpu.dma_semaphore, #tpu.memory_space<semaphore_mem>>) src(%dma_wait3A_1041 : memref<1015808x64xf32, #tpu.memory_space<hbm>>) dst(%dma_wait3A_1035 : memref<800x64xf32, #tpu.memory_space<vmem>>)
    %dma_start3A_1042 = arith.constant 1 : i32
    %dma_start3A_1043 = arith.constant 1 : i32
    %dma_start3A_1044 = arith.constant 0 : i32
    %dma_start3A_1045 = arith.constant 0 : i32
    %dma_start3A_1046 = tpu.memref_slice %arg8[%dma_start3A_1042, %dma_start3A_1044, %dma_start3A_1045] : memref<2x800x64xf32, #tpu.memory_space<vmem>> -> memref<1x800x64xf32, #tpu.memory_space<vmem>>
    %dma_start3A_1047 = tpu.memref_squeeze %dma_start3A_1046 : memref<1x800x64xf32, #tpu.memory_space<vmem>> -> memref<800x64xf32, #tpu.memory_space<vmem>>
    %dma_start3A_1048 = arith.constant 0 : i32
    %dma_start3A_1049 = tpu.memref_slice %arg7[%dma_start3A_1043, %dma_start3A_1048] : memref<2x800xi32, #tpu.memory_space<vmem>> -> memref<1x800xi32, #tpu.memory_space<vmem>>
    %dma_start3A_1050 = tpu.memref_squeeze %dma_start3A_1049 : memref<1x800xi32, #tpu.memory_space<vmem>> -> memref<800xi32, #tpu.memory_space<vmem>>
    %dma_start3A_1051 = arith.constant 0 : i32
    %dma_start3A_1052 = arith.constant 0 : i32
    %dma_start3A_1053 = tpu.memref_slice %arg5[%dma_start3A_1051, %dma_start3A_1052] : memref<819200x64xf32, #tpu.memory_space<hbm>> -> memref<819200x64xf32, #tpu.memory_space<hbm>>
    tpu.enqueue_indirect_dma source(%dma_start3A_1047 : memref<800x64xf32, #tpu.memory_space<vmem>>) target(%dma_start3A_1053 : memref<819200x64xf32, #tpu.memory_space<hbm>>) offsets(%dma_start3A_1050 : memref<800xi32, #tpu.memory_space<vmem>>) semaphore(%arg11 : memref<!tpu.dma_semaphore, #tpu.memory_space<semaphore_mem>>)
    %dma_wait3A_1054 = arith.constant 0 : i32
    %dma_wait3A_1055 = arith.constant 0 : i32
    %dma_wait3A_1056 = arith.constant 0 : i32
    %dma_wait3A_1057 = arith.constant 0 : i32
    %dma_wait3A_1058 = tpu.memref_slice %arg8[%dma_wait3A_1054, %dma_wait3A_1056, %dma_wait3A_1057] : memref<2x800x64xf32, #tpu.memory_space<vmem>> -> memref<1x800x64xf32, #tpu.memory_space<vmem>>
    %dma_wait3A_1059 = tpu.memref_squeeze %dma_wait3A_1058 : memref<1x800x64xf32, #tpu.memory_space<vmem>> -> memref<800x64xf32, #tpu.memory_space<vmem>>
    %dma_wait3A_1060 = arith.constant 0 : i32
    %dma_wait3A_1061 = tpu.memref_slice %arg7[%dma_wait3A_1055, %dma_wait3A_1060] : memref<2x800xi32, #tpu.memory_space<vmem>> -> memref<1x800xi32, #tpu.memory_space<vmem>>
    %dma_wait3A_1062 = tpu.memref_squeeze %dma_wait3A_1061 : memref<1x800xi32, #tpu.memory_space<vmem>> -> memref<800xi32, #tpu.memory_space<vmem>>
    %dma_wait3A_1063 = arith.constant 0 : i32
    %dma_wait3A_1064 = arith.constant 0 : i32
    %dma_wait3A_1065 = tpu.memref_slice %arg5[%dma_wait3A_1063, %dma_wait3A_1064] : memref<819200x64xf32, #tpu.memory_space<hbm>> -> memref<819200x64xf32, #tpu.memory_space<hbm>>
    tpu.wait_indirect_dma semaphore(%arg10 : memref<!tpu.dma_semaphore, #tpu.memory_space<semaphore_mem>>) src(%dma_wait3A_1059 : memref<800x64xf32, #tpu.memory_space<vmem>>) dst(%dma_wait3A_1065 : memref<819200x64xf32, #tpu.memory_space<hbm>>)
    %mul3A_1066 = arith.constant 25600 : i32
    %mul3A_1067 = arith.muli %add3A, %mul3A_1066 : i32
    %add3A_1068 = arith.constant 16000 : i32
    %add3A_1069 = arith.addi %mul3A_1067, %add3A_1068 : i32
    %run_scoped3A_1070 = arith.constant 0 : i32
    "tpu.region"() ({
      %run_scoped3A_1726 = tpu.sem_alloc : memref<!tpu.dma_semaphore, #tpu.memory_space<semaphore_mem>>
      %dma_start3A_1727 = arith.constant 0 : i32
      %dma_start3A_1728 = tpu.memref_slice %arg6[%run_scoped3A_1070, %dma_start3A_1727] : memref<2x800xi32, #tpu.memory_space<vmem>> -> memref<1x800xi32, #tpu.memory_space<vmem>>
      %dma_start3A_1729 = tpu.memref_squeeze %dma_start3A_1728 : memref<1x800xi32, #tpu.memory_space<vmem>> -> memref<800xi32, #tpu.memory_space<vmem>>
      %dma_start3A_1730 = tpu.memref_slice %arg2[%add3A_1069] : memref<819200xi32, #tpu.memory_space<hbm>> -> memref<800xi32, #tpu.memory_space<hbm>>
      %dma_start3A_1731 = arith.constant 0 : i32
      %dma_start3A_1732 = tpu.memref_slice %arg6[%run_scoped3A_1070, %dma_start3A_1731] : memref<2x800xi32, #tpu.memory_space<vmem>> -> memref<1x800xi32, #tpu.memory_space<vmem>>
      %dma_start3A_1733 = tpu.memref_squeeze %dma_start3A_1732 : memref<1x800xi32, #tpu.memory_space<vmem>> -> memref<800xi32, #tpu.memory_space<vmem>>
      %dma_start3A_1734 = tpu.memref_slice %arg2[%add3A_1069] : memref<819200xi32, #tpu.memory_space<hbm>> -> memref<800xi32, #tpu.memory_space<hbm>>
      tpu.enqueue_dma source(%dma_start3A_1734 : memref<800xi32, #tpu.memory_space<hbm>>) target(%dma_start3A_1733 : memref<800xi32, #tpu.memory_space<vmem>>) target_semaphore(%run_scoped3A_1726 : memref<!tpu.dma_semaphore, #tpu.memory_space<semaphore_mem>>)
      %dma_wait3A_1735 = arith.constant 0 : i32
      %dma_wait3A_1736 = tpu.memref_slice %arg6[%run_scoped3A_1070, %dma_wait3A_1735] : memref<2x800xi32, #tpu.memory_space<vmem>> -> memref<1x800xi32, #tpu.memory_space<vmem>>
      %dma_wait3A_1737 = tpu.memref_squeeze %dma_wait3A_1736 : memref<1x800xi32, #tpu.memory_space<vmem>> -> memref<800xi32, #tpu.memory_space<vmem>>
      %dma_wait3A_1738 = tpu.memref_slice %arg2[%add3A_1069] : memref<819200xi32, #tpu.memory_space<hbm>> -> memref<800xi32, #tpu.memory_space<hbm>>
      %dma_wait3A_1739 = arith.constant 0 : i32
      %dma_wait3A_1740 = tpu.memref_slice %arg6[%run_scoped3A_1070, %dma_wait3A_1739] : memref<2x800xi32, #tpu.memory_space<vmem>> -> memref<1x800xi32, #tpu.memory_space<vmem>>
      %dma_wait3A_1741 = tpu.memref_squeeze %dma_wait3A_1740 : memref<1x800xi32, #tpu.memory_space<vmem>> -> memref<800xi32, #tpu.memory_space<vmem>>
      %dma_wait3A_1742 = tpu.memref_slice %arg2[%add3A_1069] : memref<819200xi32, #tpu.memory_space<hbm>> -> memref<800xi32, #tpu.memory_space<hbm>>
      tpu.wait_dma2 semaphore(%run_scoped3A_1726 : memref<!tpu.dma_semaphore, #tpu.memory_space<semaphore_mem>>) src(%dma_wait3A_1742 : memref<800xi32, #tpu.memory_space<hbm>>) dst(%dma_wait3A_1741 : memref<800xi32, #tpu.memory_space<vmem>>)
      tpu.yield
    }) : () -> ()
    %run_scoped3A_1071 = arith.constant 0 : i32
    "tpu.region"() ({
      %run_scoped3A_1726 = tpu.sem_alloc : memref<!tpu.dma_semaphore, #tpu.memory_space<semaphore_mem>>
      %dma_start3A_1727 = arith.constant 0 : i32
      %dma_start3A_1728 = tpu.memref_slice %arg7[%run_scoped3A_1071, %dma_start3A_1727] : memref<2x800xi32, #tpu.memory_space<vmem>> -> memref<1x800xi32, #tpu.memory_space<vmem>>
      %dma_start3A_1729 = tpu.memref_squeeze %dma_start3A_1728 : memref<1x800xi32, #tpu.memory_space<vmem>> -> memref<800xi32, #tpu.memory_space<vmem>>
      %dma_start3A_1730 = tpu.memref_slice %arg3[%add3A_1069] : memref<819200xi32, #tpu.memory_space<hbm>> -> memref<800xi32, #tpu.memory_space<hbm>>
      %dma_start3A_1731 = arith.constant 0 : i32
      %dma_start3A_1732 = tpu.memref_slice %arg7[%run_scoped3A_1071, %dma_start3A_1731] : memref<2x800xi32, #tpu.memory_space<vmem>> -> memref<1x800xi32, #tpu.memory_space<vmem>>
      %dma_start3A_1733 = tpu.memref_squeeze %dma_start3A_1732 : memref<1x800xi32, #tpu.memory_space<vmem>> -> memref<800xi32, #tpu.memory_space<vmem>>
      %dma_start3A_1734 = tpu.memref_slice %arg3[%add3A_1069] : memref<819200xi32, #tpu.memory_space<hbm>> -> memref<800xi32, #tpu.memory_space<hbm>>
      tpu.enqueue_dma source(%dma_start3A_1734 : memref<800xi32, #tpu.memory_space<hbm>>) target(%dma_start3A_1733 : memref<800xi32, #tpu.memory_space<vmem>>) target_semaphore(%run_scoped3A_1726 : memref<!tpu.dma_semaphore, #tpu.memory_space<semaphore_mem>>)
      %dma_wait3A_1735 = arith.constant 0 : i32
      %dma_wait3A_1736 = tpu.memref_slice %arg7[%run_scoped3A_1071, %dma_wait3A_1735] : memref<2x800xi32, #tpu.memory_space<vmem>> -> memref<1x800xi32, #tpu.memory_space<vmem>>
      %dma_wait3A_1737 = tpu.memref_squeeze %dma_wait3A_1736 : memref<1x800xi32, #tpu.memory_space<vmem>> -> memref<800xi32, #tpu.memory_space<vmem>>
      %dma_wait3A_1738 = tpu.memref_slice %arg3[%add3A_1069] : memref<819200xi32, #tpu.memory_space<hbm>> -> memref<800xi32, #tpu.memory_space<hbm>>
      %dma_wait3A_1739 = arith.constant 0 : i32
      %dma_wait3A_1740 = tpu.memref_slice %arg7[%run_scoped3A_1071, %dma_wait3A_1739] : memref<2x800xi32, #tpu.memory_space<vmem>> -> memref<1x800xi32, #tpu.memory_space<vmem>>
      %dma_wait3A_1741 = tpu.memref_squeeze %dma_wait3A_1740 : memref<1x800xi32, #tpu.memory_space<vmem>> -> memref<800xi32, #tpu.memory_space<vmem>>
      %dma_wait3A_1742 = tpu.memref_slice %arg3[%add3A_1069] : memref<819200xi32, #tpu.memory_space<hbm>> -> memref<800xi32, #tpu.memory_space<hbm>>
      tpu.wait_dma2 semaphore(%run_scoped3A_1726 : memref<!tpu.dma_semaphore, #tpu.memory_space<semaphore_mem>>) src(%dma_wait3A_1742 : memref<800xi32, #tpu.memory_space<hbm>>) dst(%dma_wait3A_1741 : memref<800xi32, #tpu.memory_space<vmem>>)
      tpu.yield
    }) : () -> ()
    %dma_start3A_1072 = arith.constant 0 : i32
    %dma_start3A_1073 = arith.constant 0 : i32
    %dma_start3A_1074 = arith.constant 0 : i32
    %dma_start3A_1075 = arith.constant 0 : i32
    %dma_start3A_1076 = tpu.memref_slice %arg8[%dma_start3A_1073, %dma_start3A_1074, %dma_start3A_1075] : memref<2x800x64xf32, #tpu.memory_space<vmem>> -> memref<1x800x64xf32, #tpu.memory_space<vmem>>
    %dma_start3A_1077 = tpu.memref_squeeze %dma_start3A_1076 : memref<1x800x64xf32, #tpu.memory_space<vmem>> -> memref<800x64xf32, #tpu.memory_space<vmem>>
    %dma_start3A_1078 = arith.constant 0 : i32
    %dma_start3A_1079 = tpu.memref_slice %arg6[%dma_start3A_1072, %dma_start3A_1078] : memref<2x800xi32, #tpu.memory_space<vmem>> -> memref<1x800xi32, #tpu.memory_space<vmem>>
    %dma_start3A_1080 = tpu.memref_squeeze %dma_start3A_1079 : memref<1x800xi32, #tpu.memory_space<vmem>> -> memref<800xi32, #tpu.memory_space<vmem>>
    %dma_start3A_1081 = arith.constant 0 : i32
    %dma_start3A_1082 = arith.constant 0 : i32
    %dma_start3A_1083 = tpu.memref_slice %arg4[%dma_start3A_1081, %dma_start3A_1082] : memref<1015808x64xf32, #tpu.memory_space<hbm>> -> memref<1015808x64xf32, #tpu.memory_space<hbm>>
    tpu.enqueue_indirect_dma source(%dma_start3A_1083 : memref<1015808x64xf32, #tpu.memory_space<hbm>>) target(%dma_start3A_1077 : memref<800x64xf32, #tpu.memory_space<vmem>>) offsets(%dma_start3A_1080 : memref<800xi32, #tpu.memory_space<vmem>>) semaphore(%arg9 : memref<!tpu.dma_semaphore, #tpu.memory_space<semaphore_mem>>)
    %dma_wait3A_1084 = arith.constant 0 : i32
    %dma_wait3A_1085 = arith.constant 0 : i32
    %dma_wait3A_1086 = arith.constant 0 : i32
    %dma_wait3A_1087 = arith.constant 0 : i32
    %dma_wait3A_1088 = tpu.memref_slice %arg8[%dma_wait3A_1085, %dma_wait3A_1086, %dma_wait3A_1087] : memref<2x800x64xf32, #tpu.memory_space<vmem>> -> memref<1x800x64xf32, #tpu.memory_space<vmem>>
    %dma_wait3A_1089 = tpu.memref_squeeze %dma_wait3A_1088 : memref<1x800x64xf32, #tpu.memory_space<vmem>> -> memref<800x64xf32, #tpu.memory_space<vmem>>
    %dma_wait3A_1090 = arith.constant 0 : i32
    %dma_wait3A_1091 = tpu.memref_slice %arg6[%dma_wait3A_1084, %dma_wait3A_1090] : memref<2x800xi32, #tpu.memory_space<vmem>> -> memref<1x800xi32, #tpu.memory_space<vmem>>
    %dma_wait3A_1092 = tpu.memref_squeeze %dma_wait3A_1091 : memref<1x800xi32, #tpu.memory_space<vmem>> -> memref<800xi32, #tpu.memory_space<vmem>>
    %dma_wait3A_1093 = arith.constant 0 : i32
    %dma_wait3A_1094 = arith.constant 0 : i32
    %dma_wait3A_1095 = tpu.memref_slice %arg4[%dma_wait3A_1093, %dma_wait3A_1094] : memref<1015808x64xf32, #tpu.memory_space<hbm>> -> memref<1015808x64xf32, #tpu.memory_space<hbm>>
    tpu.wait_indirect_dma semaphore(%arg9 : memref<!tpu.dma_semaphore, #tpu.memory_space<semaphore_mem>>) src(%dma_wait3A_1095 : memref<1015808x64xf32, #tpu.memory_space<hbm>>) dst(%dma_wait3A_1089 : memref<800x64xf32, #tpu.memory_space<vmem>>)
    %dma_start3A_1096 = arith.constant 0 : i32
    %dma_start3A_1097 = arith.constant 0 : i32
    %dma_start3A_1098 = arith.constant 0 : i32
    %dma_start3A_1099 = arith.constant 0 : i32
    %dma_start3A_1100 = tpu.memref_slice %arg8[%dma_start3A_1096, %dma_start3A_1098, %dma_start3A_1099] : memref<2x800x64xf32, #tpu.memory_space<vmem>> -> memref<1x800x64xf32, #tpu.memory_space<vmem>>
    %dma_start3A_1101 = tpu.memref_squeeze %dma_start3A_1100 : memref<1x800x64xf32, #tpu.memory_space<vmem>> -> memref<800x64xf32, #tpu.memory_space<vmem>>
    %dma_start3A_1102 = arith.constant 0 : i32
    %dma_start3A_1103 = tpu.memref_slice %arg7[%dma_start3A_1097, %dma_start3A_1102] : memref<2x800xi32, #tpu.memory_space<vmem>> -> memref<1x800xi32, #tpu.memory_space<vmem>>
    %dma_start3A_1104 = tpu.memref_squeeze %dma_start3A_1103 : memref<1x800xi32, #tpu.memory_space<vmem>> -> memref<800xi32, #tpu.memory_space<vmem>>
    %dma_start3A_1105 = arith.constant 0 : i32
    %dma_start3A_1106 = arith.constant 0 : i32
    %dma_start3A_1107 = tpu.memref_slice %arg5[%dma_start3A_1105, %dma_start3A_1106] : memref<819200x64xf32, #tpu.memory_space<hbm>> -> memref<819200x64xf32, #tpu.memory_space<hbm>>
    tpu.enqueue_indirect_dma source(%dma_start3A_1101 : memref<800x64xf32, #tpu.memory_space<vmem>>) target(%dma_start3A_1107 : memref<819200x64xf32, #tpu.memory_space<hbm>>) offsets(%dma_start3A_1104 : memref<800xi32, #tpu.memory_space<vmem>>) semaphore(%arg10 : memref<!tpu.dma_semaphore, #tpu.memory_space<semaphore_mem>>)
    %dma_wait3A_1108 = arith.constant 1 : i32
    %dma_wait3A_1109 = arith.constant 1 : i32
    %dma_wait3A_1110 = arith.constant 0 : i32
    %dma_wait3A_1111 = arith.constant 0 : i32
    %dma_wait3A_1112 = tpu.memref_slice %arg8[%dma_wait3A_1108, %dma_wait3A_1110, %dma_wait3A_1111] : memref<2x800x64xf32, #tpu.memory_space<vmem>> -> memref<1x800x64xf32, #tpu.memory_space<vmem>>
    %dma_wait3A_1113 = tpu.memref_squeeze %dma_wait3A_1112 : memref<1x800x64xf32, #tpu.memory_space<vmem>> -> memref<800x64xf32, #tpu.memory_space<vmem>>
    %dma_wait3A_1114 = arith.constant 0 : i32
    %dma_wait3A_1115 = tpu.memref_slice %arg7[%dma_wait3A_1109, %dma_wait3A_1114] : memref<2x800xi32, #tpu.memory_space<vmem>> -> memref<1x800xi32, #tpu.memory_space<vmem>>
    %dma_wait3A_1116 = tpu.memref_squeeze %dma_wait3A_1115 : memref<1x800xi32, #tpu.memory_space<vmem>> -> memref<800xi32, #tpu.memory_space<vmem>>
    %dma_wait3A_1117 = arith.constant 0 : i32
    %dma_wait3A_1118 = arith.constant 0 : i32
    %dma_wait3A_1119 = tpu.memref_slice %arg5[%dma_wait3A_1117, %dma_wait3A_1118] : memref<819200x64xf32, #tpu.memory_space<hbm>> -> memref<819200x64xf32, #tpu.memory_space<hbm>>
    tpu.wait_indirect_dma semaphore(%arg11 : memref<!tpu.dma_semaphore, #tpu.memory_space<semaphore_mem>>) src(%dma_wait3A_1113 : memref<800x64xf32, #tpu.memory_space<vmem>>) dst(%dma_wait3A_1119 : memref<819200x64xf32, #tpu.memory_space<hbm>>)
    %mul3A_1120 = arith.constant 25600 : i32
    %mul3A_1121 = arith.muli %add3A, %mul3A_1120 : i32
    %add3A_1122 = arith.constant 16800 : i32
    %add3A_1123 = arith.addi %mul3A_1121, %add3A_1122 : i32
    %run_scoped3A_1124 = arith.constant 1 : i32
    "tpu.region"() ({
      %run_scoped3A_1726 = tpu.sem_alloc : memref<!tpu.dma_semaphore, #tpu.memory_space<semaphore_mem>>
      %dma_start3A_1727 = arith.constant 0 : i32
      %dma_start3A_1728 = tpu.memref_slice %arg6[%run_scoped3A_1124, %dma_start3A_1727] : memref<2x800xi32, #tpu.memory_space<vmem>> -> memref<1x800xi32, #tpu.memory_space<vmem>>
      %dma_start3A_1729 = tpu.memref_squeeze %dma_start3A_1728 : memref<1x800xi32, #tpu.memory_space<vmem>> -> memref<800xi32, #tpu.memory_space<vmem>>
      %dma_start3A_1730 = tpu.memref_slice %arg2[%add3A_1123] : memref<819200xi32, #tpu.memory_space<hbm>> -> memref<800xi32, #tpu.memory_space<hbm>>
      %dma_start3A_1731 = arith.constant 0 : i32
      %dma_start3A_1732 = tpu.memref_slice %arg6[%run_scoped3A_1124, %dma_start3A_1731] : memref<2x800xi32, #tpu.memory_space<vmem>> -> memref<1x800xi32, #tpu.memory_space<vmem>>
      %dma_start3A_1733 = tpu.memref_squeeze %dma_start3A_1732 : memref<1x800xi32, #tpu.memory_space<vmem>> -> memref<800xi32, #tpu.memory_space<vmem>>
      %dma_start3A_1734 = tpu.memref_slice %arg2[%add3A_1123] : memref<819200xi32, #tpu.memory_space<hbm>> -> memref<800xi32, #tpu.memory_space<hbm>>
      tpu.enqueue_dma source(%dma_start3A_1734 : memref<800xi32, #tpu.memory_space<hbm>>) target(%dma_start3A_1733 : memref<800xi32, #tpu.memory_space<vmem>>) target_semaphore(%run_scoped3A_1726 : memref<!tpu.dma_semaphore, #tpu.memory_space<semaphore_mem>>)
      %dma_wait3A_1735 = arith.constant 0 : i32
      %dma_wait3A_1736 = tpu.memref_slice %arg6[%run_scoped3A_1124, %dma_wait3A_1735] : memref<2x800xi32, #tpu.memory_space<vmem>> -> memref<1x800xi32, #tpu.memory_space<vmem>>
      %dma_wait3A_1737 = tpu.memref_squeeze %dma_wait3A_1736 : memref<1x800xi32, #tpu.memory_space<vmem>> -> memref<800xi32, #tpu.memory_space<vmem>>
      %dma_wait3A_1738 = tpu.memref_slice %arg2[%add3A_1123] : memref<819200xi32, #tpu.memory_space<hbm>> -> memref<800xi32, #tpu.memory_space<hbm>>
      %dma_wait3A_1739 = arith.constant 0 : i32
      %dma_wait3A_1740 = tpu.memref_slice %arg6[%run_scoped3A_1124, %dma_wait3A_1739] : memref<2x800xi32, #tpu.memory_space<vmem>> -> memref<1x800xi32, #tpu.memory_space<vmem>>
      %dma_wait3A_1741 = tpu.memref_squeeze %dma_wait3A_1740 : memref<1x800xi32, #tpu.memory_space<vmem>> -> memref<800xi32, #tpu.memory_space<vmem>>
      %dma_wait3A_1742 = tpu.memref_slice %arg2[%add3A_1123] : memref<819200xi32, #tpu.memory_space<hbm>> -> memref<800xi32, #tpu.memory_space<hbm>>
      tpu.wait_dma2 semaphore(%run_scoped3A_1726 : memref<!tpu.dma_semaphore, #tpu.memory_space<semaphore_mem>>) src(%dma_wait3A_1742 : memref<800xi32, #tpu.memory_space<hbm>>) dst(%dma_wait3A_1741 : memref<800xi32, #tpu.memory_space<vmem>>)
      tpu.yield
    }) : () -> ()
    %run_scoped3A_1125 = arith.constant 1 : i32
    "tpu.region"() ({
      %run_scoped3A_1726 = tpu.sem_alloc : memref<!tpu.dma_semaphore, #tpu.memory_space<semaphore_mem>>
      %dma_start3A_1727 = arith.constant 0 : i32
      %dma_start3A_1728 = tpu.memref_slice %arg7[%run_scoped3A_1125, %dma_start3A_1727] : memref<2x800xi32, #tpu.memory_space<vmem>> -> memref<1x800xi32, #tpu.memory_space<vmem>>
      %dma_start3A_1729 = tpu.memref_squeeze %dma_start3A_1728 : memref<1x800xi32, #tpu.memory_space<vmem>> -> memref<800xi32, #tpu.memory_space<vmem>>
      %dma_start3A_1730 = tpu.memref_slice %arg3[%add3A_1123] : memref<819200xi32, #tpu.memory_space<hbm>> -> memref<800xi32, #tpu.memory_space<hbm>>
      %dma_start3A_1731 = arith.constant 0 : i32
      %dma_start3A_1732 = tpu.memref_slice %arg7[%run_scoped3A_1125, %dma_start3A_1731] : memref<2x800xi32, #tpu.memory_space<vmem>> -> memref<1x800xi32, #tpu.memory_space<vmem>>
      %dma_start3A_1733 = tpu.memref_squeeze %dma_start3A_1732 : memref<1x800xi32, #tpu.memory_space<vmem>> -> memref<800xi32, #tpu.memory_space<vmem>>
      %dma_start3A_1734 = tpu.memref_slice %arg3[%add3A_1123] : memref<819200xi32, #tpu.memory_space<hbm>> -> memref<800xi32, #tpu.memory_space<hbm>>
      tpu.enqueue_dma source(%dma_start3A_1734 : memref<800xi32, #tpu.memory_space<hbm>>) target(%dma_start3A_1733 : memref<800xi32, #tpu.memory_space<vmem>>) target_semaphore(%run_scoped3A_1726 : memref<!tpu.dma_semaphore, #tpu.memory_space<semaphore_mem>>)
      %dma_wait3A_1735 = arith.constant 0 : i32
      %dma_wait3A_1736 = tpu.memref_slice %arg7[%run_scoped3A_1125, %dma_wait3A_1735] : memref<2x800xi32, #tpu.memory_space<vmem>> -> memref<1x800xi32, #tpu.memory_space<vmem>>
      %dma_wait3A_1737 = tpu.memref_squeeze %dma_wait3A_1736 : memref<1x800xi32, #tpu.memory_space<vmem>> -> memref<800xi32, #tpu.memory_space<vmem>>
      %dma_wait3A_1738 = tpu.memref_slice %arg3[%add3A_1123] : memref<819200xi32, #tpu.memory_space<hbm>> -> memref<800xi32, #tpu.memory_space<hbm>>
      %dma_wait3A_1739 = arith.constant 0 : i32
      %dma_wait3A_1740 = tpu.memref_slice %arg7[%run_scoped3A_1125, %dma_wait3A_1739] : memref<2x800xi32, #tpu.memory_space<vmem>> -> memref<1x800xi32, #tpu.memory_space<vmem>>
      %dma_wait3A_1741 = tpu.memref_squeeze %dma_wait3A_1740 : memref<1x800xi32, #tpu.memory_space<vmem>> -> memref<800xi32, #tpu.memory_space<vmem>>
      %dma_wait3A_1742 = tpu.memref_slice %arg3[%add3A_1123] : memref<819200xi32, #tpu.memory_space<hbm>> -> memref<800xi32, #tpu.memory_space<hbm>>
      tpu.wait_dma2 semaphore(%run_scoped3A_1726 : memref<!tpu.dma_semaphore, #tpu.memory_space<semaphore_mem>>) src(%dma_wait3A_1742 : memref<800xi32, #tpu.memory_space<hbm>>) dst(%dma_wait3A_1741 : memref<800xi32, #tpu.memory_space<vmem>>)
      tpu.yield
    }) : () -> ()
    %dma_start3A_1126 = arith.constant 1 : i32
    %dma_start3A_1127 = arith.constant 1 : i32
    %dma_start3A_1128 = arith.constant 0 : i32
    %dma_start3A_1129 = arith.constant 0 : i32
    %dma_start3A_1130 = tpu.memref_slice %arg8[%dma_start3A_1127, %dma_start3A_1128, %dma_start3A_1129] : memref<2x800x64xf32, #tpu.memory_space<vmem>> -> memref<1x800x64xf32, #tpu.memory_space<vmem>>
    %dma_start3A_1131 = tpu.memref_squeeze %dma_start3A_1130 : memref<1x800x64xf32, #tpu.memory_space<vmem>> -> memref<800x64xf32, #tpu.memory_space<vmem>>
    %dma_start3A_1132 = arith.constant 0 : i32
    %dma_start3A_1133 = tpu.memref_slice %arg6[%dma_start3A_1126, %dma_start3A_1132] : memref<2x800xi32, #tpu.memory_space<vmem>> -> memref<1x800xi32, #tpu.memory_space<vmem>>
    %dma_start3A_1134 = tpu.memref_squeeze %dma_start3A_1133 : memref<1x800xi32, #tpu.memory_space<vmem>> -> memref<800xi32, #tpu.memory_space<vmem>>
    %dma_start3A_1135 = arith.constant 0 : i32
    %dma_start3A_1136 = arith.constant 0 : i32
    %dma_start3A_1137 = tpu.memref_slice %arg4[%dma_start3A_1135, %dma_start3A_1136] : memref<1015808x64xf32, #tpu.memory_space<hbm>> -> memref<1015808x64xf32, #tpu.memory_space<hbm>>
    tpu.enqueue_indirect_dma source(%dma_start3A_1137 : memref<1015808x64xf32, #tpu.memory_space<hbm>>) target(%dma_start3A_1131 : memref<800x64xf32, #tpu.memory_space<vmem>>) offsets(%dma_start3A_1134 : memref<800xi32, #tpu.memory_space<vmem>>) semaphore(%arg9 : memref<!tpu.dma_semaphore, #tpu.memory_space<semaphore_mem>>)
    %dma_wait3A_1138 = arith.constant 1 : i32
    %dma_wait3A_1139 = arith.constant 1 : i32
    %dma_wait3A_1140 = arith.constant 0 : i32
    %dma_wait3A_1141 = arith.constant 0 : i32
    %dma_wait3A_1142 = tpu.memref_slice %arg8[%dma_wait3A_1139, %dma_wait3A_1140, %dma_wait3A_1141] : memref<2x800x64xf32, #tpu.memory_space<vmem>> -> memref<1x800x64xf32, #tpu.memory_space<vmem>>
    %dma_wait3A_1143 = tpu.memref_squeeze %dma_wait3A_1142 : memref<1x800x64xf32, #tpu.memory_space<vmem>> -> memref<800x64xf32, #tpu.memory_space<vmem>>
    %dma_wait3A_1144 = arith.constant 0 : i32
    %dma_wait3A_1145 = tpu.memref_slice %arg6[%dma_wait3A_1138, %dma_wait3A_1144] : memref<2x800xi32, #tpu.memory_space<vmem>> -> memref<1x800xi32, #tpu.memory_space<vmem>>
    %dma_wait3A_1146 = tpu.memref_squeeze %dma_wait3A_1145 : memref<1x800xi32, #tpu.memory_space<vmem>> -> memref<800xi32, #tpu.memory_space<vmem>>
    %dma_wait3A_1147 = arith.constant 0 : i32
    %dma_wait3A_1148 = arith.constant 0 : i32
    %dma_wait3A_1149 = tpu.memref_slice %arg4[%dma_wait3A_1147, %dma_wait3A_1148] : memref<1015808x64xf32, #tpu.memory_space<hbm>> -> memref<1015808x64xf32, #tpu.memory_space<hbm>>
    tpu.wait_indirect_dma semaphore(%arg9 : memref<!tpu.dma_semaphore, #tpu.memory_space<semaphore_mem>>) src(%dma_wait3A_1149 : memref<1015808x64xf32, #tpu.memory_space<hbm>>) dst(%dma_wait3A_1143 : memref<800x64xf32, #tpu.memory_space<vmem>>)
    %dma_start3A_1150 = arith.constant 1 : i32
    %dma_start3A_1151 = arith.constant 1 : i32
    %dma_start3A_1152 = arith.constant 0 : i32
    %dma_start3A_1153 = arith.constant 0 : i32
    %dma_start3A_1154 = tpu.memref_slice %arg8[%dma_start3A_1150, %dma_start3A_1152, %dma_start3A_1153] : memref<2x800x64xf32, #tpu.memory_space<vmem>> -> memref<1x800x64xf32, #tpu.memory_space<vmem>>
    %dma_start3A_1155 = tpu.memref_squeeze %dma_start3A_1154 : memref<1x800x64xf32, #tpu.memory_space<vmem>> -> memref<800x64xf32, #tpu.memory_space<vmem>>
    %dma_start3A_1156 = arith.constant 0 : i32
    %dma_start3A_1157 = tpu.memref_slice %arg7[%dma_start3A_1151, %dma_start3A_1156] : memref<2x800xi32, #tpu.memory_space<vmem>> -> memref<1x800xi32, #tpu.memory_space<vmem>>
    %dma_start3A_1158 = tpu.memref_squeeze %dma_start3A_1157 : memref<1x800xi32, #tpu.memory_space<vmem>> -> memref<800xi32, #tpu.memory_space<vmem>>
    %dma_start3A_1159 = arith.constant 0 : i32
    %dma_start3A_1160 = arith.constant 0 : i32
    %dma_start3A_1161 = tpu.memref_slice %arg5[%dma_start3A_1159, %dma_start3A_1160] : memref<819200x64xf32, #tpu.memory_space<hbm>> -> memref<819200x64xf32, #tpu.memory_space<hbm>>
    tpu.enqueue_indirect_dma source(%dma_start3A_1155 : memref<800x64xf32, #tpu.memory_space<vmem>>) target(%dma_start3A_1161 : memref<819200x64xf32, #tpu.memory_space<hbm>>) offsets(%dma_start3A_1158 : memref<800xi32, #tpu.memory_space<vmem>>) semaphore(%arg11 : memref<!tpu.dma_semaphore, #tpu.memory_space<semaphore_mem>>)
    %dma_wait3A_1162 = arith.constant 0 : i32
    %dma_wait3A_1163 = arith.constant 0 : i32
    %dma_wait3A_1164 = arith.constant 0 : i32
    %dma_wait3A_1165 = arith.constant 0 : i32
    %dma_wait3A_1166 = tpu.memref_slice %arg8[%dma_wait3A_1162, %dma_wait3A_1164, %dma_wait3A_1165] : memref<2x800x64xf32, #tpu.memory_space<vmem>> -> memref<1x800x64xf32, #tpu.memory_space<vmem>>
    %dma_wait3A_1167 = tpu.memref_squeeze %dma_wait3A_1166 : memref<1x800x64xf32, #tpu.memory_space<vmem>> -> memref<800x64xf32, #tpu.memory_space<vmem>>
    %dma_wait3A_1168 = arith.constant 0 : i32
    %dma_wait3A_1169 = tpu.memref_slice %arg7[%dma_wait3A_1163, %dma_wait3A_1168] : memref<2x800xi32, #tpu.memory_space<vmem>> -> memref<1x800xi32, #tpu.memory_space<vmem>>
    %dma_wait3A_1170 = tpu.memref_squeeze %dma_wait3A_1169 : memref<1x800xi32, #tpu.memory_space<vmem>> -> memref<800xi32, #tpu.memory_space<vmem>>
    %dma_wait3A_1171 = arith.constant 0 : i32
    %dma_wait3A_1172 = arith.constant 0 : i32
    %dma_wait3A_1173 = tpu.memref_slice %arg5[%dma_wait3A_1171, %dma_wait3A_1172] : memref<819200x64xf32, #tpu.memory_space<hbm>> -> memref<819200x64xf32, #tpu.memory_space<hbm>>
    tpu.wait_indirect_dma semaphore(%arg10 : memref<!tpu.dma_semaphore, #tpu.memory_space<semaphore_mem>>) src(%dma_wait3A_1167 : memref<800x64xf32, #tpu.memory_space<vmem>>) dst(%dma_wait3A_1173 : memref<819200x64xf32, #tpu.memory_space<hbm>>)
    %mul3A_1174 = arith.constant 25600 : i32
    %mul3A_1175 = arith.muli %add3A, %mul3A_1174 : i32
    %add3A_1176 = arith.constant 17600 : i32
    %add3A_1177 = arith.addi %mul3A_1175, %add3A_1176 : i32
    %run_scoped3A_1178 = arith.constant 0 : i32
    "tpu.region"() ({
      %run_scoped3A_1726 = tpu.sem_alloc : memref<!tpu.dma_semaphore, #tpu.memory_space<semaphore_mem>>
      %dma_start3A_1727 = arith.constant 0 : i32
      %dma_start3A_1728 = tpu.memref_slice %arg6[%run_scoped3A_1178, %dma_start3A_1727] : memref<2x800xi32, #tpu.memory_space<vmem>> -> memref<1x800xi32, #tpu.memory_space<vmem>>
      %dma_start3A_1729 = tpu.memref_squeeze %dma_start3A_1728 : memref<1x800xi32, #tpu.memory_space<vmem>> -> memref<800xi32, #tpu.memory_space<vmem>>
      %dma_start3A_1730 = tpu.memref_slice %arg2[%add3A_1177] : memref<819200xi32, #tpu.memory_space<hbm>> -> memref<800xi32, #tpu.memory_space<hbm>>
      %dma_start3A_1731 = arith.constant 0 : i32
      %dma_start3A_1732 = tpu.memref_slice %arg6[%run_scoped3A_1178, %dma_start3A_1731] : memref<2x800xi32, #tpu.memory_space<vmem>> -> memref<1x800xi32, #tpu.memory_space<vmem>>
      %dma_start3A_1733 = tpu.memref_squeeze %dma_start3A_1732 : memref<1x800xi32, #tpu.memory_space<vmem>> -> memref<800xi32, #tpu.memory_space<vmem>>
      %dma_start3A_1734 = tpu.memref_slice %arg2[%add3A_1177] : memref<819200xi32, #tpu.memory_space<hbm>> -> memref<800xi32, #tpu.memory_space<hbm>>
      tpu.enqueue_dma source(%dma_start3A_1734 : memref<800xi32, #tpu.memory_space<hbm>>) target(%dma_start3A_1733 : memref<800xi32, #tpu.memory_space<vmem>>) target_semaphore(%run_scoped3A_1726 : memref<!tpu.dma_semaphore, #tpu.memory_space<semaphore_mem>>)
      %dma_wait3A_1735 = arith.constant 0 : i32
      %dma_wait3A_1736 = tpu.memref_slice %arg6[%run_scoped3A_1178, %dma_wait3A_1735] : memref<2x800xi32, #tpu.memory_space<vmem>> -> memref<1x800xi32, #tpu.memory_space<vmem>>
      %dma_wait3A_1737 = tpu.memref_squeeze %dma_wait3A_1736 : memref<1x800xi32, #tpu.memory_space<vmem>> -> memref<800xi32, #tpu.memory_space<vmem>>
      %dma_wait3A_1738 = tpu.memref_slice %arg2[%add3A_1177] : memref<819200xi32, #tpu.memory_space<hbm>> -> memref<800xi32, #tpu.memory_space<hbm>>
      %dma_wait3A_1739 = arith.constant 0 : i32
      %dma_wait3A_1740 = tpu.memref_slice %arg6[%run_scoped3A_1178, %dma_wait3A_1739] : memref<2x800xi32, #tpu.memory_space<vmem>> -> memref<1x800xi32, #tpu.memory_space<vmem>>
      %dma_wait3A_1741 = tpu.memref_squeeze %dma_wait3A_1740 : memref<1x800xi32, #tpu.memory_space<vmem>> -> memref<800xi32, #tpu.memory_space<vmem>>
      %dma_wait3A_1742 = tpu.memref_slice %arg2[%add3A_1177] : memref<819200xi32, #tpu.memory_space<hbm>> -> memref<800xi32, #tpu.memory_space<hbm>>
      tpu.wait_dma2 semaphore(%run_scoped3A_1726 : memref<!tpu.dma_semaphore, #tpu.memory_space<semaphore_mem>>) src(%dma_wait3A_1742 : memref<800xi32, #tpu.memory_space<hbm>>) dst(%dma_wait3A_1741 : memref<800xi32, #tpu.memory_space<vmem>>)
      tpu.yield
    }) : () -> ()
    %run_scoped3A_1179 = arith.constant 0 : i32
    "tpu.region"() ({
      %run_scoped3A_1726 = tpu.sem_alloc : memref<!tpu.dma_semaphore, #tpu.memory_space<semaphore_mem>>
      %dma_start3A_1727 = arith.constant 0 : i32
      %dma_start3A_1728 = tpu.memref_slice %arg7[%run_scoped3A_1179, %dma_start3A_1727] : memref<2x800xi32, #tpu.memory_space<vmem>> -> memref<1x800xi32, #tpu.memory_space<vmem>>
      %dma_start3A_1729 = tpu.memref_squeeze %dma_start3A_1728 : memref<1x800xi32, #tpu.memory_space<vmem>> -> memref<800xi32, #tpu.memory_space<vmem>>
      %dma_start3A_1730 = tpu.memref_slice %arg3[%add3A_1177] : memref<819200xi32, #tpu.memory_space<hbm>> -> memref<800xi32, #tpu.memory_space<hbm>>
      %dma_start3A_1731 = arith.constant 0 : i32
      %dma_start3A_1732 = tpu.memref_slice %arg7[%run_scoped3A_1179, %dma_start3A_1731] : memref<2x800xi32, #tpu.memory_space<vmem>> -> memref<1x800xi32, #tpu.memory_space<vmem>>
      %dma_start3A_1733 = tpu.memref_squeeze %dma_start3A_1732 : memref<1x800xi32, #tpu.memory_space<vmem>> -> memref<800xi32, #tpu.memory_space<vmem>>
      %dma_start3A_1734 = tpu.memref_slice %arg3[%add3A_1177] : memref<819200xi32, #tpu.memory_space<hbm>> -> memref<800xi32, #tpu.memory_space<hbm>>
      tpu.enqueue_dma source(%dma_start3A_1734 : memref<800xi32, #tpu.memory_space<hbm>>) target(%dma_start3A_1733 : memref<800xi32, #tpu.memory_space<vmem>>) target_semaphore(%run_scoped3A_1726 : memref<!tpu.dma_semaphore, #tpu.memory_space<semaphore_mem>>)
      %dma_wait3A_1735 = arith.constant 0 : i32
      %dma_wait3A_1736 = tpu.memref_slice %arg7[%run_scoped3A_1179, %dma_wait3A_1735] : memref<2x800xi32, #tpu.memory_space<vmem>> -> memref<1x800xi32, #tpu.memory_space<vmem>>
      %dma_wait3A_1737 = tpu.memref_squeeze %dma_wait3A_1736 : memref<1x800xi32, #tpu.memory_space<vmem>> -> memref<800xi32, #tpu.memory_space<vmem>>
      %dma_wait3A_1738 = tpu.memref_slice %arg3[%add3A_1177] : memref<819200xi32, #tpu.memory_space<hbm>> -> memref<800xi32, #tpu.memory_space<hbm>>
      %dma_wait3A_1739 = arith.constant 0 : i32
      %dma_wait3A_1740 = tpu.memref_slice %arg7[%run_scoped3A_1179, %dma_wait3A_1739] : memref<2x800xi32, #tpu.memory_space<vmem>> -> memref<1x800xi32, #tpu.memory_space<vmem>>
      %dma_wait3A_1741 = tpu.memref_squeeze %dma_wait3A_1740 : memref<1x800xi32, #tpu.memory_space<vmem>> -> memref<800xi32, #tpu.memory_space<vmem>>
      %dma_wait3A_1742 = tpu.memref_slice %arg3[%add3A_1177] : memref<819200xi32, #tpu.memory_space<hbm>> -> memref<800xi32, #tpu.memory_space<hbm>>
      tpu.wait_dma2 semaphore(%run_scoped3A_1726 : memref<!tpu.dma_semaphore, #tpu.memory_space<semaphore_mem>>) src(%dma_wait3A_1742 : memref<800xi32, #tpu.memory_space<hbm>>) dst(%dma_wait3A_1741 : memref<800xi32, #tpu.memory_space<vmem>>)
      tpu.yield
    }) : () -> ()
    %dma_start3A_1180 = arith.constant 0 : i32
    %dma_start3A_1181 = arith.constant 0 : i32
    %dma_start3A_1182 = arith.constant 0 : i32
    %dma_start3A_1183 = arith.constant 0 : i32
    %dma_start3A_1184 = tpu.memref_slice %arg8[%dma_start3A_1181, %dma_start3A_1182, %dma_start3A_1183] : memref<2x800x64xf32, #tpu.memory_space<vmem>> -> memref<1x800x64xf32, #tpu.memory_space<vmem>>
    %dma_start3A_1185 = tpu.memref_squeeze %dma_start3A_1184 : memref<1x800x64xf32, #tpu.memory_space<vmem>> -> memref<800x64xf32, #tpu.memory_space<vmem>>
    %dma_start3A_1186 = arith.constant 0 : i32
    %dma_start3A_1187 = tpu.memref_slice %arg6[%dma_start3A_1180, %dma_start3A_1186] : memref<2x800xi32, #tpu.memory_space<vmem>> -> memref<1x800xi32, #tpu.memory_space<vmem>>
    %dma_start3A_1188 = tpu.memref_squeeze %dma_start3A_1187 : memref<1x800xi32, #tpu.memory_space<vmem>> -> memref<800xi32, #tpu.memory_space<vmem>>
    %dma_start3A_1189 = arith.constant 0 : i32
    %dma_start3A_1190 = arith.constant 0 : i32
    %dma_start3A_1191 = tpu.memref_slice %arg4[%dma_start3A_1189, %dma_start3A_1190] : memref<1015808x64xf32, #tpu.memory_space<hbm>> -> memref<1015808x64xf32, #tpu.memory_space<hbm>>
    tpu.enqueue_indirect_dma source(%dma_start3A_1191 : memref<1015808x64xf32, #tpu.memory_space<hbm>>) target(%dma_start3A_1185 : memref<800x64xf32, #tpu.memory_space<vmem>>) offsets(%dma_start3A_1188 : memref<800xi32, #tpu.memory_space<vmem>>) semaphore(%arg9 : memref<!tpu.dma_semaphore, #tpu.memory_space<semaphore_mem>>)
    %dma_wait3A_1192 = arith.constant 0 : i32
    %dma_wait3A_1193 = arith.constant 0 : i32
    %dma_wait3A_1194 = arith.constant 0 : i32
    %dma_wait3A_1195 = arith.constant 0 : i32
    %dma_wait3A_1196 = tpu.memref_slice %arg8[%dma_wait3A_1193, %dma_wait3A_1194, %dma_wait3A_1195] : memref<2x800x64xf32, #tpu.memory_space<vmem>> -> memref<1x800x64xf32, #tpu.memory_space<vmem>>
    %dma_wait3A_1197 = tpu.memref_squeeze %dma_wait3A_1196 : memref<1x800x64xf32, #tpu.memory_space<vmem>> -> memref<800x64xf32, #tpu.memory_space<vmem>>
    %dma_wait3A_1198 = arith.constant 0 : i32
    %dma_wait3A_1199 = tpu.memref_slice %arg6[%dma_wait3A_1192, %dma_wait3A_1198] : memref<2x800xi32, #tpu.memory_space<vmem>> -> memref<1x800xi32, #tpu.memory_space<vmem>>
    %dma_wait3A_1200 = tpu.memref_squeeze %dma_wait3A_1199 : memref<1x800xi32, #tpu.memory_space<vmem>> -> memref<800xi32, #tpu.memory_space<vmem>>
    %dma_wait3A_1201 = arith.constant 0 : i32
    %dma_wait3A_1202 = arith.constant 0 : i32
    %dma_wait3A_1203 = tpu.memref_slice %arg4[%dma_wait3A_1201, %dma_wait3A_1202] : memref<1015808x64xf32, #tpu.memory_space<hbm>> -> memref<1015808x64xf32, #tpu.memory_space<hbm>>
    tpu.wait_indirect_dma semaphore(%arg9 : memref<!tpu.dma_semaphore, #tpu.memory_space<semaphore_mem>>) src(%dma_wait3A_1203 : memref<1015808x64xf32, #tpu.memory_space<hbm>>) dst(%dma_wait3A_1197 : memref<800x64xf32, #tpu.memory_space<vmem>>)
    %dma_start3A_1204 = arith.constant 0 : i32
    %dma_start3A_1205 = arith.constant 0 : i32
    %dma_start3A_1206 = arith.constant 0 : i32
    %dma_start3A_1207 = arith.constant 0 : i32
    %dma_start3A_1208 = tpu.memref_slice %arg8[%dma_start3A_1204, %dma_start3A_1206, %dma_start3A_1207] : memref<2x800x64xf32, #tpu.memory_space<vmem>> -> memref<1x800x64xf32, #tpu.memory_space<vmem>>
    %dma_start3A_1209 = tpu.memref_squeeze %dma_start3A_1208 : memref<1x800x64xf32, #tpu.memory_space<vmem>> -> memref<800x64xf32, #tpu.memory_space<vmem>>
    %dma_start3A_1210 = arith.constant 0 : i32
    %dma_start3A_1211 = tpu.memref_slice %arg7[%dma_start3A_1205, %dma_start3A_1210] : memref<2x800xi32, #tpu.memory_space<vmem>> -> memref<1x800xi32, #tpu.memory_space<vmem>>
    %dma_start3A_1212 = tpu.memref_squeeze %dma_start3A_1211 : memref<1x800xi32, #tpu.memory_space<vmem>> -> memref<800xi32, #tpu.memory_space<vmem>>
    %dma_start3A_1213 = arith.constant 0 : i32
    %dma_start3A_1214 = arith.constant 0 : i32
    %dma_start3A_1215 = tpu.memref_slice %arg5[%dma_start3A_1213, %dma_start3A_1214] : memref<819200x64xf32, #tpu.memory_space<hbm>> -> memref<819200x64xf32, #tpu.memory_space<hbm>>
    tpu.enqueue_indirect_dma source(%dma_start3A_1209 : memref<800x64xf32, #tpu.memory_space<vmem>>) target(%dma_start3A_1215 : memref<819200x64xf32, #tpu.memory_space<hbm>>) offsets(%dma_start3A_1212 : memref<800xi32, #tpu.memory_space<vmem>>) semaphore(%arg10 : memref<!tpu.dma_semaphore, #tpu.memory_space<semaphore_mem>>)
    %dma_wait3A_1216 = arith.constant 1 : i32
    %dma_wait3A_1217 = arith.constant 1 : i32
    %dma_wait3A_1218 = arith.constant 0 : i32
    %dma_wait3A_1219 = arith.constant 0 : i32
    %dma_wait3A_1220 = tpu.memref_slice %arg8[%dma_wait3A_1216, %dma_wait3A_1218, %dma_wait3A_1219] : memref<2x800x64xf32, #tpu.memory_space<vmem>> -> memref<1x800x64xf32, #tpu.memory_space<vmem>>
    %dma_wait3A_1221 = tpu.memref_squeeze %dma_wait3A_1220 : memref<1x800x64xf32, #tpu.memory_space<vmem>> -> memref<800x64xf32, #tpu.memory_space<vmem>>
    %dma_wait3A_1222 = arith.constant 0 : i32
    %dma_wait3A_1223 = tpu.memref_slice %arg7[%dma_wait3A_1217, %dma_wait3A_1222] : memref<2x800xi32, #tpu.memory_space<vmem>> -> memref<1x800xi32, #tpu.memory_space<vmem>>
    %dma_wait3A_1224 = tpu.memref_squeeze %dma_wait3A_1223 : memref<1x800xi32, #tpu.memory_space<vmem>> -> memref<800xi32, #tpu.memory_space<vmem>>
    %dma_wait3A_1225 = arith.constant 0 : i32
    %dma_wait3A_1226 = arith.constant 0 : i32
    %dma_wait3A_1227 = tpu.memref_slice %arg5[%dma_wait3A_1225, %dma_wait3A_1226] : memref<819200x64xf32, #tpu.memory_space<hbm>> -> memref<819200x64xf32, #tpu.memory_space<hbm>>
    tpu.wait_indirect_dma semaphore(%arg11 : memref<!tpu.dma_semaphore, #tpu.memory_space<semaphore_mem>>) src(%dma_wait3A_1221 : memref<800x64xf32, #tpu.memory_space<vmem>>) dst(%dma_wait3A_1227 : memref<819200x64xf32, #tpu.memory_space<hbm>>)
    %mul3A_1228 = arith.constant 25600 : i32
    %mul3A_1229 = arith.muli %add3A, %mul3A_1228 : i32
    %add3A_1230 = arith.constant 18400 : i32
    %add3A_1231 = arith.addi %mul3A_1229, %add3A_1230 : i32
    %run_scoped3A_1232 = arith.constant 1 : i32
    "tpu.region"() ({
      %run_scoped3A_1726 = tpu.sem_alloc : memref<!tpu.dma_semaphore, #tpu.memory_space<semaphore_mem>>
      %dma_start3A_1727 = arith.constant 0 : i32
      %dma_start3A_1728 = tpu.memref_slice %arg6[%run_scoped3A_1232, %dma_start3A_1727] : memref<2x800xi32, #tpu.memory_space<vmem>> -> memref<1x800xi32, #tpu.memory_space<vmem>>
      %dma_start3A_1729 = tpu.memref_squeeze %dma_start3A_1728 : memref<1x800xi32, #tpu.memory_space<vmem>> -> memref<800xi32, #tpu.memory_space<vmem>>
      %dma_start3A_1730 = tpu.memref_slice %arg2[%add3A_1231] : memref<819200xi32, #tpu.memory_space<hbm>> -> memref<800xi32, #tpu.memory_space<hbm>>
      %dma_start3A_1731 = arith.constant 0 : i32
      %dma_start3A_1732 = tpu.memref_slice %arg6[%run_scoped3A_1232, %dma_start3A_1731] : memref<2x800xi32, #tpu.memory_space<vmem>> -> memref<1x800xi32, #tpu.memory_space<vmem>>
      %dma_start3A_1733 = tpu.memref_squeeze %dma_start3A_1732 : memref<1x800xi32, #tpu.memory_space<vmem>> -> memref<800xi32, #tpu.memory_space<vmem>>
      %dma_start3A_1734 = tpu.memref_slice %arg2[%add3A_1231] : memref<819200xi32, #tpu.memory_space<hbm>> -> memref<800xi32, #tpu.memory_space<hbm>>
      tpu.enqueue_dma source(%dma_start3A_1734 : memref<800xi32, #tpu.memory_space<hbm>>) target(%dma_start3A_1733 : memref<800xi32, #tpu.memory_space<vmem>>) target_semaphore(%run_scoped3A_1726 : memref<!tpu.dma_semaphore, #tpu.memory_space<semaphore_mem>>)
      %dma_wait3A_1735 = arith.constant 0 : i32
      %dma_wait3A_1736 = tpu.memref_slice %arg6[%run_scoped3A_1232, %dma_wait3A_1735] : memref<2x800xi32, #tpu.memory_space<vmem>> -> memref<1x800xi32, #tpu.memory_space<vmem>>
      %dma_wait3A_1737 = tpu.memref_squeeze %dma_wait3A_1736 : memref<1x800xi32, #tpu.memory_space<vmem>> -> memref<800xi32, #tpu.memory_space<vmem>>
      %dma_wait3A_1738 = tpu.memref_slice %arg2[%add3A_1231] : memref<819200xi32, #tpu.memory_space<hbm>> -> memref<800xi32, #tpu.memory_space<hbm>>
      %dma_wait3A_1739 = arith.constant 0 : i32
      %dma_wait3A_1740 = tpu.memref_slice %arg6[%run_scoped3A_1232, %dma_wait3A_1739] : memref<2x800xi32, #tpu.memory_space<vmem>> -> memref<1x800xi32, #tpu.memory_space<vmem>>
      %dma_wait3A_1741 = tpu.memref_squeeze %dma_wait3A_1740 : memref<1x800xi32, #tpu.memory_space<vmem>> -> memref<800xi32, #tpu.memory_space<vmem>>
      %dma_wait3A_1742 = tpu.memref_slice %arg2[%add3A_1231] : memref<819200xi32, #tpu.memory_space<hbm>> -> memref<800xi32, #tpu.memory_space<hbm>>
      tpu.wait_dma2 semaphore(%run_scoped3A_1726 : memref<!tpu.dma_semaphore, #tpu.memory_space<semaphore_mem>>) src(%dma_wait3A_1742 : memref<800xi32, #tpu.memory_space<hbm>>) dst(%dma_wait3A_1741 : memref<800xi32, #tpu.memory_space<vmem>>)
      tpu.yield
    }) : () -> ()
    %run_scoped3A_1233 = arith.constant 1 : i32
    "tpu.region"() ({
      %run_scoped3A_1726 = tpu.sem_alloc : memref<!tpu.dma_semaphore, #tpu.memory_space<semaphore_mem>>
      %dma_start3A_1727 = arith.constant 0 : i32
      %dma_start3A_1728 = tpu.memref_slice %arg7[%run_scoped3A_1233, %dma_start3A_1727] : memref<2x800xi32, #tpu.memory_space<vmem>> -> memref<1x800xi32, #tpu.memory_space<vmem>>
      %dma_start3A_1729 = tpu.memref_squeeze %dma_start3A_1728 : memref<1x800xi32, #tpu.memory_space<vmem>> -> memref<800xi32, #tpu.memory_space<vmem>>
      %dma_start3A_1730 = tpu.memref_slice %arg3[%add3A_1231] : memref<819200xi32, #tpu.memory_space<hbm>> -> memref<800xi32, #tpu.memory_space<hbm>>
      %dma_start3A_1731 = arith.constant 0 : i32
      %dma_start3A_1732 = tpu.memref_slice %arg7[%run_scoped3A_1233, %dma_start3A_1731] : memref<2x800xi32, #tpu.memory_space<vmem>> -> memref<1x800xi32, #tpu.memory_space<vmem>>
      %dma_start3A_1733 = tpu.memref_squeeze %dma_start3A_1732 : memref<1x800xi32, #tpu.memory_space<vmem>> -> memref<800xi32, #tpu.memory_space<vmem>>
      %dma_start3A_1734 = tpu.memref_slice %arg3[%add3A_1231] : memref<819200xi32, #tpu.memory_space<hbm>> -> memref<800xi32, #tpu.memory_space<hbm>>
      tpu.enqueue_dma source(%dma_start3A_1734 : memref<800xi32, #tpu.memory_space<hbm>>) target(%dma_start3A_1733 : memref<800xi32, #tpu.memory_space<vmem>>) target_semaphore(%run_scoped3A_1726 : memref<!tpu.dma_semaphore, #tpu.memory_space<semaphore_mem>>)
      %dma_wait3A_1735 = arith.constant 0 : i32
      %dma_wait3A_1736 = tpu.memref_slice %arg7[%run_scoped3A_1233, %dma_wait3A_1735] : memref<2x800xi32, #tpu.memory_space<vmem>> -> memref<1x800xi32, #tpu.memory_space<vmem>>
      %dma_wait3A_1737 = tpu.memref_squeeze %dma_wait3A_1736 : memref<1x800xi32, #tpu.memory_space<vmem>> -> memref<800xi32, #tpu.memory_space<vmem>>
      %dma_wait3A_1738 = tpu.memref_slice %arg3[%add3A_1231] : memref<819200xi32, #tpu.memory_space<hbm>> -> memref<800xi32, #tpu.memory_space<hbm>>
      %dma_wait3A_1739 = arith.constant 0 : i32
      %dma_wait3A_1740 = tpu.memref_slice %arg7[%run_scoped3A_1233, %dma_wait3A_1739] : memref<2x800xi32, #tpu.memory_space<vmem>> -> memref<1x800xi32, #tpu.memory_space<vmem>>
      %dma_wait3A_1741 = tpu.memref_squeeze %dma_wait3A_1740 : memref<1x800xi32, #tpu.memory_space<vmem>> -> memref<800xi32, #tpu.memory_space<vmem>>
      %dma_wait3A_1742 = tpu.memref_slice %arg3[%add3A_1231] : memref<819200xi32, #tpu.memory_space<hbm>> -> memref<800xi32, #tpu.memory_space<hbm>>
      tpu.wait_dma2 semaphore(%run_scoped3A_1726 : memref<!tpu.dma_semaphore, #tpu.memory_space<semaphore_mem>>) src(%dma_wait3A_1742 : memref<800xi32, #tpu.memory_space<hbm>>) dst(%dma_wait3A_1741 : memref<800xi32, #tpu.memory_space<vmem>>)
      tpu.yield
    }) : () -> ()
    %dma_start3A_1234 = arith.constant 1 : i32
    %dma_start3A_1235 = arith.constant 1 : i32
    %dma_start3A_1236 = arith.constant 0 : i32
    %dma_start3A_1237 = arith.constant 0 : i32
    %dma_start3A_1238 = tpu.memref_slice %arg8[%dma_start3A_1235, %dma_start3A_1236, %dma_start3A_1237] : memref<2x800x64xf32, #tpu.memory_space<vmem>> -> memref<1x800x64xf32, #tpu.memory_space<vmem>>
    %dma_start3A_1239 = tpu.memref_squeeze %dma_start3A_1238 : memref<1x800x64xf32, #tpu.memory_space<vmem>> -> memref<800x64xf32, #tpu.memory_space<vmem>>
    %dma_start3A_1240 = arith.constant 0 : i32
    %dma_start3A_1241 = tpu.memref_slice %arg6[%dma_start3A_1234, %dma_start3A_1240] : memref<2x800xi32, #tpu.memory_space<vmem>> -> memref<1x800xi32, #tpu.memory_space<vmem>>
    %dma_start3A_1242 = tpu.memref_squeeze %dma_start3A_1241 : memref<1x800xi32, #tpu.memory_space<vmem>> -> memref<800xi32, #tpu.memory_space<vmem>>
    %dma_start3A_1243 = arith.constant 0 : i32
    %dma_start3A_1244 = arith.constant 0 : i32
    %dma_start3A_1245 = tpu.memref_slice %arg4[%dma_start3A_1243, %dma_start3A_1244] : memref<1015808x64xf32, #tpu.memory_space<hbm>> -> memref<1015808x64xf32, #tpu.memory_space<hbm>>
    tpu.enqueue_indirect_dma source(%dma_start3A_1245 : memref<1015808x64xf32, #tpu.memory_space<hbm>>) target(%dma_start3A_1239 : memref<800x64xf32, #tpu.memory_space<vmem>>) offsets(%dma_start3A_1242 : memref<800xi32, #tpu.memory_space<vmem>>) semaphore(%arg9 : memref<!tpu.dma_semaphore, #tpu.memory_space<semaphore_mem>>)
    %dma_wait3A_1246 = arith.constant 1 : i32
    %dma_wait3A_1247 = arith.constant 1 : i32
    %dma_wait3A_1248 = arith.constant 0 : i32
    %dma_wait3A_1249 = arith.constant 0 : i32
    %dma_wait3A_1250 = tpu.memref_slice %arg8[%dma_wait3A_1247, %dma_wait3A_1248, %dma_wait3A_1249] : memref<2x800x64xf32, #tpu.memory_space<vmem>> -> memref<1x800x64xf32, #tpu.memory_space<vmem>>
    %dma_wait3A_1251 = tpu.memref_squeeze %dma_wait3A_1250 : memref<1x800x64xf32, #tpu.memory_space<vmem>> -> memref<800x64xf32, #tpu.memory_space<vmem>>
    %dma_wait3A_1252 = arith.constant 0 : i32
    %dma_wait3A_1253 = tpu.memref_slice %arg6[%dma_wait3A_1246, %dma_wait3A_1252] : memref<2x800xi32, #tpu.memory_space<vmem>> -> memref<1x800xi32, #tpu.memory_space<vmem>>
    %dma_wait3A_1254 = tpu.memref_squeeze %dma_wait3A_1253 : memref<1x800xi32, #tpu.memory_space<vmem>> -> memref<800xi32, #tpu.memory_space<vmem>>
    %dma_wait3A_1255 = arith.constant 0 : i32
    %dma_wait3A_1256 = arith.constant 0 : i32
    %dma_wait3A_1257 = tpu.memref_slice %arg4[%dma_wait3A_1255, %dma_wait3A_1256] : memref<1015808x64xf32, #tpu.memory_space<hbm>> -> memref<1015808x64xf32, #tpu.memory_space<hbm>>
    tpu.wait_indirect_dma semaphore(%arg9 : memref<!tpu.dma_semaphore, #tpu.memory_space<semaphore_mem>>) src(%dma_wait3A_1257 : memref<1015808x64xf32, #tpu.memory_space<hbm>>) dst(%dma_wait3A_1251 : memref<800x64xf32, #tpu.memory_space<vmem>>)
    %dma_start3A_1258 = arith.constant 1 : i32
    %dma_start3A_1259 = arith.constant 1 : i32
    %dma_start3A_1260 = arith.constant 0 : i32
    %dma_start3A_1261 = arith.constant 0 : i32
    %dma_start3A_1262 = tpu.memref_slice %arg8[%dma_start3A_1258, %dma_start3A_1260, %dma_start3A_1261] : memref<2x800x64xf32, #tpu.memory_space<vmem>> -> memref<1x800x64xf32, #tpu.memory_space<vmem>>
    %dma_start3A_1263 = tpu.memref_squeeze %dma_start3A_1262 : memref<1x800x64xf32, #tpu.memory_space<vmem>> -> memref<800x64xf32, #tpu.memory_space<vmem>>
    %dma_start3A_1264 = arith.constant 0 : i32
    %dma_start3A_1265 = tpu.memref_slice %arg7[%dma_start3A_1259, %dma_start3A_1264] : memref<2x800xi32, #tpu.memory_space<vmem>> -> memref<1x800xi32, #tpu.memory_space<vmem>>
    %dma_start3A_1266 = tpu.memref_squeeze %dma_start3A_1265 : memref<1x800xi32, #tpu.memory_space<vmem>> -> memref<800xi32, #tpu.memory_space<vmem>>
    %dma_start3A_1267 = arith.constant 0 : i32
    %dma_start3A_1268 = arith.constant 0 : i32
    %dma_start3A_1269 = tpu.memref_slice %arg5[%dma_start3A_1267, %dma_start3A_1268] : memref<819200x64xf32, #tpu.memory_space<hbm>> -> memref<819200x64xf32, #tpu.memory_space<hbm>>
    tpu.enqueue_indirect_dma source(%dma_start3A_1263 : memref<800x64xf32, #tpu.memory_space<vmem>>) target(%dma_start3A_1269 : memref<819200x64xf32, #tpu.memory_space<hbm>>) offsets(%dma_start3A_1266 : memref<800xi32, #tpu.memory_space<vmem>>) semaphore(%arg11 : memref<!tpu.dma_semaphore, #tpu.memory_space<semaphore_mem>>)
    %dma_wait3A_1270 = arith.constant 0 : i32
    %dma_wait3A_1271 = arith.constant 0 : i32
    %dma_wait3A_1272 = arith.constant 0 : i32
    %dma_wait3A_1273 = arith.constant 0 : i32
    %dma_wait3A_1274 = tpu.memref_slice %arg8[%dma_wait3A_1270, %dma_wait3A_1272, %dma_wait3A_1273] : memref<2x800x64xf32, #tpu.memory_space<vmem>> -> memref<1x800x64xf32, #tpu.memory_space<vmem>>
    %dma_wait3A_1275 = tpu.memref_squeeze %dma_wait3A_1274 : memref<1x800x64xf32, #tpu.memory_space<vmem>> -> memref<800x64xf32, #tpu.memory_space<vmem>>
    %dma_wait3A_1276 = arith.constant 0 : i32
    %dma_wait3A_1277 = tpu.memref_slice %arg7[%dma_wait3A_1271, %dma_wait3A_1276] : memref<2x800xi32, #tpu.memory_space<vmem>> -> memref<1x800xi32, #tpu.memory_space<vmem>>
    %dma_wait3A_1278 = tpu.memref_squeeze %dma_wait3A_1277 : memref<1x800xi32, #tpu.memory_space<vmem>> -> memref<800xi32, #tpu.memory_space<vmem>>
    %dma_wait3A_1279 = arith.constant 0 : i32
    %dma_wait3A_1280 = arith.constant 0 : i32
    %dma_wait3A_1281 = tpu.memref_slice %arg5[%dma_wait3A_1279, %dma_wait3A_1280] : memref<819200x64xf32, #tpu.memory_space<hbm>> -> memref<819200x64xf32, #tpu.memory_space<hbm>>
    tpu.wait_indirect_dma semaphore(%arg10 : memref<!tpu.dma_semaphore, #tpu.memory_space<semaphore_mem>>) src(%dma_wait3A_1275 : memref<800x64xf32, #tpu.memory_space<vmem>>) dst(%dma_wait3A_1281 : memref<819200x64xf32, #tpu.memory_space<hbm>>)
    %mul3A_1282 = arith.constant 25600 : i32
    %mul3A_1283 = arith.muli %add3A, %mul3A_1282 : i32
    %add3A_1284 = arith.constant 19200 : i32
    %add3A_1285 = arith.addi %mul3A_1283, %add3A_1284 : i32
    %run_scoped3A_1286 = arith.constant 0 : i32
    "tpu.region"() ({
      %run_scoped3A_1726 = tpu.sem_alloc : memref<!tpu.dma_semaphore, #tpu.memory_space<semaphore_mem>>
      %dma_start3A_1727 = arith.constant 0 : i32
      %dma_start3A_1728 = tpu.memref_slice %arg6[%run_scoped3A_1286, %dma_start3A_1727] : memref<2x800xi32, #tpu.memory_space<vmem>> -> memref<1x800xi32, #tpu.memory_space<vmem>>
      %dma_start3A_1729 = tpu.memref_squeeze %dma_start3A_1728 : memref<1x800xi32, #tpu.memory_space<vmem>> -> memref<800xi32, #tpu.memory_space<vmem>>
      %dma_start3A_1730 = tpu.memref_slice %arg2[%add3A_1285] : memref<819200xi32, #tpu.memory_space<hbm>> -> memref<800xi32, #tpu.memory_space<hbm>>
      %dma_start3A_1731 = arith.constant 0 : i32
      %dma_start3A_1732 = tpu.memref_slice %arg6[%run_scoped3A_1286, %dma_start3A_1731] : memref<2x800xi32, #tpu.memory_space<vmem>> -> memref<1x800xi32, #tpu.memory_space<vmem>>
      %dma_start3A_1733 = tpu.memref_squeeze %dma_start3A_1732 : memref<1x800xi32, #tpu.memory_space<vmem>> -> memref<800xi32, #tpu.memory_space<vmem>>
      %dma_start3A_1734 = tpu.memref_slice %arg2[%add3A_1285] : memref<819200xi32, #tpu.memory_space<hbm>> -> memref<800xi32, #tpu.memory_space<hbm>>
      tpu.enqueue_dma source(%dma_start3A_1734 : memref<800xi32, #tpu.memory_space<hbm>>) target(%dma_start3A_1733 : memref<800xi32, #tpu.memory_space<vmem>>) target_semaphore(%run_scoped3A_1726 : memref<!tpu.dma_semaphore, #tpu.memory_space<semaphore_mem>>)
      %dma_wait3A_1735 = arith.constant 0 : i32
      %dma_wait3A_1736 = tpu.memref_slice %arg6[%run_scoped3A_1286, %dma_wait3A_1735] : memref<2x800xi32, #tpu.memory_space<vmem>> -> memref<1x800xi32, #tpu.memory_space<vmem>>
      %dma_wait3A_1737 = tpu.memref_squeeze %dma_wait3A_1736 : memref<1x800xi32, #tpu.memory_space<vmem>> -> memref<800xi32, #tpu.memory_space<vmem>>
      %dma_wait3A_1738 = tpu.memref_slice %arg2[%add3A_1285] : memref<819200xi32, #tpu.memory_space<hbm>> -> memref<800xi32, #tpu.memory_space<hbm>>
      %dma_wait3A_1739 = arith.constant 0 : i32
      %dma_wait3A_1740 = tpu.memref_slice %arg6[%run_scoped3A_1286, %dma_wait3A_1739] : memref<2x800xi32, #tpu.memory_space<vmem>> -> memref<1x800xi32, #tpu.memory_space<vmem>>
      %dma_wait3A_1741 = tpu.memref_squeeze %dma_wait3A_1740 : memref<1x800xi32, #tpu.memory_space<vmem>> -> memref<800xi32, #tpu.memory_space<vmem>>
      %dma_wait3A_1742 = tpu.memref_slice %arg2[%add3A_1285] : memref<819200xi32, #tpu.memory_space<hbm>> -> memref<800xi32, #tpu.memory_space<hbm>>
      tpu.wait_dma2 semaphore(%run_scoped3A_1726 : memref<!tpu.dma_semaphore, #tpu.memory_space<semaphore_mem>>) src(%dma_wait3A_1742 : memref<800xi32, #tpu.memory_space<hbm>>) dst(%dma_wait3A_1741 : memref<800xi32, #tpu.memory_space<vmem>>)
      tpu.yield
    }) : () -> ()
    %run_scoped3A_1287 = arith.constant 0 : i32
    "tpu.region"() ({
      %run_scoped3A_1726 = tpu.sem_alloc : memref<!tpu.dma_semaphore, #tpu.memory_space<semaphore_mem>>
      %dma_start3A_1727 = arith.constant 0 : i32
      %dma_start3A_1728 = tpu.memref_slice %arg7[%run_scoped3A_1287, %dma_start3A_1727] : memref<2x800xi32, #tpu.memory_space<vmem>> -> memref<1x800xi32, #tpu.memory_space<vmem>>
      %dma_start3A_1729 = tpu.memref_squeeze %dma_start3A_1728 : memref<1x800xi32, #tpu.memory_space<vmem>> -> memref<800xi32, #tpu.memory_space<vmem>>
      %dma_start3A_1730 = tpu.memref_slice %arg3[%add3A_1285] : memref<819200xi32, #tpu.memory_space<hbm>> -> memref<800xi32, #tpu.memory_space<hbm>>
      %dma_start3A_1731 = arith.constant 0 : i32
      %dma_start3A_1732 = tpu.memref_slice %arg7[%run_scoped3A_1287, %dma_start3A_1731] : memref<2x800xi32, #tpu.memory_space<vmem>> -> memref<1x800xi32, #tpu.memory_space<vmem>>
      %dma_start3A_1733 = tpu.memref_squeeze %dma_start3A_1732 : memref<1x800xi32, #tpu.memory_space<vmem>> -> memref<800xi32, #tpu.memory_space<vmem>>
      %dma_start3A_1734 = tpu.memref_slice %arg3[%add3A_1285] : memref<819200xi32, #tpu.memory_space<hbm>> -> memref<800xi32, #tpu.memory_space<hbm>>
      tpu.enqueue_dma source(%dma_start3A_1734 : memref<800xi32, #tpu.memory_space<hbm>>) target(%dma_start3A_1733 : memref<800xi32, #tpu.memory_space<vmem>>) target_semaphore(%run_scoped3A_1726 : memref<!tpu.dma_semaphore, #tpu.memory_space<semaphore_mem>>)
      %dma_wait3A_1735 = arith.constant 0 : i32
      %dma_wait3A_1736 = tpu.memref_slice %arg7[%run_scoped3A_1287, %dma_wait3A_1735] : memref<2x800xi32, #tpu.memory_space<vmem>> -> memref<1x800xi32, #tpu.memory_space<vmem>>
      %dma_wait3A_1737 = tpu.memref_squeeze %dma_wait3A_1736 : memref<1x800xi32, #tpu.memory_space<vmem>> -> memref<800xi32, #tpu.memory_space<vmem>>
      %dma_wait3A_1738 = tpu.memref_slice %arg3[%add3A_1285] : memref<819200xi32, #tpu.memory_space<hbm>> -> memref<800xi32, #tpu.memory_space<hbm>>
      %dma_wait3A_1739 = arith.constant 0 : i32
      %dma_wait3A_1740 = tpu.memref_slice %arg7[%run_scoped3A_1287, %dma_wait3A_1739] : memref<2x800xi32, #tpu.memory_space<vmem>> -> memref<1x800xi32, #tpu.memory_space<vmem>>
      %dma_wait3A_1741 = tpu.memref_squeeze %dma_wait3A_1740 : memref<1x800xi32, #tpu.memory_space<vmem>> -> memref<800xi32, #tpu.memory_space<vmem>>
      %dma_wait3A_1742 = tpu.memref_slice %arg3[%add3A_1285] : memref<819200xi32, #tpu.memory_space<hbm>> -> memref<800xi32, #tpu.memory_space<hbm>>
      tpu.wait_dma2 semaphore(%run_scoped3A_1726 : memref<!tpu.dma_semaphore, #tpu.memory_space<semaphore_mem>>) src(%dma_wait3A_1742 : memref<800xi32, #tpu.memory_space<hbm>>) dst(%dma_wait3A_1741 : memref<800xi32, #tpu.memory_space<vmem>>)
      tpu.yield
    }) : () -> ()
    %dma_start3A_1288 = arith.constant 0 : i32
    %dma_start3A_1289 = arith.constant 0 : i32
    %dma_start3A_1290 = arith.constant 0 : i32
    %dma_start3A_1291 = arith.constant 0 : i32
    %dma_start3A_1292 = tpu.memref_slice %arg8[%dma_start3A_1289, %dma_start3A_1290, %dma_start3A_1291] : memref<2x800x64xf32, #tpu.memory_space<vmem>> -> memref<1x800x64xf32, #tpu.memory_space<vmem>>
    %dma_start3A_1293 = tpu.memref_squeeze %dma_start3A_1292 : memref<1x800x64xf32, #tpu.memory_space<vmem>> -> memref<800x64xf32, #tpu.memory_space<vmem>>
    %dma_start3A_1294 = arith.constant 0 : i32
    %dma_start3A_1295 = tpu.memref_slice %arg6[%dma_start3A_1288, %dma_start3A_1294] : memref<2x800xi32, #tpu.memory_space<vmem>> -> memref<1x800xi32, #tpu.memory_space<vmem>>
    %dma_start3A_1296 = tpu.memref_squeeze %dma_start3A_1295 : memref<1x800xi32, #tpu.memory_space<vmem>> -> memref<800xi32, #tpu.memory_space<vmem>>
    %dma_start3A_1297 = arith.constant 0 : i32
    %dma_start3A_1298 = arith.constant 0 : i32
    %dma_start3A_1299 = tpu.memref_slice %arg4[%dma_start3A_1297, %dma_start3A_1298] : memref<1015808x64xf32, #tpu.memory_space<hbm>> -> memref<1015808x64xf32, #tpu.memory_space<hbm>>
    tpu.enqueue_indirect_dma source(%dma_start3A_1299 : memref<1015808x64xf32, #tpu.memory_space<hbm>>) target(%dma_start3A_1293 : memref<800x64xf32, #tpu.memory_space<vmem>>) offsets(%dma_start3A_1296 : memref<800xi32, #tpu.memory_space<vmem>>) semaphore(%arg9 : memref<!tpu.dma_semaphore, #tpu.memory_space<semaphore_mem>>)
    %dma_wait3A_1300 = arith.constant 0 : i32
    %dma_wait3A_1301 = arith.constant 0 : i32
    %dma_wait3A_1302 = arith.constant 0 : i32
    %dma_wait3A_1303 = arith.constant 0 : i32
    %dma_wait3A_1304 = tpu.memref_slice %arg8[%dma_wait3A_1301, %dma_wait3A_1302, %dma_wait3A_1303] : memref<2x800x64xf32, #tpu.memory_space<vmem>> -> memref<1x800x64xf32, #tpu.memory_space<vmem>>
    %dma_wait3A_1305 = tpu.memref_squeeze %dma_wait3A_1304 : memref<1x800x64xf32, #tpu.memory_space<vmem>> -> memref<800x64xf32, #tpu.memory_space<vmem>>
    %dma_wait3A_1306 = arith.constant 0 : i32
    %dma_wait3A_1307 = tpu.memref_slice %arg6[%dma_wait3A_1300, %dma_wait3A_1306] : memref<2x800xi32, #tpu.memory_space<vmem>> -> memref<1x800xi32, #tpu.memory_space<vmem>>
    %dma_wait3A_1308 = tpu.memref_squeeze %dma_wait3A_1307 : memref<1x800xi32, #tpu.memory_space<vmem>> -> memref<800xi32, #tpu.memory_space<vmem>>
    %dma_wait3A_1309 = arith.constant 0 : i32
    %dma_wait3A_1310 = arith.constant 0 : i32
    %dma_wait3A_1311 = tpu.memref_slice %arg4[%dma_wait3A_1309, %dma_wait3A_1310] : memref<1015808x64xf32, #tpu.memory_space<hbm>> -> memref<1015808x64xf32, #tpu.memory_space<hbm>>
    tpu.wait_indirect_dma semaphore(%arg9 : memref<!tpu.dma_semaphore, #tpu.memory_space<semaphore_mem>>) src(%dma_wait3A_1311 : memref<1015808x64xf32, #tpu.memory_space<hbm>>) dst(%dma_wait3A_1305 : memref<800x64xf32, #tpu.memory_space<vmem>>)
    %dma_start3A_1312 = arith.constant 0 : i32
    %dma_start3A_1313 = arith.constant 0 : i32
    %dma_start3A_1314 = arith.constant 0 : i32
    %dma_start3A_1315 = arith.constant 0 : i32
    %dma_start3A_1316 = tpu.memref_slice %arg8[%dma_start3A_1312, %dma_start3A_1314, %dma_start3A_1315] : memref<2x800x64xf32, #tpu.memory_space<vmem>> -> memref<1x800x64xf32, #tpu.memory_space<vmem>>
    %dma_start3A_1317 = tpu.memref_squeeze %dma_start3A_1316 : memref<1x800x64xf32, #tpu.memory_space<vmem>> -> memref<800x64xf32, #tpu.memory_space<vmem>>
    %dma_start3A_1318 = arith.constant 0 : i32
    %dma_start3A_1319 = tpu.memref_slice %arg7[%dma_start3A_1313, %dma_start3A_1318] : memref<2x800xi32, #tpu.memory_space<vmem>> -> memref<1x800xi32, #tpu.memory_space<vmem>>
    %dma_start3A_1320 = tpu.memref_squeeze %dma_start3A_1319 : memref<1x800xi32, #tpu.memory_space<vmem>> -> memref<800xi32, #tpu.memory_space<vmem>>
    %dma_start3A_1321 = arith.constant 0 : i32
    %dma_start3A_1322 = arith.constant 0 : i32
    %dma_start3A_1323 = tpu.memref_slice %arg5[%dma_start3A_1321, %dma_start3A_1322] : memref<819200x64xf32, #tpu.memory_space<hbm>> -> memref<819200x64xf32, #tpu.memory_space<hbm>>
    tpu.enqueue_indirect_dma source(%dma_start3A_1317 : memref<800x64xf32, #tpu.memory_space<vmem>>) target(%dma_start3A_1323 : memref<819200x64xf32, #tpu.memory_space<hbm>>) offsets(%dma_start3A_1320 : memref<800xi32, #tpu.memory_space<vmem>>) semaphore(%arg10 : memref<!tpu.dma_semaphore, #tpu.memory_space<semaphore_mem>>)
    %dma_wait3A_1324 = arith.constant 1 : i32
    %dma_wait3A_1325 = arith.constant 1 : i32
    %dma_wait3A_1326 = arith.constant 0 : i32
    %dma_wait3A_1327 = arith.constant 0 : i32
    %dma_wait3A_1328 = tpu.memref_slice %arg8[%dma_wait3A_1324, %dma_wait3A_1326, %dma_wait3A_1327] : memref<2x800x64xf32, #tpu.memory_space<vmem>> -> memref<1x800x64xf32, #tpu.memory_space<vmem>>
    %dma_wait3A_1329 = tpu.memref_squeeze %dma_wait3A_1328 : memref<1x800x64xf32, #tpu.memory_space<vmem>> -> memref<800x64xf32, #tpu.memory_space<vmem>>
    %dma_wait3A_1330 = arith.constant 0 : i32
    %dma_wait3A_1331 = tpu.memref_slice %arg7[%dma_wait3A_1325, %dma_wait3A_1330] : memref<2x800xi32, #tpu.memory_space<vmem>> -> memref<1x800xi32, #tpu.memory_space<vmem>>
    %dma_wait3A_1332 = tpu.memref_squeeze %dma_wait3A_1331 : memref<1x800xi32, #tpu.memory_space<vmem>> -> memref<800xi32, #tpu.memory_space<vmem>>
    %dma_wait3A_1333 = arith.constant 0 : i32
    %dma_wait3A_1334 = arith.constant 0 : i32
    %dma_wait3A_1335 = tpu.memref_slice %arg5[%dma_wait3A_1333, %dma_wait3A_1334] : memref<819200x64xf32, #tpu.memory_space<hbm>> -> memref<819200x64xf32, #tpu.memory_space<hbm>>
    tpu.wait_indirect_dma semaphore(%arg11 : memref<!tpu.dma_semaphore, #tpu.memory_space<semaphore_mem>>) src(%dma_wait3A_1329 : memref<800x64xf32, #tpu.memory_space<vmem>>) dst(%dma_wait3A_1335 : memref<819200x64xf32, #tpu.memory_space<hbm>>)
    %mul3A_1336 = arith.constant 25600 : i32
    %mul3A_1337 = arith.muli %add3A, %mul3A_1336 : i32
    %add3A_1338 = arith.constant 20000 : i32
    %add3A_1339 = arith.addi %mul3A_1337, %add3A_1338 : i32
    %run_scoped3A_1340 = arith.constant 1 : i32
    "tpu.region"() ({
      %run_scoped3A_1726 = tpu.sem_alloc : memref<!tpu.dma_semaphore, #tpu.memory_space<semaphore_mem>>
      %dma_start3A_1727 = arith.constant 0 : i32
      %dma_start3A_1728 = tpu.memref_slice %arg6[%run_scoped3A_1340, %dma_start3A_1727] : memref<2x800xi32, #tpu.memory_space<vmem>> -> memref<1x800xi32, #tpu.memory_space<vmem>>
      %dma_start3A_1729 = tpu.memref_squeeze %dma_start3A_1728 : memref<1x800xi32, #tpu.memory_space<vmem>> -> memref<800xi32, #tpu.memory_space<vmem>>
      %dma_start3A_1730 = tpu.memref_slice %arg2[%add3A_1339] : memref<819200xi32, #tpu.memory_space<hbm>> -> memref<800xi32, #tpu.memory_space<hbm>>
      %dma_start3A_1731 = arith.constant 0 : i32
      %dma_start3A_1732 = tpu.memref_slice %arg6[%run_scoped3A_1340, %dma_start3A_1731] : memref<2x800xi32, #tpu.memory_space<vmem>> -> memref<1x800xi32, #tpu.memory_space<vmem>>
      %dma_start3A_1733 = tpu.memref_squeeze %dma_start3A_1732 : memref<1x800xi32, #tpu.memory_space<vmem>> -> memref<800xi32, #tpu.memory_space<vmem>>
      %dma_start3A_1734 = tpu.memref_slice %arg2[%add3A_1339] : memref<819200xi32, #tpu.memory_space<hbm>> -> memref<800xi32, #tpu.memory_space<hbm>>
      tpu.enqueue_dma source(%dma_start3A_1734 : memref<800xi32, #tpu.memory_space<hbm>>) target(%dma_start3A_1733 : memref<800xi32, #tpu.memory_space<vmem>>) target_semaphore(%run_scoped3A_1726 : memref<!tpu.dma_semaphore, #tpu.memory_space<semaphore_mem>>)
      %dma_wait3A_1735 = arith.constant 0 : i32
      %dma_wait3A_1736 = tpu.memref_slice %arg6[%run_scoped3A_1340, %dma_wait3A_1735] : memref<2x800xi32, #tpu.memory_space<vmem>> -> memref<1x800xi32, #tpu.memory_space<vmem>>
      %dma_wait3A_1737 = tpu.memref_squeeze %dma_wait3A_1736 : memref<1x800xi32, #tpu.memory_space<vmem>> -> memref<800xi32, #tpu.memory_space<vmem>>
      %dma_wait3A_1738 = tpu.memref_slice %arg2[%add3A_1339] : memref<819200xi32, #tpu.memory_space<hbm>> -> memref<800xi32, #tpu.memory_space<hbm>>
      %dma_wait3A_1739 = arith.constant 0 : i32
      %dma_wait3A_1740 = tpu.memref_slice %arg6[%run_scoped3A_1340, %dma_wait3A_1739] : memref<2x800xi32, #tpu.memory_space<vmem>> -> memref<1x800xi32, #tpu.memory_space<vmem>>
      %dma_wait3A_1741 = tpu.memref_squeeze %dma_wait3A_1740 : memref<1x800xi32, #tpu.memory_space<vmem>> -> memref<800xi32, #tpu.memory_space<vmem>>
      %dma_wait3A_1742 = tpu.memref_slice %arg2[%add3A_1339] : memref<819200xi32, #tpu.memory_space<hbm>> -> memref<800xi32, #tpu.memory_space<hbm>>
      tpu.wait_dma2 semaphore(%run_scoped3A_1726 : memref<!tpu.dma_semaphore, #tpu.memory_space<semaphore_mem>>) src(%dma_wait3A_1742 : memref<800xi32, #tpu.memory_space<hbm>>) dst(%dma_wait3A_1741 : memref<800xi32, #tpu.memory_space<vmem>>)
      tpu.yield
    }) : () -> ()
    %run_scoped3A_1341 = arith.constant 1 : i32
    "tpu.region"() ({
      %run_scoped3A_1726 = tpu.sem_alloc : memref<!tpu.dma_semaphore, #tpu.memory_space<semaphore_mem>>
      %dma_start3A_1727 = arith.constant 0 : i32
      %dma_start3A_1728 = tpu.memref_slice %arg7[%run_scoped3A_1341, %dma_start3A_1727] : memref<2x800xi32, #tpu.memory_space<vmem>> -> memref<1x800xi32, #tpu.memory_space<vmem>>
      %dma_start3A_1729 = tpu.memref_squeeze %dma_start3A_1728 : memref<1x800xi32, #tpu.memory_space<vmem>> -> memref<800xi32, #tpu.memory_space<vmem>>
      %dma_start3A_1730 = tpu.memref_slice %arg3[%add3A_1339] : memref<819200xi32, #tpu.memory_space<hbm>> -> memref<800xi32, #tpu.memory_space<hbm>>
      %dma_start3A_1731 = arith.constant 0 : i32
      %dma_start3A_1732 = tpu.memref_slice %arg7[%run_scoped3A_1341, %dma_start3A_1731] : memref<2x800xi32, #tpu.memory_space<vmem>> -> memref<1x800xi32, #tpu.memory_space<vmem>>
      %dma_start3A_1733 = tpu.memref_squeeze %dma_start3A_1732 : memref<1x800xi32, #tpu.memory_space<vmem>> -> memref<800xi32, #tpu.memory_space<vmem>>
      %dma_start3A_1734 = tpu.memref_slice %arg3[%add3A_1339] : memref<819200xi32, #tpu.memory_space<hbm>> -> memref<800xi32, #tpu.memory_space<hbm>>
      tpu.enqueue_dma source(%dma_start3A_1734 : memref<800xi32, #tpu.memory_space<hbm>>) target(%dma_start3A_1733 : memref<800xi32, #tpu.memory_space<vmem>>) target_semaphore(%run_scoped3A_1726 : memref<!tpu.dma_semaphore, #tpu.memory_space<semaphore_mem>>)
      %dma_wait3A_1735 = arith.constant 0 : i32
      %dma_wait3A_1736 = tpu.memref_slice %arg7[%run_scoped3A_1341, %dma_wait3A_1735] : memref<2x800xi32, #tpu.memory_space<vmem>> -> memref<1x800xi32, #tpu.memory_space<vmem>>
      %dma_wait3A_1737 = tpu.memref_squeeze %dma_wait3A_1736 : memref<1x800xi32, #tpu.memory_space<vmem>> -> memref<800xi32, #tpu.memory_space<vmem>>
      %dma_wait3A_1738 = tpu.memref_slice %arg3[%add3A_1339] : memref<819200xi32, #tpu.memory_space<hbm>> -> memref<800xi32, #tpu.memory_space<hbm>>
      %dma_wait3A_1739 = arith.constant 0 : i32
      %dma_wait3A_1740 = tpu.memref_slice %arg7[%run_scoped3A_1341, %dma_wait3A_1739] : memref<2x800xi32, #tpu.memory_space<vmem>> -> memref<1x800xi32, #tpu.memory_space<vmem>>
      %dma_wait3A_1741 = tpu.memref_squeeze %dma_wait3A_1740 : memref<1x800xi32, #tpu.memory_space<vmem>> -> memref<800xi32, #tpu.memory_space<vmem>>
      %dma_wait3A_1742 = tpu.memref_slice %arg3[%add3A_1339] : memref<819200xi32, #tpu.memory_space<hbm>> -> memref<800xi32, #tpu.memory_space<hbm>>
      tpu.wait_dma2 semaphore(%run_scoped3A_1726 : memref<!tpu.dma_semaphore, #tpu.memory_space<semaphore_mem>>) src(%dma_wait3A_1742 : memref<800xi32, #tpu.memory_space<hbm>>) dst(%dma_wait3A_1741 : memref<800xi32, #tpu.memory_space<vmem>>)
      tpu.yield
    }) : () -> ()
    %dma_start3A_1342 = arith.constant 1 : i32
    %dma_start3A_1343 = arith.constant 1 : i32
    %dma_start3A_1344 = arith.constant 0 : i32
    %dma_start3A_1345 = arith.constant 0 : i32
    %dma_start3A_1346 = tpu.memref_slice %arg8[%dma_start3A_1343, %dma_start3A_1344, %dma_start3A_1345] : memref<2x800x64xf32, #tpu.memory_space<vmem>> -> memref<1x800x64xf32, #tpu.memory_space<vmem>>
    %dma_start3A_1347 = tpu.memref_squeeze %dma_start3A_1346 : memref<1x800x64xf32, #tpu.memory_space<vmem>> -> memref<800x64xf32, #tpu.memory_space<vmem>>
    %dma_start3A_1348 = arith.constant 0 : i32
    %dma_start3A_1349 = tpu.memref_slice %arg6[%dma_start3A_1342, %dma_start3A_1348] : memref<2x800xi32, #tpu.memory_space<vmem>> -> memref<1x800xi32, #tpu.memory_space<vmem>>
    %dma_start3A_1350 = tpu.memref_squeeze %dma_start3A_1349 : memref<1x800xi32, #tpu.memory_space<vmem>> -> memref<800xi32, #tpu.memory_space<vmem>>
    %dma_start3A_1351 = arith.constant 0 : i32
    %dma_start3A_1352 = arith.constant 0 : i32
    %dma_start3A_1353 = tpu.memref_slice %arg4[%dma_start3A_1351, %dma_start3A_1352] : memref<1015808x64xf32, #tpu.memory_space<hbm>> -> memref<1015808x64xf32, #tpu.memory_space<hbm>>
    tpu.enqueue_indirect_dma source(%dma_start3A_1353 : memref<1015808x64xf32, #tpu.memory_space<hbm>>) target(%dma_start3A_1347 : memref<800x64xf32, #tpu.memory_space<vmem>>) offsets(%dma_start3A_1350 : memref<800xi32, #tpu.memory_space<vmem>>) semaphore(%arg9 : memref<!tpu.dma_semaphore, #tpu.memory_space<semaphore_mem>>)
    %dma_wait3A_1354 = arith.constant 1 : i32
    %dma_wait3A_1355 = arith.constant 1 : i32
    %dma_wait3A_1356 = arith.constant 0 : i32
    %dma_wait3A_1357 = arith.constant 0 : i32
    %dma_wait3A_1358 = tpu.memref_slice %arg8[%dma_wait3A_1355, %dma_wait3A_1356, %dma_wait3A_1357] : memref<2x800x64xf32, #tpu.memory_space<vmem>> -> memref<1x800x64xf32, #tpu.memory_space<vmem>>
    %dma_wait3A_1359 = tpu.memref_squeeze %dma_wait3A_1358 : memref<1x800x64xf32, #tpu.memory_space<vmem>> -> memref<800x64xf32, #tpu.memory_space<vmem>>
    %dma_wait3A_1360 = arith.constant 0 : i32
    %dma_wait3A_1361 = tpu.memref_slice %arg6[%dma_wait3A_1354, %dma_wait3A_1360] : memref<2x800xi32, #tpu.memory_space<vmem>> -> memref<1x800xi32, #tpu.memory_space<vmem>>
    %dma_wait3A_1362 = tpu.memref_squeeze %dma_wait3A_1361 : memref<1x800xi32, #tpu.memory_space<vmem>> -> memref<800xi32, #tpu.memory_space<vmem>>
    %dma_wait3A_1363 = arith.constant 0 : i32
    %dma_wait3A_1364 = arith.constant 0 : i32
    %dma_wait3A_1365 = tpu.memref_slice %arg4[%dma_wait3A_1363, %dma_wait3A_1364] : memref<1015808x64xf32, #tpu.memory_space<hbm>> -> memref<1015808x64xf32, #tpu.memory_space<hbm>>
    tpu.wait_indirect_dma semaphore(%arg9 : memref<!tpu.dma_semaphore, #tpu.memory_space<semaphore_mem>>) src(%dma_wait3A_1365 : memref<1015808x64xf32, #tpu.memory_space<hbm>>) dst(%dma_wait3A_1359 : memref<800x64xf32, #tpu.memory_space<vmem>>)
    %dma_start3A_1366 = arith.constant 1 : i32
    %dma_start3A_1367 = arith.constant 1 : i32
    %dma_start3A_1368 = arith.constant 0 : i32
    %dma_start3A_1369 = arith.constant 0 : i32
    %dma_start3A_1370 = tpu.memref_slice %arg8[%dma_start3A_1366, %dma_start3A_1368, %dma_start3A_1369] : memref<2x800x64xf32, #tpu.memory_space<vmem>> -> memref<1x800x64xf32, #tpu.memory_space<vmem>>
    %dma_start3A_1371 = tpu.memref_squeeze %dma_start3A_1370 : memref<1x800x64xf32, #tpu.memory_space<vmem>> -> memref<800x64xf32, #tpu.memory_space<vmem>>
    %dma_start3A_1372 = arith.constant 0 : i32
    %dma_start3A_1373 = tpu.memref_slice %arg7[%dma_start3A_1367, %dma_start3A_1372] : memref<2x800xi32, #tpu.memory_space<vmem>> -> memref<1x800xi32, #tpu.memory_space<vmem>>
    %dma_start3A_1374 = tpu.memref_squeeze %dma_start3A_1373 : memref<1x800xi32, #tpu.memory_space<vmem>> -> memref<800xi32, #tpu.memory_space<vmem>>
    %dma_start3A_1375 = arith.constant 0 : i32
    %dma_start3A_1376 = arith.constant 0 : i32
    %dma_start3A_1377 = tpu.memref_slice %arg5[%dma_start3A_1375, %dma_start3A_1376] : memref<819200x64xf32, #tpu.memory_space<hbm>> -> memref<819200x64xf32, #tpu.memory_space<hbm>>
    tpu.enqueue_indirect_dma source(%dma_start3A_1371 : memref<800x64xf32, #tpu.memory_space<vmem>>) target(%dma_start3A_1377 : memref<819200x64xf32, #tpu.memory_space<hbm>>) offsets(%dma_start3A_1374 : memref<800xi32, #tpu.memory_space<vmem>>) semaphore(%arg11 : memref<!tpu.dma_semaphore, #tpu.memory_space<semaphore_mem>>)
    %dma_wait3A_1378 = arith.constant 0 : i32
    %dma_wait3A_1379 = arith.constant 0 : i32
    %dma_wait3A_1380 = arith.constant 0 : i32
    %dma_wait3A_1381 = arith.constant 0 : i32
    %dma_wait3A_1382 = tpu.memref_slice %arg8[%dma_wait3A_1378, %dma_wait3A_1380, %dma_wait3A_1381] : memref<2x800x64xf32, #tpu.memory_space<vmem>> -> memref<1x800x64xf32, #tpu.memory_space<vmem>>
    %dma_wait3A_1383 = tpu.memref_squeeze %dma_wait3A_1382 : memref<1x800x64xf32, #tpu.memory_space<vmem>> -> memref<800x64xf32, #tpu.memory_space<vmem>>
    %dma_wait3A_1384 = arith.constant 0 : i32
    %dma_wait3A_1385 = tpu.memref_slice %arg7[%dma_wait3A_1379, %dma_wait3A_1384] : memref<2x800xi32, #tpu.memory_space<vmem>> -> memref<1x800xi32, #tpu.memory_space<vmem>>
    %dma_wait3A_1386 = tpu.memref_squeeze %dma_wait3A_1385 : memref<1x800xi32, #tpu.memory_space<vmem>> -> memref<800xi32, #tpu.memory_space<vmem>>
    %dma_wait3A_1387 = arith.constant 0 : i32
    %dma_wait3A_1388 = arith.constant 0 : i32
    %dma_wait3A_1389 = tpu.memref_slice %arg5[%dma_wait3A_1387, %dma_wait3A_1388] : memref<819200x64xf32, #tpu.memory_space<hbm>> -> memref<819200x64xf32, #tpu.memory_space<hbm>>
    tpu.wait_indirect_dma semaphore(%arg10 : memref<!tpu.dma_semaphore, #tpu.memory_space<semaphore_mem>>) src(%dma_wait3A_1383 : memref<800x64xf32, #tpu.memory_space<vmem>>) dst(%dma_wait3A_1389 : memref<819200x64xf32, #tpu.memory_space<hbm>>)
    %mul3A_1390 = arith.constant 25600 : i32
    %mul3A_1391 = arith.muli %add3A, %mul3A_1390 : i32
    %add3A_1392 = arith.constant 20800 : i32
    %add3A_1393 = arith.addi %mul3A_1391, %add3A_1392 : i32
    %run_scoped3A_1394 = arith.constant 0 : i32
    "tpu.region"() ({
      %run_scoped3A_1726 = tpu.sem_alloc : memref<!tpu.dma_semaphore, #tpu.memory_space<semaphore_mem>>
      %dma_start3A_1727 = arith.constant 0 : i32
      %dma_start3A_1728 = tpu.memref_slice %arg6[%run_scoped3A_1394, %dma_start3A_1727] : memref<2x800xi32, #tpu.memory_space<vmem>> -> memref<1x800xi32, #tpu.memory_space<vmem>>
      %dma_start3A_1729 = tpu.memref_squeeze %dma_start3A_1728 : memref<1x800xi32, #tpu.memory_space<vmem>> -> memref<800xi32, #tpu.memory_space<vmem>>
      %dma_start3A_1730 = tpu.memref_slice %arg2[%add3A_1393] : memref<819200xi32, #tpu.memory_space<hbm>> -> memref<800xi32, #tpu.memory_space<hbm>>
      %dma_start3A_1731 = arith.constant 0 : i32
      %dma_start3A_1732 = tpu.memref_slice %arg6[%run_scoped3A_1394, %dma_start3A_1731] : memref<2x800xi32, #tpu.memory_space<vmem>> -> memref<1x800xi32, #tpu.memory_space<vmem>>
      %dma_start3A_1733 = tpu.memref_squeeze %dma_start3A_1732 : memref<1x800xi32, #tpu.memory_space<vmem>> -> memref<800xi32, #tpu.memory_space<vmem>>
      %dma_start3A_1734 = tpu.memref_slice %arg2[%add3A_1393] : memref<819200xi32, #tpu.memory_space<hbm>> -> memref<800xi32, #tpu.memory_space<hbm>>
      tpu.enqueue_dma source(%dma_start3A_1734 : memref<800xi32, #tpu.memory_space<hbm>>) target(%dma_start3A_1733 : memref<800xi32, #tpu.memory_space<vmem>>) target_semaphore(%run_scoped3A_1726 : memref<!tpu.dma_semaphore, #tpu.memory_space<semaphore_mem>>)
      %dma_wait3A_1735 = arith.constant 0 : i32
      %dma_wait3A_1736 = tpu.memref_slice %arg6[%run_scoped3A_1394, %dma_wait3A_1735] : memref<2x800xi32, #tpu.memory_space<vmem>> -> memref<1x800xi32, #tpu.memory_space<vmem>>
      %dma_wait3A_1737 = tpu.memref_squeeze %dma_wait3A_1736 : memref<1x800xi32, #tpu.memory_space<vmem>> -> memref<800xi32, #tpu.memory_space<vmem>>
      %dma_wait3A_1738 = tpu.memref_slice %arg2[%add3A_1393] : memref<819200xi32, #tpu.memory_space<hbm>> -> memref<800xi32, #tpu.memory_space<hbm>>
      %dma_wait3A_1739 = arith.constant 0 : i32
      %dma_wait3A_1740 = tpu.memref_slice %arg6[%run_scoped3A_1394, %dma_wait3A_1739] : memref<2x800xi32, #tpu.memory_space<vmem>> -> memref<1x800xi32, #tpu.memory_space<vmem>>
      %dma_wait3A_1741 = tpu.memref_squeeze %dma_wait3A_1740 : memref<1x800xi32, #tpu.memory_space<vmem>> -> memref<800xi32, #tpu.memory_space<vmem>>
      %dma_wait3A_1742 = tpu.memref_slice %arg2[%add3A_1393] : memref<819200xi32, #tpu.memory_space<hbm>> -> memref<800xi32, #tpu.memory_space<hbm>>
      tpu.wait_dma2 semaphore(%run_scoped3A_1726 : memref<!tpu.dma_semaphore, #tpu.memory_space<semaphore_mem>>) src(%dma_wait3A_1742 : memref<800xi32, #tpu.memory_space<hbm>>) dst(%dma_wait3A_1741 : memref<800xi32, #tpu.memory_space<vmem>>)
      tpu.yield
    }) : () -> ()
    %run_scoped3A_1395 = arith.constant 0 : i32
    "tpu.region"() ({
      %run_scoped3A_1726 = tpu.sem_alloc : memref<!tpu.dma_semaphore, #tpu.memory_space<semaphore_mem>>
      %dma_start3A_1727 = arith.constant 0 : i32
      %dma_start3A_1728 = tpu.memref_slice %arg7[%run_scoped3A_1395, %dma_start3A_1727] : memref<2x800xi32, #tpu.memory_space<vmem>> -> memref<1x800xi32, #tpu.memory_space<vmem>>
      %dma_start3A_1729 = tpu.memref_squeeze %dma_start3A_1728 : memref<1x800xi32, #tpu.memory_space<vmem>> -> memref<800xi32, #tpu.memory_space<vmem>>
      %dma_start3A_1730 = tpu.memref_slice %arg3[%add3A_1393] : memref<819200xi32, #tpu.memory_space<hbm>> -> memref<800xi32, #tpu.memory_space<hbm>>
      %dma_start3A_1731 = arith.constant 0 : i32
      %dma_start3A_1732 = tpu.memref_slice %arg7[%run_scoped3A_1395, %dma_start3A_1731] : memref<2x800xi32, #tpu.memory_space<vmem>> -> memref<1x800xi32, #tpu.memory_space<vmem>>
      %dma_start3A_1733 = tpu.memref_squeeze %dma_start3A_1732 : memref<1x800xi32, #tpu.memory_space<vmem>> -> memref<800xi32, #tpu.memory_space<vmem>>
      %dma_start3A_1734 = tpu.memref_slice %arg3[%add3A_1393] : memref<819200xi32, #tpu.memory_space<hbm>> -> memref<800xi32, #tpu.memory_space<hbm>>
      tpu.enqueue_dma source(%dma_start3A_1734 : memref<800xi32, #tpu.memory_space<hbm>>) target(%dma_start3A_1733 : memref<800xi32, #tpu.memory_space<vmem>>) target_semaphore(%run_scoped3A_1726 : memref<!tpu.dma_semaphore, #tpu.memory_space<semaphore_mem>>)
      %dma_wait3A_1735 = arith.constant 0 : i32
      %dma_wait3A_1736 = tpu.memref_slice %arg7[%run_scoped3A_1395, %dma_wait3A_1735] : memref<2x800xi32, #tpu.memory_space<vmem>> -> memref<1x800xi32, #tpu.memory_space<vmem>>
      %dma_wait3A_1737 = tpu.memref_squeeze %dma_wait3A_1736 : memref<1x800xi32, #tpu.memory_space<vmem>> -> memref<800xi32, #tpu.memory_space<vmem>>
      %dma_wait3A_1738 = tpu.memref_slice %arg3[%add3A_1393] : memref<819200xi32, #tpu.memory_space<hbm>> -> memref<800xi32, #tpu.memory_space<hbm>>
      %dma_wait3A_1739 = arith.constant 0 : i32
      %dma_wait3A_1740 = tpu.memref_slice %arg7[%run_scoped3A_1395, %dma_wait3A_1739] : memref<2x800xi32, #tpu.memory_space<vmem>> -> memref<1x800xi32, #tpu.memory_space<vmem>>
      %dma_wait3A_1741 = tpu.memref_squeeze %dma_wait3A_1740 : memref<1x800xi32, #tpu.memory_space<vmem>> -> memref<800xi32, #tpu.memory_space<vmem>>
      %dma_wait3A_1742 = tpu.memref_slice %arg3[%add3A_1393] : memref<819200xi32, #tpu.memory_space<hbm>> -> memref<800xi32, #tpu.memory_space<hbm>>
      tpu.wait_dma2 semaphore(%run_scoped3A_1726 : memref<!tpu.dma_semaphore, #tpu.memory_space<semaphore_mem>>) src(%dma_wait3A_1742 : memref<800xi32, #tpu.memory_space<hbm>>) dst(%dma_wait3A_1741 : memref<800xi32, #tpu.memory_space<vmem>>)
      tpu.yield
    }) : () -> ()
    %dma_start3A_1396 = arith.constant 0 : i32
    %dma_start3A_1397 = arith.constant 0 : i32
    %dma_start3A_1398 = arith.constant 0 : i32
    %dma_start3A_1399 = arith.constant 0 : i32
    %dma_start3A_1400 = tpu.memref_slice %arg8[%dma_start3A_1397, %dma_start3A_1398, %dma_start3A_1399] : memref<2x800x64xf32, #tpu.memory_space<vmem>> -> memref<1x800x64xf32, #tpu.memory_space<vmem>>
    %dma_start3A_1401 = tpu.memref_squeeze %dma_start3A_1400 : memref<1x800x64xf32, #tpu.memory_space<vmem>> -> memref<800x64xf32, #tpu.memory_space<vmem>>
    %dma_start3A_1402 = arith.constant 0 : i32
    %dma_start3A_1403 = tpu.memref_slice %arg6[%dma_start3A_1396, %dma_start3A_1402] : memref<2x800xi32, #tpu.memory_space<vmem>> -> memref<1x800xi32, #tpu.memory_space<vmem>>
    %dma_start3A_1404 = tpu.memref_squeeze %dma_start3A_1403 : memref<1x800xi32, #tpu.memory_space<vmem>> -> memref<800xi32, #tpu.memory_space<vmem>>
    %dma_start3A_1405 = arith.constant 0 : i32
    %dma_start3A_1406 = arith.constant 0 : i32
    %dma_start3A_1407 = tpu.memref_slice %arg4[%dma_start3A_1405, %dma_start3A_1406] : memref<1015808x64xf32, #tpu.memory_space<hbm>> -> memref<1015808x64xf32, #tpu.memory_space<hbm>>
    tpu.enqueue_indirect_dma source(%dma_start3A_1407 : memref<1015808x64xf32, #tpu.memory_space<hbm>>) target(%dma_start3A_1401 : memref<800x64xf32, #tpu.memory_space<vmem>>) offsets(%dma_start3A_1404 : memref<800xi32, #tpu.memory_space<vmem>>) semaphore(%arg9 : memref<!tpu.dma_semaphore, #tpu.memory_space<semaphore_mem>>)
    %dma_wait3A_1408 = arith.constant 0 : i32
    %dma_wait3A_1409 = arith.constant 0 : i32
    %dma_wait3A_1410 = arith.constant 0 : i32
    %dma_wait3A_1411 = arith.constant 0 : i32
    %dma_wait3A_1412 = tpu.memref_slice %arg8[%dma_wait3A_1409, %dma_wait3A_1410, %dma_wait3A_1411] : memref<2x800x64xf32, #tpu.memory_space<vmem>> -> memref<1x800x64xf32, #tpu.memory_space<vmem>>
    %dma_wait3A_1413 = tpu.memref_squeeze %dma_wait3A_1412 : memref<1x800x64xf32, #tpu.memory_space<vmem>> -> memref<800x64xf32, #tpu.memory_space<vmem>>
    %dma_wait3A_1414 = arith.constant 0 : i32
    %dma_wait3A_1415 = tpu.memref_slice %arg6[%dma_wait3A_1408, %dma_wait3A_1414] : memref<2x800xi32, #tpu.memory_space<vmem>> -> memref<1x800xi32, #tpu.memory_space<vmem>>
    %dma_wait3A_1416 = tpu.memref_squeeze %dma_wait3A_1415 : memref<1x800xi32, #tpu.memory_space<vmem>> -> memref<800xi32, #tpu.memory_space<vmem>>
    %dma_wait3A_1417 = arith.constant 0 : i32
    %dma_wait3A_1418 = arith.constant 0 : i32
    %dma_wait3A_1419 = tpu.memref_slice %arg4[%dma_wait3A_1417, %dma_wait3A_1418] : memref<1015808x64xf32, #tpu.memory_space<hbm>> -> memref<1015808x64xf32, #tpu.memory_space<hbm>>
    tpu.wait_indirect_dma semaphore(%arg9 : memref<!tpu.dma_semaphore, #tpu.memory_space<semaphore_mem>>) src(%dma_wait3A_1419 : memref<1015808x64xf32, #tpu.memory_space<hbm>>) dst(%dma_wait3A_1413 : memref<800x64xf32, #tpu.memory_space<vmem>>)
    %dma_start3A_1420 = arith.constant 0 : i32
    %dma_start3A_1421 = arith.constant 0 : i32
    %dma_start3A_1422 = arith.constant 0 : i32
    %dma_start3A_1423 = arith.constant 0 : i32
    %dma_start3A_1424 = tpu.memref_slice %arg8[%dma_start3A_1420, %dma_start3A_1422, %dma_start3A_1423] : memref<2x800x64xf32, #tpu.memory_space<vmem>> -> memref<1x800x64xf32, #tpu.memory_space<vmem>>
    %dma_start3A_1425 = tpu.memref_squeeze %dma_start3A_1424 : memref<1x800x64xf32, #tpu.memory_space<vmem>> -> memref<800x64xf32, #tpu.memory_space<vmem>>
    %dma_start3A_1426 = arith.constant 0 : i32
    %dma_start3A_1427 = tpu.memref_slice %arg7[%dma_start3A_1421, %dma_start3A_1426] : memref<2x800xi32, #tpu.memory_space<vmem>> -> memref<1x800xi32, #tpu.memory_space<vmem>>
    %dma_start3A_1428 = tpu.memref_squeeze %dma_start3A_1427 : memref<1x800xi32, #tpu.memory_space<vmem>> -> memref<800xi32, #tpu.memory_space<vmem>>
    %dma_start3A_1429 = arith.constant 0 : i32
    %dma_start3A_1430 = arith.constant 0 : i32
    %dma_start3A_1431 = tpu.memref_slice %arg5[%dma_start3A_1429, %dma_start3A_1430] : memref<819200x64xf32, #tpu.memory_space<hbm>> -> memref<819200x64xf32, #tpu.memory_space<hbm>>
    tpu.enqueue_indirect_dma source(%dma_start3A_1425 : memref<800x64xf32, #tpu.memory_space<vmem>>) target(%dma_start3A_1431 : memref<819200x64xf32, #tpu.memory_space<hbm>>) offsets(%dma_start3A_1428 : memref<800xi32, #tpu.memory_space<vmem>>) semaphore(%arg10 : memref<!tpu.dma_semaphore, #tpu.memory_space<semaphore_mem>>)
    %dma_wait3A_1432 = arith.constant 1 : i32
    %dma_wait3A_1433 = arith.constant 1 : i32
    %dma_wait3A_1434 = arith.constant 0 : i32
    %dma_wait3A_1435 = arith.constant 0 : i32
    %dma_wait3A_1436 = tpu.memref_slice %arg8[%dma_wait3A_1432, %dma_wait3A_1434, %dma_wait3A_1435] : memref<2x800x64xf32, #tpu.memory_space<vmem>> -> memref<1x800x64xf32, #tpu.memory_space<vmem>>
    %dma_wait3A_1437 = tpu.memref_squeeze %dma_wait3A_1436 : memref<1x800x64xf32, #tpu.memory_space<vmem>> -> memref<800x64xf32, #tpu.memory_space<vmem>>
    %dma_wait3A_1438 = arith.constant 0 : i32
    %dma_wait3A_1439 = tpu.memref_slice %arg7[%dma_wait3A_1433, %dma_wait3A_1438] : memref<2x800xi32, #tpu.memory_space<vmem>> -> memref<1x800xi32, #tpu.memory_space<vmem>>
    %dma_wait3A_1440 = tpu.memref_squeeze %dma_wait3A_1439 : memref<1x800xi32, #tpu.memory_space<vmem>> -> memref<800xi32, #tpu.memory_space<vmem>>
    %dma_wait3A_1441 = arith.constant 0 : i32
    %dma_wait3A_1442 = arith.constant 0 : i32
    %dma_wait3A_1443 = tpu.memref_slice %arg5[%dma_wait3A_1441, %dma_wait3A_1442] : memref<819200x64xf32, #tpu.memory_space<hbm>> -> memref<819200x64xf32, #tpu.memory_space<hbm>>
    tpu.wait_indirect_dma semaphore(%arg11 : memref<!tpu.dma_semaphore, #tpu.memory_space<semaphore_mem>>) src(%dma_wait3A_1437 : memref<800x64xf32, #tpu.memory_space<vmem>>) dst(%dma_wait3A_1443 : memref<819200x64xf32, #tpu.memory_space<hbm>>)
    %mul3A_1444 = arith.constant 25600 : i32
    %mul3A_1445 = arith.muli %add3A, %mul3A_1444 : i32
    %add3A_1446 = arith.constant 21600 : i32
    %add3A_1447 = arith.addi %mul3A_1445, %add3A_1446 : i32
    %run_scoped3A_1448 = arith.constant 1 : i32
    "tpu.region"() ({
      %run_scoped3A_1726 = tpu.sem_alloc : memref<!tpu.dma_semaphore, #tpu.memory_space<semaphore_mem>>
      %dma_start3A_1727 = arith.constant 0 : i32
      %dma_start3A_1728 = tpu.memref_slice %arg6[%run_scoped3A_1448, %dma_start3A_1727] : memref<2x800xi32, #tpu.memory_space<vmem>> -> memref<1x800xi32, #tpu.memory_space<vmem>>
      %dma_start3A_1729 = tpu.memref_squeeze %dma_start3A_1728 : memref<1x800xi32, #tpu.memory_space<vmem>> -> memref<800xi32, #tpu.memory_space<vmem>>
      %dma_start3A_1730 = tpu.memref_slice %arg2[%add3A_1447] : memref<819200xi32, #tpu.memory_space<hbm>> -> memref<800xi32, #tpu.memory_space<hbm>>
      %dma_start3A_1731 = arith.constant 0 : i32
      %dma_start3A_1732 = tpu.memref_slice %arg6[%run_scoped3A_1448, %dma_start3A_1731] : memref<2x800xi32, #tpu.memory_space<vmem>> -> memref<1x800xi32, #tpu.memory_space<vmem>>
      %dma_start3A_1733 = tpu.memref_squeeze %dma_start3A_1732 : memref<1x800xi32, #tpu.memory_space<vmem>> -> memref<800xi32, #tpu.memory_space<vmem>>
      %dma_start3A_1734 = tpu.memref_slice %arg2[%add3A_1447] : memref<819200xi32, #tpu.memory_space<hbm>> -> memref<800xi32, #tpu.memory_space<hbm>>
      tpu.enqueue_dma source(%dma_start3A_1734 : memref<800xi32, #tpu.memory_space<hbm>>) target(%dma_start3A_1733 : memref<800xi32, #tpu.memory_space<vmem>>) target_semaphore(%run_scoped3A_1726 : memref<!tpu.dma_semaphore, #tpu.memory_space<semaphore_mem>>)
      %dma_wait3A_1735 = arith.constant 0 : i32
      %dma_wait3A_1736 = tpu.memref_slice %arg6[%run_scoped3A_1448, %dma_wait3A_1735] : memref<2x800xi32, #tpu.memory_space<vmem>> -> memref<1x800xi32, #tpu.memory_space<vmem>>
      %dma_wait3A_1737 = tpu.memref_squeeze %dma_wait3A_1736 : memref<1x800xi32, #tpu.memory_space<vmem>> -> memref<800xi32, #tpu.memory_space<vmem>>
      %dma_wait3A_1738 = tpu.memref_slice %arg2[%add3A_1447] : memref<819200xi32, #tpu.memory_space<hbm>> -> memref<800xi32, #tpu.memory_space<hbm>>
      %dma_wait3A_1739 = arith.constant 0 : i32
      %dma_wait3A_1740 = tpu.memref_slice %arg6[%run_scoped3A_1448, %dma_wait3A_1739] : memref<2x800xi32, #tpu.memory_space<vmem>> -> memref<1x800xi32, #tpu.memory_space<vmem>>
      %dma_wait3A_1741 = tpu.memref_squeeze %dma_wait3A_1740 : memref<1x800xi32, #tpu.memory_space<vmem>> -> memref<800xi32, #tpu.memory_space<vmem>>
      %dma_wait3A_1742 = tpu.memref_slice %arg2[%add3A_1447] : memref<819200xi32, #tpu.memory_space<hbm>> -> memref<800xi32, #tpu.memory_space<hbm>>
      tpu.wait_dma2 semaphore(%run_scoped3A_1726 : memref<!tpu.dma_semaphore, #tpu.memory_space<semaphore_mem>>) src(%dma_wait3A_1742 : memref<800xi32, #tpu.memory_space<hbm>>) dst(%dma_wait3A_1741 : memref<800xi32, #tpu.memory_space<vmem>>)
      tpu.yield
    }) : () -> ()
    %run_scoped3A_1449 = arith.constant 1 : i32
    "tpu.region"() ({
      %run_scoped3A_1726 = tpu.sem_alloc : memref<!tpu.dma_semaphore, #tpu.memory_space<semaphore_mem>>
      %dma_start3A_1727 = arith.constant 0 : i32
      %dma_start3A_1728 = tpu.memref_slice %arg7[%run_scoped3A_1449, %dma_start3A_1727] : memref<2x800xi32, #tpu.memory_space<vmem>> -> memref<1x800xi32, #tpu.memory_space<vmem>>
      %dma_start3A_1729 = tpu.memref_squeeze %dma_start3A_1728 : memref<1x800xi32, #tpu.memory_space<vmem>> -> memref<800xi32, #tpu.memory_space<vmem>>
      %dma_start3A_1730 = tpu.memref_slice %arg3[%add3A_1447] : memref<819200xi32, #tpu.memory_space<hbm>> -> memref<800xi32, #tpu.memory_space<hbm>>
      %dma_start3A_1731 = arith.constant 0 : i32
      %dma_start3A_1732 = tpu.memref_slice %arg7[%run_scoped3A_1449, %dma_start3A_1731] : memref<2x800xi32, #tpu.memory_space<vmem>> -> memref<1x800xi32, #tpu.memory_space<vmem>>
      %dma_start3A_1733 = tpu.memref_squeeze %dma_start3A_1732 : memref<1x800xi32, #tpu.memory_space<vmem>> -> memref<800xi32, #tpu.memory_space<vmem>>
      %dma_start3A_1734 = tpu.memref_slice %arg3[%add3A_1447] : memref<819200xi32, #tpu.memory_space<hbm>> -> memref<800xi32, #tpu.memory_space<hbm>>
      tpu.enqueue_dma source(%dma_start3A_1734 : memref<800xi32, #tpu.memory_space<hbm>>) target(%dma_start3A_1733 : memref<800xi32, #tpu.memory_space<vmem>>) target_semaphore(%run_scoped3A_1726 : memref<!tpu.dma_semaphore, #tpu.memory_space<semaphore_mem>>)
      %dma_wait3A_1735 = arith.constant 0 : i32
      %dma_wait3A_1736 = tpu.memref_slice %arg7[%run_scoped3A_1449, %dma_wait3A_1735] : memref<2x800xi32, #tpu.memory_space<vmem>> -> memref<1x800xi32, #tpu.memory_space<vmem>>
      %dma_wait3A_1737 = tpu.memref_squeeze %dma_wait3A_1736 : memref<1x800xi32, #tpu.memory_space<vmem>> -> memref<800xi32, #tpu.memory_space<vmem>>
      %dma_wait3A_1738 = tpu.memref_slice %arg3[%add3A_1447] : memref<819200xi32, #tpu.memory_space<hbm>> -> memref<800xi32, #tpu.memory_space<hbm>>
      %dma_wait3A_1739 = arith.constant 0 : i32
      %dma_wait3A_1740 = tpu.memref_slice %arg7[%run_scoped3A_1449, %dma_wait3A_1739] : memref<2x800xi32, #tpu.memory_space<vmem>> -> memref<1x800xi32, #tpu.memory_space<vmem>>
      %dma_wait3A_1741 = tpu.memref_squeeze %dma_wait3A_1740 : memref<1x800xi32, #tpu.memory_space<vmem>> -> memref<800xi32, #tpu.memory_space<vmem>>
      %dma_wait3A_1742 = tpu.memref_slice %arg3[%add3A_1447] : memref<819200xi32, #tpu.memory_space<hbm>> -> memref<800xi32, #tpu.memory_space<hbm>>
      tpu.wait_dma2 semaphore(%run_scoped3A_1726 : memref<!tpu.dma_semaphore, #tpu.memory_space<semaphore_mem>>) src(%dma_wait3A_1742 : memref<800xi32, #tpu.memory_space<hbm>>) dst(%dma_wait3A_1741 : memref<800xi32, #tpu.memory_space<vmem>>)
      tpu.yield
    }) : () -> ()
    %dma_start3A_1450 = arith.constant 1 : i32
    %dma_start3A_1451 = arith.constant 1 : i32
    %dma_start3A_1452 = arith.constant 0 : i32
    %dma_start3A_1453 = arith.constant 0 : i32
    %dma_start3A_1454 = tpu.memref_slice %arg8[%dma_start3A_1451, %dma_start3A_1452, %dma_start3A_1453] : memref<2x800x64xf32, #tpu.memory_space<vmem>> -> memref<1x800x64xf32, #tpu.memory_space<vmem>>
    %dma_start3A_1455 = tpu.memref_squeeze %dma_start3A_1454 : memref<1x800x64xf32, #tpu.memory_space<vmem>> -> memref<800x64xf32, #tpu.memory_space<vmem>>
    %dma_start3A_1456 = arith.constant 0 : i32
    %dma_start3A_1457 = tpu.memref_slice %arg6[%dma_start3A_1450, %dma_start3A_1456] : memref<2x800xi32, #tpu.memory_space<vmem>> -> memref<1x800xi32, #tpu.memory_space<vmem>>
    %dma_start3A_1458 = tpu.memref_squeeze %dma_start3A_1457 : memref<1x800xi32, #tpu.memory_space<vmem>> -> memref<800xi32, #tpu.memory_space<vmem>>
    %dma_start3A_1459 = arith.constant 0 : i32
    %dma_start3A_1460 = arith.constant 0 : i32
    %dma_start3A_1461 = tpu.memref_slice %arg4[%dma_start3A_1459, %dma_start3A_1460] : memref<1015808x64xf32, #tpu.memory_space<hbm>> -> memref<1015808x64xf32, #tpu.memory_space<hbm>>
    tpu.enqueue_indirect_dma source(%dma_start3A_1461 : memref<1015808x64xf32, #tpu.memory_space<hbm>>) target(%dma_start3A_1455 : memref<800x64xf32, #tpu.memory_space<vmem>>) offsets(%dma_start3A_1458 : memref<800xi32, #tpu.memory_space<vmem>>) semaphore(%arg9 : memref<!tpu.dma_semaphore, #tpu.memory_space<semaphore_mem>>)
    %dma_wait3A_1462 = arith.constant 1 : i32
    %dma_wait3A_1463 = arith.constant 1 : i32
    %dma_wait3A_1464 = arith.constant 0 : i32
    %dma_wait3A_1465 = arith.constant 0 : i32
    %dma_wait3A_1466 = tpu.memref_slice %arg8[%dma_wait3A_1463, %dma_wait3A_1464, %dma_wait3A_1465] : memref<2x800x64xf32, #tpu.memory_space<vmem>> -> memref<1x800x64xf32, #tpu.memory_space<vmem>>
    %dma_wait3A_1467 = tpu.memref_squeeze %dma_wait3A_1466 : memref<1x800x64xf32, #tpu.memory_space<vmem>> -> memref<800x64xf32, #tpu.memory_space<vmem>>
    %dma_wait3A_1468 = arith.constant 0 : i32
    %dma_wait3A_1469 = tpu.memref_slice %arg6[%dma_wait3A_1462, %dma_wait3A_1468] : memref<2x800xi32, #tpu.memory_space<vmem>> -> memref<1x800xi32, #tpu.memory_space<vmem>>
    %dma_wait3A_1470 = tpu.memref_squeeze %dma_wait3A_1469 : memref<1x800xi32, #tpu.memory_space<vmem>> -> memref<800xi32, #tpu.memory_space<vmem>>
    %dma_wait3A_1471 = arith.constant 0 : i32
    %dma_wait3A_1472 = arith.constant 0 : i32
    %dma_wait3A_1473 = tpu.memref_slice %arg4[%dma_wait3A_1471, %dma_wait3A_1472] : memref<1015808x64xf32, #tpu.memory_space<hbm>> -> memref<1015808x64xf32, #tpu.memory_space<hbm>>
    tpu.wait_indirect_dma semaphore(%arg9 : memref<!tpu.dma_semaphore, #tpu.memory_space<semaphore_mem>>) src(%dma_wait3A_1473 : memref<1015808x64xf32, #tpu.memory_space<hbm>>) dst(%dma_wait3A_1467 : memref<800x64xf32, #tpu.memory_space<vmem>>)
    %dma_start3A_1474 = arith.constant 1 : i32
    %dma_start3A_1475 = arith.constant 1 : i32
    %dma_start3A_1476 = arith.constant 0 : i32
    %dma_start3A_1477 = arith.constant 0 : i32
    %dma_start3A_1478 = tpu.memref_slice %arg8[%dma_start3A_1474, %dma_start3A_1476, %dma_start3A_1477] : memref<2x800x64xf32, #tpu.memory_space<vmem>> -> memref<1x800x64xf32, #tpu.memory_space<vmem>>
    %dma_start3A_1479 = tpu.memref_squeeze %dma_start3A_1478 : memref<1x800x64xf32, #tpu.memory_space<vmem>> -> memref<800x64xf32, #tpu.memory_space<vmem>>
    %dma_start3A_1480 = arith.constant 0 : i32
    %dma_start3A_1481 = tpu.memref_slice %arg7[%dma_start3A_1475, %dma_start3A_1480] : memref<2x800xi32, #tpu.memory_space<vmem>> -> memref<1x800xi32, #tpu.memory_space<vmem>>
    %dma_start3A_1482 = tpu.memref_squeeze %dma_start3A_1481 : memref<1x800xi32, #tpu.memory_space<vmem>> -> memref<800xi32, #tpu.memory_space<vmem>>
    %dma_start3A_1483 = arith.constant 0 : i32
    %dma_start3A_1484 = arith.constant 0 : i32
    %dma_start3A_1485 = tpu.memref_slice %arg5[%dma_start3A_1483, %dma_start3A_1484] : memref<819200x64xf32, #tpu.memory_space<hbm>> -> memref<819200x64xf32, #tpu.memory_space<hbm>>
    tpu.enqueue_indirect_dma source(%dma_start3A_1479 : memref<800x64xf32, #tpu.memory_space<vmem>>) target(%dma_start3A_1485 : memref<819200x64xf32, #tpu.memory_space<hbm>>) offsets(%dma_start3A_1482 : memref<800xi32, #tpu.memory_space<vmem>>) semaphore(%arg11 : memref<!tpu.dma_semaphore, #tpu.memory_space<semaphore_mem>>)
    %dma_wait3A_1486 = arith.constant 0 : i32
    %dma_wait3A_1487 = arith.constant 0 : i32
    %dma_wait3A_1488 = arith.constant 0 : i32
    %dma_wait3A_1489 = arith.constant 0 : i32
    %dma_wait3A_1490 = tpu.memref_slice %arg8[%dma_wait3A_1486, %dma_wait3A_1488, %dma_wait3A_1489] : memref<2x800x64xf32, #tpu.memory_space<vmem>> -> memref<1x800x64xf32, #tpu.memory_space<vmem>>
    %dma_wait3A_1491 = tpu.memref_squeeze %dma_wait3A_1490 : memref<1x800x64xf32, #tpu.memory_space<vmem>> -> memref<800x64xf32, #tpu.memory_space<vmem>>
    %dma_wait3A_1492 = arith.constant 0 : i32
    %dma_wait3A_1493 = tpu.memref_slice %arg7[%dma_wait3A_1487, %dma_wait3A_1492] : memref<2x800xi32, #tpu.memory_space<vmem>> -> memref<1x800xi32, #tpu.memory_space<vmem>>
    %dma_wait3A_1494 = tpu.memref_squeeze %dma_wait3A_1493 : memref<1x800xi32, #tpu.memory_space<vmem>> -> memref<800xi32, #tpu.memory_space<vmem>>
    %dma_wait3A_1495 = arith.constant 0 : i32
    %dma_wait3A_1496 = arith.constant 0 : i32
    %dma_wait3A_1497 = tpu.memref_slice %arg5[%dma_wait3A_1495, %dma_wait3A_1496] : memref<819200x64xf32, #tpu.memory_space<hbm>> -> memref<819200x64xf32, #tpu.memory_space<hbm>>
    tpu.wait_indirect_dma semaphore(%arg10 : memref<!tpu.dma_semaphore, #tpu.memory_space<semaphore_mem>>) src(%dma_wait3A_1491 : memref<800x64xf32, #tpu.memory_space<vmem>>) dst(%dma_wait3A_1497 : memref<819200x64xf32, #tpu.memory_space<hbm>>)
    %mul3A_1498 = arith.constant 25600 : i32
    %mul3A_1499 = arith.muli %add3A, %mul3A_1498 : i32
    %add3A_1500 = arith.constant 22400 : i32
    %add3A_1501 = arith.addi %mul3A_1499, %add3A_1500 : i32
    %run_scoped3A_1502 = arith.constant 0 : i32
    "tpu.region"() ({
      %run_scoped3A_1726 = tpu.sem_alloc : memref<!tpu.dma_semaphore, #tpu.memory_space<semaphore_mem>>
      %dma_start3A_1727 = arith.constant 0 : i32
      %dma_start3A_1728 = tpu.memref_slice %arg6[%run_scoped3A_1502, %dma_start3A_1727] : memref<2x800xi32, #tpu.memory_space<vmem>> -> memref<1x800xi32, #tpu.memory_space<vmem>>
      %dma_start3A_1729 = tpu.memref_squeeze %dma_start3A_1728 : memref<1x800xi32, #tpu.memory_space<vmem>> -> memref<800xi32, #tpu.memory_space<vmem>>
      %dma_start3A_1730 = tpu.memref_slice %arg2[%add3A_1501] : memref<819200xi32, #tpu.memory_space<hbm>> -> memref<800xi32, #tpu.memory_space<hbm>>
      %dma_start3A_1731 = arith.constant 0 : i32
      %dma_start3A_1732 = tpu.memref_slice %arg6[%run_scoped3A_1502, %dma_start3A_1731] : memref<2x800xi32, #tpu.memory_space<vmem>> -> memref<1x800xi32, #tpu.memory_space<vmem>>
      %dma_start3A_1733 = tpu.memref_squeeze %dma_start3A_1732 : memref<1x800xi32, #tpu.memory_space<vmem>> -> memref<800xi32, #tpu.memory_space<vmem>>
      %dma_start3A_1734 = tpu.memref_slice %arg2[%add3A_1501] : memref<819200xi32, #tpu.memory_space<hbm>> -> memref<800xi32, #tpu.memory_space<hbm>>
      tpu.enqueue_dma source(%dma_start3A_1734 : memref<800xi32, #tpu.memory_space<hbm>>) target(%dma_start3A_1733 : memref<800xi32, #tpu.memory_space<vmem>>) target_semaphore(%run_scoped3A_1726 : memref<!tpu.dma_semaphore, #tpu.memory_space<semaphore_mem>>)
      %dma_wait3A_1735 = arith.constant 0 : i32
      %dma_wait3A_1736 = tpu.memref_slice %arg6[%run_scoped3A_1502, %dma_wait3A_1735] : memref<2x800xi32, #tpu.memory_space<vmem>> -> memref<1x800xi32, #tpu.memory_space<vmem>>
      %dma_wait3A_1737 = tpu.memref_squeeze %dma_wait3A_1736 : memref<1x800xi32, #tpu.memory_space<vmem>> -> memref<800xi32, #tpu.memory_space<vmem>>
      %dma_wait3A_1738 = tpu.memref_slice %arg2[%add3A_1501] : memref<819200xi32, #tpu.memory_space<hbm>> -> memref<800xi32, #tpu.memory_space<hbm>>
      %dma_wait3A_1739 = arith.constant 0 : i32
      %dma_wait3A_1740 = tpu.memref_slice %arg6[%run_scoped3A_1502, %dma_wait3A_1739] : memref<2x800xi32, #tpu.memory_space<vmem>> -> memref<1x800xi32, #tpu.memory_space<vmem>>
      %dma_wait3A_1741 = tpu.memref_squeeze %dma_wait3A_1740 : memref<1x800xi32, #tpu.memory_space<vmem>> -> memref<800xi32, #tpu.memory_space<vmem>>
      %dma_wait3A_1742 = tpu.memref_slice %arg2[%add3A_1501] : memref<819200xi32, #tpu.memory_space<hbm>> -> memref<800xi32, #tpu.memory_space<hbm>>
      tpu.wait_dma2 semaphore(%run_scoped3A_1726 : memref<!tpu.dma_semaphore, #tpu.memory_space<semaphore_mem>>) src(%dma_wait3A_1742 : memref<800xi32, #tpu.memory_space<hbm>>) dst(%dma_wait3A_1741 : memref<800xi32, #tpu.memory_space<vmem>>)
      tpu.yield
    }) : () -> ()
    %run_scoped3A_1503 = arith.constant 0 : i32
    "tpu.region"() ({
      %run_scoped3A_1726 = tpu.sem_alloc : memref<!tpu.dma_semaphore, #tpu.memory_space<semaphore_mem>>
      %dma_start3A_1727 = arith.constant 0 : i32
      %dma_start3A_1728 = tpu.memref_slice %arg7[%run_scoped3A_1503, %dma_start3A_1727] : memref<2x800xi32, #tpu.memory_space<vmem>> -> memref<1x800xi32, #tpu.memory_space<vmem>>
      %dma_start3A_1729 = tpu.memref_squeeze %dma_start3A_1728 : memref<1x800xi32, #tpu.memory_space<vmem>> -> memref<800xi32, #tpu.memory_space<vmem>>
      %dma_start3A_1730 = tpu.memref_slice %arg3[%add3A_1501] : memref<819200xi32, #tpu.memory_space<hbm>> -> memref<800xi32, #tpu.memory_space<hbm>>
      %dma_start3A_1731 = arith.constant 0 : i32
      %dma_start3A_1732 = tpu.memref_slice %arg7[%run_scoped3A_1503, %dma_start3A_1731] : memref<2x800xi32, #tpu.memory_space<vmem>> -> memref<1x800xi32, #tpu.memory_space<vmem>>
      %dma_start3A_1733 = tpu.memref_squeeze %dma_start3A_1732 : memref<1x800xi32, #tpu.memory_space<vmem>> -> memref<800xi32, #tpu.memory_space<vmem>>
      %dma_start3A_1734 = tpu.memref_slice %arg3[%add3A_1501] : memref<819200xi32, #tpu.memory_space<hbm>> -> memref<800xi32, #tpu.memory_space<hbm>>
      tpu.enqueue_dma source(%dma_start3A_1734 : memref<800xi32, #tpu.memory_space<hbm>>) target(%dma_start3A_1733 : memref<800xi32, #tpu.memory_space<vmem>>) target_semaphore(%run_scoped3A_1726 : memref<!tpu.dma_semaphore, #tpu.memory_space<semaphore_mem>>)
      %dma_wait3A_1735 = arith.constant 0 : i32
      %dma_wait3A_1736 = tpu.memref_slice %arg7[%run_scoped3A_1503, %dma_wait3A_1735] : memref<2x800xi32, #tpu.memory_space<vmem>> -> memref<1x800xi32, #tpu.memory_space<vmem>>
      %dma_wait3A_1737 = tpu.memref_squeeze %dma_wait3A_1736 : memref<1x800xi32, #tpu.memory_space<vmem>> -> memref<800xi32, #tpu.memory_space<vmem>>
      %dma_wait3A_1738 = tpu.memref_slice %arg3[%add3A_1501] : memref<819200xi32, #tpu.memory_space<hbm>> -> memref<800xi32, #tpu.memory_space<hbm>>
      %dma_wait3A_1739 = arith.constant 0 : i32
      %dma_wait3A_1740 = tpu.memref_slice %arg7[%run_scoped3A_1503, %dma_wait3A_1739] : memref<2x800xi32, #tpu.memory_space<vmem>> -> memref<1x800xi32, #tpu.memory_space<vmem>>
      %dma_wait3A_1741 = tpu.memref_squeeze %dma_wait3A_1740 : memref<1x800xi32, #tpu.memory_space<vmem>> -> memref<800xi32, #tpu.memory_space<vmem>>
      %dma_wait3A_1742 = tpu.memref_slice %arg3[%add3A_1501] : memref<819200xi32, #tpu.memory_space<hbm>> -> memref<800xi32, #tpu.memory_space<hbm>>
      tpu.wait_dma2 semaphore(%run_scoped3A_1726 : memref<!tpu.dma_semaphore, #tpu.memory_space<semaphore_mem>>) src(%dma_wait3A_1742 : memref<800xi32, #tpu.memory_space<hbm>>) dst(%dma_wait3A_1741 : memref<800xi32, #tpu.memory_space<vmem>>)
      tpu.yield
    }) : () -> ()
    %dma_start3A_1504 = arith.constant 0 : i32
    %dma_start3A_1505 = arith.constant 0 : i32
    %dma_start3A_1506 = arith.constant 0 : i32
    %dma_start3A_1507 = arith.constant 0 : i32
    %dma_start3A_1508 = tpu.memref_slice %arg8[%dma_start3A_1505, %dma_start3A_1506, %dma_start3A_1507] : memref<2x800x64xf32, #tpu.memory_space<vmem>> -> memref<1x800x64xf32, #tpu.memory_space<vmem>>
    %dma_start3A_1509 = tpu.memref_squeeze %dma_start3A_1508 : memref<1x800x64xf32, #tpu.memory_space<vmem>> -> memref<800x64xf32, #tpu.memory_space<vmem>>
    %dma_start3A_1510 = arith.constant 0 : i32
    %dma_start3A_1511 = tpu.memref_slice %arg6[%dma_start3A_1504, %dma_start3A_1510] : memref<2x800xi32, #tpu.memory_space<vmem>> -> memref<1x800xi32, #tpu.memory_space<vmem>>
    %dma_start3A_1512 = tpu.memref_squeeze %dma_start3A_1511 : memref<1x800xi32, #tpu.memory_space<vmem>> -> memref<800xi32, #tpu.memory_space<vmem>>
    %dma_start3A_1513 = arith.constant 0 : i32
    %dma_start3A_1514 = arith.constant 0 : i32
    %dma_start3A_1515 = tpu.memref_slice %arg4[%dma_start3A_1513, %dma_start3A_1514] : memref<1015808x64xf32, #tpu.memory_space<hbm>> -> memref<1015808x64xf32, #tpu.memory_space<hbm>>
    tpu.enqueue_indirect_dma source(%dma_start3A_1515 : memref<1015808x64xf32, #tpu.memory_space<hbm>>) target(%dma_start3A_1509 : memref<800x64xf32, #tpu.memory_space<vmem>>) offsets(%dma_start3A_1512 : memref<800xi32, #tpu.memory_space<vmem>>) semaphore(%arg9 : memref<!tpu.dma_semaphore, #tpu.memory_space<semaphore_mem>>)
    %dma_wait3A_1516 = arith.constant 0 : i32
    %dma_wait3A_1517 = arith.constant 0 : i32
    %dma_wait3A_1518 = arith.constant 0 : i32
    %dma_wait3A_1519 = arith.constant 0 : i32
    %dma_wait3A_1520 = tpu.memref_slice %arg8[%dma_wait3A_1517, %dma_wait3A_1518, %dma_wait3A_1519] : memref<2x800x64xf32, #tpu.memory_space<vmem>> -> memref<1x800x64xf32, #tpu.memory_space<vmem>>
    %dma_wait3A_1521 = tpu.memref_squeeze %dma_wait3A_1520 : memref<1x800x64xf32, #tpu.memory_space<vmem>> -> memref<800x64xf32, #tpu.memory_space<vmem>>
    %dma_wait3A_1522 = arith.constant 0 : i32
    %dma_wait3A_1523 = tpu.memref_slice %arg6[%dma_wait3A_1516, %dma_wait3A_1522] : memref<2x800xi32, #tpu.memory_space<vmem>> -> memref<1x800xi32, #tpu.memory_space<vmem>>
    %dma_wait3A_1524 = tpu.memref_squeeze %dma_wait3A_1523 : memref<1x800xi32, #tpu.memory_space<vmem>> -> memref<800xi32, #tpu.memory_space<vmem>>
    %dma_wait3A_1525 = arith.constant 0 : i32
    %dma_wait3A_1526 = arith.constant 0 : i32
    %dma_wait3A_1527 = tpu.memref_slice %arg4[%dma_wait3A_1525, %dma_wait3A_1526] : memref<1015808x64xf32, #tpu.memory_space<hbm>> -> memref<1015808x64xf32, #tpu.memory_space<hbm>>
    tpu.wait_indirect_dma semaphore(%arg9 : memref<!tpu.dma_semaphore, #tpu.memory_space<semaphore_mem>>) src(%dma_wait3A_1527 : memref<1015808x64xf32, #tpu.memory_space<hbm>>) dst(%dma_wait3A_1521 : memref<800x64xf32, #tpu.memory_space<vmem>>)
    %dma_start3A_1528 = arith.constant 0 : i32
    %dma_start3A_1529 = arith.constant 0 : i32
    %dma_start3A_1530 = arith.constant 0 : i32
    %dma_start3A_1531 = arith.constant 0 : i32
    %dma_start3A_1532 = tpu.memref_slice %arg8[%dma_start3A_1528, %dma_start3A_1530, %dma_start3A_1531] : memref<2x800x64xf32, #tpu.memory_space<vmem>> -> memref<1x800x64xf32, #tpu.memory_space<vmem>>
    %dma_start3A_1533 = tpu.memref_squeeze %dma_start3A_1532 : memref<1x800x64xf32, #tpu.memory_space<vmem>> -> memref<800x64xf32, #tpu.memory_space<vmem>>
    %dma_start3A_1534 = arith.constant 0 : i32
    %dma_start3A_1535 = tpu.memref_slice %arg7[%dma_start3A_1529, %dma_start3A_1534] : memref<2x800xi32, #tpu.memory_space<vmem>> -> memref<1x800xi32, #tpu.memory_space<vmem>>
    %dma_start3A_1536 = tpu.memref_squeeze %dma_start3A_1535 : memref<1x800xi32, #tpu.memory_space<vmem>> -> memref<800xi32, #tpu.memory_space<vmem>>
    %dma_start3A_1537 = arith.constant 0 : i32
    %dma_start3A_1538 = arith.constant 0 : i32
    %dma_start3A_1539 = tpu.memref_slice %arg5[%dma_start3A_1537, %dma_start3A_1538] : memref<819200x64xf32, #tpu.memory_space<hbm>> -> memref<819200x64xf32, #tpu.memory_space<hbm>>
    tpu.enqueue_indirect_dma source(%dma_start3A_1533 : memref<800x64xf32, #tpu.memory_space<vmem>>) target(%dma_start3A_1539 : memref<819200x64xf32, #tpu.memory_space<hbm>>) offsets(%dma_start3A_1536 : memref<800xi32, #tpu.memory_space<vmem>>) semaphore(%arg10 : memref<!tpu.dma_semaphore, #tpu.memory_space<semaphore_mem>>)
    %dma_wait3A_1540 = arith.constant 1 : i32
    %dma_wait3A_1541 = arith.constant 1 : i32
    %dma_wait3A_1542 = arith.constant 0 : i32
    %dma_wait3A_1543 = arith.constant 0 : i32
    %dma_wait3A_1544 = tpu.memref_slice %arg8[%dma_wait3A_1540, %dma_wait3A_1542, %dma_wait3A_1543] : memref<2x800x64xf32, #tpu.memory_space<vmem>> -> memref<1x800x64xf32, #tpu.memory_space<vmem>>
    %dma_wait3A_1545 = tpu.memref_squeeze %dma_wait3A_1544 : memref<1x800x64xf32, #tpu.memory_space<vmem>> -> memref<800x64xf32, #tpu.memory_space<vmem>>
    %dma_wait3A_1546 = arith.constant 0 : i32
    %dma_wait3A_1547 = tpu.memref_slice %arg7[%dma_wait3A_1541, %dma_wait3A_1546] : memref<2x800xi32, #tpu.memory_space<vmem>> -> memref<1x800xi32, #tpu.memory_space<vmem>>
    %dma_wait3A_1548 = tpu.memref_squeeze %dma_wait3A_1547 : memref<1x800xi32, #tpu.memory_space<vmem>> -> memref<800xi32, #tpu.memory_space<vmem>>
    %dma_wait3A_1549 = arith.constant 0 : i32
    %dma_wait3A_1550 = arith.constant 0 : i32
    %dma_wait3A_1551 = tpu.memref_slice %arg5[%dma_wait3A_1549, %dma_wait3A_1550] : memref<819200x64xf32, #tpu.memory_space<hbm>> -> memref<819200x64xf32, #tpu.memory_space<hbm>>
    tpu.wait_indirect_dma semaphore(%arg11 : memref<!tpu.dma_semaphore, #tpu.memory_space<semaphore_mem>>) src(%dma_wait3A_1545 : memref<800x64xf32, #tpu.memory_space<vmem>>) dst(%dma_wait3A_1551 : memref<819200x64xf32, #tpu.memory_space<hbm>>)
    %mul3A_1552 = arith.constant 25600 : i32
    %mul3A_1553 = arith.muli %add3A, %mul3A_1552 : i32
    %add3A_1554 = arith.constant 23200 : i32
    %add3A_1555 = arith.addi %mul3A_1553, %add3A_1554 : i32
    %run_scoped3A_1556 = arith.constant 1 : i32
    "tpu.region"() ({
      %run_scoped3A_1726 = tpu.sem_alloc : memref<!tpu.dma_semaphore, #tpu.memory_space<semaphore_mem>>
      %dma_start3A_1727 = arith.constant 0 : i32
      %dma_start3A_1728 = tpu.memref_slice %arg6[%run_scoped3A_1556, %dma_start3A_1727] : memref<2x800xi32, #tpu.memory_space<vmem>> -> memref<1x800xi32, #tpu.memory_space<vmem>>
      %dma_start3A_1729 = tpu.memref_squeeze %dma_start3A_1728 : memref<1x800xi32, #tpu.memory_space<vmem>> -> memref<800xi32, #tpu.memory_space<vmem>>
      %dma_start3A_1730 = tpu.memref_slice %arg2[%add3A_1555] : memref<819200xi32, #tpu.memory_space<hbm>> -> memref<800xi32, #tpu.memory_space<hbm>>
      %dma_start3A_1731 = arith.constant 0 : i32
      %dma_start3A_1732 = tpu.memref_slice %arg6[%run_scoped3A_1556, %dma_start3A_1731] : memref<2x800xi32, #tpu.memory_space<vmem>> -> memref<1x800xi32, #tpu.memory_space<vmem>>
      %dma_start3A_1733 = tpu.memref_squeeze %dma_start3A_1732 : memref<1x800xi32, #tpu.memory_space<vmem>> -> memref<800xi32, #tpu.memory_space<vmem>>
      %dma_start3A_1734 = tpu.memref_slice %arg2[%add3A_1555] : memref<819200xi32, #tpu.memory_space<hbm>> -> memref<800xi32, #tpu.memory_space<hbm>>
      tpu.enqueue_dma source(%dma_start3A_1734 : memref<800xi32, #tpu.memory_space<hbm>>) target(%dma_start3A_1733 : memref<800xi32, #tpu.memory_space<vmem>>) target_semaphore(%run_scoped3A_1726 : memref<!tpu.dma_semaphore, #tpu.memory_space<semaphore_mem>>)
      %dma_wait3A_1735 = arith.constant 0 : i32
      %dma_wait3A_1736 = tpu.memref_slice %arg6[%run_scoped3A_1556, %dma_wait3A_1735] : memref<2x800xi32, #tpu.memory_space<vmem>> -> memref<1x800xi32, #tpu.memory_space<vmem>>
      %dma_wait3A_1737 = tpu.memref_squeeze %dma_wait3A_1736 : memref<1x800xi32, #tpu.memory_space<vmem>> -> memref<800xi32, #tpu.memory_space<vmem>>
      %dma_wait3A_1738 = tpu.memref_slice %arg2[%add3A_1555] : memref<819200xi32, #tpu.memory_space<hbm>> -> memref<800xi32, #tpu.memory_space<hbm>>
      %dma_wait3A_1739 = arith.constant 0 : i32
      %dma_wait3A_1740 = tpu.memref_slice %arg6[%run_scoped3A_1556, %dma_wait3A_1739] : memref<2x800xi32, #tpu.memory_space<vmem>> -> memref<1x800xi32, #tpu.memory_space<vmem>>
      %dma_wait3A_1741 = tpu.memref_squeeze %dma_wait3A_1740 : memref<1x800xi32, #tpu.memory_space<vmem>> -> memref<800xi32, #tpu.memory_space<vmem>>
      %dma_wait3A_1742 = tpu.memref_slice %arg2[%add3A_1555] : memref<819200xi32, #tpu.memory_space<hbm>> -> memref<800xi32, #tpu.memory_space<hbm>>
      tpu.wait_dma2 semaphore(%run_scoped3A_1726 : memref<!tpu.dma_semaphore, #tpu.memory_space<semaphore_mem>>) src(%dma_wait3A_1742 : memref<800xi32, #tpu.memory_space<hbm>>) dst(%dma_wait3A_1741 : memref<800xi32, #tpu.memory_space<vmem>>)
      tpu.yield
    }) : () -> ()
    %run_scoped3A_1557 = arith.constant 1 : i32
    "tpu.region"() ({
      %run_scoped3A_1726 = tpu.sem_alloc : memref<!tpu.dma_semaphore, #tpu.memory_space<semaphore_mem>>
      %dma_start3A_1727 = arith.constant 0 : i32
      %dma_start3A_1728 = tpu.memref_slice %arg7[%run_scoped3A_1557, %dma_start3A_1727] : memref<2x800xi32, #tpu.memory_space<vmem>> -> memref<1x800xi32, #tpu.memory_space<vmem>>
      %dma_start3A_1729 = tpu.memref_squeeze %dma_start3A_1728 : memref<1x800xi32, #tpu.memory_space<vmem>> -> memref<800xi32, #tpu.memory_space<vmem>>
      %dma_start3A_1730 = tpu.memref_slice %arg3[%add3A_1555] : memref<819200xi32, #tpu.memory_space<hbm>> -> memref<800xi32, #tpu.memory_space<hbm>>
      %dma_start3A_1731 = arith.constant 0 : i32
      %dma_start3A_1732 = tpu.memref_slice %arg7[%run_scoped3A_1557, %dma_start3A_1731] : memref<2x800xi32, #tpu.memory_space<vmem>> -> memref<1x800xi32, #tpu.memory_space<vmem>>
      %dma_start3A_1733 = tpu.memref_squeeze %dma_start3A_1732 : memref<1x800xi32, #tpu.memory_space<vmem>> -> memref<800xi32, #tpu.memory_space<vmem>>
      %dma_start3A_1734 = tpu.memref_slice %arg3[%add3A_1555] : memref<819200xi32, #tpu.memory_space<hbm>> -> memref<800xi32, #tpu.memory_space<hbm>>
      tpu.enqueue_dma source(%dma_start3A_1734 : memref<800xi32, #tpu.memory_space<hbm>>) target(%dma_start3A_1733 : memref<800xi32, #tpu.memory_space<vmem>>) target_semaphore(%run_scoped3A_1726 : memref<!tpu.dma_semaphore, #tpu.memory_space<semaphore_mem>>)
      %dma_wait3A_1735 = arith.constant 0 : i32
      %dma_wait3A_1736 = tpu.memref_slice %arg7[%run_scoped3A_1557, %dma_wait3A_1735] : memref<2x800xi32, #tpu.memory_space<vmem>> -> memref<1x800xi32, #tpu.memory_space<vmem>>
      %dma_wait3A_1737 = tpu.memref_squeeze %dma_wait3A_1736 : memref<1x800xi32, #tpu.memory_space<vmem>> -> memref<800xi32, #tpu.memory_space<vmem>>
      %dma_wait3A_1738 = tpu.memref_slice %arg3[%add3A_1555] : memref<819200xi32, #tpu.memory_space<hbm>> -> memref<800xi32, #tpu.memory_space<hbm>>
      %dma_wait3A_1739 = arith.constant 0 : i32
      %dma_wait3A_1740 = tpu.memref_slice %arg7[%run_scoped3A_1557, %dma_wait3A_1739] : memref<2x800xi32, #tpu.memory_space<vmem>> -> memref<1x800xi32, #tpu.memory_space<vmem>>
      %dma_wait3A_1741 = tpu.memref_squeeze %dma_wait3A_1740 : memref<1x800xi32, #tpu.memory_space<vmem>> -> memref<800xi32, #tpu.memory_space<vmem>>
      %dma_wait3A_1742 = tpu.memref_slice %arg3[%add3A_1555] : memref<819200xi32, #tpu.memory_space<hbm>> -> memref<800xi32, #tpu.memory_space<hbm>>
      tpu.wait_dma2 semaphore(%run_scoped3A_1726 : memref<!tpu.dma_semaphore, #tpu.memory_space<semaphore_mem>>) src(%dma_wait3A_1742 : memref<800xi32, #tpu.memory_space<hbm>>) dst(%dma_wait3A_1741 : memref<800xi32, #tpu.memory_space<vmem>>)
      tpu.yield
    }) : () -> ()
    %dma_start3A_1558 = arith.constant 1 : i32
    %dma_start3A_1559 = arith.constant 1 : i32
    %dma_start3A_1560 = arith.constant 0 : i32
    %dma_start3A_1561 = arith.constant 0 : i32
    %dma_start3A_1562 = tpu.memref_slice %arg8[%dma_start3A_1559, %dma_start3A_1560, %dma_start3A_1561] : memref<2x800x64xf32, #tpu.memory_space<vmem>> -> memref<1x800x64xf32, #tpu.memory_space<vmem>>
    %dma_start3A_1563 = tpu.memref_squeeze %dma_start3A_1562 : memref<1x800x64xf32, #tpu.memory_space<vmem>> -> memref<800x64xf32, #tpu.memory_space<vmem>>
    %dma_start3A_1564 = arith.constant 0 : i32
    %dma_start3A_1565 = tpu.memref_slice %arg6[%dma_start3A_1558, %dma_start3A_1564] : memref<2x800xi32, #tpu.memory_space<vmem>> -> memref<1x800xi32, #tpu.memory_space<vmem>>
    %dma_start3A_1566 = tpu.memref_squeeze %dma_start3A_1565 : memref<1x800xi32, #tpu.memory_space<vmem>> -> memref<800xi32, #tpu.memory_space<vmem>>
    %dma_start3A_1567 = arith.constant 0 : i32
    %dma_start3A_1568 = arith.constant 0 : i32
    %dma_start3A_1569 = tpu.memref_slice %arg4[%dma_start3A_1567, %dma_start3A_1568] : memref<1015808x64xf32, #tpu.memory_space<hbm>> -> memref<1015808x64xf32, #tpu.memory_space<hbm>>
    tpu.enqueue_indirect_dma source(%dma_start3A_1569 : memref<1015808x64xf32, #tpu.memory_space<hbm>>) target(%dma_start3A_1563 : memref<800x64xf32, #tpu.memory_space<vmem>>) offsets(%dma_start3A_1566 : memref<800xi32, #tpu.memory_space<vmem>>) semaphore(%arg9 : memref<!tpu.dma_semaphore, #tpu.memory_space<semaphore_mem>>)
    %dma_wait3A_1570 = arith.constant 1 : i32
    %dma_wait3A_1571 = arith.constant 1 : i32
    %dma_wait3A_1572 = arith.constant 0 : i32
    %dma_wait3A_1573 = arith.constant 0 : i32
    %dma_wait3A_1574 = tpu.memref_slice %arg8[%dma_wait3A_1571, %dma_wait3A_1572, %dma_wait3A_1573] : memref<2x800x64xf32, #tpu.memory_space<vmem>> -> memref<1x800x64xf32, #tpu.memory_space<vmem>>
    %dma_wait3A_1575 = tpu.memref_squeeze %dma_wait3A_1574 : memref<1x800x64xf32, #tpu.memory_space<vmem>> -> memref<800x64xf32, #tpu.memory_space<vmem>>
    %dma_wait3A_1576 = arith.constant 0 : i32
    %dma_wait3A_1577 = tpu.memref_slice %arg6[%dma_wait3A_1570, %dma_wait3A_1576] : memref<2x800xi32, #tpu.memory_space<vmem>> -> memref<1x800xi32, #tpu.memory_space<vmem>>
    %dma_wait3A_1578 = tpu.memref_squeeze %dma_wait3A_1577 : memref<1x800xi32, #tpu.memory_space<vmem>> -> memref<800xi32, #tpu.memory_space<vmem>>
    %dma_wait3A_1579 = arith.constant 0 : i32
    %dma_wait3A_1580 = arith.constant 0 : i32
    %dma_wait3A_1581 = tpu.memref_slice %arg4[%dma_wait3A_1579, %dma_wait3A_1580] : memref<1015808x64xf32, #tpu.memory_space<hbm>> -> memref<1015808x64xf32, #tpu.memory_space<hbm>>
    tpu.wait_indirect_dma semaphore(%arg9 : memref<!tpu.dma_semaphore, #tpu.memory_space<semaphore_mem>>) src(%dma_wait3A_1581 : memref<1015808x64xf32, #tpu.memory_space<hbm>>) dst(%dma_wait3A_1575 : memref<800x64xf32, #tpu.memory_space<vmem>>)
    %dma_start3A_1582 = arith.constant 1 : i32
    %dma_start3A_1583 = arith.constant 1 : i32
    %dma_start3A_1584 = arith.constant 0 : i32
    %dma_start3A_1585 = arith.constant 0 : i32
    %dma_start3A_1586 = tpu.memref_slice %arg8[%dma_start3A_1582, %dma_start3A_1584, %dma_start3A_1585] : memref<2x800x64xf32, #tpu.memory_space<vmem>> -> memref<1x800x64xf32, #tpu.memory_space<vmem>>
    %dma_start3A_1587 = tpu.memref_squeeze %dma_start3A_1586 : memref<1x800x64xf32, #tpu.memory_space<vmem>> -> memref<800x64xf32, #tpu.memory_space<vmem>>
    %dma_start3A_1588 = arith.constant 0 : i32
    %dma_start3A_1589 = tpu.memref_slice %arg7[%dma_start3A_1583, %dma_start3A_1588] : memref<2x800xi32, #tpu.memory_space<vmem>> -> memref<1x800xi32, #tpu.memory_space<vmem>>
    %dma_start3A_1590 = tpu.memref_squeeze %dma_start3A_1589 : memref<1x800xi32, #tpu.memory_space<vmem>> -> memref<800xi32, #tpu.memory_space<vmem>>
    %dma_start3A_1591 = arith.constant 0 : i32
    %dma_start3A_1592 = arith.constant 0 : i32
    %dma_start3A_1593 = tpu.memref_slice %arg5[%dma_start3A_1591, %dma_start3A_1592] : memref<819200x64xf32, #tpu.memory_space<hbm>> -> memref<819200x64xf32, #tpu.memory_space<hbm>>
    tpu.enqueue_indirect_dma source(%dma_start3A_1587 : memref<800x64xf32, #tpu.memory_space<vmem>>) target(%dma_start3A_1593 : memref<819200x64xf32, #tpu.memory_space<hbm>>) offsets(%dma_start3A_1590 : memref<800xi32, #tpu.memory_space<vmem>>) semaphore(%arg11 : memref<!tpu.dma_semaphore, #tpu.memory_space<semaphore_mem>>)
    %dma_wait3A_1594 = arith.constant 0 : i32
    %dma_wait3A_1595 = arith.constant 0 : i32
    %dma_wait3A_1596 = arith.constant 0 : i32
    %dma_wait3A_1597 = arith.constant 0 : i32
    %dma_wait3A_1598 = tpu.memref_slice %arg8[%dma_wait3A_1594, %dma_wait3A_1596, %dma_wait3A_1597] : memref<2x800x64xf32, #tpu.memory_space<vmem>> -> memref<1x800x64xf32, #tpu.memory_space<vmem>>
    %dma_wait3A_1599 = tpu.memref_squeeze %dma_wait3A_1598 : memref<1x800x64xf32, #tpu.memory_space<vmem>> -> memref<800x64xf32, #tpu.memory_space<vmem>>
    %dma_wait3A_1600 = arith.constant 0 : i32
    %dma_wait3A_1601 = tpu.memref_slice %arg7[%dma_wait3A_1595, %dma_wait3A_1600] : memref<2x800xi32, #tpu.memory_space<vmem>> -> memref<1x800xi32, #tpu.memory_space<vmem>>
    %dma_wait3A_1602 = tpu.memref_squeeze %dma_wait3A_1601 : memref<1x800xi32, #tpu.memory_space<vmem>> -> memref<800xi32, #tpu.memory_space<vmem>>
    %dma_wait3A_1603 = arith.constant 0 : i32
    %dma_wait3A_1604 = arith.constant 0 : i32
    %dma_wait3A_1605 = tpu.memref_slice %arg5[%dma_wait3A_1603, %dma_wait3A_1604] : memref<819200x64xf32, #tpu.memory_space<hbm>> -> memref<819200x64xf32, #tpu.memory_space<hbm>>
    tpu.wait_indirect_dma semaphore(%arg10 : memref<!tpu.dma_semaphore, #tpu.memory_space<semaphore_mem>>) src(%dma_wait3A_1599 : memref<800x64xf32, #tpu.memory_space<vmem>>) dst(%dma_wait3A_1605 : memref<819200x64xf32, #tpu.memory_space<hbm>>)
    %mul3A_1606 = arith.constant 25600 : i32
    %mul3A_1607 = arith.muli %add3A, %mul3A_1606 : i32
    %add3A_1608 = arith.constant 24000 : i32
    %add3A_1609 = arith.addi %mul3A_1607, %add3A_1608 : i32
    %run_scoped3A_1610 = arith.constant 0 : i32
    "tpu.region"() ({
      %run_scoped3A_1726 = tpu.sem_alloc : memref<!tpu.dma_semaphore, #tpu.memory_space<semaphore_mem>>
      %dma_start3A_1727 = arith.constant 0 : i32
      %dma_start3A_1728 = tpu.memref_slice %arg6[%run_scoped3A_1610, %dma_start3A_1727] : memref<2x800xi32, #tpu.memory_space<vmem>> -> memref<1x800xi32, #tpu.memory_space<vmem>>
      %dma_start3A_1729 = tpu.memref_squeeze %dma_start3A_1728 : memref<1x800xi32, #tpu.memory_space<vmem>> -> memref<800xi32, #tpu.memory_space<vmem>>
      %dma_start3A_1730 = tpu.memref_slice %arg2[%add3A_1609] : memref<819200xi32, #tpu.memory_space<hbm>> -> memref<800xi32, #tpu.memory_space<hbm>>
      %dma_start3A_1731 = arith.constant 0 : i32
      %dma_start3A_1732 = tpu.memref_slice %arg6[%run_scoped3A_1610, %dma_start3A_1731] : memref<2x800xi32, #tpu.memory_space<vmem>> -> memref<1x800xi32, #tpu.memory_space<vmem>>
      %dma_start3A_1733 = tpu.memref_squeeze %dma_start3A_1732 : memref<1x800xi32, #tpu.memory_space<vmem>> -> memref<800xi32, #tpu.memory_space<vmem>>
      %dma_start3A_1734 = tpu.memref_slice %arg2[%add3A_1609] : memref<819200xi32, #tpu.memory_space<hbm>> -> memref<800xi32, #tpu.memory_space<hbm>>
      tpu.enqueue_dma source(%dma_start3A_1734 : memref<800xi32, #tpu.memory_space<hbm>>) target(%dma_start3A_1733 : memref<800xi32, #tpu.memory_space<vmem>>) target_semaphore(%run_scoped3A_1726 : memref<!tpu.dma_semaphore, #tpu.memory_space<semaphore_mem>>)
      %dma_wait3A_1735 = arith.constant 0 : i32
      %dma_wait3A_1736 = tpu.memref_slice %arg6[%run_scoped3A_1610, %dma_wait3A_1735] : memref<2x800xi32, #tpu.memory_space<vmem>> -> memref<1x800xi32, #tpu.memory_space<vmem>>
      %dma_wait3A_1737 = tpu.memref_squeeze %dma_wait3A_1736 : memref<1x800xi32, #tpu.memory_space<vmem>> -> memref<800xi32, #tpu.memory_space<vmem>>
      %dma_wait3A_1738 = tpu.memref_slice %arg2[%add3A_1609] : memref<819200xi32, #tpu.memory_space<hbm>> -> memref<800xi32, #tpu.memory_space<hbm>>
      %dma_wait3A_1739 = arith.constant 0 : i32
      %dma_wait3A_1740 = tpu.memref_slice %arg6[%run_scoped3A_1610, %dma_wait3A_1739] : memref<2x800xi32, #tpu.memory_space<vmem>> -> memref<1x800xi32, #tpu.memory_space<vmem>>
      %dma_wait3A_1741 = tpu.memref_squeeze %dma_wait3A_1740 : memref<1x800xi32, #tpu.memory_space<vmem>> -> memref<800xi32, #tpu.memory_space<vmem>>
      %dma_wait3A_1742 = tpu.memref_slice %arg2[%add3A_1609] : memref<819200xi32, #tpu.memory_space<hbm>> -> memref<800xi32, #tpu.memory_space<hbm>>
      tpu.wait_dma2 semaphore(%run_scoped3A_1726 : memref<!tpu.dma_semaphore, #tpu.memory_space<semaphore_mem>>) src(%dma_wait3A_1742 : memref<800xi32, #tpu.memory_space<hbm>>) dst(%dma_wait3A_1741 : memref<800xi32, #tpu.memory_space<vmem>>)
      tpu.yield
    }) : () -> ()
    %run_scoped3A_1611 = arith.constant 0 : i32
    "tpu.region"() ({
      %run_scoped3A_1726 = tpu.sem_alloc : memref<!tpu.dma_semaphore, #tpu.memory_space<semaphore_mem>>
      %dma_start3A_1727 = arith.constant 0 : i32
      %dma_start3A_1728 = tpu.memref_slice %arg7[%run_scoped3A_1611, %dma_start3A_1727] : memref<2x800xi32, #tpu.memory_space<vmem>> -> memref<1x800xi32, #tpu.memory_space<vmem>>
      %dma_start3A_1729 = tpu.memref_squeeze %dma_start3A_1728 : memref<1x800xi32, #tpu.memory_space<vmem>> -> memref<800xi32, #tpu.memory_space<vmem>>
      %dma_start3A_1730 = tpu.memref_slice %arg3[%add3A_1609] : memref<819200xi32, #tpu.memory_space<hbm>> -> memref<800xi32, #tpu.memory_space<hbm>>
      %dma_start3A_1731 = arith.constant 0 : i32
      %dma_start3A_1732 = tpu.memref_slice %arg7[%run_scoped3A_1611, %dma_start3A_1731] : memref<2x800xi32, #tpu.memory_space<vmem>> -> memref<1x800xi32, #tpu.memory_space<vmem>>
      %dma_start3A_1733 = tpu.memref_squeeze %dma_start3A_1732 : memref<1x800xi32, #tpu.memory_space<vmem>> -> memref<800xi32, #tpu.memory_space<vmem>>
      %dma_start3A_1734 = tpu.memref_slice %arg3[%add3A_1609] : memref<819200xi32, #tpu.memory_space<hbm>> -> memref<800xi32, #tpu.memory_space<hbm>>
      tpu.enqueue_dma source(%dma_start3A_1734 : memref<800xi32, #tpu.memory_space<hbm>>) target(%dma_start3A_1733 : memref<800xi32, #tpu.memory_space<vmem>>) target_semaphore(%run_scoped3A_1726 : memref<!tpu.dma_semaphore, #tpu.memory_space<semaphore_mem>>)
      %dma_wait3A_1735 = arith.constant 0 : i32
      %dma_wait3A_1736 = tpu.memref_slice %arg7[%run_scoped3A_1611, %dma_wait3A_1735] : memref<2x800xi32, #tpu.memory_space<vmem>> -> memref<1x800xi32, #tpu.memory_space<vmem>>
      %dma_wait3A_1737 = tpu.memref_squeeze %dma_wait3A_1736 : memref<1x800xi32, #tpu.memory_space<vmem>> -> memref<800xi32, #tpu.memory_space<vmem>>
      %dma_wait3A_1738 = tpu.memref_slice %arg3[%add3A_1609] : memref<819200xi32, #tpu.memory_space<hbm>> -> memref<800xi32, #tpu.memory_space<hbm>>
      %dma_wait3A_1739 = arith.constant 0 : i32
      %dma_wait3A_1740 = tpu.memref_slice %arg7[%run_scoped3A_1611, %dma_wait3A_1739] : memref<2x800xi32, #tpu.memory_space<vmem>> -> memref<1x800xi32, #tpu.memory_space<vmem>>
      %dma_wait3A_1741 = tpu.memref_squeeze %dma_wait3A_1740 : memref<1x800xi32, #tpu.memory_space<vmem>> -> memref<800xi32, #tpu.memory_space<vmem>>
      %dma_wait3A_1742 = tpu.memref_slice %arg3[%add3A_1609] : memref<819200xi32, #tpu.memory_space<hbm>> -> memref<800xi32, #tpu.memory_space<hbm>>
      tpu.wait_dma2 semaphore(%run_scoped3A_1726 : memref<!tpu.dma_semaphore, #tpu.memory_space<semaphore_mem>>) src(%dma_wait3A_1742 : memref<800xi32, #tpu.memory_space<hbm>>) dst(%dma_wait3A_1741 : memref<800xi32, #tpu.memory_space<vmem>>)
      tpu.yield
    }) : () -> ()
    %dma_start3A_1612 = arith.constant 0 : i32
    %dma_start3A_1613 = arith.constant 0 : i32
    %dma_start3A_1614 = arith.constant 0 : i32
    %dma_start3A_1615 = arith.constant 0 : i32
    %dma_start3A_1616 = tpu.memref_slice %arg8[%dma_start3A_1613, %dma_start3A_1614, %dma_start3A_1615] : memref<2x800x64xf32, #tpu.memory_space<vmem>> -> memref<1x800x64xf32, #tpu.memory_space<vmem>>
    %dma_start3A_1617 = tpu.memref_squeeze %dma_start3A_1616 : memref<1x800x64xf32, #tpu.memory_space<vmem>> -> memref<800x64xf32, #tpu.memory_space<vmem>>
    %dma_start3A_1618 = arith.constant 0 : i32
    %dma_start3A_1619 = tpu.memref_slice %arg6[%dma_start3A_1612, %dma_start3A_1618] : memref<2x800xi32, #tpu.memory_space<vmem>> -> memref<1x800xi32, #tpu.memory_space<vmem>>
    %dma_start3A_1620 = tpu.memref_squeeze %dma_start3A_1619 : memref<1x800xi32, #tpu.memory_space<vmem>> -> memref<800xi32, #tpu.memory_space<vmem>>
    %dma_start3A_1621 = arith.constant 0 : i32
    %dma_start3A_1622 = arith.constant 0 : i32
    %dma_start3A_1623 = tpu.memref_slice %arg4[%dma_start3A_1621, %dma_start3A_1622] : memref<1015808x64xf32, #tpu.memory_space<hbm>> -> memref<1015808x64xf32, #tpu.memory_space<hbm>>
    tpu.enqueue_indirect_dma source(%dma_start3A_1623 : memref<1015808x64xf32, #tpu.memory_space<hbm>>) target(%dma_start3A_1617 : memref<800x64xf32, #tpu.memory_space<vmem>>) offsets(%dma_start3A_1620 : memref<800xi32, #tpu.memory_space<vmem>>) semaphore(%arg9 : memref<!tpu.dma_semaphore, #tpu.memory_space<semaphore_mem>>)
    %dma_wait3A_1624 = arith.constant 0 : i32
    %dma_wait3A_1625 = arith.constant 0 : i32
    %dma_wait3A_1626 = arith.constant 0 : i32
    %dma_wait3A_1627 = arith.constant 0 : i32
    %dma_wait3A_1628 = tpu.memref_slice %arg8[%dma_wait3A_1625, %dma_wait3A_1626, %dma_wait3A_1627] : memref<2x800x64xf32, #tpu.memory_space<vmem>> -> memref<1x800x64xf32, #tpu.memory_space<vmem>>
    %dma_wait3A_1629 = tpu.memref_squeeze %dma_wait3A_1628 : memref<1x800x64xf32, #tpu.memory_space<vmem>> -> memref<800x64xf32, #tpu.memory_space<vmem>>
    %dma_wait3A_1630 = arith.constant 0 : i32
    %dma_wait3A_1631 = tpu.memref_slice %arg6[%dma_wait3A_1624, %dma_wait3A_1630] : memref<2x800xi32, #tpu.memory_space<vmem>> -> memref<1x800xi32, #tpu.memory_space<vmem>>
    %dma_wait3A_1632 = tpu.memref_squeeze %dma_wait3A_1631 : memref<1x800xi32, #tpu.memory_space<vmem>> -> memref<800xi32, #tpu.memory_space<vmem>>
    %dma_wait3A_1633 = arith.constant 0 : i32
    %dma_wait3A_1634 = arith.constant 0 : i32
    %dma_wait3A_1635 = tpu.memref_slice %arg4[%dma_wait3A_1633, %dma_wait3A_1634] : memref<1015808x64xf32, #tpu.memory_space<hbm>> -> memref<1015808x64xf32, #tpu.memory_space<hbm>>
    tpu.wait_indirect_dma semaphore(%arg9 : memref<!tpu.dma_semaphore, #tpu.memory_space<semaphore_mem>>) src(%dma_wait3A_1635 : memref<1015808x64xf32, #tpu.memory_space<hbm>>) dst(%dma_wait3A_1629 : memref<800x64xf32, #tpu.memory_space<vmem>>)
    %dma_start3A_1636 = arith.constant 0 : i32
    %dma_start3A_1637 = arith.constant 0 : i32
    %dma_start3A_1638 = arith.constant 0 : i32
    %dma_start3A_1639 = arith.constant 0 : i32
    %dma_start3A_1640 = tpu.memref_slice %arg8[%dma_start3A_1636, %dma_start3A_1638, %dma_start3A_1639] : memref<2x800x64xf32, #tpu.memory_space<vmem>> -> memref<1x800x64xf32, #tpu.memory_space<vmem>>
    %dma_start3A_1641 = tpu.memref_squeeze %dma_start3A_1640 : memref<1x800x64xf32, #tpu.memory_space<vmem>> -> memref<800x64xf32, #tpu.memory_space<vmem>>
    %dma_start3A_1642 = arith.constant 0 : i32
    %dma_start3A_1643 = tpu.memref_slice %arg7[%dma_start3A_1637, %dma_start3A_1642] : memref<2x800xi32, #tpu.memory_space<vmem>> -> memref<1x800xi32, #tpu.memory_space<vmem>>
    %dma_start3A_1644 = tpu.memref_squeeze %dma_start3A_1643 : memref<1x800xi32, #tpu.memory_space<vmem>> -> memref<800xi32, #tpu.memory_space<vmem>>
    %dma_start3A_1645 = arith.constant 0 : i32
    %dma_start3A_1646 = arith.constant 0 : i32
    %dma_start3A_1647 = tpu.memref_slice %arg5[%dma_start3A_1645, %dma_start3A_1646] : memref<819200x64xf32, #tpu.memory_space<hbm>> -> memref<819200x64xf32, #tpu.memory_space<hbm>>
    tpu.enqueue_indirect_dma source(%dma_start3A_1641 : memref<800x64xf32, #tpu.memory_space<vmem>>) target(%dma_start3A_1647 : memref<819200x64xf32, #tpu.memory_space<hbm>>) offsets(%dma_start3A_1644 : memref<800xi32, #tpu.memory_space<vmem>>) semaphore(%arg10 : memref<!tpu.dma_semaphore, #tpu.memory_space<semaphore_mem>>)
    %dma_wait3A_1648 = arith.constant 1 : i32
    %dma_wait3A_1649 = arith.constant 1 : i32
    %dma_wait3A_1650 = arith.constant 0 : i32
    %dma_wait3A_1651 = arith.constant 0 : i32
    %dma_wait3A_1652 = tpu.memref_slice %arg8[%dma_wait3A_1648, %dma_wait3A_1650, %dma_wait3A_1651] : memref<2x800x64xf32, #tpu.memory_space<vmem>> -> memref<1x800x64xf32, #tpu.memory_space<vmem>>
    %dma_wait3A_1653 = tpu.memref_squeeze %dma_wait3A_1652 : memref<1x800x64xf32, #tpu.memory_space<vmem>> -> memref<800x64xf32, #tpu.memory_space<vmem>>
    %dma_wait3A_1654 = arith.constant 0 : i32
    %dma_wait3A_1655 = tpu.memref_slice %arg7[%dma_wait3A_1649, %dma_wait3A_1654] : memref<2x800xi32, #tpu.memory_space<vmem>> -> memref<1x800xi32, #tpu.memory_space<vmem>>
    %dma_wait3A_1656 = tpu.memref_squeeze %dma_wait3A_1655 : memref<1x800xi32, #tpu.memory_space<vmem>> -> memref<800xi32, #tpu.memory_space<vmem>>
    %dma_wait3A_1657 = arith.constant 0 : i32
    %dma_wait3A_1658 = arith.constant 0 : i32
    %dma_wait3A_1659 = tpu.memref_slice %arg5[%dma_wait3A_1657, %dma_wait3A_1658] : memref<819200x64xf32, #tpu.memory_space<hbm>> -> memref<819200x64xf32, #tpu.memory_space<hbm>>
    tpu.wait_indirect_dma semaphore(%arg11 : memref<!tpu.dma_semaphore, #tpu.memory_space<semaphore_mem>>) src(%dma_wait3A_1653 : memref<800x64xf32, #tpu.memory_space<vmem>>) dst(%dma_wait3A_1659 : memref<819200x64xf32, #tpu.memory_space<hbm>>)
    %mul3A_1660 = arith.constant 25600 : i32
    %mul3A_1661 = arith.muli %add3A, %mul3A_1660 : i32
    %add3A_1662 = arith.constant 24800 : i32
    %add3A_1663 = arith.addi %mul3A_1661, %add3A_1662 : i32
    %run_scoped3A_1664 = arith.constant 1 : i32
    "tpu.region"() ({
      %run_scoped3A_1726 = tpu.sem_alloc : memref<!tpu.dma_semaphore, #tpu.memory_space<semaphore_mem>>
      %dma_start3A_1727 = arith.constant 0 : i32
      %dma_start3A_1728 = tpu.memref_slice %arg6[%run_scoped3A_1664, %dma_start3A_1727] : memref<2x800xi32, #tpu.memory_space<vmem>> -> memref<1x800xi32, #tpu.memory_space<vmem>>
      %dma_start3A_1729 = tpu.memref_squeeze %dma_start3A_1728 : memref<1x800xi32, #tpu.memory_space<vmem>> -> memref<800xi32, #tpu.memory_space<vmem>>
      %dma_start3A_1730 = tpu.memref_slice %arg2[%add3A_1663] : memref<819200xi32, #tpu.memory_space<hbm>> -> memref<800xi32, #tpu.memory_space<hbm>>
      %dma_start3A_1731 = arith.constant 0 : i32
      %dma_start3A_1732 = tpu.memref_slice %arg6[%run_scoped3A_1664, %dma_start3A_1731] : memref<2x800xi32, #tpu.memory_space<vmem>> -> memref<1x800xi32, #tpu.memory_space<vmem>>
      %dma_start3A_1733 = tpu.memref_squeeze %dma_start3A_1732 : memref<1x800xi32, #tpu.memory_space<vmem>> -> memref<800xi32, #tpu.memory_space<vmem>>
      %dma_start3A_1734 = tpu.memref_slice %arg2[%add3A_1663] : memref<819200xi32, #tpu.memory_space<hbm>> -> memref<800xi32, #tpu.memory_space<hbm>>
      tpu.enqueue_dma source(%dma_start3A_1734 : memref<800xi32, #tpu.memory_space<hbm>>) target(%dma_start3A_1733 : memref<800xi32, #tpu.memory_space<vmem>>) target_semaphore(%run_scoped3A_1726 : memref<!tpu.dma_semaphore, #tpu.memory_space<semaphore_mem>>)
      %dma_wait3A_1735 = arith.constant 0 : i32
      %dma_wait3A_1736 = tpu.memref_slice %arg6[%run_scoped3A_1664, %dma_wait3A_1735] : memref<2x800xi32, #tpu.memory_space<vmem>> -> memref<1x800xi32, #tpu.memory_space<vmem>>
      %dma_wait3A_1737 = tpu.memref_squeeze %dma_wait3A_1736 : memref<1x800xi32, #tpu.memory_space<vmem>> -> memref<800xi32, #tpu.memory_space<vmem>>
      %dma_wait3A_1738 = tpu.memref_slice %arg2[%add3A_1663] : memref<819200xi32, #tpu.memory_space<hbm>> -> memref<800xi32, #tpu.memory_space<hbm>>
      %dma_wait3A_1739 = arith.constant 0 : i32
      %dma_wait3A_1740 = tpu.memref_slice %arg6[%run_scoped3A_1664, %dma_wait3A_1739] : memref<2x800xi32, #tpu.memory_space<vmem>> -> memref<1x800xi32, #tpu.memory_space<vmem>>
      %dma_wait3A_1741 = tpu.memref_squeeze %dma_wait3A_1740 : memref<1x800xi32, #tpu.memory_space<vmem>> -> memref<800xi32, #tpu.memory_space<vmem>>
      %dma_wait3A_1742 = tpu.memref_slice %arg2[%add3A_1663] : memref<819200xi32, #tpu.memory_space<hbm>> -> memref<800xi32, #tpu.memory_space<hbm>>
      tpu.wait_dma2 semaphore(%run_scoped3A_1726 : memref<!tpu.dma_semaphore, #tpu.memory_space<semaphore_mem>>) src(%dma_wait3A_1742 : memref<800xi32, #tpu.memory_space<hbm>>) dst(%dma_wait3A_1741 : memref<800xi32, #tpu.memory_space<vmem>>)
      tpu.yield
    }) : () -> ()
    %run_scoped3A_1665 = arith.constant 1 : i32
    "tpu.region"() ({
      %run_scoped3A_1726 = tpu.sem_alloc : memref<!tpu.dma_semaphore, #tpu.memory_space<semaphore_mem>>
      %dma_start3A_1727 = arith.constant 0 : i32
      %dma_start3A_1728 = tpu.memref_slice %arg7[%run_scoped3A_1665, %dma_start3A_1727] : memref<2x800xi32, #tpu.memory_space<vmem>> -> memref<1x800xi32, #tpu.memory_space<vmem>>
      %dma_start3A_1729 = tpu.memref_squeeze %dma_start3A_1728 : memref<1x800xi32, #tpu.memory_space<vmem>> -> memref<800xi32, #tpu.memory_space<vmem>>
      %dma_start3A_1730 = tpu.memref_slice %arg3[%add3A_1663] : memref<819200xi32, #tpu.memory_space<hbm>> -> memref<800xi32, #tpu.memory_space<hbm>>
      %dma_start3A_1731 = arith.constant 0 : i32
      %dma_start3A_1732 = tpu.memref_slice %arg7[%run_scoped3A_1665, %dma_start3A_1731] : memref<2x800xi32, #tpu.memory_space<vmem>> -> memref<1x800xi32, #tpu.memory_space<vmem>>
      %dma_start3A_1733 = tpu.memref_squeeze %dma_start3A_1732 : memref<1x800xi32, #tpu.memory_space<vmem>> -> memref<800xi32, #tpu.memory_space<vmem>>
      %dma_start3A_1734 = tpu.memref_slice %arg3[%add3A_1663] : memref<819200xi32, #tpu.memory_space<hbm>> -> memref<800xi32, #tpu.memory_space<hbm>>
      tpu.enqueue_dma source(%dma_start3A_1734 : memref<800xi32, #tpu.memory_space<hbm>>) target(%dma_start3A_1733 : memref<800xi32, #tpu.memory_space<vmem>>) target_semaphore(%run_scoped3A_1726 : memref<!tpu.dma_semaphore, #tpu.memory_space<semaphore_mem>>)
      %dma_wait3A_1735 = arith.constant 0 : i32
      %dma_wait3A_1736 = tpu.memref_slice %arg7[%run_scoped3A_1665, %dma_wait3A_1735] : memref<2x800xi32, #tpu.memory_space<vmem>> -> memref<1x800xi32, #tpu.memory_space<vmem>>
      %dma_wait3A_1737 = tpu.memref_squeeze %dma_wait3A_1736 : memref<1x800xi32, #tpu.memory_space<vmem>> -> memref<800xi32, #tpu.memory_space<vmem>>
      %dma_wait3A_1738 = tpu.memref_slice %arg3[%add3A_1663] : memref<819200xi32, #tpu.memory_space<hbm>> -> memref<800xi32, #tpu.memory_space<hbm>>
      %dma_wait3A_1739 = arith.constant 0 : i32
      %dma_wait3A_1740 = tpu.memref_slice %arg7[%run_scoped3A_1665, %dma_wait3A_1739] : memref<2x800xi32, #tpu.memory_space<vmem>> -> memref<1x800xi32, #tpu.memory_space<vmem>>
      %dma_wait3A_1741 = tpu.memref_squeeze %dma_wait3A_1740 : memref<1x800xi32, #tpu.memory_space<vmem>> -> memref<800xi32, #tpu.memory_space<vmem>>
      %dma_wait3A_1742 = tpu.memref_slice %arg3[%add3A_1663] : memref<819200xi32, #tpu.memory_space<hbm>> -> memref<800xi32, #tpu.memory_space<hbm>>
      tpu.wait_dma2 semaphore(%run_scoped3A_1726 : memref<!tpu.dma_semaphore, #tpu.memory_space<semaphore_mem>>) src(%dma_wait3A_1742 : memref<800xi32, #tpu.memory_space<hbm>>) dst(%dma_wait3A_1741 : memref<800xi32, #tpu.memory_space<vmem>>)
      tpu.yield
    }) : () -> ()
    %dma_start3A_1666 = arith.constant 1 : i32
    %dma_start3A_1667 = arith.constant 1 : i32
    %dma_start3A_1668 = arith.constant 0 : i32
    %dma_start3A_1669 = arith.constant 0 : i32
    %dma_start3A_1670 = tpu.memref_slice %arg8[%dma_start3A_1667, %dma_start3A_1668, %dma_start3A_1669] : memref<2x800x64xf32, #tpu.memory_space<vmem>> -> memref<1x800x64xf32, #tpu.memory_space<vmem>>
    %dma_start3A_1671 = tpu.memref_squeeze %dma_start3A_1670 : memref<1x800x64xf32, #tpu.memory_space<vmem>> -> memref<800x64xf32, #tpu.memory_space<vmem>>
    %dma_start3A_1672 = arith.constant 0 : i32
    %dma_start3A_1673 = tpu.memref_slice %arg6[%dma_start3A_1666, %dma_start3A_1672] : memref<2x800xi32, #tpu.memory_space<vmem>> -> memref<1x800xi32, #tpu.memory_space<vmem>>
    %dma_start3A_1674 = tpu.memref_squeeze %dma_start3A_1673 : memref<1x800xi32, #tpu.memory_space<vmem>> -> memref<800xi32, #tpu.memory_space<vmem>>
    %dma_start3A_1675 = arith.constant 0 : i32
    %dma_start3A_1676 = arith.constant 0 : i32
    %dma_start3A_1677 = tpu.memref_slice %arg4[%dma_start3A_1675, %dma_start3A_1676] : memref<1015808x64xf32, #tpu.memory_space<hbm>> -> memref<1015808x64xf32, #tpu.memory_space<hbm>>
    tpu.enqueue_indirect_dma source(%dma_start3A_1677 : memref<1015808x64xf32, #tpu.memory_space<hbm>>) target(%dma_start3A_1671 : memref<800x64xf32, #tpu.memory_space<vmem>>) offsets(%dma_start3A_1674 : memref<800xi32, #tpu.memory_space<vmem>>) semaphore(%arg9 : memref<!tpu.dma_semaphore, #tpu.memory_space<semaphore_mem>>)
    %dma_wait3A_1678 = arith.constant 1 : i32
    %dma_wait3A_1679 = arith.constant 1 : i32
    %dma_wait3A_1680 = arith.constant 0 : i32
    %dma_wait3A_1681 = arith.constant 0 : i32
    %dma_wait3A_1682 = tpu.memref_slice %arg8[%dma_wait3A_1679, %dma_wait3A_1680, %dma_wait3A_1681] : memref<2x800x64xf32, #tpu.memory_space<vmem>> -> memref<1x800x64xf32, #tpu.memory_space<vmem>>
    %dma_wait3A_1683 = tpu.memref_squeeze %dma_wait3A_1682 : memref<1x800x64xf32, #tpu.memory_space<vmem>> -> memref<800x64xf32, #tpu.memory_space<vmem>>
    %dma_wait3A_1684 = arith.constant 0 : i32
    %dma_wait3A_1685 = tpu.memref_slice %arg6[%dma_wait3A_1678, %dma_wait3A_1684] : memref<2x800xi32, #tpu.memory_space<vmem>> -> memref<1x800xi32, #tpu.memory_space<vmem>>
    %dma_wait3A_1686 = tpu.memref_squeeze %dma_wait3A_1685 : memref<1x800xi32, #tpu.memory_space<vmem>> -> memref<800xi32, #tpu.memory_space<vmem>>
    %dma_wait3A_1687 = arith.constant 0 : i32
    %dma_wait3A_1688 = arith.constant 0 : i32
    %dma_wait3A_1689 = tpu.memref_slice %arg4[%dma_wait3A_1687, %dma_wait3A_1688] : memref<1015808x64xf32, #tpu.memory_space<hbm>> -> memref<1015808x64xf32, #tpu.memory_space<hbm>>
    tpu.wait_indirect_dma semaphore(%arg9 : memref<!tpu.dma_semaphore, #tpu.memory_space<semaphore_mem>>) src(%dma_wait3A_1689 : memref<1015808x64xf32, #tpu.memory_space<hbm>>) dst(%dma_wait3A_1683 : memref<800x64xf32, #tpu.memory_space<vmem>>)
    %dma_start3A_1690 = arith.constant 1 : i32
    %dma_start3A_1691 = arith.constant 1 : i32
    %dma_start3A_1692 = arith.constant 0 : i32
    %dma_start3A_1693 = arith.constant 0 : i32
    %dma_start3A_1694 = tpu.memref_slice %arg8[%dma_start3A_1690, %dma_start3A_1692, %dma_start3A_1693] : memref<2x800x64xf32, #tpu.memory_space<vmem>> -> memref<1x800x64xf32, #tpu.memory_space<vmem>>
    %dma_start3A_1695 = tpu.memref_squeeze %dma_start3A_1694 : memref<1x800x64xf32, #tpu.memory_space<vmem>> -> memref<800x64xf32, #tpu.memory_space<vmem>>
    %dma_start3A_1696 = arith.constant 0 : i32
    %dma_start3A_1697 = tpu.memref_slice %arg7[%dma_start3A_1691, %dma_start3A_1696] : memref<2x800xi32, #tpu.memory_space<vmem>> -> memref<1x800xi32, #tpu.memory_space<vmem>>
    %dma_start3A_1698 = tpu.memref_squeeze %dma_start3A_1697 : memref<1x800xi32, #tpu.memory_space<vmem>> -> memref<800xi32, #tpu.memory_space<vmem>>
    %dma_start3A_1699 = arith.constant 0 : i32
    %dma_start3A_1700 = arith.constant 0 : i32
    %dma_start3A_1701 = tpu.memref_slice %arg5[%dma_start3A_1699, %dma_start3A_1700] : memref<819200x64xf32, #tpu.memory_space<hbm>> -> memref<819200x64xf32, #tpu.memory_space<hbm>>
    tpu.enqueue_indirect_dma source(%dma_start3A_1695 : memref<800x64xf32, #tpu.memory_space<vmem>>) target(%dma_start3A_1701 : memref<819200x64xf32, #tpu.memory_space<hbm>>) offsets(%dma_start3A_1698 : memref<800xi32, #tpu.memory_space<vmem>>) semaphore(%arg11 : memref<!tpu.dma_semaphore, #tpu.memory_space<semaphore_mem>>)
    %dma_wait3A_1702 = arith.constant 0 : i32
    %dma_wait3A_1703 = arith.constant 0 : i32
    %dma_wait3A_1704 = arith.constant 0 : i32
    %dma_wait3A_1705 = arith.constant 0 : i32
    %dma_wait3A_1706 = tpu.memref_slice %arg8[%dma_wait3A_1702, %dma_wait3A_1704, %dma_wait3A_1705] : memref<2x800x64xf32, #tpu.memory_space<vmem>> -> memref<1x800x64xf32, #tpu.memory_space<vmem>>
    %dma_wait3A_1707 = tpu.memref_squeeze %dma_wait3A_1706 : memref<1x800x64xf32, #tpu.memory_space<vmem>> -> memref<800x64xf32, #tpu.memory_space<vmem>>
    %dma_wait3A_1708 = arith.constant 0 : i32
    %dma_wait3A_1709 = tpu.memref_slice %arg7[%dma_wait3A_1703, %dma_wait3A_1708] : memref<2x800xi32, #tpu.memory_space<vmem>> -> memref<1x800xi32, #tpu.memory_space<vmem>>
    %dma_wait3A_1710 = tpu.memref_squeeze %dma_wait3A_1709 : memref<1x800xi32, #tpu.memory_space<vmem>> -> memref<800xi32, #tpu.memory_space<vmem>>
    %dma_wait3A_1711 = arith.constant 0 : i32
    %dma_wait3A_1712 = arith.constant 0 : i32
    %dma_wait3A_1713 = tpu.memref_slice %arg5[%dma_wait3A_1711, %dma_wait3A_1712] : memref<819200x64xf32, #tpu.memory_space<hbm>> -> memref<819200x64xf32, #tpu.memory_space<hbm>>
    tpu.wait_indirect_dma semaphore(%arg10 : memref<!tpu.dma_semaphore, #tpu.memory_space<semaphore_mem>>) src(%dma_wait3A_1707 : memref<800x64xf32, #tpu.memory_space<vmem>>) dst(%dma_wait3A_1713 : memref<819200x64xf32, #tpu.memory_space<hbm>>)
    %dma_wait3A_1714 = arith.constant 1 : i32
    %dma_wait3A_1715 = arith.constant 1 : i32
    %dma_wait3A_1716 = arith.constant 0 : i32
    %dma_wait3A_1717 = arith.constant 0 : i32
    %dma_wait3A_1718 = tpu.memref_slice %arg8[%dma_wait3A_1714, %dma_wait3A_1716, %dma_wait3A_1717] : memref<2x800x64xf32, #tpu.memory_space<vmem>> -> memref<1x800x64xf32, #tpu.memory_space<vmem>>
    %dma_wait3A_1719 = tpu.memref_squeeze %dma_wait3A_1718 : memref<1x800x64xf32, #tpu.memory_space<vmem>> -> memref<800x64xf32, #tpu.memory_space<vmem>>
    %dma_wait3A_1720 = arith.constant 0 : i32
    %dma_wait3A_1721 = tpu.memref_slice %arg7[%dma_wait3A_1715, %dma_wait3A_1720] : memref<2x800xi32, #tpu.memory_space<vmem>> -> memref<1x800xi32, #tpu.memory_space<vmem>>
    %dma_wait3A_1722 = tpu.memref_squeeze %dma_wait3A_1721 : memref<1x800xi32, #tpu.memory_space<vmem>> -> memref<800xi32, #tpu.memory_space<vmem>>
    %dma_wait3A_1723 = arith.constant 0 : i32
    %dma_wait3A_1724 = arith.constant 0 : i32
    %dma_wait3A_1725 = tpu.memref_slice %arg5[%dma_wait3A_1723, %dma_wait3A_1724] : memref<819200x64xf32, #tpu.memory_space<hbm>> -> memref<819200x64xf32, #tpu.memory_space<hbm>>
    tpu.wait_indirect_dma semaphore(%arg11 : memref<!tpu.dma_semaphore, #tpu.memory_space<semaphore_mem>>) src(%dma_wait3A_1719 : memref<800x64xf32, #tpu.memory_space<vmem>>) dst(%dma_wait3A_1725 : memref<819200x64xf32, #tpu.memory_space<hbm>>)
    return
  }
}

module attributes {stable_mosaic.version = 14 : i64} {
  func.func @_cbuild_body(%arg0: i32, %arg1: memref<32x8192xf32, #tpu.memory_space<vmem>>, %arg2: memref<32x8192xf32, #tpu.memory_space<vmem>>, %arg3: memref<64x128xf32, #tpu.memory_space<vmem>>, %arg4: memref<8192x128xf32, #tpu.memory_space<vmem>>) attributes {dimension_semantics = [#tpu.dimension_semantics<arbitrary>], iteration_bounds = array<i64: 62>, scalar_prefetch = 0 : i64, scratch_operands = 0 : i64, tpu.core_type = #tpu.core_type<tc>, window_params = [{transform_indices = @transform_0, window_bounds = array<i64: 32, 8192>}, {transform_indices = @transform_1, window_bounds = array<i64: 32, 8192>}, {pipeline_mode = #tpu.pipeline_mode<synchronous>, transform_indices = @transform_2, window_bounds = array<i64: 64, 128>}, {transform_indices = @transform_3, window_bounds = array<i64: 8192, 128>}]} {
    %get3A = arith.constant 0 : index
    %get3A_0 = arith.constant 0 : index
    %get3A_1 = vector.load %arg1[%get3A, %get3A_0] : memref<32x8192xf32, #tpu.memory_space<vmem>>, vector<32x8192xf32>
    %get3A_2 = arith.constant 0 : index
    %get3A_3 = arith.constant 0 : index
    %get3A_4 = vector.load %arg2[%get3A_2, %get3A_3] : memref<32x8192xf32, #tpu.memory_space<vmem>>, vector<32x8192xf32>
    %concatenate3A = tpu.concatenate %get3A_1, %get3A_4 in 0 : vector<32x8192xf32>, vector<32x8192xf32> -> vector<64x8192xf32>
    %get3A_5 = arith.constant 0 : index
    %get3A_6 = arith.constant 0 : index
    %get3A_7 = vector.load %arg3[%get3A_5, %get3A_6] : memref<64x128xf32, #tpu.memory_space<vmem>>, vector<64x128xf32>
    %dot_general3A = arith.constant dense<0.000000e+00> : vector<8192x128xf32>
    %dot_general3A_8 = tpu.matmul %concatenate3A, %get3A_7, %dot_general3A {dimension_numbers = #tpu.dot_dimension_numbers<[0], [0], [1], [1], [0, 1, 1, 1], [], []>, transpose_lhs_hint = false} : vector<64x8192xf32>, vector<64x128xf32>, vector<8192x128xf32> -> vector<8192x128xf32>
    %swap3A = arith.constant 0 : index
    %swap3A_9 = arith.constant 0 : index
    %swap3A_10 = vector.load %arg4[%swap3A, %swap3A_9] : memref<8192x128xf32, #tpu.memory_space<vmem>>, vector<8192x128xf32>
    tpu.vector_store %arg4[%swap3A, %swap3A_9], %dot_general3A_8 {strides = array<i32>} : memref<8192x128xf32, #tpu.memory_space<vmem>>, vector<8192x128xf32>,
    return
  }
  func.func @transform_0(%arg0: i32) -> (i32, i32) {
    %c0_i32 = arith.constant 0 : i32
    %c0_i32_0 = arith.constant 0 : i32
    return %c0_i32, %arg0 : i32, i32
  }
  func.func @transform_1(%arg0: i32) -> (i32, i32) {
    %add3A = arith.constant 61 : i32
    %add3A_0 = arith.addi %arg0, %add3A : i32
    %c0_i32 = arith.constant 0 : i32
    %c0_i32_1 = arith.constant 0 : i32
    return %c0_i32, %add3A_0 : i32, i32
  }
  func.func @transform_2(%arg0: i32) -> (i32, i32) {
    %c0_i32 = arith.constant 0 : i32
    %c0_i32_0 = arith.constant 0 : i32
    %c0_i32_1 = arith.constant 0 : i32
    return %c0_i32, %c0_i32_0 : i32, i32
  }
  func.func @transform_3(%arg0: i32) -> (i32, i32) {
    %c0_i32 = arith.constant 0 : i32
    %c0_i32_0 = arith.constant 0 : i32
    return %arg0, %c0_i32 : i32, i32
  }
}

module attributes {stable_mosaic.version = 14 : i64} {
  func.func @_xpose_body(%arg0: i32, %arg1: memref<1x8192x128xf32, #tpu.memory_space<vmem>>, %arg2: memref<1x64x16384xf32, #tpu.memory_space<vmem>>) attributes {dimension_semantics = [#tpu.dimension_semantics<arbitrary>], iteration_bounds = array<i64: 50>, scalar_prefetch = 0 : i64, scratch_operands = 0 : i64, tpu.core_type = #tpu.core_type<tc>, window_params = [{transform_indices = @transform_0, window_bounds = array<i64: 1, 8192, 128>}, {transform_indices = @transform_1, window_bounds = array<i64: 1, 64, 16384>}]} {
    %get3A = arith.constant 0 : index
    %get3A_0 = arith.constant 0 : index
    %get3A_1 = arith.constant 0 : index
    %get3A_2 = vector.load %arg1[%get3A, %get3A_0, %get3A_1] : memref<1x8192x128xf32, #tpu.memory_space<vmem>>, vector<1x8192x128xf32>
    %get3A_3 = vector.shape_cast %get3A_2 : vector<1x8192x128xf32> to vector<8192x128xf32>
    %transpose3A = tpu.transpose %get3A_3, [1, 0] : vector<8192x128xf32> -> vector<128x8192xf32>
    %slice3A = vector.extract_strided_slice %transpose3A {offsets = [0, 0], sizes = [64, 8192], strides = [1, 1]} : vector<128x8192xf32> to vector<64x8192xf32>
    %swap3A = arith.constant 0 : index
    %swap3A_4 = arith.constant 0 : index
    %swap3A_5 = arith.constant 0 : index
    %swap3A_6 = vector.load %arg2[%swap3A, %swap3A_4, %swap3A_5] : memref<1x64x16384xf32, #tpu.memory_space<vmem>>, vector<1x64x8192xf32>
    %swap3A_7 = vector.shape_cast %swap3A_6 : vector<1x64x8192xf32> to vector<64x8192xf32>
    %swap3A_8 = vector.shape_cast %slice3A : vector<64x8192xf32> to vector<1x64x8192xf32>
    tpu.vector_store %arg2[%swap3A, %swap3A_4, %swap3A_5], %swap3A_8 {strides = array<i32>} : memref<1x64x16384xf32, #tpu.memory_space<vmem>>, vector<1x64x8192xf32>,
    %slice3A_9 = vector.extract_strided_slice %transpose3A {offsets = [64, 0], sizes = [64, 8192], strides = [1, 1]} : vector<128x8192xf32> to vector<64x8192xf32>
    %swap3A_10 = arith.constant 0 : index
    %swap3A_11 = arith.constant 0 : index
    %swap3A_12 = arith.constant 8192 : index
    %swap3A_13 = vector.load %arg2[%swap3A_10, %swap3A_11, %swap3A_12] : memref<1x64x16384xf32, #tpu.memory_space<vmem>>, vector<1x64x8192xf32>
    %swap3A_14 = vector.shape_cast %swap3A_13 : vector<1x64x8192xf32> to vector<64x8192xf32>
    %swap3A_15 = vector.shape_cast %slice3A_9 : vector<64x8192xf32> to vector<1x64x8192xf32>
    tpu.vector_store %arg2[%swap3A_10, %swap3A_11, %swap3A_12], %swap3A_15 {strides = array<i32>} : memref<1x64x16384xf32, #tpu.memory_space<vmem>>, vector<1x64x8192xf32>,
    return
  }
  func.func @transform_0(%arg0: i32) -> (i32, i32, i32) {
    %c0_i32 = arith.constant 0 : i32
    %c0_i32_0 = arith.constant 0 : i32
    %c0_i32_1 = arith.constant 0 : i32
    return %arg0, %c0_i32, %c0_i32_0 : i32, i32, i32
  }
  func.func @transform_1(%arg0: i32) -> (i32, i32, i32) {
    %c0_i32 = arith.constant 0 : i32
    %c0_i32_0 = arith.constant 0 : i32
    %c0_i32_1 = arith.constant 0 : i32
    return %arg0, %c0_i32, %c0_i32_0 : i32, i32, i32
  }
}

</mosaic_0001>

<sc_bundles>
// kernel: sc_embed_gather.3.cloned.1.call-start
scs
__scs_entry_jumppad:
0x0: {  	(pc) =	sbr.rel $0x88, $3  }
0x1: {  	(tag) =	ssettag $0x0;
	lr =	simm.s32 $0x1  }
0x2: {  	[smem:$0x3F9E] =	sst lr;
	_ =	strace $0xD0000000  }
0x3: {  	_ = 	snop  }
0x4: {  	_ = 	snop  }
0x5: {  	_ = 	snop  }
0x6: {  	_ = 	snop  }
0x7: {  	_ = 	snop  }
__scs_overlays_trampoline_lowered:
0x8: {  	[smem:$0x3FAD] =	sst s0  }
0x9: {  	[smem:$0x3FAE] =	sst s1  }
0xa: {  	[smem:$0x3FAF] =	sst s2  }
0xb: {  	[smem:$0x3FB0] =	sst s3  }
0xc: {  	[smem:$0x3FB1] =	sst s4  }
0xd: {  	[smem:$0x3FB2] =	sst s5  }
0xe: {  	[smem:$0x3FB3] =	sst s6  }
0xf: {  	[smem:$0x3FB4] =	sst s7  }
0x10: {  	[smem:$0x3FB5] =	sst s8  }
0x11: {  	[smem:$0x3FB6] =	sst s9;
	s0 =	simm.s32 @!p0 $0x0  }
0x12: {  	s1 =	sld [smem:$0x3F9C];
	s0 =	simm.s32 @p0 $0x1  }
0x13: {  	[smem:$0x3FB7] =	sst s0;
	s0 =	simm.s32 @!p1 $0x0  }
0x14: {  	s2 =	sld [smem:$0x3F9B];
	s0 =	simm.s32 @p1 $0x1  }
0x15: {  	[smem:$0x3FB8] =	sst s0;
	s0 =	simm.s32 @!p2 $0x0  }
0x16: {  	s3 =	sld [smem:$0x3FDB];
	s0 =	simm.s32 @p2 $0x1  }
0x17: {  	s4 =	simm.s32 $0x1BF5;
	[smem:$0x3FBA] =	sst s0  }
0x18: {  	s0 =	sld [smem:$0x3F9D];
	_ =	swait.ge [sflag:s4], $0x0  }
0x19: {  	s7 =	sld [smem:$0x3F9E]  }
0x1a: {  	s8 =	sadd.s32 $0xFFFFE003, lr  }
0x1b: {  	s9 =	sadd.s32 $0xFFFFFEF7, lr;
	s5 =	simm.s32 $0xFFFFFFFF;
	p2 =	slt.u32 s8, $0xFFFFF086  }
0x1c: {  	p1 =	slt.u32 s9, $0xF7A;
	s5 =	simm.s32 @!p2 $0x0  }
0x1d: {  	s5 =	simm.s32 @p1 $0x1;
	p0 =	seq.s32 s7, s2  }
0x1e: {  	s7 =	smul.u32 @!p0 $0xF7A, s2;
	p2 =	seq.s32 @!p0 s5, $0x0  }
0x1f: {  	s9 =	smul.u32 $0xF7A, s1;
	s8 =	simm.s32 @!p0 $0x1BF5;
	p2 =	por !p2, p0  }
0x20: {  	[sflag:s8] =	ssyncset.s32 @!p0 $0xFFFFF086;
	s6 =	sadd.s32 @!p0 s3, s7;
	s7 =	simm.s32 @!p0 $0x108  }
0x21: {  	s3 =	sadd.s32 s3, s9;
	s6 =	sadd.s32 @!p0 $0x88, s6;
	s7 =	simm.s32 @p2 $0x1082  }
0x22: {  	[simem:s7], [sflag:s8] =	dma.local @!p0 [hbm:s6], $0xF7A  }
0x23: {  	s9 =	sor.u32 $0xD0000000, s2;
	s6 =	simm.s32 $0x108;
	_ =	swait.ge @!p0 [sflag:s8], $0x0  }
0x24: {  	s3 =	sadd.s32 $0x88, s3;
	s6 =	simm.s32 @!p1 $0x1082;
	[sflag:s4] =	ssyncset.s32 $0xFFFFF086  }
0x25: {  	[simem:s6], [sflag:s4] =	dma.local [hbm:s3], $0xF7A  }
0x26: {  	[smem:$0x3F9E] =	sst s1;
	(tag) =	ssettag s2;
	_ =	strace s9  }
0x27: {  	s1 =	sld [smem:$0x3FAE]  }
0x28: {  	s2 =	sld [smem:$0x3FAF]  }
0x29: {  	s4 =	sld [smem:$0x3FB1]  }
0x2a: {  	p0 =	seq.s32 s5, $0x0;
	s5 =	sld [smem:$0x3FB2]  }
0x2b: {  	s6 =	sld [smem:$0x3FB3]  }
0x2c: {  	s7 =	sld [smem:$0x3FB4]  }
0x2d: {  	s3 =	simm.s32 $0x108;
	s8 =	sld [smem:$0x3FB5]  }
0x2e: {  	s3 =	simm.s32 @!p0 $0x1082;
	s9 =	sld [smem:$0x3FB6]  }
0x2f: {  	lr =	sadd.s32 s0, s3;
	s0 =	sld [smem:$0x3FAD]  }
0x30: {  	s3 =	sld [smem:$0x3FB0]  }
0x31: {  	[smem:$0x3FB9] =	sst s10  }
0x32: {  	s10 =	sld [smem:$0x3FB7];
	_ =	sdelay $0x3  }
0x33: {  	p0 =	seq.s32 s10, $0x1;
	s10 =	sld [smem:$0x3FB9];
	_ =	sdelay $0x3  }
0x34: {  	[smem:$0x3FB9] =	sst s10  }
0x35: {  	s10 =	sld [smem:$0x3FB8];
	_ =	sdelay $0x3  }
0x36: {  	p1 =	seq.s32 s10, $0x1;
	s10 =	sld [smem:$0x3FB9];
	_ =	sdelay $0x3  }
0x37: {  	[smem:$0x3FB9] =	sst s10  }
0x38: {  	s10 =	sld [smem:$0x3FBA]  }
0x39: {  	_ = 	snop;
	(pc) =	sbr.ind lr, $3  }
0x3a: {  	_ = 	snop  }
0x3b: {  	_ = 	snop  }
0x3c: {  	p2 =	seq.s32 s10, $0x1;
	s10 =	sld [smem:$0x3FB9]  }
0x3d: {  	_ =	shalt  }
0x3e: {  	_ =	shalt  }
0x3f: {  	_ =	shalt  }
0x40: {  	_ =	shalt  }
0x41: {  	_ =	shalt  }
0x42: {  	_ =	shalt  }
0x43: {  	_ =	shalt  }
0x44: {  	_ =	shalt  }
0x45: {  	_ =	shalt  }
0x46: {  	_ =	shalt  }
0x47: {  	_ =	shalt  }
0x48: {  	_ =	shalt  }
0x49: {  	_ =	shalt  }
0x4a: {  	_ =	shalt  }
0x4b: {  	_ =	shalt  }
0x4c: {  	_ =	shalt  }
0x4d: {  	_ =	shalt  }
0x4e: {  	_ =	shalt  }
0x4f: {  	_ =	shalt  }
0x50: {  	_ =	shalt  }
0x51: {  	_ =	shalt  }
0x52: {  	_ =	shalt  }
0x53: {  	_ =	shalt  }
0x54: {  	_ =	shalt  }
0x55: {  	_ =	shalt  }
0x56: {  	_ =	shalt  }
0x57: {  	_ =	shalt  }
0x58: {  	_ =	shalt  }
0x59: {  	_ =	shalt  }
0x5a: {  	_ =	shalt  }
0x5b: {  	_ =	shalt  }
0x5c: {  	_ =	shalt  }
0x5d: {  	_ =	shalt  }
0x5e: {  	_ =	shalt  }
0x5f: {  	_ =	shalt  }
0x60: {  	_ =	shalt  }
0x61: {  	_ =	shalt  }
0x62: {  	_ =	shalt  }
0x63: {  	_ =	shalt  }
0x64: {  	_ =	shalt  }
0x65: {  	_ =	shalt  }
0x66: {  	_ =	shalt  }
0x67: {  	_ =	shalt  }
0x68: {  	_ =	shalt  }
0x69: {  	_ =	shalt  }
0x6a: {  	_ =	shalt  }
0x6b: {  	_ =	shalt  }
0x6c: {  	_ =	shalt  }
0x6d: {  	_ =	shalt  }
0x6e: {  	_ =	shalt  }
0x6f: {  	_ =	shalt  }
0x70: {  	_ =	shalt  }
0x71: {  	_ =	shalt  }
0x72: {  	_ =	shalt  }
0x73: {  	_ =	shalt  }
0x74: {  	_ =	shalt  }
0x75: {  	_ =	shalt  }
0x76: {  	_ =	shalt  }
0x77: {  	_ =	shalt  }
0x78: {  	_ =	shalt  }
0x79: {  	_ =	shalt  }
0x7a: {  	_ =	shalt  }
0x7b: {  	_ =	shalt  }
0x7c: {  	_ =	shalt  }
0x7d: {  	_ =	shalt  }
0x7e: {  	_ =	shalt  }
0x7f: {  	_ =	shalt  }
0x80: {  	_ =	shalt  }
0x81: {  	_ =	shalt  }
0x82: {  	_ =	shalt  }
0x83: {  	_ =	shalt  }
0x84: {  	_ =	shalt  }
0x85: {  	_ =	shalt  }
0x86: {  	_ =	shalt  }
0x87: {  	_ =	shalt  }
.Lfunc_end0:
.L_simem_size_0:
called_computation_lowered:
.L_overlay_start_0:
0x88: {  	s2 =	sld [smem:$0x3FD9]  }
0x89: {  	s3 =	sld [smem:$0x3FFE];
	_ =	sdelay $0x1  }
0x8a: {  	s1 =	srdreg.scid  }
0x8b: {  	s0 =	sand.u32 $0x1, s1  }
0x8c: {  	s17 =	sshll.u32 s0, $0xA;
	s2 =	sadd.s32 s3, s2  }
0x8d: {  	s2 =	sadd.s32 s2, s17  }
0x8e: {  	[smem:$0x3FC5] =	sst s2  }
0x8f: {  	_ = 	snop  }
0x90: {  	s2 =	sld [smem:$0x3FD0];
	(tm) =	ssettm $0x1  }
0x91: {  	s18 =	sld [smem:$0x3FFB];
	_ =	sdelay $0x3  }
0x92: {  	_ =	strace s18  }
0x93: {  	s3 =	sld [smem:$0x3FFC];
	_ =	sdelay $0x3  }
0x94: {  	_ =	strace s3  }
0x95: {  	s3 =	sld [smem:$0x3FFD];
	_ =	sdelay $0x3  }
0x96: {  	_ =	strace s3  }
0x97: {  	_ =	strace $0x8FFFFFFF  }
0x98: {  	s19 =	sld [smem:$0x3FDB];
	_ =	sdelay $0x1  }
0x99: {  	s4 =	simm.s32 $_scs_section_size  }
0x9a: {  	s5 =	simm.s32 $_size__tile_overlayer_lowered;
	s6 =	simm.s32 $_tile_overlayer_lowered  }
0x9b: {  	s22 =	simm.s32 $0x1BFF;
	s21 =	sshll.u32 s6, $0x1;
	s3 =	sadd.s32 s4, s19  }
0x9c: {  	s7 =	simm.s32 $0x0;
	s20 =	sshll.u32 s5, $0x1;
	s5 =	sadd.s32 s21, s3  }
0x9d: {  	[timem:s7], [sflag:s22] =	dma.local [hbm:s5], s20  }
0x9e: {  	_ =	swait.ge [sflag:s22], s20  }
0x9f: {  	s4 =	ssub.s32 $0x0, s20;
	[sflag:s22] =	ssyncset.done $0x0  }
0xa0: {  	[sflag:s22] =	ssyncadd.s32 s4;
	_ =	sdelay $0x1  }
0xa1: {  	s23 =	simm.s32 $0x1B8B  }
0xa2: {  	_ =	swait.ge [sflag:s23], $0x1  }
0xa3: {  	[sflag:s23] =	ssyncset.done $0x0  }
0xa4: {  	s25 =	simm.s32 $0x1B8E;
	s24 =	sld [smem:$0x3FFE];
	[sflag:s23] =	ssyncadd.s32 $0xFFFFFFFF  }
0xa5: {  	s26 =	simm.s32 $execute0_lowered;
	[smem:$0x3FD2] =	sst s25  }
0xa6: {  	s5 =	sshll.u32 s26, $0x1;
	_ =	strace $0x80000046;
	[dreg:$0x1] =	wrdreg $0xFFFFFFFF  }
0xa7: {  	s28 =	simm.s32 $_size_execute0_lowered;
	s3 =	sadd.s32 s3, s5;
	[dreg:$0x0] =	wrdreg $0x0  }
0xa8: {  	s5 =	sshll.u32 s28, $0x1;
	[dreg:$0x2] =	wrdreg s3  }
0xa9: {  	[dreg:$0x3] =	wrdreg s5  }
0xaa: {  	[dreg:$0x4] =	wrdreg $0xC0  }
0xab: {  	_ =	task [dreg:s7], $0x5FFFF  }
0xac: {  	[dreg:$0x1] =	wrdreg $0xFFFFFFFF  }
0xad: {  	[dreg:$0x0] =	wrdreg $0x60  }
0xae: {  	[dreg:$0x2] =	wrdreg s2  }
0xaf: {  	[dreg:$0x3] =	wrdreg s24  }
0xb0: {  	[dreg:$0x4] =	wrdreg $0x9  }
0xb1: {  	_ =	task.clear_ibuf [dreg:s7], $0x5FFFF;
	_ =	strace $0x90000046  }
0xb2: {  	s29 =	simm.s32 $0x9;
	_ =	strace $0x80000048  }
0xb3: {  	_ =	swait.ge [sflag:s29], $0x1  }
0xb4: {  	[sflag:s29] =	ssyncadd.s32 $0xFFFFFFFF  }
0xb5: {  	_ =	strace $0x90000048  }
0xb6: {  	_ =	sfence  }
0xb7: {  	s30 =	sld [smem:$0x0];
	_ =	sdelay $0x2  }
0xb8: {  	s31 =	sshll.u32 s1, $0xD;
	s1 =	sshrl.u32 s1, $0x2  }
0xb9: {  	s3 =	sand.u32 $0x4000, s31;
	s1 =	sadd.s32 s1, s30  }
0xba: {  	s0 =	sor.u32 s3, s0;
	s1 =	sshll.u32 s1, $0x11  }
0xbb: {  	s0 =	sor.u32 s1, s0  }
0xbc: {  	s0 =	sadd.s32 $0x8F2B, s0  }
0xbd: {  	[sflag:s0] =	ssyncadd.remote.s32 $0x1  }
0xbe: {  	_ =	sfence.sel $0xFFFF  }
0xbf: {  	[dreg:$0x0] =	wrdreg $0xFFFFFFFF;
	(pc) =	sbr.abs _section_cstart, $3  }
0xc0: {  	[dreg:$0x1] =	wrdreg $0xFFFFFFFF  }
0xc1: {  	_ =	task.clear_ibuf [dreg:s7], $0x2FFFF;
	_ =	strace $0x9FFFFFFF  }
0xc2: {  	(tm) =	ssettm $0x7FFFFFFF  }
0xc3: {  	_ =	shalt  }
tec
execute0_lowered:
.L_overlay_start_1:
0x0: {  	(tag) =	ssettag $0x1  }
0x1: {  	s0 =	srdreg.scid;
	s2 =	stileid.u32  }
0x2: {  	s1 =	sand.u32 $0x1, s0;
	s13 =	sshll.u32 s2, $0x1  }
0x3: {  	s0 =	sor.u32 s1, s13  }
0x4: {  	s30 =	rddreg [dreg:$0x0];
	s0 =	smul.u32 $0x6400, s0  }
0x5: {  	s9 =	rddreg [dreg:$0x1];
	s2 =	simm.s32 $0x0  }
0x6: {  	[smem:$0x7FF] =	sst s2;
	s0 =	sshrl.u32 s0, $0x3  }
0x7: {  	s31 =	sadd.s32 $0x600, s9;
	_ =	strace $0x80000047;
	s3 =	sadd.s32 s30, s0  }
0x8: {  	s14 =	sadd.s32 s31, s0;
	s4 =	sor.u32 $0x64, s0;
	[dreg:$0x3] =	wrdreg s3  }
0x9: {  	[dreg:$0x4] =	wrdreg s14;
	s15 =	sadd.s32 s30, s4  }
0xa: {  	s17 =	sadd.s32 $0xC8, s0;
	s16 =	sadd.s32 s31, s4;
	[dreg:$0x5] =	wrdreg s15  }
0xb: {  	s18 =	sadd.s32 s30, s17;
	[dreg:$0x6] =	wrdreg s16  }
0xc: {  	s20 =	sadd.s32 $0x12C, s0;
	s19 =	sadd.s32 s31, s17;
	[dreg:$0x7] =	wrdreg s18  }
0xd: {  	s21 =	sadd.s32 s30, s20;
	[dreg:$0x8] =	wrdreg s19  }
0xe: {  	s23 =	sadd.s32 $0x190, s0;
	s22 =	sadd.s32 s31, s20;
	[dreg:$0x9] =	wrdreg s21  }
0xf: {  	s24 =	sadd.s32 s30, s23;
	[dreg:$0xa] =	wrdreg s22  }
0x10: {  	s26 =	sadd.s32 $0x1F4, s0;
	s25 =	sadd.s32 s31, s23;
	[dreg:$0xb] =	wrdreg s24  }
0x11: {  	s5 =	sadd.s32 s30, s26;
	[dreg:$0xc] =	wrdreg s25  }
0x12: {  	s7 =	sadd.s32 $0x258, s0;
	s6 =	sadd.s32 s31, s26;
	[dreg:$0xd] =	wrdreg s5  }
0x13: {  	s8 =	sadd.s32 s30, s7;
	[dreg:$0xe] =	wrdreg s6  }
0x14: {  	s11 =	sadd.s32 $0x2BC, s0;
	s10 =	sadd.s32 s31, s7;
	[dreg:$0xf] =	wrdreg s8  }
0x15: {  	s12 =	sadd.s32 s30, s11;
	[dreg:$0x10] =	wrdreg s10  }
0x16: {  	s13 =	sadd.s32 s31, s11;
	s14 =	sadd.s32 $0x320, s0;
	[dreg:$0x11] =	wrdreg s12  }
0x17: {  	[dreg:$0x12] =	wrdreg s13;
	s15 =	sadd.s32 s30, s14  }
0x18: {  	s17 =	sadd.s32 $0x384, s0;
	s16 =	sadd.s32 s31, s14;
	[dreg:$0x13] =	wrdreg s15  }
0x19: {  	s18 =	sadd.s32 s30, s17;
	[dreg:$0x14] =	wrdreg s16  }
0x1a: {  	s20 =	sadd.s32 $0x3E8, s0;
	s19 =	sadd.s32 s31, s17;
	[dreg:$0x15] =	wrdreg s18  }
0x1b: {  	s21 =	sadd.s32 s30, s20;
	[dreg:$0x16] =	wrdreg s19  }
0x1c: {  	s23 =	sadd.s32 $0x44C, s0;
	s22 =	sadd.s32 s31, s20;
	[dreg:$0x17] =	wrdreg s21  }
0x1d: {  	s24 =	sadd.s32 s30, s23;
	[dreg:$0x18] =	wrdreg s22  }
0x1e: {  	s26 =	sadd.s32 $0x4B0, s0;
	s25 =	sadd.s32 s31, s23;
	[dreg:$0x19] =	wrdreg s24  }
0x1f: {  	s5 =	sadd.s32 s30, s26;
	[dreg:$0x1a] =	wrdreg s25  }
0x20: {  	s7 =	sadd.s32 $0x514, s0;
	s6 =	sadd.s32 s31, s26;
	[dreg:$0x1b] =	wrdreg s5  }
0x21: {  	s8 =	sadd.s32 s30, s7;
	[dreg:$0x1c] =	wrdreg s6  }
0x22: {  	s11 =	sadd.s32 $0x578, s0;
	s10 =	sadd.s32 s31, s7;
	[dreg:$0x1d] =	wrdreg s8  }
0x23: {  	s12 =	sadd.s32 s30, s11;
	[dreg:$0x1e] =	wrdreg s10  }
0x24: {  	s13 =	sadd.s32 s31, s11;
	s14 =	sadd.s32 $0x5DC, s0;
	[dreg:$0x1f] =	wrdreg s12  }
0x25: {  	s17 =	sadd.s32 $0x640, s0;
	[smem:$0x7EC] =	sst s13;
	s15 =	sadd.s32 s30, s14  }
0x26: {  	s18 =	sadd.s32 s30, s17;
	s19 =	sadd.s32 s31, s17;
	s17 =	rddreg [dreg:$0x3]  }
0x27: {  	s16 =	sadd.s32 s31, s14;
	[smem:$0x7ED] =	sst s15  }
0x28: {  	[smem:$0x7EE] =	sst s16  }
0x29: {  	s20 =	sadd.s32 $0x6A4, s0;
	[smem:$0x7EF] =	sst s18  }
0x2a: {  	s21 =	sadd.s32 s30, s20;
	[smem:$0x7F0] =	sst s19  }
0x2b: {  	s23 =	sadd.s32 $0x708, s0;
	s22 =	sadd.s32 s31, s20;
	[smem:$0x7F1] =	sst s21  }
0x2c: {  	s24 =	sadd.s32 s30, s23;
	[smem:$0x7F2] =	sst s22  }
0x2d: {  	s26 =	sadd.s32 $0x76C, s0;
	s25 =	sadd.s32 s31, s23;
	[smem:$0x7F3] =	sst s24  }
0x2e: {  	s5 =	sadd.s32 s30, s26;
	[smem:$0x7F4] =	sst s25  }
0x2f: {  	s7 =	sadd.s32 $0x7D0, s0;
	s6 =	sadd.s32 s31, s26;
	[smem:$0x7F5] =	sst s5  }
0x30: {  	s8 =	sadd.s32 s30, s7;
	[smem:$0x7F6] =	sst s6  }
0x31: {  	s11 =	sadd.s32 $0x834, s0;
	s10 =	sadd.s32 s31, s7;
	[smem:$0x7F7] =	sst s8  }
0x32: {  	s12 =	sadd.s32 s30, s11;
	[smem:$0x7F8] =	sst s10  }
0x33: {  	s13 =	sadd.s32 s31, s11;
	s14 =	sadd.s32 $0x898, s0;
	[smem:$0x7F9] =	sst s12  }
0x34: {  	[smem:$0x7FA] =	sst s13;
	s15 =	sadd.s32 s30, s14  }
0x35: {  	[tilespmem:s2], [sflag:$0x4] =	stream.linear.gather [hbm4b:s17+s2], $0x320, $0x38;
	[tilespmem:$0x19C80] =	vst v63  }
0x36: {  	s16 =	sadd.s32 s31, s14;
	s14 =	sadd.s32 $0x8FC, s0;
	[smem:$0x7FB] =	sst s15  }
0x37: {  	[smem:$0x7FC] =	sst s16;
	s18 =	sadd.s32 s30, s14  }
0x38: {  	s3 =	simm.s32 $0x4;
	[smem:$0x7FD] =	sst s18  }
0x39: {  	_ =	swait.ge [sflag:s3], $0x320  }
0x3a: {  	[sflag:s3] =	ssyncset.done $0x0  }
0x3b: {  	s4 =	simm.s32 $0x640;
	s5 =	rddreg [dreg:$0x4];
	[sflag:s3] =	ssyncadd.s32 $0xFFFFFCE0  }
0x3c: {  	[tilespmem:s4], [sflag:$0x4] =	stream.linear.gather [hbm4b:s5+s2], $0x320, $0x38;
	[tilespmem:$0x19C80] =	vst v63  }
0x3d: {  	_ =	swait.ge [sflag:s3], $0x320  }
0x3e: {  	s7 =	simm.s32 $0xC80;
	s6 =	simm.s32 $0x320;
	[sflag:s3] =	ssyncset.done $0x0  }
0x3f: {  	s8 =	simm.s32 $0x1;
	s5 =	sadd.s32 $0x19600, s9;
	[sflag:s3] =	ssyncadd.s32 $0xFFFFFCE0  }
0x40: {  	[tilespmem:s7], [sflag:$0x1] =	stream.indirect.gather [hbm4b:s5+s6], $0x40, s2, s6, $0xb8;
	[tilespmem:$0x19C80] =	vst v63  }
0x41: {  	_ =	swait.ge [sflag:s8], $0xC800  }
0x42: {  	[sflag:s8] =	ssyncset.done $0x0  }
0x43: {  	s9 =	sadd.s32 $0x7D9600, s9;
	[sflag:s8] =	ssyncadd.s32 $0xFFFF3800  }
0x44: {  	[hbm4b:s9+s6] =	stream.indirect.scatter [tilespmem:s7], [sflag:$0x2], $0x40, s4, s6, $0xb8;
	[tilespmem:$0x19C80] =	vst v63  }
0x45: {  	s10 =	rddreg [dreg:$0x5]  }
0x46: {  	[tilespmem:s6], [sflag:$0x4] =	stream.linear.gather [hbm4b:s10+s2], $0x320, $0x38;
	[tilespmem:$0x19C80] =	vst v63  }
0x47: {  	_ =	swait.ge [sflag:s3], $0x320  }
0x48: {  	[sflag:s3] =	ssyncset.done $0x0  }
0x49: {  	s10 =	simm.s32 $0x960;
	s11 =	rddreg [dreg:$0x6];
	[sflag:s3] =	ssyncadd.s32 $0xFFFFFCE0  }
0x4a: {  	[tilespmem:s10], [sflag:$0x4] =	stream.linear.gather [hbm4b:s11+s2], $0x320, $0x38;
	[tilespmem:$0x19C80] =	vst v63  }
0x4b: {  	_ =	swait.ge [sflag:s3], $0x320  }
0x4c: {  	[sflag:s3] =	ssyncset.done $0x0  }
0x4d: {  	s11 =	simm.s32 $0xD480;
	[sflag:s3] =	ssyncadd.s32 $0xFFFFFCE0  }
0x4e: {  	[tilespmem:s11], [sflag:$0x1] =	stream.indirect.gather [hbm4b:s5+s6], $0x40, s6, s6, $0xb8;
	[tilespmem:$0x19C80] =	vst v63  }
0x4f: {  	_ =	swait.ge [sflag:s8], $0xC800  }
0x50: {  	[sflag:s8] =	ssyncset.done $0x0  }
0x51: {  	s12 =	simm.s32 $0x2;
	[sflag:s8] =	ssyncadd.s32 $0xFFFF3800  }
0x52: {  	[hbm4b:s9+s6] =	stream.indirect.scatter [tilespmem:s11], [sflag:$0x3], $0x40, s10, s6, $0xb8;
	[tilespmem:$0x19C80] =	vst v63  }
0x53: {  	_ =	swait.ge [sflag:s12], $0xC800  }
0x54: {  	[sflag:s12] =	ssyncset.done $0x0  }
0x55: {  	s13 =	rddreg [dreg:$0x7];
	[sflag:s12] =	ssyncadd.s32 $0xFFFF3800  }
0x56: {  	[tilespmem:s2], [sflag:$0x4] =	stream.linear.gather [hbm4b:s13+s2], $0x320, $0x38;
	[tilespmem:$0x19C80] =	vst v63  }
0x57: {  	_ =	swait.ge [sflag:s3], $0x320  }
0x58: {  	[sflag:s3] =	ssyncset.done $0x0  }
0x59: {  	s19 =	rddreg [dreg:$0x8];
	[sflag:s3] =	ssyncadd.s32 $0xFFFFFCE0  }
0x5a: {  	[tilespmem:s4], [sflag:$0x4] =	stream.linear.gather [hbm4b:s19+s2], $0x320, $0x38;
	[tilespmem:$0x19C80] =	vst v63  }
0x5b: {  	_ =	swait.ge [sflag:s3], $0x320  }
0x5c: {  	[sflag:s3] =	ssyncset.done $0x0  }
0x5d: {  	[sflag:s3] =	ssyncadd.s32 $0xFFFFFCE0  }
0x5e: {  	[tilespmem:s7], [sflag:$0x1] =	stream.indirect.gather [hbm4b:s5+s6], $0x40, s2, s6, $0xb8;
	[tilespmem:$0x19C80] =	vst v63  }
0x5f: {  	_ =	swait.ge [sflag:s8], $0xC800  }
0x60: {  	[sflag:s8] =	ssyncset.done $0x0  }
0x61: {  	s13 =	simm.s32 $0x3;
	[sflag:s8] =	ssyncadd.s32 $0xFFFF3800  }
0x62: {  	[hbm4b:s9+s6] =	stream.indirect.scatter [tilespmem:s7], [sflag:$0x2], $0x40, s4, s6, $0xb8;
	[tilespmem:$0x19C80] =	vst v63  }
0x63: {  	_ =	swait.ge [sflag:s13], $0xC800  }
0x64: {  	[sflag:s13] =	ssyncset.done $0x0  }
0x65: {  	s15 =	rddreg [dreg:$0x9];
	[sflag:s13] =	ssyncadd.s32 $0xFFFF3800  }
0x66: {  	[tilespmem:s6], [sflag:$0x4] =	stream.linear.gather [hbm4b:s15+s2], $0x320, $0x38;
	[tilespmem:$0x19C80] =	vst v63  }
0x67: {  	_ =	swait.ge [sflag:s3], $0x320  }
0x68: {  	[sflag:s3] =	ssyncset.done $0x0  }
0x69: {  	s20 =	rddreg [dreg:$0xa];
	[sflag:s3] =	ssyncadd.s32 $0xFFFFFCE0  }
0x6a: {  	[tilespmem:s10], [sflag:$0x4] =	stream.linear.gather [hbm4b:s20+s2], $0x320, $0x38;
	[tilespmem:$0x19C80] =	vst v63  }
0x6b: {  	_ =	swait.ge [sflag:s3], $0x320  }
0x6c: {  	[sflag:s3] =	ssyncset.done $0x0  }
0x6d: {  	[sflag:s3] =	ssyncadd.s32 $0xFFFFFCE0  }
0x6e: {  	[tilespmem:s11], [sflag:$0x1] =	stream.indirect.gather [hbm4b:s5+s6], $0x40, s6, s6, $0xb8;
	[tilespmem:$0x19C80] =	vst v63  }
0x6f: {  	_ =	swait.ge [sflag:s8], $0xC800  }
0x70: {  	[sflag:s8] =	ssyncset.done $0x0  }
0x71: {  	[sflag:s8] =	ssyncadd.s32 $0xFFFF3800  }
0x72: {  	[hbm4b:s9+s6] =	stream.indirect.scatter [tilespmem:s11], [sflag:$0x3], $0x40, s10, s6, $0xb8;
	[tilespmem:$0x19C80] =	vst v63  }
0x73: {  	_ =	swait.ge [sflag:s12], $0xC800  }
0x74: {  	[sflag:s12] =	ssyncset.done $0x0  }
0x75: {  	s21 =	rddreg [dreg:$0xb];
	[sflag:s12] =	ssyncadd.s32 $0xFFFF3800  }
0x76: {  	[tilespmem:s2], [sflag:$0x4] =	stream.linear.gather [hbm4b:s21+s2], $0x320, $0x38;
	[tilespmem:$0x19C80] =	vst v63  }
0x77: {  	_ =	swait.ge [sflag:s3], $0x320  }
0x78: {  	[sflag:s3] =	ssyncset.done $0x0  }
0x79: {  	s22 =	rddreg [dreg:$0xc];
	[sflag:s3] =	ssyncadd.s32 $0xFFFFFCE0  }
0x7a: {  	[tilespmem:s4], [sflag:$0x4] =	stream.linear.gather [hbm4b:s22+s2], $0x320, $0x38;
	[tilespmem:$0x19C80] =	vst v63  }
0x7b: {  	_ =	swait.ge [sflag:s3], $0x320  }
0x7c: {  	[sflag:s3] =	ssyncset.done $0x0  }
0x7d: {  	[sflag:s3] =	ssyncadd.s32 $0xFFFFFCE0  }
0x7e: {  	[tilespmem:s7], [sflag:$0x1] =	stream.indirect.gather [hbm4b:s5+s6], $0x40, s2, s6, $0xb8;
	[tilespmem:$0x19C80] =	vst v63  }
0x7f: {  	_ =	swait.ge [sflag:s8], $0xC800  }
0x80: {  	[sflag:s8] =	ssyncset.done $0x0  }
0x81: {  	[sflag:s8] =	ssyncadd.s32 $0xFFFF3800  }
0x82: {  	[hbm4b:s9+s6] =	stream.indirect.scatter [tilespmem:s7], [sflag:$0x2], $0x40, s4, s6, $0xb8;
	[tilespmem:$0x19C80] =	vst v63  }
0x83: {  	_ =	swait.ge [sflag:s13], $0xC800  }
0x84: {  	[sflag:s13] =	ssyncset.done $0x0  }
0x85: {  	s23 =	rddreg [dreg:$0xd];
	[sflag:s13] =	ssyncadd.s32 $0xFFFF3800  }
0x86: {  	[tilespmem:s6], [sflag:$0x4] =	stream.linear.gather [hbm4b:s23+s2], $0x320, $0x38;
	[tilespmem:$0x19C80] =	vst v63  }
0x87: {  	_ =	swait.ge [sflag:s3], $0x320  }
0x88: {  	[sflag:s3] =	ssyncset.done $0x0  }
0x89: {  	s24 =	rddreg [dreg:$0xe];
	[sflag:s3] =	ssyncadd.s32 $0xFFFFFCE0  }
0x8a: {  	[tilespmem:s10], [sflag:$0x4] =	stream.linear.gather [hbm4b:s24+s2], $0x320, $0x38;
	[tilespmem:$0x19C80] =	vst v63  }
0x8b: {  	_ =	swait.ge [sflag:s3], $0x320  }
0x8c: {  	[sflag:s3] =	ssyncset.done $0x0  }
0x8d: {  	[sflag:s3] =	ssyncadd.s32 $0xFFFFFCE0  }
0x8e: {  	[tilespmem:s11], [sflag:$0x1] =	stream.indirect.gather [hbm4b:s5+s6], $0x40, s6, s6, $0xb8;
	[tilespmem:$0x19C80] =	vst v63  }
0x8f: {  	_ =	swait.ge [sflag:s8], $0xC800  }
0x90: {  	[sflag:s8] =	ssyncset.done $0x0  }
0x91: {  	[sflag:s8] =	ssyncadd.s32 $0xFFFF3800  }
0x92: {  	[hbm4b:s9+s6] =	stream.indirect.scatter [tilespmem:s11], [sflag:$0x3], $0x40, s10, s6, $0xb8;
	[tilespmem:$0x19C80] =	vst v63  }
0x93: {  	_ =	swait.ge [sflag:s12], $0xC800  }
0x94: {  	[sflag:s12] =	ssyncset.done $0x0  }
0x95: {  	s25 =	rddreg [dreg:$0xf];
	[sflag:s12] =	ssyncadd.s32 $0xFFFF3800  }
0x96: {  	[tilespmem:s2], [sflag:$0x4] =	stream.linear.gather [hbm4b:s25+s2], $0x320, $0x38;
	[tilespmem:$0x19C80] =	vst v63  }
0x97: {  	_ =	swait.ge [sflag:s3], $0x320  }
0x98: {  	[sflag:s3] =	ssyncset.done $0x0  }
0x99: {  	s26 =	rddreg [dreg:$0x10];
	[sflag:s3] =	ssyncadd.s32 $0xFFFFFCE0  }
0x9a: {  	[tilespmem:s4], [sflag:$0x4] =	stream.linear.gather [hbm4b:s26+s2], $0x320, $0x38;
	[tilespmem:$0x19C80] =	vst v63  }
0x9b: {  	_ =	swait.ge [sflag:s3], $0x320  }
0x9c: {  	[sflag:s3] =	ssyncset.done $0x0  }
0x9d: {  	[sflag:s3] =	ssyncadd.s32 $0xFFFFFCE0  }
0x9e: {  	[tilespmem:s7], [sflag:$0x1] =	stream.indirect.gather [hbm4b:s5+s6], $0x40, s2, s6, $0xb8;
	[tilespmem:$0x19C80] =	vst v63  }
0x9f: {  	_ =	swait.ge [sflag:s8], $0xC800  }
0xa0: {  	[sflag:s8] =	ssyncset.done $0x0  }
0xa1: {  	[sflag:s8] =	ssyncadd.s32 $0xFFFF3800  }
0xa2: {  	[hbm4b:s9+s6] =	stream.indirect.scatter [tilespmem:s7], [sflag:$0x2], $0x40, s4, s6, $0xb8;
	[tilespmem:$0x19C80] =	vst v63  }
0xa3: {  	_ =	swait.ge [sflag:s13], $0xC800  }
0xa4: {  	[sflag:s13] =	ssyncset.done $0x0  }
0xa5: {  	s16 =	rddreg [dreg:$0x11];
	[sflag:s13] =	ssyncadd.s32 $0xFFFF3800  }
0xa6: {  	[tilespmem:s6], [sflag:$0x4] =	stream.linear.gather [hbm4b:s16+s2], $0x320, $0x38;
	[tilespmem:$0x19C80] =	vst v63  }
0xa7: {  	_ =	swait.ge [sflag:s3], $0x320  }
0xa8: {  	[sflag:s3] =	ssyncset.done $0x0  }
0xa9: {  	s17 =	rddreg [dreg:$0x12];
	[sflag:s3] =	ssyncadd.s32 $0xFFFFFCE0  }
0xaa: {  	[tilespmem:s10], [sflag:$0x4] =	stream.linear.gather [hbm4b:s17+s2], $0x320, $0x38;
	[tilespmem:$0x19C80] =	vst v63  }
0xab: {  	_ =	swait.ge [sflag:s3], $0x320  }
0xac: {  	[sflag:s3] =	ssyncset.done $0x0  }
0xad: {  	[sflag:s3] =	ssyncadd.s32 $0xFFFFFCE0  }
0xae: {  	[tilespmem:s11], [sflag:$0x1] =	stream.indirect.gather [hbm4b:s5+s6], $0x40, s6, s6, $0xb8;
	[tilespmem:$0x19C80] =	vst v63  }
0xaf: {  	_ =	swait.ge [sflag:s8], $0xC800  }
0xb0: {  	[sflag:s8] =	ssyncset.done $0x0  }
0xb1: {  	[sflag:s8] =	ssyncadd.s32 $0xFFFF3800  }
0xb2: {  	[hbm4b:s9+s6] =	stream.indirect.scatter [tilespmem:s11], [sflag:$0x3], $0x40, s10, s6, $0xb8;
	[tilespmem:$0x19C80] =	vst v63  }
0xb3: {  	_ =	swait.ge [sflag:s12], $0xC800  }
0xb4: {  	[sflag:s12] =	ssyncset.done $0x0  }
0xb5: {  	s18 =	rddreg [dreg:$0x13];
	[sflag:s12] =	ssyncadd.s32 $0xFFFF3800  }
0xb6: {  	[tilespmem:s2], [sflag:$0x4] =	stream.linear.gather [hbm4b:s18+s2], $0x320, $0x38;
	[tilespmem:$0x19C80] =	vst v63  }
0xb7: {  	_ =	swait.ge [sflag:s3], $0x320  }
0xb8: {  	[sflag:s3] =	ssyncset.done $0x0  }
0xb9: {  	s19 =	rddreg [dreg:$0x14];
	[sflag:s3] =	ssyncadd.s32 $0xFFFFFCE0  }
0xba: {  	[tilespmem:s4], [sflag:$0x4] =	stream.linear.gather [hbm4b:s19+s2], $0x320, $0x38;
	[tilespmem:$0x19C80] =	vst v63  }
0xbb: {  	_ =	swait.ge [sflag:s3], $0x320  }
0xbc: {  	[sflag:s3] =	ssyncset.done $0x0  }
0xbd: {  	[sflag:s3] =	ssyncadd.s32 $0xFFFFFCE0  }
0xbe: {  	[tilespmem:s7], [sflag:$0x1] =	stream.indirect.gather [hbm4b:s5+s6], $0x40, s2, s6, $0xb8;
	[tilespmem:$0x19C80] =	vst v63  }
0xbf: {  	_ =	swait.ge [sflag:s8], $0xC800  }
0xc0: {  	[sflag:s8] =	ssyncset.done $0x0  }
0xc1: {  	[sflag:s8] =	ssyncadd.s32 $0xFFFF3800  }
0xc2: {  	[hbm4b:s9+s6] =	stream.indirect.scatter [tilespmem:s7], [sflag:$0x2], $0x40, s4, s6, $0xb8;
	[tilespmem:$0x19C80] =	vst v63  }
0xc3: {  	_ =	swait.ge [sflag:s13], $0xC800  }
0xc4: {  	[sflag:s13] =	ssyncset.done $0x0  }
0xc5: {  	s20 =	rddreg [dreg:$0x15];
	[sflag:s13] =	ssyncadd.s32 $0xFFFF3800  }
0xc6: {  	[tilespmem:s6], [sflag:$0x4] =	stream.linear.gather [hbm4b:s20+s2], $0x320, $0x38;
	[tilespmem:$0x19C80] =	vst v63  }
0xc7: {  	_ =	swait.ge [sflag:s3], $0x320  }
0xc8: {  	[sflag:s3] =	ssyncset.done $0x0  }
0xc9: {  	s21 =	rddreg [dreg:$0x16];
	[sflag:s3] =	ssyncadd.s32 $0xFFFFFCE0  }
0xca: {  	[tilespmem:s10], [sflag:$0x4] =	stream.linear.gather [hbm4b:s21+s2], $0x320, $0x38;
	[tilespmem:$0x19C80] =	vst v63  }
0xcb: {  	_ =	swait.ge [sflag:s3], $0x320  }
0xcc: {  	[sflag:s3] =	ssyncset.done $0x0  }
0xcd: {  	[sflag:s3] =	ssyncadd.s32 $0xFFFFFCE0  }
0xce: {  	[tilespmem:s11], [sflag:$0x1] =	stream.indirect.gather [hbm4b:s5+s6], $0x40, s6, s6, $0xb8;
	[tilespmem:$0x19C80] =	vst v63  }
0xcf: {  	_ =	swait.ge [sflag:s8], $0xC800  }
0xd0: {  	[sflag:s8] =	ssyncset.done $0x0  }
0xd1: {  	[sflag:s8] =	ssyncadd.s32 $0xFFFF3800  }
0xd2: {  	[hbm4b:s9+s6] =	stream.indirect.scatter [tilespmem:s11], [sflag:$0x3], $0x40, s10, s6, $0xb8;
	[tilespmem:$0x19C80] =	vst v63  }
0xd3: {  	_ =	swait.ge [sflag:s12], $0xC800  }
0xd4: {  	[sflag:s12] =	ssyncset.done $0x0  }
0xd5: {  	s22 =	rddreg [dreg:$0x17];
	[sflag:s12] =	ssyncadd.s32 $0xFFFF3800  }
0xd6: {  	[tilespmem:s2], [sflag:$0x4] =	stream.linear.gather [hbm4b:s22+s2], $0x320, $0x38;
	[tilespmem:$0x19C80] =	vst v63  }
0xd7: {  	_ =	swait.ge [sflag:s3], $0x320  }
0xd8: {  	[sflag:s3] =	ssyncset.done $0x0  }
0xd9: {  	s23 =	rddreg [dreg:$0x18];
	[sflag:s3] =	ssyncadd.s32 $0xFFFFFCE0  }
0xda: {  	[tilespmem:s4], [sflag:$0x4] =	stream.linear.gather [hbm4b:s23+s2], $0x320, $0x38;
	[tilespmem:$0x19C80] =	vst v63  }
0xdb: {  	_ =	swait.ge [sflag:s3], $0x320  }
0xdc: {  	[sflag:s3] =	ssyncset.done $0x0  }
0xdd: {  	[sflag:s3] =	ssyncadd.s32 $0xFFFFFCE0  }
0xde: {  	[tilespmem:s7], [sflag:$0x1] =	stream.indirect.gather [hbm4b:s5+s6], $0x40, s2, s6, $0xb8;
	[tilespmem:$0x19C80] =	vst v63  }
0xdf: {  	_ =	swait.ge [sflag:s8], $0xC800  }
0xe0: {  	[sflag:s8] =	ssyncset.done $0x0  }
0xe1: {  	[sflag:s8] =	ssyncadd.s32 $0xFFFF3800  }
0xe2: {  	[hbm4b:s9+s6] =	stream.indirect.scatter [tilespmem:s7], [sflag:$0x2], $0x40, s4, s6, $0xb8;
	[tilespmem:$0x19C80] =	vst v63  }
0xe3: {  	_ =	swait.ge [sflag:s13], $0xC800  }
0xe4: {  	[sflag:s13] =	ssyncset.done $0x0  }
0xe5: {  	s24 =	rddreg [dreg:$0x19];
	[sflag:s13] =	ssyncadd.s32 $0xFFFF3800  }
0xe6: {  	[tilespmem:s6], [sflag:$0x4] =	stream.linear.gather [hbm4b:s24+s2], $0x320, $0x38;
	[tilespmem:$0x19C80] =	vst v63  }
0xe7: {  	_ =	swait.ge [sflag:s3], $0x320  }
0xe8: {  	[sflag:s3] =	ssyncset.done $0x0  }
0xe9: {  	s25 =	rddreg [dreg:$0x1a];
	[sflag:s3] =	ssyncadd.s32 $0xFFFFFCE0  }
0xea: {  	[tilespmem:s10], [sflag:$0x4] =	stream.linear.gather [hbm4b:s25+s2], $0x320, $0x38;
	[tilespmem:$0x19C80] =	vst v63  }
0xeb: {  	_ =	swait.ge [sflag:s3], $0x320  }
0xec: {  	[sflag:s3] =	ssyncset.done $0x0  }
0xed: {  	[sflag:s3] =	ssyncadd.s32 $0xFFFFFCE0  }
0xee: {  	[tilespmem:s11], [sflag:$0x1] =	stream.indirect.gather [hbm4b:s5+s6], $0x40, s6, s6, $0xb8;
	[tilespmem:$0x19C80] =	vst v63  }
0xef: {  	_ =	swait.ge [sflag:s8], $0xC800  }
0xf0: {  	[sflag:s8] =	ssyncset.done $0x0  }
0xf1: {  	[sflag:s8] =	ssyncadd.s32 $0xFFFF3800  }
0xf2: {  	[hbm4b:s9+s6] =	stream.indirect.scatter [tilespmem:s11], [sflag:$0x3], $0x40, s10, s6, $0xb8;
	[tilespmem:$0x19C80] =	vst v63  }
0xf3: {  	_ =	swait.ge [sflag:s12], $0xC800  }
0xf4: {  	[sflag:s12] =	ssyncset.done $0x0  }
0xf5: {  	s26 =	rddreg [dreg:$0x1b];
	[sflag:s12] =	ssyncadd.s32 $0xFFFF3800  }
0xf6: {  	[tilespmem:s2], [sflag:$0x4] =	stream.linear.gather [hbm4b:s26+s2], $0x320, $0x38;
	[tilespmem:$0x19C80] =	vst v63  }
0xf7: {  	_ =	swait.ge [sflag:s3], $0x320  }
0xf8: {  	[sflag:s3] =	ssyncset.done $0x0  }
0xf9: {  	s16 =	rddreg [dreg:$0x1c];
	[sflag:s3] =	ssyncadd.s32 $0xFFFFFCE0  }
0xfa: {  	[tilespmem:s4], [sflag:$0x4] =	stream.linear.gather [hbm4b:s16+s2], $0x320, $0x38;
	[tilespmem:$0x19C80] =	vst v63  }
0xfb: {  	_ =	swait.ge [sflag:s3], $0x320  }
0xfc: {  	[sflag:s3] =	ssyncset.done $0x0  }
0xfd: {  	[sflag:s3] =	ssyncadd.s32 $0xFFFFFCE0  }
0xfe: {  	[tilespmem:s7], [sflag:$0x1] =	stream.indirect.gather [hbm4b:s5+s6], $0x40, s2, s6, $0xb8;
	[tilespmem:$0x19C80] =	vst v63  }
0xff: {  	_ =	swait.ge [sflag:s8], $0xC800  }
0x100: {  	[sflag:s8] =	ssyncset.done $0x0  }
0x101: {  	[sflag:s8] =	ssyncadd.s32 $0xFFFF3800  }
0x102: {  	[hbm4b:s9+s6] =	stream.indirect.scatter [tilespmem:s7], [sflag:$0x2], $0x40, s4, s6, $0xb8;
	[tilespmem:$0x19C80] =	vst v63  }
0x103: {  	_ =	swait.ge [sflag:s13], $0xC800  }
0x104: {  	[sflag:s13] =	ssyncset.done $0x0  }
0x105: {  	s17 =	rddreg [dreg:$0x1d];
	[sflag:s13] =	ssyncadd.s32 $0xFFFF3800  }
0x106: {  	[tilespmem:s6], [sflag:$0x4] =	stream.linear.gather [hbm4b:s17+s2], $0x320, $0x38;
	[tilespmem:$0x19C80] =	vst v63  }
0x107: {  	_ =	swait.ge [sflag:s3], $0x320  }
0x108: {  	[sflag:s3] =	ssyncset.done $0x0  }
0x109: {  	s18 =	rddreg [dreg:$0x1e];
	[sflag:s3] =	ssyncadd.s32 $0xFFFFFCE0  }
0x10a: {  	[tilespmem:s10], [sflag:$0x4] =	stream.linear.gather [hbm4b:s18+s2], $0x320, $0x38;
	[tilespmem:$0x19C80] =	vst v63  }
0x10b: {  	_ =	swait.ge [sflag:s3], $0x320  }
0x10c: {  	[sflag:s3] =	ssyncset.done $0x0  }
0x10d: {  	[sflag:s3] =	ssyncadd.s32 $0xFFFFFCE0  }
0x10e: {  	[tilespmem:s11], [sflag:$0x1] =	stream.indirect.gather [hbm4b:s5+s6], $0x40, s6, s6, $0xb8;
	[tilespmem:$0x19C80] =	vst v63  }
0x10f: {  	_ =	swait.ge [sflag:s8], $0xC800  }
0x110: {  	[sflag:s8] =	ssyncset.done $0x0  }
0x111: {  	[sflag:s8] =	ssyncadd.s32 $0xFFFF3800  }
0x112: {  	[hbm4b:s9+s6] =	stream.indirect.scatter [tilespmem:s11], [sflag:$0x3], $0x40, s10, s6, $0xb8;
	[tilespmem:$0x19C80] =	vst v63  }
0x113: {  	_ =	swait.ge [sflag:s12], $0xC800  }
0x114: {  	[sflag:s12] =	ssyncset.done $0x0  }
0x115: {  	s19 =	rddreg [dreg:$0x1f];
	[sflag:s12] =	ssyncadd.s32 $0xFFFF3800  }
0x116: {  	[tilespmem:s2], [sflag:$0x4] =	stream.linear.gather [hbm4b:s19+s2], $0x320, $0x38;
	[tilespmem:$0x19C80] =	vst v63  }
0x117: {  	_ =	swait.ge [sflag:s3], $0x320  }
0x118: {  	s20 =	sld [smem:$0x7EC]  }
0x119: {  	[sflag:s3] =	ssyncset.done $0x0  }
0x11a: {  	[sflag:s3] =	ssyncadd.s32 $0xFFFFFCE0  }
0x11b: {  	[tilespmem:s4], [sflag:$0x4] =	stream.linear.gather [hbm4b:s20+s2], $0x320, $0x38;
	[tilespmem:$0x19C80] =	vst v63  }
0x11c: {  	_ =	swait.ge [sflag:s3], $0x320  }
0x11d: {  	[sflag:s3] =	ssyncset.done $0x0  }
0x11e: {  	[sflag:s3] =	ssyncadd.s32 $0xFFFFFCE0  }
0x11f: {  	[tilespmem:s7], [sflag:$0x1] =	stream.indirect.gather [hbm4b:s5+s6], $0x40, s2, s6, $0xb8;
	[tilespmem:$0x19C80] =	vst v63  }
0x120: {  	_ =	swait.ge [sflag:s8], $0xC800  }
0x121: {  	[sflag:s8] =	ssyncset.done $0x0  }
0x122: {  	[sflag:s8] =	ssyncadd.s32 $0xFFFF3800  }
0x123: {  	[hbm4b:s9+s6] =	stream.indirect.scatter [tilespmem:s7], [sflag:$0x2], $0x40, s4, s6, $0xb8;
	[tilespmem:$0x19C80] =	vst v63  }
0x124: {  	_ =	swait.ge [sflag:s13], $0xC800  }
0x125: {  	s21 =	sld [smem:$0x7ED]  }
0x126: {  	[sflag:s13] =	ssyncset.done $0x0  }
0x127: {  	[sflag:s13] =	ssyncadd.s32 $0xFFFF3800  }
0x128: {  	[tilespmem:s6], [sflag:$0x4] =	stream.linear.gather [hbm4b:s21+s2], $0x320, $0x38;
	[tilespmem:$0x19C80] =	vst v63  }
0x129: {  	_ =	swait.ge [sflag:s3], $0x320  }
0x12a: {  	s22 =	sld [smem:$0x7EE]  }
0x12b: {  	[sflag:s3] =	ssyncset.done $0x0  }
0x12c: {  	[sflag:s3] =	ssyncadd.s32 $0xFFFFFCE0  }
0x12d: {  	[tilespmem:s10], [sflag:$0x4] =	stream.linear.gather [hbm4b:s22+s2], $0x320, $0x38;
	[tilespmem:$0x19C80] =	vst v63  }
0x12e: {  	_ =	swait.ge [sflag:s3], $0x320  }
0x12f: {  	[sflag:s3] =	ssyncset.done $0x0  }
0x130: {  	[sflag:s3] =	ssyncadd.s32 $0xFFFFFCE0  }
0x131: {  	[tilespmem:s11], [sflag:$0x1] =	stream.indirect.gather [hbm4b:s5+s6], $0x40, s6, s6, $0xb8;
	[tilespmem:$0x19C80] =	vst v63  }
0x132: {  	_ =	swait.ge [sflag:s8], $0xC800  }
0x133: {  	[sflag:s8] =	ssyncset.done $0x0  }
0x134: {  	[sflag:s8] =	ssyncadd.s32 $0xFFFF3800  }
0x135: {  	[hbm4b:s9+s6] =	stream.indirect.scatter [tilespmem:s11], [sflag:$0x3], $0x40, s10, s6, $0xb8;
	[tilespmem:$0x19C80] =	vst v63  }
0x136: {  	_ =	swait.ge [sflag:s12], $0xC800  }
0x137: {  	s23 =	sld [smem:$0x7EF]  }
0x138: {  	[sflag:s12] =	ssyncset.done $0x0  }
0x139: {  	[sflag:s12] =	ssyncadd.s32 $0xFFFF3800  }
0x13a: {  	[tilespmem:s2], [sflag:$0x4] =	stream.linear.gather [hbm4b:s23+s2], $0x320, $0x38;
	[tilespmem:$0x19C80] =	vst v63  }
0x13b: {  	_ =	swait.ge [sflag:s3], $0x320  }
0x13c: {  	s24 =	sld [smem:$0x7F0]  }
0x13d: {  	[sflag:s3] =	ssyncset.done $0x0  }
0x13e: {  	[sflag:s3] =	ssyncadd.s32 $0xFFFFFCE0  }
0x13f: {  	[tilespmem:s4], [sflag:$0x4] =	stream.linear.gather [hbm4b:s24+s2], $0x320, $0x38;
	[tilespmem:$0x19C80] =	vst v63  }
0x140: {  	_ =	swait.ge [sflag:s3], $0x320  }
0x141: {  	[sflag:s3] =	ssyncset.done $0x0  }
0x142: {  	[sflag:s3] =	ssyncadd.s32 $0xFFFFFCE0  }
0x143: {  	[tilespmem:s7], [sflag:$0x1] =	stream.indirect.gather [hbm4b:s5+s6], $0x40, s2, s6, $0xb8;
	[tilespmem:$0x19C80] =	vst v63  }
0x144: {  	_ =	swait.ge [sflag:s8], $0xC800  }
0x145: {  	[sflag:s8] =	ssyncset.done $0x0  }
0x146: {  	[sflag:s8] =	ssyncadd.s32 $0xFFFF3800  }
0x147: {  	[hbm4b:s9+s6] =	stream.indirect.scatter [tilespmem:s7], [sflag:$0x2], $0x40, s4, s6, $0xb8;
	[tilespmem:$0x19C80] =	vst v63  }
0x148: {  	_ =	swait.ge [sflag:s13], $0xC800  }
0x149: {  	s25 =	sld [smem:$0x7F1]  }
0x14a: {  	[sflag:s13] =	ssyncset.done $0x0  }
0x14b: {  	[sflag:s13] =	ssyncadd.s32 $0xFFFF3800  }
0x14c: {  	[tilespmem:s6], [sflag:$0x4] =	stream.linear.gather [hbm4b:s25+s2], $0x320, $0x38;
	[tilespmem:$0x19C80] =	vst v63  }
0x14d: {  	_ =	swait.ge [sflag:s3], $0x320  }
0x14e: {  	s26 =	sld [smem:$0x7F2]  }
0x14f: {  	[sflag:s3] =	ssyncset.done $0x0  }
0x150: {  	[sflag:s3] =	ssyncadd.s32 $0xFFFFFCE0  }
0x151: {  	[tilespmem:s10], [sflag:$0x4] =	stream.linear.gather [hbm4b:s26+s2], $0x320, $0x38;
	[tilespmem:$0x19C80] =	vst v63  }
0x152: {  	_ =	swait.ge [sflag:s3], $0x320  }
0x153: {  	[sflag:s3] =	ssyncset.done $0x0  }
0x154: {  	[sflag:s3] =	ssyncadd.s32 $0xFFFFFCE0  }
0x155: {  	[tilespmem:s11], [sflag:$0x1] =	stream.indirect.gather [hbm4b:s5+s6], $0x40, s6, s6, $0xb8;
	[tilespmem:$0x19C80] =	vst v63  }
0x156: {  	_ =	swait.ge [sflag:s8], $0xC800  }
0x157: {  	[sflag:s8] =	ssyncset.done $0x0  }
0x158: {  	[sflag:s8] =	ssyncadd.s32 $0xFFFF3800  }
0x159: {  	[hbm4b:s9+s6] =	stream.indirect.scatter [tilespmem:s11], [sflag:$0x3], $0x40, s10, s6, $0xb8;
	[tilespmem:$0x19C80] =	vst v63  }
0x15a: {  	_ =	swait.ge [sflag:s12], $0xC800  }
0x15b: {  	s16 =	sld [smem:$0x7F3]  }
0x15c: {  	[sflag:s12] =	ssyncset.done $0x0  }
0x15d: {  	[sflag:s12] =	ssyncadd.s32 $0xFFFF3800  }
0x15e: {  	[tilespmem:s2], [sflag:$0x4] =	stream.linear.gather [hbm4b:s16+s2], $0x320, $0x38;
	[tilespmem:$0x19C80] =	vst v63  }
0x15f: {  	_ =	swait.ge [sflag:s3], $0x320  }
0x160: {  	s17 =	sld [smem:$0x7F4]  }
0x161: {  	[sflag:s3] =	ssyncset.done $0x0  }
0x162: {  	[sflag:s3] =	ssyncadd.s32 $0xFFFFFCE0  }
0x163: {  	[tilespmem:s4], [sflag:$0x4] =	stream.linear.gather [hbm4b:s17+s2], $0x320, $0x38;
	[tilespmem:$0x19C80] =	vst v63  }
0x164: {  	_ =	swait.ge [sflag:s3], $0x320  }
0x165: {  	[sflag:s3] =	ssyncset.done $0x0  }
0x166: {  	[sflag:s3] =	ssyncadd.s32 $0xFFFFFCE0  }
0x167: {  	[tilespmem:s7], [sflag:$0x1] =	stream.indirect.gather [hbm4b:s5+s6], $0x40, s2, s6, $0xb8;
	[tilespmem:$0x19C80] =	vst v63  }
0x168: {  	_ =	swait.ge [sflag:s8], $0xC800  }
0x169: {  	[sflag:s8] =	ssyncset.done $0x0  }
0x16a: {  	[sflag:s8] =	ssyncadd.s32 $0xFFFF3800  }
0x16b: {  	[hbm4b:s9+s6] =	stream.indirect.scatter [tilespmem:s7], [sflag:$0x2], $0x40, s4, s6, $0xb8;
	[tilespmem:$0x19C80] =	vst v63  }
0x16c: {  	_ =	swait.ge [sflag:s13], $0xC800  }
0x16d: {  	s18 =	sld [smem:$0x7F5]  }
0x16e: {  	[sflag:s13] =	ssyncset.done $0x0  }
0x16f: {  	[sflag:s13] =	ssyncadd.s32 $0xFFFF3800  }
0x170: {  	[tilespmem:s6], [sflag:$0x4] =	stream.linear.gather [hbm4b:s18+s2], $0x320, $0x38;
	[tilespmem:$0x19C80] =	vst v63  }
0x171: {  	_ =	swait.ge [sflag:s3], $0x320  }
0x172: {  	s19 =	sld [smem:$0x7F6]  }
0x173: {  	[sflag:s3] =	ssyncset.done $0x0  }
0x174: {  	[sflag:s3] =	ssyncadd.s32 $0xFFFFFCE0  }
0x175: {  	[tilespmem:s10], [sflag:$0x4] =	stream.linear.gather [hbm4b:s19+s2], $0x320, $0x38;
	[tilespmem:$0x19C80] =	vst v63  }
0x176: {  	_ =	swait.ge [sflag:s3], $0x320  }
0x177: {  	[sflag:s3] =	ssyncset.done $0x0  }
0x178: {  	[sflag:s3] =	ssyncadd.s32 $0xFFFFFCE0  }
0x179: {  	[tilespmem:s11], [sflag:$0x1] =	stream.indirect.gather [hbm4b:s5+s6], $0x40, s6, s6, $0xb8;
	[tilespmem:$0x19C80] =	vst v63  }
0x17a: {  	_ =	swait.ge [sflag:s8], $0xC800  }
0x17b: {  	[sflag:s8] =	ssyncset.done $0x0  }
0x17c: {  	[sflag:s8] =	ssyncadd.s32 $0xFFFF3800  }
0x17d: {  	[hbm4b:s9+s6] =	stream.indirect.scatter [tilespmem:s11], [sflag:$0x3], $0x40, s10, s6, $0xb8;
	[tilespmem:$0x19C80] =	vst v63  }
0x17e: {  	_ =	swait.ge [sflag:s12], $0xC800  }
0x17f: {  	s20 =	sld [smem:$0x7F7]  }
0x180: {  	[sflag:s12] =	ssyncset.done $0x0  }
0x181: {  	[sflag:s12] =	ssyncadd.s32 $0xFFFF3800  }
0x182: {  	[tilespmem:s2], [sflag:$0x4] =	stream.linear.gather [hbm4b:s20+s2], $0x320, $0x38;
	[tilespmem:$0x19C80] =	vst v63  }
0x183: {  	_ =	swait.ge [sflag:s3], $0x320  }
0x184: {  	s21 =	sld [smem:$0x7F8]  }
0x185: {  	[sflag:s3] =	ssyncset.done $0x0  }
0x186: {  	[sflag:s3] =	ssyncadd.s32 $0xFFFFFCE0  }
0x187: {  	[tilespmem:s4], [sflag:$0x4] =	stream.linear.gather [hbm4b:s21+s2], $0x320, $0x38;
	[tilespmem:$0x19C80] =	vst v63  }
0x188: {  	_ =	swait.ge [sflag:s3], $0x320  }
0x189: {  	[sflag:s3] =	ssyncset.done $0x0  }
0x18a: {  	[sflag:s3] =	ssyncadd.s32 $0xFFFFFCE0  }
0x18b: {  	[tilespmem:s7], [sflag:$0x1] =	stream.indirect.gather [hbm4b:s5+s6], $0x40, s2, s6, $0xb8;
	[tilespmem:$0x19C80] =	vst v63  }
0x18c: {  	_ =	swait.ge [sflag:s8], $0xC800  }
0x18d: {  	[sflag:s8] =	ssyncset.done $0x0  }
0x18e: {  	[sflag:s8] =	ssyncadd.s32 $0xFFFF3800  }
0x18f: {  	[hbm4b:s9+s6] =	stream.indirect.scatter [tilespmem:s7], [sflag:$0x2], $0x40, s4, s6, $0xb8;
	[tilespmem:$0x19C80] =	vst v63  }
0x190: {  	_ =	swait.ge [sflag:s13], $0xC800  }
0x191: {  	s22 =	sld [smem:$0x7F9]  }
0x192: {  	[sflag:s13] =	ssyncset.done $0x0  }
0x193: {  	[sflag:s13] =	ssyncadd.s32 $0xFFFF3800  }
0x194: {  	[tilespmem:s6], [sflag:$0x4] =	stream.linear.gather [hbm4b:s22+s2], $0x320, $0x38;
	[tilespmem:$0x19C80] =	vst v63  }
0x195: {  	_ =	swait.ge [sflag:s3], $0x320  }
0x196: {  	s23 =	sld [smem:$0x7FA]  }
0x197: {  	[sflag:s3] =	ssyncset.done $0x0  }
0x198: {  	[sflag:s3] =	ssyncadd.s32 $0xFFFFFCE0  }
0x199: {  	[tilespmem:s10], [sflag:$0x4] =	stream.linear.gather [hbm4b:s23+s2], $0x320, $0x38;
	[tilespmem:$0x19C80] =	vst v63  }
0x19a: {  	_ =	swait.ge [sflag:s3], $0x320  }
0x19b: {  	[sflag:s3] =	ssyncset.done $0x0  }
0x19c: {  	[sflag:s3] =	ssyncadd.s32 $0xFFFFFCE0  }
0x19d: {  	[tilespmem:s11], [sflag:$0x1] =	stream.indirect.gather [hbm4b:s5+s6], $0x40, s6, s6, $0xb8;
	[tilespmem:$0x19C80] =	vst v63  }
0x19e: {  	_ =	swait.ge [sflag:s8], $0xC800  }
0x19f: {  	[sflag:s8] =	ssyncset.done $0x0  }
0x1a0: {  	[sflag:s8] =	ssyncadd.s32 $0xFFFF3800  }
0x1a1: {  	[hbm4b:s9+s6] =	stream.indirect.scatter [tilespmem:s11], [sflag:$0x3], $0x40, s10, s6, $0xb8;
	[tilespmem:$0x19C80] =	vst v63  }
0x1a2: {  	_ =	swait.ge [sflag:s12], $0xC800  }
0x1a3: {  	s24 =	sld [smem:$0x7FB]  }
0x1a4: {  	[sflag:s12] =	ssyncset.done $0x0  }
0x1a5: {  	[sflag:s12] =	ssyncadd.s32 $0xFFFF3800  }
0x1a6: {  	[tilespmem:s2], [sflag:$0x4] =	stream.linear.gather [hbm4b:s24+s2], $0x320, $0x38;
	[tilespmem:$0x19C80] =	vst v63  }
0x1a7: {  	_ =	swait.ge [sflag:s3], $0x320  }
0x1a8: {  	s25 =	sld [smem:$0x7FC]  }
0x1a9: {  	[sflag:s3] =	ssyncset.done $0x0  }
0x1aa: {  	[sflag:s3] =	ssyncadd.s32 $0xFFFFFCE0  }
0x1ab: {  	[tilespmem:s4], [sflag:$0x4] =	stream.linear.gather [hbm4b:s25+s2], $0x320, $0x38;
	[tilespmem:$0x19C80] =	vst v63  }
0x1ac: {  	_ =	swait.ge [sflag:s3], $0x320  }
0x1ad: {  	[sflag:s3] =	ssyncset.done $0x0  }
0x1ae: {  	[sflag:s3] =	ssyncadd.s32 $0xFFFFFCE0  }
0x1af: {  	[tilespmem:s7], [sflag:$0x1] =	stream.indirect.gather [hbm4b:s5+s6], $0x40, s2, s6, $0xb8;
	[tilespmem:$0x19C80] =	vst v63  }
0x1b0: {  	_ =	swait.ge [sflag:s8], $0xC800  }
0x1b1: {  	[sflag:s8] =	ssyncset.done $0x0  }
0x1b2: {  	[sflag:s8] =	ssyncadd.s32 $0xFFFF3800  }
0x1b3: {  	[hbm4b:s9+s6] =	stream.indirect.scatter [tilespmem:s7], [sflag:$0x2], $0x40, s4, s6, $0xb8;
	[tilespmem:$0x19C80] =	vst v63  }
0x1b4: {  	_ =	swait.ge [sflag:s13], $0xC800  }
0x1b5: {  	s26 =	sld [smem:$0x7FD]  }
0x1b6: {  	[sflag:s13] =	ssyncset.done $0x0  }
0x1b7: {  	[sflag:s13] =	ssyncadd.s32 $0xFFFF3800  }
0x1b8: {  	[tilespmem:s6], [sflag:$0x4] =	stream.linear.gather [hbm4b:s26+s2], $0x320, $0x38;
	[tilespmem:$0x19C80] =	vst v63  }
0x1b9: {  	_ =	swait.ge [sflag:s3], $0x320  }
0x1ba: {  	[sflag:s3] =	ssyncset.done $0x0  }
0x1bb: {  	s14 =	sadd.s32 s31, s14;
	[sflag:s3] =	ssyncadd.s32 $0xFFFFFCE0  }
0x1bc: {  	[tilespmem:s10], [sflag:$0x4] =	stream.linear.gather [hbm4b:s14+s2], $0x320, $0x38;
	[tilespmem:$0x19C80] =	vst v63  }
0x1bd: {  	_ =	swait.ge [sflag:s3], $0x320  }
0x1be: {  	[sflag:s3] =	ssyncset.done $0x0  }
0x1bf: {  	[sflag:s3] =	ssyncadd.s32 $0xFFFFFCE0  }
0x1c0: {  	[tilespmem:s11], [sflag:$0x1] =	stream.indirect.gather [hbm4b:s5+s6], $0x40, s6, s6, $0xb8;
	[tilespmem:$0x19C80] =	vst v63  }
0x1c1: {  	_ =	swait.ge [sflag:s8], $0xC800  }
0x1c2: {  	[sflag:s8] =	ssyncset.done $0x0  }
0x1c3: {  	[sflag:s8] =	ssyncadd.s32 $0xFFFF3800  }
0x1c4: {  	[hbm4b:s9+s6] =	stream.indirect.scatter [tilespmem:s11], [sflag:$0x3], $0x40, s10, s6, $0xb8;
	[tilespmem:$0x19C80] =	vst v63  }
0x1c5: {  	_ =	swait.ge [sflag:s12], $0xC800  }
0x1c6: {  	s16 =	sadd.s32 $0x960, s0;
	[sflag:s12] =	ssyncset.done $0x0  }
0x1c7: {  	s15 =	sadd.s32 s30, s16;
	[sflag:s12] =	ssyncadd.s32 $0xFFFF3800  }
0x1c8: {  	[tilespmem:s2], [sflag:$0x4] =	stream.linear.gather [hbm4b:s15+s2], $0x320, $0x38;
	[tilespmem:$0x19C80] =	vst v63  }
0x1c9: {  	_ =	swait.ge [sflag:s3], $0x320  }
0x1ca: {  	[sflag:s3] =	ssyncset.done $0x0  }
0x1cb: {  	s16 =	sadd.s32 s31, s16;
	[sflag:s3] =	ssyncadd.s32 $0xFFFFFCE0  }
0x1cc: {  	[tilespmem:s4], [sflag:$0x4] =	stream.linear.gather [hbm4b:s16+s2], $0x320, $0x38;
	[tilespmem:$0x19C80] =	vst v63  }
0x1cd: {  	_ =	swait.ge [sflag:s3], $0x320  }
0x1ce: {  	[sflag:s3] =	ssyncset.done $0x0  }
0x1cf: {  	[sflag:s3] =	ssyncadd.s32 $0xFFFFFCE0  }
0x1d0: {  	[tilespmem:s7], [sflag:$0x1] =	stream.indirect.gather [hbm4b:s5+s6], $0x40, s2, s6, $0xb8;
	[tilespmem:$0x19C80] =	vst v63  }
0x1d1: {  	_ =	swait.ge [sflag:s8], $0xC800  }
0x1d2: {  	[sflag:s8] =	ssyncset.done $0x0  }
0x1d3: {  	[sflag:s8] =	ssyncadd.s32 $0xFFFF3800  }
0x1d4: {  	[hbm4b:s9+s6] =	stream.indirect.scatter [tilespmem:s7], [sflag:$0x2], $0x40, s4, s6, $0xb8;
	[tilespmem:$0x19C80] =	vst v63  }
0x1d5: {  	_ =	swait.ge [sflag:s13], $0xC800  }
0x1d6: {  	s18 =	sadd.s32 $0x9C4, s0;
	[sflag:s13] =	ssyncset.done $0x0  }
0x1d7: {  	s17 =	sadd.s32 s30, s18;
	[sflag:s13] =	ssyncadd.s32 $0xFFFF3800  }
0x1d8: {  	[tilespmem:s6], [sflag:$0x4] =	stream.linear.gather [hbm4b:s17+s2], $0x320, $0x38;
	[tilespmem:$0x19C80] =	vst v63  }
0x1d9: {  	_ =	swait.ge [sflag:s3], $0x320  }
0x1da: {  	[sflag:s3] =	ssyncset.done $0x0  }
0x1db: {  	s18 =	sadd.s32 s31, s18;
	[sflag:s3] =	ssyncadd.s32 $0xFFFFFCE0  }
0x1dc: {  	[tilespmem:s10], [sflag:$0x4] =	stream.linear.gather [hbm4b:s18+s2], $0x320, $0x38;
	[tilespmem:$0x19C80] =	vst v63  }
0x1dd: {  	_ =	swait.ge [sflag:s3], $0x320  }
0x1de: {  	[sflag:s3] =	ssyncset.done $0x0  }
0x1df: {  	[sflag:s3] =	ssyncadd.s32 $0xFFFFFCE0  }
0x1e0: {  	[tilespmem:s11], [sflag:$0x1] =	stream.indirect.gather [hbm4b:s5+s6], $0x40, s6, s6, $0xb8;
	[tilespmem:$0x19C80] =	vst v63  }
0x1e1: {  	_ =	swait.ge [sflag:s8], $0xC800  }
0x1e2: {  	[sflag:s8] =	ssyncset.done $0x0  }
0x1e3: {  	[sflag:s8] =	ssyncadd.s32 $0xFFFF3800  }
0x1e4: {  	[hbm4b:s9+s6] =	stream.indirect.scatter [tilespmem:s11], [sflag:$0x3], $0x40, s10, s6, $0xb8;
	[tilespmem:$0x19C80] =	vst v63  }
0x1e5: {  	_ =	swait.ge [sflag:s12], $0xC800  }
0x1e6: {  	s20 =	sadd.s32 $0xA28, s0;
	[sflag:s12] =	ssyncset.done $0x0  }
0x1e7: {  	s19 =	sadd.s32 s30, s20;
	[sflag:s12] =	ssyncadd.s32 $0xFFFF3800  }
0x1e8: {  	[tilespmem:s2], [sflag:$0x4] =	stream.linear.gather [hbm4b:s19+s2], $0x320, $0x38;
	[tilespmem:$0x19C80] =	vst v63  }
0x1e9: {  	_ =	swait.ge [sflag:s3], $0x320  }
0x1ea: {  	[sflag:s3] =	ssyncset.done $0x0  }
0x1eb: {  	s20 =	sadd.s32 s31, s20;
	[sflag:s3] =	ssyncadd.s32 $0xFFFFFCE0  }
0x1ec: {  	[tilespmem:s4], [sflag:$0x4] =	stream.linear.gather [hbm4b:s20+s2], $0x320, $0x38;
	[tilespmem:$0x19C80] =	vst v63  }
0x1ed: {  	_ =	swait.ge [sflag:s3], $0x320  }
0x1ee: {  	[sflag:s3] =	ssyncset.done $0x0  }
0x1ef: {  	[sflag:s3] =	ssyncadd.s32 $0xFFFFFCE0  }
0x1f0: {  	[tilespmem:s7], [sflag:$0x1] =	stream.indirect.gather [hbm4b:s5+s6], $0x40, s2, s6, $0xb8;
	[tilespmem:$0x19C80] =	vst v63  }
0x1f1: {  	_ =	swait.ge [sflag:s8], $0xC800  }
0x1f2: {  	[sflag:s8] =	ssyncset.done $0x0  }
0x1f3: {  	[sflag:s8] =	ssyncadd.s32 $0xFFFF3800  }
0x1f4: {  	[hbm4b:s9+s6] =	stream.indirect.scatter [tilespmem:s7], [sflag:$0x2], $0x40, s4, s6, $0xb8;
	[tilespmem:$0x19C80] =	vst v63  }
0x1f5: {  	_ =	swait.ge [sflag:s13], $0xC800  }
0x1f6: {  	s22 =	sadd.s32 $0xA8C, s0;
	[sflag:s13] =	ssyncset.done $0x0  }
0x1f7: {  	s21 =	sadd.s32 s30, s22;
	[sflag:s13] =	ssyncadd.s32 $0xFFFF3800  }
0x1f8: {  	[tilespmem:s6], [sflag:$0x4] =	stream.linear.gather [hbm4b:s21+s2], $0x320, $0x38;
	[tilespmem:$0x19C80] =	vst v63  }
0x1f9: {  	_ =	swait.ge [sflag:s3], $0x320  }
0x1fa: {  	[sflag:s3] =	ssyncset.done $0x0  }
0x1fb: {  	s22 =	sadd.s32 s31, s22;
	[sflag:s3] =	ssyncadd.s32 $0xFFFFFCE0  }
0x1fc: {  	[tilespmem:s10], [sflag:$0x4] =	stream.linear.gather [hbm4b:s22+s2], $0x320, $0x38;
	[tilespmem:$0x19C80] =	vst v63  }
0x1fd: {  	_ =	swait.ge [sflag:s3], $0x320  }
0x1fe: {  	[sflag:s3] =	ssyncset.done $0x0  }
0x1ff: {  	[sflag:s3] =	ssyncadd.s32 $0xFFFFFCE0  }
0x200: {  	[tilespmem:s11], [sflag:$0x1] =	stream.indirect.gather [hbm4b:s5+s6], $0x40, s6, s6, $0xb8;
	[tilespmem:$0x19C80] =	vst v63  }
0x201: {  	_ =	swait.ge [sflag:s8], $0xC800  }
0x202: {  	[sflag:s8] =	ssyncset.done $0x0  }
0x203: {  	[sflag:s8] =	ssyncadd.s32 $0xFFFF3800  }
0x204: {  	[hbm4b:s9+s6] =	stream.indirect.scatter [tilespmem:s11], [sflag:$0x3], $0x40, s10, s6, $0xb8;
	[tilespmem:$0x19C80] =	vst v63  }
0x205: {  	_ =	swait.ge [sflag:s12], $0xC800  }
0x206: {  	s24 =	sadd.s32 $0xAF0, s0;
	[sflag:s12] =	ssyncset.done $0x0  }
0x207: {  	s23 =	sadd.s32 s30, s24;
	[sflag:s12] =	ssyncadd.s32 $0xFFFF3800  }
0x208: {  	[tilespmem:s2], [sflag:$0x4] =	stream.linear.gather [hbm4b:s23+s2], $0x320, $0x38;
	[tilespmem:$0x19C80] =	vst v63  }
0x209: {  	_ =	swait.ge [sflag:s3], $0x320  }
0x20a: {  	[sflag:s3] =	ssyncset.done $0x0  }
0x20b: {  	s24 =	sadd.s32 s31, s24;
	[sflag:s3] =	ssyncadd.s32 $0xFFFFFCE0  }
0x20c: {  	[tilespmem:s4], [sflag:$0x4] =	stream.linear.gather [hbm4b:s24+s2], $0x320, $0x38;
	[tilespmem:$0x19C80] =	vst v63  }
0x20d: {  	_ =	swait.ge [sflag:s3], $0x320  }
0x20e: {  	[sflag:s3] =	ssyncset.done $0x0  }
0x20f: {  	[sflag:s3] =	ssyncadd.s32 $0xFFFFFCE0  }
0x210: {  	[tilespmem:s7], [sflag:$0x1] =	stream.indirect.gather [hbm4b:s5+s6], $0x40, s2, s6, $0xb8;
	[tilespmem:$0x19C80] =	vst v63  }
0x211: {  	_ =	swait.ge [sflag:s8], $0xC800  }
0x212: {  	[sflag:s8] =	ssyncset.done $0x0  }
0x213: {  	[sflag:s8] =	ssyncadd.s32 $0xFFFF3800  }
0x214: {  	[hbm4b:s9+s6] =	stream.indirect.scatter [tilespmem:s7], [sflag:$0x2], $0x40, s4, s6, $0xb8;
	[tilespmem:$0x19C80] =	vst v63  }
0x215: {  	_ =	swait.ge [sflag:s13], $0xC800  }
0x216: {  	s26 =	sadd.s32 $0xB54, s0;
	[sflag:s13] =	ssyncset.done $0x0  }
0x217: {  	s25 =	sadd.s32 s30, s26;
	[sflag:s13] =	ssyncadd.s32 $0xFFFF3800  }
0x218: {  	[tilespmem:s6], [sflag:$0x4] =	stream.linear.gather [hbm4b:s25+s2], $0x320, $0x38;
	[tilespmem:$0x19C80] =	vst v63  }
0x219: {  	_ =	swait.ge [sflag:s3], $0x320  }
0x21a: {  	[sflag:s3] =	ssyncset.done $0x0  }
0x21b: {  	s26 =	sadd.s32 s31, s26;
	[sflag:s3] =	ssyncadd.s32 $0xFFFFFCE0  }
0x21c: {  	[tilespmem:s10], [sflag:$0x4] =	stream.linear.gather [hbm4b:s26+s2], $0x320, $0x38;
	[tilespmem:$0x19C80] =	vst v63  }
0x21d: {  	_ =	swait.ge [sflag:s3], $0x320  }
0x21e: {  	[sflag:s3] =	ssyncset.done $0x0  }
0x21f: {  	[sflag:s3] =	ssyncadd.s32 $0xFFFFFCE0  }
0x220: {  	[tilespmem:s11], [sflag:$0x1] =	stream.indirect.gather [hbm4b:s5+s6], $0x40, s6, s6, $0xb8;
	[tilespmem:$0x19C80] =	vst v63  }
0x221: {  	_ =	swait.ge [sflag:s8], $0xC800  }
0x222: {  	[sflag:s8] =	ssyncset.done $0x0  }
0x223: {  	[sflag:s8] =	ssyncadd.s32 $0xFFFF3800  }
0x224: {  	[hbm4b:s9+s6] =	stream.indirect.scatter [tilespmem:s11], [sflag:$0x3], $0x40, s10, s6, $0xb8;
	[tilespmem:$0x19C80] =	vst v63  }
0x225: {  	_ =	swait.ge [sflag:s12], $0xC800  }
0x226: {  	s29 =	sadd.s32 $0xBB8, s0;
	[sflag:s12] =	ssyncset.done $0x0  }
0x227: {  	s28 =	sadd.s32 s30, s29;
	[sflag:s12] =	ssyncadd.s32 $0xFFFF3800  }
0x228: {  	[tilespmem:s2], [sflag:$0x4] =	stream.linear.gather [hbm4b:s28+s2], $0x320, $0x38;
	[tilespmem:$0x19C80] =	vst v63  }
0x229: {  	_ =	swait.ge [sflag:s3], $0x320  }
0x22a: {  	[sflag:s3] =	ssyncset.done $0x0  }
0x22b: {  	s29 =	sadd.s32 s31, s29;
	[sflag:s3] =	ssyncadd.s32 $0xFFFFFCE0  }
0x22c: {  	[tilespmem:s4], [sflag:$0x4] =	stream.linear.gather [hbm4b:s29+s2], $0x320, $0x38;
	[tilespmem:$0x19C80] =	vst v63  }
0x22d: {  	_ =	swait.ge [sflag:s3], $0x320  }
0x22e: {  	[sflag:s3] =	ssyncset.done $0x0  }
0x22f: {  	[sflag:s3] =	ssyncadd.s32 $0xFFFFFCE0  }
0x230: {  	[tilespmem:s7], [sflag:$0x1] =	stream.indirect.gather [hbm4b:s5+s6], $0x40, s2, s6, $0xb8;
	[tilespmem:$0x19C80] =	vst v63  }
0x231: {  	_ =	swait.ge [sflag:s8], $0xC800  }
0x232: {  	[sflag:s8] =	ssyncset.done $0x0  }
0x233: {  	[sflag:s8] =	ssyncadd.s32 $0xFFFF3800  }
0x234: {  	[hbm4b:s9+s6] =	stream.indirect.scatter [tilespmem:s7], [sflag:$0x2], $0x40, s4, s6, $0xb8;
	[tilespmem:$0x19C80] =	vst v63  }
0x235: {  	_ =	swait.ge [sflag:s13], $0xC800  }
0x236: {  	s0 =	sadd.s32 $0xC1C, s0;
	[sflag:s13] =	ssyncset.done $0x0  }
0x237: {  	s30 =	sadd.s32 s30, s0;
	[sflag:s13] =	ssyncadd.s32 $0xFFFF3800  }
0x238: {  	[tilespmem:s6], [sflag:$0x4] =	stream.linear.gather [hbm4b:s30+s2], $0x320, $0x38;
	[tilespmem:$0x19C80] =	vst v63  }
0x239: {  	_ =	swait.ge [sflag:s3], $0x320  }
0x23a: {  	[sflag:s3] =	ssyncset.done $0x0  }
0x23b: {  	s31 =	sadd.s32 s31, s0;
	[sflag:s3] =	ssyncadd.s32 $0xFFFFFCE0  }
0x23c: {  	[tilespmem:s10], [sflag:$0x4] =	stream.linear.gather [hbm4b:s31+s2], $0x320, $0x38;
	[tilespmem:$0x19C80] =	vst v63  }
0x23d: {  	_ =	swait.ge [sflag:s3], $0x320  }
0x23e: {  	s0 =	ssub.s32 $0x2, s1;
	[sflag:s3] =	ssyncset.done $0x0  }
0x23f: {  	s1 =	sshrl.u32 s0, $0x1;
	[sflag:s3] =	ssyncadd.s32 $0xFFFFFCE0  }
0x240: {  	[tilespmem:s11], [sflag:$0x1] =	stream.indirect.gather [hbm4b:s5+s6], $0x40, s6, s6, $0xb8;
	[tilespmem:$0x19C80] =	vst v63  }
0x241: {  	s0 =	ssub.s32 s0, s1;
	_ =	swait.ge [sflag:s8], $0xC800  }
0x242: {  	s0 =	smax.u32 s0, $0x1;
	[sflag:s8] =	ssyncset.done $0x0  }
0x243: {  	p0 =	sne.s32 s0, $0x1;
	[sflag:s8] =	ssyncadd.s32 $0xFFFF3800  }
0x244: {  	[hbm4b:s9+s6] =	stream.indirect.scatter [tilespmem:s11], [sflag:$0x3], $0x40, s10, s6, $0xb8;
	[tilespmem:$0x19C80] =	vst v63  }
.Ltmp0:
0x245: {  	_ =	swait.ge [sflag:s12], $0xC800;
	(pc) =	sbr.rel @!p0 .LBB2_2-.Ltmp0, $4  }
0x246: {  	[sflag:s12] =	ssyncset.done $0x0  }
0x247: {  	[sflag:s12] =	ssyncadd.s32 $0xFFFF3800  }
0x248: {  	_ =	swait.ge [sflag:s13], $0xC800  }
0x249: {  	s1 =	sadd.s32 $0xFFFFFFFF, s0;
	[sflag:s13] =	ssyncset.done $0x0  }
.LBB2_1:
0x24a: {  	s0 =	rddreg [dreg:$0x3];
	[sflag:s13] =	ssyncadd.s32 $0xFFFF3800  }
0x24b: {  	[tilespmem:s2], [sflag:$0x4] =	stream.linear.gather [hbm4b:s0+s2], $0x320, $0x38;
	[tilespmem:$0x19C80] =	vst v63  }
0x24c: {  	_ =	swait.ge [sflag:s3], $0x320  }
0x24d: {  	[sflag:s3] =	ssyncset.done $0x0  }
0x24e: {  	s0 =	rddreg [dreg:$0x4];
	[sflag:s3] =	ssyncadd.s32 $0xFFFFFCE0  }
0x24f: {  	[tilespmem:s4], [sflag:$0x4] =	stream.linear.gather [hbm4b:s0+s2], $0x320, $0x38;
	[tilespmem:$0x19C80] =	vst v63  }
0x250: {  	_ =	swait.ge [sflag:s3], $0x320  }
0x251: {  	[sflag:s3] =	ssyncset.done $0x0  }
0x252: {  	[sflag:s3] =	ssyncadd.s32 $0xFFFFFCE0  }
0x253: {  	[tilespmem:s7], [sflag:$0x1] =	stream.indirect.gather [hbm4b:s5+s6], $0x40, s2, s6, $0xb8;
	[tilespmem:$0x19C80] =	vst v63  }
0x254: {  	_ =	swait.ge [sflag:s8], $0xC800  }
0x255: {  	[sflag:s8] =	ssyncset.done $0x0  }
0x256: {  	[sflag:s8] =	ssyncadd.s32 $0xFFFF3800  }
0x257: {  	[hbm4b:s9+s6] =	stream.indirect.scatter [tilespmem:s7], [sflag:$0x2], $0x40, s4, s6, $0xb8;
	[tilespmem:$0x19C80] =	vst v63  }
0x258: {  	s0 =	rddreg [dreg:$0x5]  }
0x259: {  	[tilespmem:s6], [sflag:$0x4] =	stream.linear.gather [hbm4b:s0+s2], $0x320, $0x38;
	[tilespmem:$0x19C80] =	vst v63  }
0x25a: {  	_ =	swait.ge [sflag:s3], $0x320  }
0x25b: {  	[sflag:s3] =	ssyncset.done $0x0  }
0x25c: {  	s0 =	rddreg [dreg:$0x6];
	[sflag:s3] =	ssyncadd.s32 $0xFFFFFCE0  }
0x25d: {  	[tilespmem:s10], [sflag:$0x4] =	stream.linear.gather [hbm4b:s0+s2], $0x320, $0x38;
	[tilespmem:$0x19C80] =	vst v63  }
0x25e: {  	_ =	swait.ge [sflag:s3], $0x320  }
0x25f: {  	[sflag:s3] =	ssyncset.done $0x0  }
0x260: {  	[sflag:s3] =	ssyncadd.s32 $0xFFFFFCE0  }
0x261: {  	[tilespmem:s11], [sflag:$0x1] =	stream.indirect.gather [hbm4b:s5+s6], $0x40, s6, s6, $0xb8;
	[tilespmem:$0x19C80] =	vst v63  }
0x262: {  	_ =	swait.ge [sflag:s8], $0xC800  }
0x263: {  	[sflag:s8] =	ssyncset.done $0x0  }
0x264: {  	[sflag:s8] =	ssyncadd.s32 $0xFFFF3800  }
0x265: {  	[hbm4b:s9+s6] =	stream.indirect.scatter [tilespmem:s11], [sflag:$0x3], $0x40, s10, s6, $0xb8;
	[tilespmem:$0x19C80] =	vst v63  }
0x266: {  	_ =	swait.ge [sflag:s12], $0xC800  }
0x267: {  	[sflag:s12] =	ssyncset.done $0x0  }
0x268: {  	s0 =	rddreg [dreg:$0x7];
	[sflag:s12] =	ssyncadd.s32 $0xFFFF3800  }
0x269: {  	[tilespmem:s2], [sflag:$0x4] =	stream.linear.gather [hbm4b:s0+s2], $0x320, $0x38;
	[tilespmem:$0x19C80] =	vst v63  }
0x26a: {  	_ =	swait.ge [sflag:s3], $0x320  }
0x26b: {  	[sflag:s3] =	ssyncset.done $0x0  }
0x26c: {  	s0 =	rddreg [dreg:$0x8];
	[sflag:s3] =	ssyncadd.s32 $0xFFFFFCE0  }
0x26d: {  	[tilespmem:s4], [sflag:$0x4] =	stream.linear.gather [hbm4b:s0+s2], $0x320, $0x38;
	[tilespmem:$0x19C80] =	vst v63  }
0x26e: {  	_ =	swait.ge [sflag:s3], $0x320  }
0x26f: {  	[sflag:s3] =	ssyncset.done $0x0  }
0x270: {  	[sflag:s3] =	ssyncadd.s32 $0xFFFFFCE0  }
0x271: {  	[tilespmem:s7], [sflag:$0x1] =	stream.indirect.gather [hbm4b:s5+s6], $0x40, s2, s6, $0xb8;
	[tilespmem:$0x19C80] =	vst v63  }
0x272: {  	_ =	swait.ge [sflag:s8], $0xC800  }
0x273: {  	[sflag:s8] =	ssyncset.done $0x0  }
0x274: {  	[sflag:s8] =	ssyncadd.s32 $0xFFFF3800  }
0x275: {  	[hbm4b:s9+s6] =	stream.indirect.scatter [tilespmem:s7], [sflag:$0x2], $0x40, s4, s6, $0xb8;
	[tilespmem:$0x19C80] =	vst v63  }
0x276: {  	_ =	swait.ge [sflag:s13], $0xC800  }
0x277: {  	[sflag:s13] =	ssyncset.done $0x0  }
0x278: {  	s0 =	rddreg [dreg:$0x9];
	[sflag:s13] =	ssyncadd.s32 $0xFFFF3800  }
0x279: {  	[tilespmem:s6], [sflag:$0x4] =	stream.linear.gather [hbm4b:s0+s2], $0x320, $0x38;
	[tilespmem:$0x19C80] =	vst v63  }
0x27a: {  	_ =	swait.ge [sflag:s3], $0x320  }
0x27b: {  	[sflag:s3] =	ssyncset.done $0x0  }
0x27c: {  	s0 =	rddreg [dreg:$0xa];
	[sflag:s3] =	ssyncadd.s32 $0xFFFFFCE0  }
0x27d: {  	[tilespmem:s10], [sflag:$0x4] =	stream.linear.gather [hbm4b:s0+s2], $0x320, $0x38;
	[tilespmem:$0x19C80] =	vst v63  }
0x27e: {  	_ =	swait.ge [sflag:s3], $0x320  }
0x27f: {  	[sflag:s3] =	ssyncset.done $0x0  }
0x280: {  	[sflag:s3] =	ssyncadd.s32 $0xFFFFFCE0  }
0x281: {  	[tilespmem:s11], [sflag:$0x1] =	stream.indirect.gather [hbm4b:s5+s6], $0x40, s6, s6, $0xb8;
	[tilespmem:$0x19C80] =	vst v63  }
0x282: {  	_ =	swait.ge [sflag:s8], $0xC800  }
0x283: {  	[sflag:s8] =	ssyncset.done $0x0  }
0x284: {  	[sflag:s8] =	ssyncadd.s32 $0xFFFF3800  }
0x285: {  	[hbm4b:s9+s6] =	stream.indirect.scatter [tilespmem:s11], [sflag:$0x3], $0x40, s10, s6, $0xb8;
	[tilespmem:$0x19C80] =	vst v63  }
0x286: {  	_ =	swait.ge [sflag:s12], $0xC800  }
0x287: {  	[sflag:s12] =	ssyncset.done $0x0  }
0x288: {  	s0 =	rddreg [dreg:$0xb];
	[sflag:s12] =	ssyncadd.s32 $0xFFFF3800  }
0x289: {  	[tilespmem:s2], [sflag:$0x4] =	stream.linear.gather [hbm4b:s0+s2], $0x320, $0x38;
	[tilespmem:$0x19C80] =	vst v63  }
0x28a: {  	_ =	swait.ge [sflag:s3], $0x320  }
0x28b: {  	[sflag:s3] =	ssyncset.done $0x0  }
0x28c: {  	s0 =	rddreg [dreg:$0xc];
	[sflag:s3] =	ssyncadd.s32 $0xFFFFFCE0  }
0x28d: {  	[tilespmem:s4], [sflag:$0x4] =	stream.linear.gather [hbm4b:s0+s2], $0x320, $0x38;
	[tilespmem:$0x19C80] =	vst v63  }
0x28e: {  	_ =	swait.ge [sflag:s3], $0x320  }
0x28f: {  	[sflag:s3] =	ssyncset.done $0x0  }
0x290: {  	[sflag:s3] =	ssyncadd.s32 $0xFFFFFCE0  }
0x291: {  	[tilespmem:s7], [sflag:$0x1] =	stream.indirect.gather [hbm4b:s5+s6], $0x40, s2, s6, $0xb8;
	[tilespmem:$0x19C80] =	vst v63  }
0x292: {  	_ =	swait.ge [sflag:s8], $0xC800  }
0x293: {  	[sflag:s8] =	ssyncset.done $0x0  }
0x294: {  	[sflag:s8] =	ssyncadd.s32 $0xFFFF3800  }
0x295: {  	[hbm4b:s9+s6] =	stream.indirect.scatter [tilespmem:s7], [sflag:$0x2], $0x40, s4, s6, $0xb8;
	[tilespmem:$0x19C80] =	vst v63  }
0x296: {  	_ =	swait.ge [sflag:s13], $0xC800  }
0x297: {  	[sflag:s13] =	ssyncset.done $0x0  }
0x298: {  	s0 =	rddreg [dreg:$0xd];
	[sflag:s13] =	ssyncadd.s32 $0xFFFF3800  }
0x299: {  	[tilespmem:s6], [sflag:$0x4] =	stream.linear.gather [hbm4b:s0+s2], $0x320, $0x38;
	[tilespmem:$0x19C80] =	vst v63  }
0x29a: {  	_ =	swait.ge [sflag:s3], $0x320  }
0x29b: {  	[sflag:s3] =	ssyncset.done $0x0  }
0x29c: {  	s0 =	rddreg [dreg:$0xe];
	[sflag:s3] =	ssyncadd.s32 $0xFFFFFCE0  }
0x29d: {  	[tilespmem:s10], [sflag:$0x4] =	stream.linear.gather [hbm4b:s0+s2], $0x320, $0x38;
	[tilespmem:$0x19C80] =	vst v63  }
0x29e: {  	_ =	swait.ge [sflag:s3], $0x320  }
0x29f: {  	[sflag:s3] =	ssyncset.done $0x0  }
0x2a0: {  	[sflag:s3] =	ssyncadd.s32 $0xFFFFFCE0  }
0x2a1: {  	[tilespmem:s11], [sflag:$0x1] =	stream.indirect.gather [hbm4b:s5+s6], $0x40, s6, s6, $0xb8;
	[tilespmem:$0x19C80] =	vst v63  }
0x2a2: {  	_ =	swait.ge [sflag:s8], $0xC800  }
0x2a3: {  	[sflag:s8] =	ssyncset.done $0x0  }
0x2a4: {  	[sflag:s8] =	ssyncadd.s32 $0xFFFF3800  }
0x2a5: {  	[hbm4b:s9+s6] =	stream.indirect.scatter [tilespmem:s11], [sflag:$0x3], $0x40, s10, s6, $0xb8;
	[tilespmem:$0x19C80] =	vst v63  }
0x2a6: {  	_ =	swait.ge [sflag:s12], $0xC800  }
0x2a7: {  	[sflag:s12] =	ssyncset.done $0x0  }
0x2a8: {  	s0 =	rddreg [dreg:$0xf];
	[sflag:s12] =	ssyncadd.s32 $0xFFFF3800  }
0x2a9: {  	[tilespmem:s2], [sflag:$0x4] =	stream.linear.gather [hbm4b:s0+s2], $0x320, $0x38;
	[tilespmem:$0x19C80] =	vst v63  }
0x2aa: {  	_ =	swait.ge [sflag:s3], $0x320  }
0x2ab: {  	[sflag:s3] =	ssyncset.done $0x0  }
0x2ac: {  	s0 =	rddreg [dreg:$0x10];
	[sflag:s3] =	ssyncadd.s32 $0xFFFFFCE0  }
0x2ad: {  	[tilespmem:s4], [sflag:$0x4] =	stream.linear.gather [hbm4b:s0+s2], $0x320, $0x38;
	[tilespmem:$0x19C80] =	vst v63  }
0x2ae: {  	_ =	swait.ge [sflag:s3], $0x320  }
0x2af: {  	[sflag:s3] =	ssyncset.done $0x0  }
0x2b0: {  	[sflag:s3] =	ssyncadd.s32 $0xFFFFFCE0  }
0x2b1: {  	[tilespmem:s7], [sflag:$0x1] =	stream.indirect.gather [hbm4b:s5+s6], $0x40, s2, s6, $0xb8;
	[tilespmem:$0x19C80] =	vst v63  }
0x2b2: {  	_ =	swait.ge [sflag:s8], $0xC800  }
0x2b3: {  	[sflag:s8] =	ssyncset.done $0x0  }
0x2b4: {  	[sflag:s8] =	ssyncadd.s32 $0xFFFF3800  }
0x2b5: {  	[hbm4b:s9+s6] =	stream.indirect.scatter [tilespmem:s7], [sflag:$0x2], $0x40, s4, s6, $0xb8;
	[tilespmem:$0x19C80] =	vst v63  }
0x2b6: {  	_ =	swait.ge [sflag:s13], $0xC800  }
0x2b7: {  	[sflag:s13] =	ssyncset.done $0x0  }
0x2b8: {  	s0 =	rddreg [dreg:$0x11];
	[sflag:s13] =	ssyncadd.s32 $0xFFFF3800  }
0x2b9: {  	[tilespmem:s6], [sflag:$0x4] =	stream.linear.gather [hbm4b:s0+s2], $0x320, $0x38;
	[tilespmem:$0x19C80] =	vst v63  }
0x2ba: {  	_ =	swait.ge [sflag:s3], $0x320  }
0x2bb: {  	[sflag:s3] =	ssyncset.done $0x0  }
0x2bc: {  	s0 =	rddreg [dreg:$0x12];
	[sflag:s3] =	ssyncadd.s32 $0xFFFFFCE0  }
0x2bd: {  	[tilespmem:s10], [sflag:$0x4] =	stream.linear.gather [hbm4b:s0+s2], $0x320, $0x38;
	[tilespmem:$0x19C80] =	vst v63  }
0x2be: {  	_ =	swait.ge [sflag:s3], $0x320  }
0x2bf: {  	[sflag:s3] =	ssyncset.done $0x0  }
0x2c0: {  	[sflag:s3] =	ssyncadd.s32 $0xFFFFFCE0  }
0x2c1: {  	[tilespmem:s11], [sflag:$0x1] =	stream.indirect.gather [hbm4b:s5+s6], $0x40, s6, s6, $0xb8;
	[tilespmem:$0x19C80] =	vst v63  }
0x2c2: {  	_ =	swait.ge [sflag:s8], $0xC800  }
0x2c3: {  	[sflag:s8] =	ssyncset.done $0x0  }
0x2c4: {  	[sflag:s8] =	ssyncadd.s32 $0xFFFF3800  }
0x2c5: {  	[hbm4b:s9+s6] =	stream.indirect.scatter [tilespmem:s11], [sflag:$0x3], $0x40, s10, s6, $0xb8;
	[tilespmem:$0x19C80] =	vst v63  }
0x2c6: {  	_ =	swait.ge [sflag:s12], $0xC800  }
0x2c7: {  	[sflag:s12] =	ssyncset.done $0x0  }
0x2c8: {  	s0 =	rddreg [dreg:$0x13];
	[sflag:s12] =	ssyncadd.s32 $0xFFFF3800  }
0x2c9: {  	[tilespmem:s2], [sflag:$0x4] =	stream.linear.gather [hbm4b:s0+s2], $0x320, $0x38;
	[tilespmem:$0x19C80] =	vst v63  }
0x2ca: {  	_ =	swait.ge [sflag:s3], $0x320  }
0x2cb: {  	[sflag:s3] =	ssyncset.done $0x0  }
0x2cc: {  	s0 =	rddreg [dreg:$0x14];
	[sflag:s3] =	ssyncadd.s32 $0xFFFFFCE0  }
0x2cd: {  	[tilespmem:s4], [sflag:$0x4] =	stream.linear.gather [hbm4b:s0+s2], $0x320, $0x38;
	[tilespmem:$0x19C80] =	vst v63  }
0x2ce: {  	_ =	swait.ge [sflag:s3], $0x320  }
0x2cf: {  	[sflag:s3] =	ssyncset.done $0x0  }
0x2d0: {  	[sflag:s3] =	ssyncadd.s32 $0xFFFFFCE0  }
0x2d1: {  	[tilespmem:s7], [sflag:$0x1] =	stream.indirect.gather [hbm4b:s5+s6], $0x40, s2, s6, $0xb8;
	[tilespmem:$0x19C80] =	vst v63  }
0x2d2: {  	_ =	swait.ge [sflag:s8], $0xC800  }
0x2d3: {  	[sflag:s8] =	ssyncset.done $0x0  }
0x2d4: {  	[sflag:s8] =	ssyncadd.s32 $0xFFFF3800  }
0x2d5: {  	[hbm4b:s9+s6] =	stream.indirect.scatter [tilespmem:s7], [sflag:$0x2], $0x40, s4, s6, $0xb8;
	[tilespmem:$0x19C80] =	vst v63  }
0x2d6: {  	_ =	swait.ge [sflag:s13], $0xC800  }
0x2d7: {  	[sflag:s13] =	ssyncset.done $0x0  }
0x2d8: {  	s0 =	rddreg [dreg:$0x15];
	[sflag:s13] =	ssyncadd.s32 $0xFFFF3800  }
0x2d9: {  	[tilespmem:s6], [sflag:$0x4] =	stream.linear.gather [hbm4b:s0+s2], $0x320, $0x38;
	[tilespmem:$0x19C80] =	vst v63  }
0x2da: {  	_ =	swait.ge [sflag:s3], $0x320  }
0x2db: {  	[sflag:s3] =	ssyncset.done $0x0  }
0x2dc: {  	s0 =	rddreg [dreg:$0x16];
	[sflag:s3] =	ssyncadd.s32 $0xFFFFFCE0  }
0x2dd: {  	[tilespmem:s10], [sflag:$0x4] =	stream.linear.gather [hbm4b:s0+s2], $0x320, $0x38;
	[tilespmem:$0x19C80] =	vst v63  }
0x2de: {  	_ =	swait.ge [sflag:s3], $0x320  }
0x2df: {  	[sflag:s3] =	ssyncset.done $0x0  }
0x2e0: {  	[sflag:s3] =	ssyncadd.s32 $0xFFFFFCE0  }
0x2e1: {  	[tilespmem:s11], [sflag:$0x1] =	stream.indirect.gather [hbm4b:s5+s6], $0x40, s6, s6, $0xb8;
	[tilespmem:$0x19C80] =	vst v63  }
0x2e2: {  	_ =	swait.ge [sflag:s8], $0xC800  }
0x2e3: {  	[sflag:s8] =	ssyncset.done $0x0  }
0x2e4: {  	[sflag:s8] =	ssyncadd.s32 $0xFFFF3800  }
0x2e5: {  	[hbm4b:s9+s6] =	stream.indirect.scatter [tilespmem:s11], [sflag:$0x3], $0x40, s10, s6, $0xb8;
	[tilespmem:$0x19C80] =	vst v63  }
0x2e6: {  	_ =	swait.ge [sflag:s12], $0xC800  }
0x2e7: {  	[sflag:s12] =	ssyncset.done $0x0  }
0x2e8: {  	s0 =	rddreg [dreg:$0x17];
	[sflag:s12] =	ssyncadd.s32 $0xFFFF3800  }
0x2e9: {  	[tilespmem:s2], [sflag:$0x4] =	stream.linear.gather [hbm4b:s0+s2], $0x320, $0x38;
	[tilespmem:$0x19C80] =	vst v63  }
0x2ea: {  	_ =	swait.ge [sflag:s3], $0x320  }
0x2eb: {  	[sflag:s3] =	ssyncset.done $0x0  }
0x2ec: {  	s0 =	rddreg [dreg:$0x18];
	[sflag:s3] =	ssyncadd.s32 $0xFFFFFCE0  }
0x2ed: {  	[tilespmem:s4], [sflag:$0x4] =	stream.linear.gather [hbm4b:s0+s2], $0x320, $0x38;
	[tilespmem:$0x19C80] =	vst v63  }
0x2ee: {  	_ =	swait.ge [sflag:s3], $0x320  }
0x2ef: {  	[sflag:s3] =	ssyncset.done $0x0  }
0x2f0: {  	[sflag:s3] =	ssyncadd.s32 $0xFFFFFCE0  }
0x2f1: {  	[tilespmem:s7], [sflag:$0x1] =	stream.indirect.gather [hbm4b:s5+s6], $0x40, s2, s6, $0xb8;
	[tilespmem:$0x19C80] =	vst v63  }
0x2f2: {  	_ =	swait.ge [sflag:s8], $0xC800  }
0x2f3: {  	[sflag:s8] =	ssyncset.done $0x0  }
0x2f4: {  	[sflag:s8] =	ssyncadd.s32 $0xFFFF3800  }
0x2f5: {  	[hbm4b:s9+s6] =	stream.indirect.scatter [tilespmem:s7], [sflag:$0x2], $0x40, s4, s6, $0xb8;
	[tilespmem:$0x19C80] =	vst v63  }
0x2f6: {  	_ =	swait.ge [sflag:s13], $0xC800  }
0x2f7: {  	[sflag:s13] =	ssyncset.done $0x0  }
0x2f8: {  	s0 =	rddreg [dreg:$0x19];
	[sflag:s13] =	ssyncadd.s32 $0xFFFF3800  }
0x2f9: {  	[tilespmem:s6], [sflag:$0x4] =	stream.linear.gather [hbm4b:s0+s2], $0x320, $0x38;
	[tilespmem:$0x19C80] =	vst v63  }
0x2fa: {  	_ =	swait.ge [sflag:s3], $0x320  }
0x2fb: {  	[sflag:s3] =	ssyncset.done $0x0  }
0x2fc: {  	s0 =	rddreg [dreg:$0x1a];
	[sflag:s3] =	ssyncadd.s32 $0xFFFFFCE0  }
0x2fd: {  	[tilespmem:s10], [sflag:$0x4] =	stream.linear.gather [hbm4b:s0+s2], $0x320, $0x38;
	[tilespmem:$0x19C80] =	vst v63  }
0x2fe: {  	_ =	swait.ge [sflag:s3], $0x320  }
0x2ff: {  	[sflag:s3] =	ssyncset.done $0x0  }
0x300: {  	[sflag:s3] =	ssyncadd.s32 $0xFFFFFCE0  }
0x301: {  	[tilespmem:s11], [sflag:$0x1] =	stream.indirect.gather [hbm4b:s5+s6], $0x40, s6, s6, $0xb8;
	[tilespmem:$0x19C80] =	vst v63  }
0x302: {  	_ =	swait.ge [sflag:s8], $0xC800  }
0x303: {  	[sflag:s8] =	ssyncset.done $0x0  }
0x304: {  	[sflag:s8] =	ssyncadd.s32 $0xFFFF3800  }
0x305: {  	[hbm4b:s9+s6] =	stream.indirect.scatter [tilespmem:s11], [sflag:$0x3], $0x40, s10, s6, $0xb8;
	[tilespmem:$0x19C80] =	vst v63  }
0x306: {  	_ =	swait.ge [sflag:s12], $0xC800  }
0x307: {  	[sflag:s12] =	ssyncset.done $0x0  }
0x308: {  	s0 =	rddreg [dreg:$0x1b];
	[sflag:s12] =	ssyncadd.s32 $0xFFFF3800  }
0x309: {  	[tilespmem:s2], [sflag:$0x4] =	stream.linear.gather [hbm4b:s0+s2], $0x320, $0x38;
	[tilespmem:$0x19C80] =	vst v63  }
0x30a: {  	_ =	swait.ge [sflag:s3], $0x320  }
0x30b: {  	[sflag:s3] =	ssyncset.done $0x0  }
0x30c: {  	s0 =	rddreg [dreg:$0x1c];
	[sflag:s3] =	ssyncadd.s32 $0xFFFFFCE0  }
0x30d: {  	[tilespmem:s4], [sflag:$0x4] =	stream.linear.gather [hbm4b:s0+s2], $0x320, $0x38;
	[tilespmem:$0x19C80] =	vst v63  }
0x30e: {  	_ =	swait.ge [sflag:s3], $0x320  }
0x30f: {  	[sflag:s3] =	ssyncset.done $0x0  }
0x310: {  	[sflag:s3] =	ssyncadd.s32 $0xFFFFFCE0  }
0x311: {  	[tilespmem:s7], [sflag:$0x1] =	stream.indirect.gather [hbm4b:s5+s6], $0x40, s2, s6, $0xb8;
	[tilespmem:$0x19C80] =	vst v63  }
0x312: {  	_ =	swait.ge [sflag:s8], $0xC800  }
0x313: {  	[sflag:s8] =	ssyncset.done $0x0  }
0x314: {  	[sflag:s8] =	ssyncadd.s32 $0xFFFF3800  }
0x315: {  	[hbm4b:s9+s6] =	stream.indirect.scatter [tilespmem:s7], [sflag:$0x2], $0x40, s4, s6, $0xb8;
	[tilespmem:$0x19C80] =	vst v63  }
0x316: {  	_ =	swait.ge [sflag:s13], $0xC800  }
0x317: {  	[sflag:s13] =	ssyncset.done $0x0  }
0x318: {  	s0 =	rddreg [dreg:$0x1d];
	[sflag:s13] =	ssyncadd.s32 $0xFFFF3800  }
0x319: {  	[tilespmem:s6], [sflag:$0x4] =	stream.linear.gather [hbm4b:s0+s2], $0x320, $0x38;
	[tilespmem:$0x19C80] =	vst v63  }
0x31a: {  	_ =	swait.ge [sflag:s3], $0x320  }
0x31b: {  	[sflag:s3] =	ssyncset.done $0x0  }
0x31c: {  	s0 =	rddreg [dreg:$0x1e];
	[sflag:s3] =	ssyncadd.s32 $0xFFFFFCE0  }
0x31d: {  	[tilespmem:s10], [sflag:$0x4] =	stream.linear.gather [hbm4b:s0+s2], $0x320, $0x38;
	[tilespmem:$0x19C80] =	vst v63  }
0x31e: {  	_ =	swait.ge [sflag:s3], $0x320  }
0x31f: {  	[sflag:s3] =	ssyncset.done $0x0  }
0x320: {  	[sflag:s3] =	ssyncadd.s32 $0xFFFFFCE0  }
0x321: {  	[tilespmem:s11], [sflag:$0x1] =	stream.indirect.gather [hbm4b:s5+s6], $0x40, s6, s6, $0xb8;
	[tilespmem:$0x19C80] =	vst v63  }
0x322: {  	_ =	swait.ge [sflag:s8], $0xC800  }
0x323: {  	[sflag:s8] =	ssyncset.done $0x0  }
0x324: {  	[sflag:s8] =	ssyncadd.s32 $0xFFFF3800  }
0x325: {  	[hbm4b:s9+s6] =	stream.indirect.scatter [tilespmem:s11], [sflag:$0x3], $0x40, s10, s6, $0xb8;
	[tilespmem:$0x19C80] =	vst v63  }
0x326: {  	_ =	swait.ge [sflag:s12], $0xC800  }
0x327: {  	[sflag:s12] =	ssyncset.done $0x0  }
0x328: {  	s0 =	rddreg [dreg:$0x1f];
	[sflag:s12] =	ssyncadd.s32 $0xFFFF3800  }
0x329: {  	[tilespmem:s2], [sflag:$0x4] =	stream.linear.gather [hbm4b:s0+s2], $0x320, $0x38;
	[tilespmem:$0x19C80] =	vst v63  }
0x32a: {  	_ =	swait.ge [sflag:s3], $0x320  }
0x32b: {  	s0 =	sld [smem:$0x7EC]  }
0x32c: {  	[sflag:s3] =	ssyncset.done $0x0  }
0x32d: {  	[sflag:s3] =	ssyncadd.s32 $0xFFFFFCE0  }
0x32e: {  	[tilespmem:s4], [sflag:$0x4] =	stream.linear.gather [hbm4b:s0+s2], $0x320, $0x38;
	[tilespmem:$0x19C80] =	vst v63  }
0x32f: {  	_ =	swait.ge [sflag:s3], $0x320  }
0x330: {  	[sflag:s3] =	ssyncset.done $0x0  }
0x331: {  	[sflag:s3] =	ssyncadd.s32 $0xFFFFFCE0  }
0x332: {  	[tilespmem:s7], [sflag:$0x1] =	stream.indirect.gather [hbm4b:s5+s6], $0x40, s2, s6, $0xb8;
	[tilespmem:$0x19C80] =	vst v63  }
0x333: {  	_ =	swait.ge [sflag:s8], $0xC800  }
0x334: {  	[sflag:s8] =	ssyncset.done $0x0  }
0x335: {  	[sflag:s8] =	ssyncadd.s32 $0xFFFF3800  }
0x336: {  	[hbm4b:s9+s6] =	stream.indirect.scatter [tilespmem:s7], [sflag:$0x2], $0x40, s4, s6, $0xb8;
	[tilespmem:$0x19C80] =	vst v63  }
0x337: {  	_ =	swait.ge [sflag:s13], $0xC800  }
0x338: {  	s0 =	sld [smem:$0x7ED]  }
0x339: {  	[sflag:s13] =	ssyncset.done $0x0  }
0x33a: {  	[sflag:s13] =	ssyncadd.s32 $0xFFFF3800  }
0x33b: {  	[tilespmem:s6], [sflag:$0x4] =	stream.linear.gather [hbm4b:s0+s2], $0x320, $0x38;
	[tilespmem:$0x19C80] =	vst v63  }
0x33c: {  	_ =	swait.ge [sflag:s3], $0x320  }
0x33d: {  	s0 =	sld [smem:$0x7EE]  }
0x33e: {  	[sflag:s3] =	ssyncset.done $0x0  }
0x33f: {  	[sflag:s3] =	ssyncadd.s32 $0xFFFFFCE0  }
0x340: {  	[tilespmem:s10], [sflag:$0x4] =	stream.linear.gather [hbm4b:s0+s2], $0x320, $0x38;
	[tilespmem:$0x19C80] =	vst v63  }
0x341: {  	_ =	swait.ge [sflag:s3], $0x320  }
0x342: {  	[sflag:s3] =	ssyncset.done $0x0  }
0x343: {  	[sflag:s3] =	ssyncadd.s32 $0xFFFFFCE0  }
0x344: {  	[tilespmem:s11], [sflag:$0x1] =	stream.indirect.gather [hbm4b:s5+s6], $0x40, s6, s6, $0xb8;
	[tilespmem:$0x19C80] =	vst v63  }
0x345: {  	_ =	swait.ge [sflag:s8], $0xC800  }
0x346: {  	[sflag:s8] =	ssyncset.done $0x0  }
0x347: {  	[sflag:s8] =	ssyncadd.s32 $0xFFFF3800  }
0x348: {  	[hbm4b:s9+s6] =	stream.indirect.scatter [tilespmem:s11], [sflag:$0x3], $0x40, s10, s6, $0xb8;
	[tilespmem:$0x19C80] =	vst v63  }
0x349: {  	_ =	swait.ge [sflag:s12], $0xC800  }
0x34a: {  	s0 =	sld [smem:$0x7EF]  }
0x34b: {  	[sflag:s12] =	ssyncset.done $0x0  }
0x34c: {  	[sflag:s12] =	ssyncadd.s32 $0xFFFF3800  }
0x34d: {  	[tilespmem:s2], [sflag:$0x4] =	stream.linear.gather [hbm4b:s0+s2], $0x320, $0x38;
	[tilespmem:$0x19C80] =	vst v63  }
0x34e: {  	_ =	swait.ge [sflag:s3], $0x320  }
0x34f: {  	s0 =	sld [smem:$0x7F0]  }
0x350: {  	[sflag:s3] =	ssyncset.done $0x0  }
0x351: {  	[sflag:s3] =	ssyncadd.s32 $0xFFFFFCE0  }
0x352: {  	[tilespmem:s4], [sflag:$0x4] =	stream.linear.gather [hbm4b:s0+s2], $0x320, $0x38;
	[tilespmem:$0x19C80] =	vst v63  }
0x353: {  	_ =	swait.ge [sflag:s3], $0x320  }
0x354: {  	[sflag:s3] =	ssyncset.done $0x0  }
0x355: {  	[sflag:s3] =	ssyncadd.s32 $0xFFFFFCE0  }
0x356: {  	[tilespmem:s7], [sflag:$0x1] =	stream.indirect.gather [hbm4b:s5+s6], $0x40, s2, s6, $0xb8;
	[tilespmem:$0x19C80] =	vst v63  }
0x357: {  	_ =	swait.ge [sflag:s8], $0xC800  }
0x358: {  	[sflag:s8] =	ssyncset.done $0x0  }
0x359: {  	[sflag:s8] =	ssyncadd.s32 $0xFFFF3800  }
0x35a: {  	[hbm4b:s9+s6] =	stream.indirect.scatter [tilespmem:s7], [sflag:$0x2], $0x40, s4, s6, $0xb8;
	[tilespmem:$0x19C80] =	vst v63  }
0x35b: {  	_ =	swait.ge [sflag:s13], $0xC800  }
0x35c: {  	s0 =	sld [smem:$0x7F1]  }
0x35d: {  	[sflag:s13] =	ssyncset.done $0x0  }
0x35e: {  	[sflag:s13] =	ssyncadd.s32 $0xFFFF3800  }
0x35f: {  	[tilespmem:s6], [sflag:$0x4] =	stream.linear.gather [hbm4b:s0+s2], $0x320, $0x38;
	[tilespmem:$0x19C80] =	vst v63  }
0x360: {  	_ =	swait.ge [sflag:s3], $0x320  }
0x361: {  	s0 =	sld [smem:$0x7F2]  }
0x362: {  	[sflag:s3] =	ssyncset.done $0x0  }
0x363: {  	[sflag:s3] =	ssyncadd.s32 $0xFFFFFCE0  }
0x364: {  	[tilespmem:s10], [sflag:$0x4] =	stream.linear.gather [hbm4b:s0+s2], $0x320, $0x38;
	[tilespmem:$0x19C80] =	vst v63  }
0x365: {  	_ =	swait.ge [sflag:s3], $0x320  }
0x366: {  	[sflag:s3] =	ssyncset.done $0x0  }
0x367: {  	[sflag:s3] =	ssyncadd.s32 $0xFFFFFCE0  }
0x368: {  	[tilespmem:s11], [sflag:$0x1] =	stream.indirect.gather [hbm4b:s5+s6], $0x40, s6, s6, $0xb8;
	[tilespmem:$0x19C80] =	vst v63  }
0x369: {  	_ =	swait.ge [sflag:s8], $0xC800  }
0x36a: {  	[sflag:s8] =	ssyncset.done $0x0  }
0x36b: {  	[sflag:s8] =	ssyncadd.s32 $0xFFFF3800  }
0x36c: {  	[hbm4b:s9+s6] =	stream.indirect.scatter [tilespmem:s11], [sflag:$0x3], $0x40, s10, s6, $0xb8;
	[tilespmem:$0x19C80] =	vst v63  }
0x36d: {  	_ =	swait.ge [sflag:s12], $0xC800  }
0x36e: {  	s0 =	sld [smem:$0x7F3]  }
0x36f: {  	[sflag:s12] =	ssyncset.done $0x0  }
0x370: {  	[sflag:s12] =	ssyncadd.s32 $0xFFFF3800  }
0x371: {  	[tilespmem:s2], [sflag:$0x4] =	stream.linear.gather [hbm4b:s0+s2], $0x320, $0x38;
	[tilespmem:$0x19C80] =	vst v63  }
0x372: {  	_ =	swait.ge [sflag:s3], $0x320  }
0x373: {  	s0 =	sld [smem:$0x7F4]  }
0x374: {  	[sflag:s3] =	ssyncset.done $0x0  }
0x375: {  	[sflag:s3] =	ssyncadd.s32 $0xFFFFFCE0  }
0x376: {  	[tilespmem:s4], [sflag:$0x4] =	stream.linear.gather [hbm4b:s0+s2], $0x320, $0x38;
	[tilespmem:$0x19C80] =	vst v63  }
0x377: {  	_ =	swait.ge [sflag:s3], $0x320  }
0x378: {  	[sflag:s3] =	ssyncset.done $0x0  }
0x379: {  	[sflag:s3] =	ssyncadd.s32 $0xFFFFFCE0  }
0x37a: {  	[tilespmem:s7], [sflag:$0x1] =	stream.indirect.gather [hbm4b:s5+s6], $0x40, s2, s6, $0xb8;
	[tilespmem:$0x19C80] =	vst v63  }
0x37b: {  	_ =	swait.ge [sflag:s8], $0xC800  }
0x37c: {  	[sflag:s8] =	ssyncset.done $0x0  }
0x37d: {  	[sflag:s8] =	ssyncadd.s32 $0xFFFF3800  }
0x37e: {  	[hbm4b:s9+s6] =	stream.indirect.scatter [tilespmem:s7], [sflag:$0x2], $0x40, s4, s6, $0xb8;
	[tilespmem:$0x19C80] =	vst v63  }
0x37f: {  	_ =	swait.ge [sflag:s13], $0xC800  }
0x380: {  	s0 =	sld [smem:$0x7F5]  }
0x381: {  	[sflag:s13] =	ssyncset.done $0x0  }
0x382: {  	[sflag:s13] =	ssyncadd.s32 $0xFFFF3800  }
0x383: {  	[tilespmem:s6], [sflag:$0x4] =	stream.linear.gather [hbm4b:s0+s2], $0x320, $0x38;
	[tilespmem:$0x19C80] =	vst v63  }
0x384: {  	_ =	swait.ge [sflag:s3], $0x320  }
0x385: {  	s0 =	sld [smem:$0x7F6]  }
0x386: {  	[sflag:s3] =	ssyncset.done $0x0  }
0x387: {  	[sflag:s3] =	ssyncadd.s32 $0xFFFFFCE0  }
0x388: {  	[tilespmem:s10], [sflag:$0x4] =	stream.linear.gather [hbm4b:s0+s2], $0x320, $0x38;
	[tilespmem:$0x19C80] =	vst v63  }
0x389: {  	_ =	swait.ge [sflag:s3], $0x320  }
0x38a: {  	[sflag:s3] =	ssyncset.done $0x0  }
0x38b: {  	[sflag:s3] =	ssyncadd.s32 $0xFFFFFCE0  }
0x38c: {  	[tilespmem:s11], [sflag:$0x1] =	stream.indirect.gather [hbm4b:s5+s6], $0x40, s6, s6, $0xb8;
	[tilespmem:$0x19C80] =	vst v63  }
0x38d: {  	_ =	swait.ge [sflag:s8], $0xC800  }
0x38e: {  	[sflag:s8] =	ssyncset.done $0x0  }
0x38f: {  	[sflag:s8] =	ssyncadd.s32 $0xFFFF3800  }
0x390: {  	[hbm4b:s9+s6] =	stream.indirect.scatter [tilespmem:s11], [sflag:$0x3], $0x40, s10, s6, $0xb8;
	[tilespmem:$0x19C80] =	vst v63  }
0x391: {  	_ =	swait.ge [sflag:s12], $0xC800  }
0x392: {  	s0 =	sld [smem:$0x7F7]  }
0x393: {  	[sflag:s12] =	ssyncset.done $0x0  }
0x394: {  	[sflag:s12] =	ssyncadd.s32 $0xFFFF3800  }
0x395: {  	[tilespmem:s2], [sflag:$0x4] =	stream.linear.gather [hbm4b:s0+s2], $0x320, $0x38;
	[tilespmem:$0x19C80] =	vst v63  }
0x396: {  	_ =	swait.ge [sflag:s3], $0x320  }
0x397: {  	s0 =	sld [smem:$0x7F8]  }
0x398: {  	[sflag:s3] =	ssyncset.done $0x0  }
0x399: {  	[sflag:s3] =	ssyncadd.s32 $0xFFFFFCE0  }
0x39a: {  	[tilespmem:s4], [sflag:$0x4] =	stream.linear.gather [hbm4b:s0+s2], $0x320, $0x38;
	[tilespmem:$0x19C80] =	vst v63  }
0x39b: {  	_ =	swait.ge [sflag:s3], $0x320  }
0x39c: {  	[sflag:s3] =	ssyncset.done $0x0  }
0x39d: {  	[sflag:s3] =	ssyncadd.s32 $0xFFFFFCE0  }
0x39e: {  	[tilespmem:s7], [sflag:$0x1] =	stream.indirect.gather [hbm4b:s5+s6], $0x40, s2, s6, $0xb8;
	[tilespmem:$0x19C80] =	vst v63  }
0x39f: {  	_ =	swait.ge [sflag:s8], $0xC800  }
0x3a0: {  	[sflag:s8] =	ssyncset.done $0x0  }
0x3a1: {  	[sflag:s8] =	ssyncadd.s32 $0xFFFF3800  }
0x3a2: {  	[hbm4b:s9+s6] =	stream.indirect.scatter [tilespmem:s7], [sflag:$0x2], $0x40, s4, s6, $0xb8;
	[tilespmem:$0x19C80] =	vst v63  }
0x3a3: {  	_ =	swait.ge [sflag:s13], $0xC800  }
0x3a4: {  	s0 =	sld [smem:$0x7F9]  }
0x3a5: {  	[sflag:s13] =	ssyncset.done $0x0  }
0x3a6: {  	[sflag:s13] =	ssyncadd.s32 $0xFFFF3800  }
0x3a7: {  	[tilespmem:s6], [sflag:$0x4] =	stream.linear.gather [hbm4b:s0+s2], $0x320, $0x38;
	[tilespmem:$0x19C80] =	vst v63  }
0x3a8: {  	_ =	swait.ge [sflag:s3], $0x320  }
0x3a9: {  	s0 =	sld [smem:$0x7FA]  }
0x3aa: {  	[sflag:s3] =	ssyncset.done $0x0  }
0x3ab: {  	[sflag:s3] =	ssyncadd.s32 $0xFFFFFCE0  }
0x3ac: {  	[tilespmem:s10], [sflag:$0x4] =	stream.linear.gather [hbm4b:s0+s2], $0x320, $0x38;
	[tilespmem:$0x19C80] =	vst v63  }
0x3ad: {  	_ =	swait.ge [sflag:s3], $0x320  }
0x3ae: {  	[sflag:s3] =	ssyncset.done $0x0  }
0x3af: {  	[sflag:s3] =	ssyncadd.s32 $0xFFFFFCE0  }
0x3b0: {  	[tilespmem:s11], [sflag:$0x1] =	stream.indirect.gather [hbm4b:s5+s6], $0x40, s6, s6, $0xb8;
	[tilespmem:$0x19C80] =	vst v63  }
0x3b1: {  	_ =	swait.ge [sflag:s8], $0xC800  }
0x3b2: {  	[sflag:s8] =	ssyncset.done $0x0  }
0x3b3: {  	[sflag:s8] =	ssyncadd.s32 $0xFFFF3800  }
0x3b4: {  	[hbm4b:s9+s6] =	stream.indirect.scatter [tilespmem:s11], [sflag:$0x3], $0x40, s10, s6, $0xb8;
	[tilespmem:$0x19C80] =	vst v63  }
0x3b5: {  	_ =	swait.ge [sflag:s12], $0xC800  }
0x3b6: {  	s0 =	sld [smem:$0x7FB]  }
0x3b7: {  	[sflag:s12] =	ssyncset.done $0x0  }
0x3b8: {  	[sflag:s12] =	ssyncadd.s32 $0xFFFF3800  }
0x3b9: {  	[tilespmem:s2], [sflag:$0x4] =	stream.linear.gather [hbm4b:s0+s2], $0x320, $0x38;
	[tilespmem:$0x19C80] =	vst v63  }
0x3ba: {  	_ =	swait.ge [sflag:s3], $0x320  }
0x3bb: {  	s0 =	sld [smem:$0x7FC]  }
0x3bc: {  	[sflag:s3] =	ssyncset.done $0x0  }
0x3bd: {  	[sflag:s3] =	ssyncadd.s32 $0xFFFFFCE0  }
0x3be: {  	[tilespmem:s4], [sflag:$0x4] =	stream.linear.gather [hbm4b:s0+s2], $0x320, $0x38;
	[tilespmem:$0x19C80] =	vst v63  }
0x3bf: {  	_ =	swait.ge [sflag:s3], $0x320  }
0x3c0: {  	[sflag:s3] =	ssyncset.done $0x0  }
0x3c1: {  	[sflag:s3] =	ssyncadd.s32 $0xFFFFFCE0  }
0x3c2: {  	[tilespmem:s7], [sflag:$0x1] =	stream.indirect.gather [hbm4b:s5+s6], $0x40, s2, s6, $0xb8;
	[tilespmem:$0x19C80] =	vst v63  }
0x3c3: {  	_ =	swait.ge [sflag:s8], $0xC800  }
0x3c4: {  	[sflag:s8] =	ssyncset.done $0x0  }
0x3c5: {  	[sflag:s8] =	ssyncadd.s32 $0xFFFF3800  }
0x3c6: {  	[hbm4b:s9+s6] =	stream.indirect.scatter [tilespmem:s7], [sflag:$0x2], $0x40, s4, s6, $0xb8;
	[tilespmem:$0x19C80] =	vst v63  }
0x3c7: {  	_ =	swait.ge [sflag:s13], $0xC800  }
0x3c8: {  	s0 =	sld [smem:$0x7FD]  }
0x3c9: {  	[sflag:s13] =	ssyncset.done $0x0  }
0x3ca: {  	[sflag:s13] =	ssyncadd.s32 $0xFFFF3800  }
0x3cb: {  	[tilespmem:s6], [sflag:$0x4] =	stream.linear.gather [hbm4b:s0+s2], $0x320, $0x38;
	[tilespmem:$0x19C80] =	vst v63  }
0x3cc: {  	_ =	swait.ge [sflag:s3], $0x320  }
0x3cd: {  	[sflag:s3] =	ssyncset.done $0x0  }
0x3ce: {  	[sflag:s3] =	ssyncadd.s32 $0xFFFFFCE0  }
0x3cf: {  	[tilespmem:s10], [sflag:$0x4] =	stream.linear.gather [hbm4b:s14+s2], $0x320, $0x38;
	[tilespmem:$0x19C80] =	vst v63  }
0x3d0: {  	_ =	swait.ge [sflag:s3], $0x320  }
0x3d1: {  	[sflag:s3] =	ssyncset.done $0x0  }
0x3d2: {  	[sflag:s3] =	ssyncadd.s32 $0xFFFFFCE0  }
0x3d3: {  	[tilespmem:s11], [sflag:$0x1] =	stream.indirect.gather [hbm4b:s5+s6], $0x40, s6, s6, $0xb8;
	[tilespmem:$0x19C80] =	vst v63  }
0x3d4: {  	_ =	swait.ge [sflag:s8], $0xC800  }
0x3d5: {  	[sflag:s8] =	ssyncset.done $0x0  }
0x3d6: {  	[sflag:s8] =	ssyncadd.s32 $0xFFFF3800  }
0x3d7: {  	[hbm4b:s9+s6] =	stream.indirect.scatter [tilespmem:s11], [sflag:$0x3], $0x40, s10, s6, $0xb8;
	[tilespmem:$0x19C80] =	vst v63  }
0x3d8: {  	_ =	swait.ge [sflag:s12], $0xC800  }
0x3d9: {  	[sflag:s12] =	ssyncset.done $0x0  }
0x3da: {  	[sflag:s12] =	ssyncadd.s32 $0xFFFF3800  }
0x3db: {  	[tilespmem:s2], [sflag:$0x4] =	stream.linear.gather [hbm4b:s15+s2], $0x320, $0x38;
	[tilespmem:$0x19C80] =	vst v63  }
0x3dc: {  	_ =	swait.ge [sflag:s3], $0x320  }
0x3dd: {  	[sflag:s3] =	ssyncset.done $0x0  }
0x3de: {  	[sflag:s3] =	ssyncadd.s32 $0xFFFFFCE0  }
0x3df: {  	[tilespmem:s4], [sflag:$0x4] =	stream.linear.gather [hbm4b:s16+s2], $0x320, $0x38;
	[tilespmem:$0x19C80] =	vst v63  }
0x3e0: {  	_ =	swait.ge [sflag:s3], $0x320  }
0x3e1: {  	[sflag:s3] =	ssyncset.done $0x0  }
0x3e2: {  	[sflag:s3] =	ssyncadd.s32 $0xFFFFFCE0  }
0x3e3: {  	[tilespmem:s7], [sflag:$0x1] =	stream.indirect.gather [hbm4b:s5+s6], $0x40, s2, s6, $0xb8;
	[tilespmem:$0x19C80] =	vst v63  }
0x3e4: {  	_ =	swait.ge [sflag:s8], $0xC800  }
0x3e5: {  	[sflag:s8] =	ssyncset.done $0x0  }
0x3e6: {  	[sflag:s8] =	ssyncadd.s32 $0xFFFF3800  }
0x3e7: {  	[hbm4b:s9+s6] =	stream.indirect.scatter [tilespmem:s7], [sflag:$0x2], $0x40, s4, s6, $0xb8;
	[tilespmem:$0x19C80] =	vst v63  }
0x3e8: {  	_ =	swait.ge [sflag:s13], $0xC800  }
0x3e9: {  	[sflag:s13] =	ssyncset.done $0x0  }
0x3ea: {  	[sflag:s13] =	ssyncadd.s32 $0xFFFF3800  }
0x3eb: {  	[tilespmem:s6], [sflag:$0x4] =	stream.linear.gather [hbm4b:s17+s2], $0x320, $0x38;
	[tilespmem:$0x19C80] =	vst v63  }
0x3ec: {  	_ =	swait.ge [sflag:s3], $0x320  }
0x3ed: {  	[sflag:s3] =	ssyncset.done $0x0  }
0x3ee: {  	[sflag:s3] =	ssyncadd.s32 $0xFFFFFCE0  }
0x3ef: {  	[tilespmem:s10], [sflag:$0x4] =	stream.linear.gather [hbm4b:s18+s2], $0x320, $0x38;
	[tilespmem:$0x19C80] =	vst v63  }
0x3f0: {  	_ =	swait.ge [sflag:s3], $0x320  }
0x3f1: {  	[sflag:s3] =	ssyncset.done $0x0  }
0x3f2: {  	[sflag:s3] =	ssyncadd.s32 $0xFFFFFCE0  }
0x3f3: {  	[tilespmem:s11], [sflag:$0x1] =	stream.indirect.gather [hbm4b:s5+s6], $0x40, s6, s6, $0xb8;
	[tilespmem:$0x19C80] =	vst v63  }
0x3f4: {  	_ =	swait.ge [sflag:s8], $0xC800  }
0x3f5: {  	[sflag:s8] =	ssyncset.done $0x0  }
0x3f6: {  	[sflag:s8] =	ssyncadd.s32 $0xFFFF3800  }
0x3f7: {  	[hbm4b:s9+s6] =	stream.indirect.scatter [tilespmem:s11], [sflag:$0x3], $0x40, s10, s6, $0xb8;
	[tilespmem:$0x19C80] =	vst v63  }
0x3f8: {  	_ =	swait.ge [sflag:s12], $0xC800  }
0x3f9: {  	[sflag:s12] =	ssyncset.done $0x0  }
0x3fa: {  	[sflag:s12] =	ssyncadd.s32 $0xFFFF3800  }
0x3fb: {  	[tilespmem:s2], [sflag:$0x4] =	stream.linear.gather [hbm4b:s19+s2], $0x320, $0x38;
	[tilespmem:$0x19C80] =	vst v63  }
0x3fc: {  	_ =	swait.ge [sflag:s3], $0x320  }
0x3fd: {  	[sflag:s3] =	ssyncset.done $0x0  }
0x3fe: {  	[sflag:s3] =	ssyncadd.s32 $0xFFFFFCE0  }
0x3ff: {  	[tilespmem:s4], [sflag:$0x4] =	stream.linear.gather [hbm4b:s20+s2], $0x320, $0x38;
	[tilespmem:$0x19C80] =	vst v63  }
0x400: {  	_ =	swait.ge [sflag:s3], $0x320  }
0x401: {  	[sflag:s3] =	ssyncset.done $0x0  }
0x402: {  	[sflag:s3] =	ssyncadd.s32 $0xFFFFFCE0  }
0x403: {  	[tilespmem:s7], [sflag:$0x1] =	stream.indirect.gather [hbm4b:s5+s6], $0x40, s2, s6, $0xb8;
	[tilespmem:$0x19C80] =	vst v63  }
0x404: {  	_ =	swait.ge [sflag:s8], $0xC800  }
0x405: {  	[sflag:s8] =	ssyncset.done $0x0  }
0x406: {  	[sflag:s8] =	ssyncadd.s32 $0xFFFF3800  }
0x407: {  	[hbm4b:s9+s6] =	stream.indirect.scatter [tilespmem:s7], [sflag:$0x2], $0x40, s4, s6, $0xb8;
	[tilespmem:$0x19C80] =	vst v63  }
0x408: {  	_ =	swait.ge [sflag:s13], $0xC800  }
0x409: {  	[sflag:s13] =	ssyncset.done $0x0  }
0x40a: {  	[sflag:s13] =	ssyncadd.s32 $0xFFFF3800  }
0x40b: {  	[tilespmem:s6], [sflag:$0x4] =	stream.linear.gather [hbm4b:s21+s2], $0x320, $0x38;
	[tilespmem:$0x19C80] =	vst v63  }
0x40c: {  	_ =	swait.ge [sflag:s3], $0x320  }
0x40d: {  	[sflag:s3] =	ssyncset.done $0x0  }
0x40e: {  	[sflag:s3] =	ssyncadd.s32 $0xFFFFFCE0  }
0x40f: {  	[tilespmem:s10], [sflag:$0x4] =	stream.linear.gather [hbm4b:s22+s2], $0x320, $0x38;
	[tilespmem:$0x19C80] =	vst v63  }
0x410: {  	_ =	swait.ge [sflag:s3], $0x320  }
0x411: {  	[sflag:s3] =	ssyncset.done $0x0  }
0x412: {  	[sflag:s3] =	ssyncadd.s32 $0xFFFFFCE0  }
0x413: {  	[tilespmem:s11], [sflag:$0x1] =	stream.indirect.gather [hbm4b:s5+s6], $0x40, s6, s6, $0xb8;
	[tilespmem:$0x19C80] =	vst v63  }
0x414: {  	_ =	swait.ge [sflag:s8], $0xC800  }
0x415: {  	[sflag:s8] =	ssyncset.done $0x0  }
0x416: {  	[sflag:s8] =	ssyncadd.s32 $0xFFFF3800  }
0x417: {  	[hbm4b:s9+s6] =	stream.indirect.scatter [tilespmem:s11], [sflag:$0x3], $0x40, s10, s6, $0xb8;
	[tilespmem:$0x19C80] =	vst v63  }
0x418: {  	_ =	swait.ge [sflag:s12], $0xC800  }
0x419: {  	[sflag:s12] =	ssyncset.done $0x0  }
0x41a: {  	[sflag:s12] =	ssyncadd.s32 $0xFFFF3800  }
0x41b: {  	[tilespmem:s2], [sflag:$0x4] =	stream.linear.gather [hbm4b:s23+s2], $0x320, $0x38;
	[tilespmem:$0x19C80] =	vst v63  }
0x41c: {  	_ =	swait.ge [sflag:s3], $0x320  }
0x41d: {  	[sflag:s3] =	ssyncset.done $0x0  }
0x41e: {  	[sflag:s3] =	ssyncadd.s32 $0xFFFFFCE0  }
0x41f: {  	[tilespmem:s4], [sflag:$0x4] =	stream.linear.gather [hbm4b:s24+s2], $0x320, $0x38;
	[tilespmem:$0x19C80] =	vst v63  }
0x420: {  	_ =	swait.ge [sflag:s3], $0x320  }
0x421: {  	[sflag:s3] =	ssyncset.done $0x0  }
0x422: {  	[sflag:s3] =	ssyncadd.s32 $0xFFFFFCE0  }
0x423: {  	[tilespmem:s7], [sflag:$0x1] =	stream.indirect.gather [hbm4b:s5+s6], $0x40, s2, s6, $0xb8;
	[tilespmem:$0x19C80] =	vst v63  }
0x424: {  	_ =	swait.ge [sflag:s8], $0xC800  }
0x425: {  	[sflag:s8] =	ssyncset.done $0x0  }
0x426: {  	[sflag:s8] =	ssyncadd.s32 $0xFFFF3800  }
0x427: {  	[hbm4b:s9+s6] =	stream.indirect.scatter [tilespmem:s7], [sflag:$0x2], $0x40, s4, s6, $0xb8;
	[tilespmem:$0x19C80] =	vst v63  }
0x428: {  	_ =	swait.ge [sflag:s13], $0xC800  }
0x429: {  	[sflag:s13] =	ssyncset.done $0x0  }
0x42a: {  	[sflag:s13] =	ssyncadd.s32 $0xFFFF3800  }
0x42b: {  	[tilespmem:s6], [sflag:$0x4] =	stream.linear.gather [hbm4b:s25+s2], $0x320, $0x38;
	[tilespmem:$0x19C80] =	vst v63  }
0x42c: {  	_ =	swait.ge [sflag:s3], $0x320  }
0x42d: {  	[sflag:s3] =	ssyncset.done $0x0  }
0x42e: {  	[sflag:s3] =	ssyncadd.s32 $0xFFFFFCE0  }
0x42f: {  	[tilespmem:s10], [sflag:$0x4] =	stream.linear.gather [hbm4b:s26+s2], $0x320, $0x38;
	[tilespmem:$0x19C80] =	vst v63  }
0x430: {  	_ =	swait.ge [sflag:s3], $0x320  }
0x431: {  	[sflag:s3] =	ssyncset.done $0x0  }
0x432: {  	[sflag:s3] =	ssyncadd.s32 $0xFFFFFCE0  }
0x433: {  	[tilespmem:s11], [sflag:$0x1] =	stream.indirect.gather [hbm4b:s5+s6], $0x40, s6, s6, $0xb8;
	[tilespmem:$0x19C80] =	vst v63  }
0x434: {  	_ =	swait.ge [sflag:s8], $0xC800  }
0x435: {  	[sflag:s8] =	ssyncset.done $0x0  }
0x436: {  	[sflag:s8] =	ssyncadd.s32 $0xFFFF3800  }
0x437: {  	[hbm4b:s9+s6] =	stream.indirect.scatter [tilespmem:s11], [sflag:$0x3], $0x40, s10, s6, $0xb8;
	[tilespmem:$0x19C80] =	vst v63  }
0x438: {  	_ =	swait.ge [sflag:s12], $0xC800  }
0x439: {  	[sflag:s12] =	ssyncset.done $0x0  }
0x43a: {  	[sflag:s12] =	ssyncadd.s32 $0xFFFF3800  }
0x43b: {  	[tilespmem:s2], [sflag:$0x4] =	stream.linear.gather [hbm4b:s28+s2], $0x320, $0x38;
	[tilespmem:$0x19C80] =	vst v63  }
0x43c: {  	_ =	swait.ge [sflag:s3], $0x320  }
0x43d: {  	[sflag:s3] =	ssyncset.done $0x0  }
0x43e: {  	[sflag:s3] =	ssyncadd.s32 $0xFFFFFCE0  }
0x43f: {  	[tilespmem:s4], [sflag:$0x4] =	stream.linear.gather [hbm4b:s29+s2], $0x320, $0x38;
	[tilespmem:$0x19C80] =	vst v63  }
0x440: {  	_ =	swait.ge [sflag:s3], $0x320  }
0x441: {  	[sflag:s3] =	ssyncset.done $0x0  }
0x442: {  	[sflag:s3] =	ssyncadd.s32 $0xFFFFFCE0  }
0x443: {  	[tilespmem:s7], [sflag:$0x1] =	stream.indirect.gather [hbm4b:s5+s6], $0x40, s2, s6, $0xb8;
	[tilespmem:$0x19C80] =	vst v63  }
0x444: {  	_ =	swait.ge [sflag:s8], $0xC800  }
0x445: {  	[sflag:s8] =	ssyncset.done $0x0  }
0x446: {  	[sflag:s8] =	ssyncadd.s32 $0xFFFF3800  }
0x447: {  	[hbm4b:s9+s6] =	stream.indirect.scatter [tilespmem:s7], [sflag:$0x2], $0x40, s4, s6, $0xb8;
	[tilespmem:$0x19C80] =	vst v63  }
0x448: {  	_ =	swait.ge [sflag:s13], $0xC800  }
0x449: {  	[sflag:s13] =	ssyncset.done $0x0  }
0x44a: {  	[sflag:s13] =	ssyncadd.s32 $0xFFFF3800  }
0x44b: {  	[tilespmem:s6], [sflag:$0x4] =	stream.linear.gather [hbm4b:s30+s2], $0x320, $0x38;
	[tilespmem:$0x19C80] =	vst v63  }
0x44c: {  	_ =	swait.ge [sflag:s3], $0x320  }
0x44d: {  	[sflag:s3] =	ssyncset.done $0x0  }
0x44e: {  	[sflag:s3] =	ssyncadd.s32 $0xFFFFFCE0  }
0x44f: {  	[tilespmem:s10], [sflag:$0x4] =	stream.linear.gather [hbm4b:s31+s2], $0x320, $0x38;
	[tilespmem:$0x19C80] =	vst v63  }
0x450: {  	_ =	swait.ge [sflag:s3], $0x320  }
0x451: {  	[sflag:s3] =	ssyncset.done $0x0  }
0x452: {  	[sflag:s3] =	ssyncadd.s32 $0xFFFFFCE0  }
0x453: {  	[tilespmem:s11], [sflag:$0x1] =	stream.indirect.gather [hbm4b:s5+s6], $0x40, s6, s6, $0xb8;
	[tilespmem:$0x19C80] =	vst v63  }
0x454: {  	_ =	swait.ge [sflag:s8], $0xC800  }
0x455: {  	[sflag:s8] =	ssyncset.done $0x0  }
0x456: {  	p0 =	sne.s32 s1, $0x1;
	[sflag:s8] =	ssyncadd.s32 $0xFFFF3800  }
0x457: {  	[hbm4b:s9+s6] =	stream.indirect.scatter [tilespmem:s11], [sflag:$0x3], $0x40, s10, s6, $0xb8;
	[tilespmem:$0x19C80] =	vst v63  }
.Ltmp1:
0x458: {  	_ =	swait.ge [sflag:s12], $0xC800;
	(pc) =	sbr.rel @p0 .LBB2_1-.Ltmp1, $4  }
0x459: {  	[sflag:s12] =	ssyncset.done $0x0  }
0x45a: {  	[sflag:s12] =	ssyncadd.s32 $0xFFFF3800  }
0x45b: {  	_ =	swait.ge [sflag:s13], $0xC800  }
0x45c: {  	s1 =	sadd.s32 $0xFFFFFFFF, s1;
	[sflag:s13] =	ssyncset.done $0x0  }
.LBB2_2:
0x45d: {  	[sflag:s13] =	ssyncadd.s32 $0xFFFF3800  }
0x45e: {  	_ =	sfence.sel $0x180000  }
0x45f: {  	[bflag:$0x0] =	sbarrier.arrive $0xFFFF  }
0x460: {  	_ =	strace $0x90000047  }
0x461: {  	s0 =	stileid.u32;
	[bflag:$0x2] =	sbarrier.arrive $0xFFFF  }
0x462: {  	p0 =	sne.s32 s0, $0x0;
	s0 =	rddreg [dreg:$0x2]  }
0x463: {  	s0 =	sadd.s32 @!p0 $0x100000, s0  }
0x464: {  	[sflag:s0] =	ssyncadd.tile.s32 @!p0 $0x1;
	_ =	shalt  }
.Lfunc_end2:
_tile_overlayer_lowered:
.L_overlay_start_2:
0x465: {  	(tag) =	ssettag $0x2  }
0x466: {  	s0 =	rddreg [dreg:$0x0];
	s2 =	stileid.u32  }
0x467: {  	s1 =	rddreg [dreg:$0x1];
	p0 =	sne.s32 s2, $0x0  }
0x468: {  	s3 =	rddreg [dreg:$0x2];
	[bflag:$0x3] =	sbarrier.arrive $0xFFFF;
	s2 =	simm.s32 @!p0 $0x1C04  }
0x469: {  	[timem:s3], [sflag:s2] =	dma.local @!p0 [hbm:s0], s1  }
0x46a: {  	s0 =	simm.s32 @!p0 $0x4  }
0x46b: {  	_ =	swait.ge @!p0 [sflag:s0], s1  }
0x46c: {  	s1 =	ssub.s32 @!p0 $0x0, s1;
	[sflag:s0] =	ssyncset.done @!p0 $0x0  }
0x46d: {  	[sflag:s0] =	ssyncadd.s32 @!p0 s1  }
0x46e: {  	[bflag:$0x3] =	sbarrier.arrive $0xFFFF  }
0x46f: {  	_ =	shalt  }

</sc_bundles>
